<compile_context>
chip_gen: v7x
topology: tpu7x:2x2x1
jax: 0.10.2.dev20260603
libtpu: 0.0.44.dev20260713+nightly
codegen_flags: <defaults>
</compile_context>

<pallas_src>
import functools

import jax
import jax.numpy as jnp
from jax import lax
from jax.experimental import pallas as pl
from jax.experimental.pallas import tpu as pltpu
from jax.experimental.pallas import tpu_sc as plsc

_ALPHA = 0.1
_LANES = 16


def _sc_partials(features, edge_index, weight):
    n, d = features.shape
    e = weight.shape[0]
    info = plsc.get_sparse_core_info()
    nc, ns = info.num_cores, info.num_subcores
    nw = nc * ns

    per_tile = e // nw
    assert per_tile * nw == e
    chunk = 16
    for c in range(128, 15, -16):
        if per_tile % c == 0:
            chunk = c
            break
    n_full = per_tile // chunk
    tail_e = per_tile - n_full * chunk
    assert tail_e % _LANES == 0

    rp = 8
    for c in range(80, 7, -8):
        if n % c == 0:
            rp = c
            break
    n_row_pieces = n // rp
    assert rp * n_row_pieces == n

    mesh = plsc.VectorSubcoreMesh(core_axis_name="c", subcore_axis_name="s")

    @functools.partial(
        pl.kernel,
        mesh=mesh,
        out_type=jax.ShapeDtypeStruct((nc, n, d), jnp.float32),
        scratch_types=[
            pltpu.VMEM_SHARED((n, d), jnp.float32),
            pltpu.VMEM((per_tile,), jnp.int32),
            pltpu.VMEM((per_tile,), jnp.int32),
            pltpu.VMEM((per_tile,), jnp.float32),
            pltpu.VMEM((chunk, d), jnp.float32),
            pltpu.VMEM((chunk, d), jnp.float32),
            pltpu.SemaphoreType.DMA,
            pltpu.SemaphoreType.DMA,
            pltpu.SemaphoreType.DMA,
        ],
    )
    def sc_kernel(feat_hbm, ei_hbm, w_hbm, out_hbm,
                  hi_sh, src_v, dst_v, w_v, rows_a, rows_b,
                  sem_a, sem_b, sem_s):
        rows_v = rows_a
        cid = lax.axis_index("c")
        sid = lax.axis_index("s")
        wid = sid * nc + cid

        edge0 = wid * per_tile
        stage = [
            (ei_hbm.at[pl.ds(e + edge0, per_tile)], src_v),
            (ei_hbm.at[pl.ds(edge0, per_tile)], dst_v),
            (w_hbm.at[pl.ds(edge0, per_tile)], w_v),
        ]
        for s_src, s_dst in stage:
            pltpu.async_copy(s_src, s_dst, sem_b)

        def zero_row(r, carry):
            for j in range(d // _LANES):
                rows_v[r, pl.ds(j * _LANES, _LANES)] = jnp.zeros(
                    (_LANES,), jnp.float32)
            return carry
        lax.fori_loop(0, chunk, zero_row, 0)

        def zero_chunk(k, carry):
            rc = sid + ns * k

            @pl.when(rc < n_row_pieces)
            def _():
                pltpu.async_copy(rows_v.at[pl.ds(0, rp)],
                                 hi_sh.at[pl.ds(rc * rp, rp)], sem_a)
            return carry
        lax.fori_loop(0, (n_row_pieces + ns - 1) // ns, zero_chunk, 0)

        def zero_drain(k, carry):
            rc = sid + ns * k

            @pl.when(rc < n_row_pieces)
            def _():
                pltpu.make_async_copy(
                    rows_v.at[pl.ds(0, rp)],
                    hi_sh.at[pl.ds(rc * rp, rp)], sem_a).wait()
            return carry
        lax.fori_loop(0, (n_row_pieces + ns - 1) // ns, zero_drain, 0)
        for s_src, s_dst in stage:
            pltpu.make_async_copy(s_src, s_dst, sem_b).wait()
        plsc.subcore_barrier()

        def start_gather(base, buf, sem, size=chunk):
            pltpu.async_copy(
                feat_hbm.at[src_v.at[pl.ds(base, size)]],
                buf.at[pl.ds(0, size)], sem)

        def wait_gather(base, buf, sem, size=chunk):
            pltpu.make_async_copy(
                feat_hbm.at[src_v.at[pl.ds(base, size)]],
                buf.at[pl.ds(0, size)], sem).wait()

        def process(base, buf, size=chunk):
            def scale_scatter_group(g, c2):
                wvec = w_v[pl.ds(base + g * _LANES, _LANES)]
                for i in range(_LANES):
                    r = g * _LANES + i
                    wspl = jnp.full((_LANES,), wvec[i], jnp.float32)
                    for j in range(d // _LANES):
                        sl = pl.ds(j * _LANES, _LANES)
                        buf[r, sl] = buf[r, sl] * wspl
                dst16 = dst_v[pl.ds(base + g * _LANES, _LANES)]
                pltpu.async_copy(buf.at[pl.ds(g * _LANES, _LANES)],
                                 hi_sh.at[dst16], sem_s, add=True)
                return c2
            lax.fori_loop(0, size // _LANES, scale_scatter_group, 0)

            pltpu.make_async_copy(feat_hbm.at[pl.ds(0, size)],
                                  buf.at[pl.ds(0, size)], sem_s).wait()

        start_gather(0, rows_a, sem_a)
        npairs = (n_full - 1) // 2

        def pair_body(k, carry):
            b0 = 2 * k * chunk
            b1 = b0 + chunk
            start_gather(b1, rows_b, sem_b)
            wait_gather(b0, rows_a, sem_a)
            process(b0, rows_a)
            start_gather(b0 + 2 * chunk, rows_a, sem_a)
            wait_gather(b1, rows_b, sem_b)
            process(b1, rows_b)
            return carry
        lax.fori_loop(0, npairs, pair_body, 0)

        t0 = 2 * npairs * chunk
        if n_full - 2 * npairs == 2:
            start_gather(t0 + chunk, rows_b, sem_b)
        wait_gather(t0, rows_a, sem_a)
        process(t0, rows_a)
        if n_full - 2 * npairs == 2:
            wait_gather(t0 + chunk, rows_b, sem_b)
            process(t0 + chunk, rows_b)

        if tail_e:
            tb = n_full * chunk
            start_gather(tb, rows_a, sem_a, tail_e)
            wait_gather(tb, rows_a, sem_a, tail_e)
            process(tb, rows_a, tail_e)

        plsc.subcore_barrier()

        def out_chunk(k, carry):
            rc = sid + ns * k

            @pl.when(rc < n_row_pieces)
            def _():
                pltpu.async_copy(hi_sh.at[pl.ds(rc * rp, rp)],
                                 out_hbm.at[cid, pl.ds(rc * rp, rp)], sem_a)
            return carry
        lax.fori_loop(0, (n_row_pieces + ns - 1) // ns, out_chunk, 0)

        def out_drain(k, carry):
            rc = sid + ns * k

            @pl.when(rc < n_row_pieces)
            def _():
                pltpu.make_async_copy(
                    hi_sh.at[pl.ds(rc * rp, rp)],
                    out_hbm.at[cid, pl.ds(rc * rp, rp)], sem_a).wait()
            return carry
        lax.fori_loop(0, (n_row_pieces + ns - 1) // ns, out_drain, 0)

    return sc_kernel(features, edge_index.reshape(2 * e), weight)


def _combine(p0, p1, features0):
    n, d = features0.shape
    blk = 2000
    assert n % blk == 0

    def body(p0_ref, p1_ref, f0_ref, o_ref):
        hi = p0_ref[...] + p1_ref[...]
        x = jnp.float32(1.0 - _ALPHA) * hi + jnp.float32(_ALPHA) * f0_ref[...]
        o_ref[...] = jnp.maximum(x, jnp.float32(0.0))

    spec = pl.BlockSpec((blk, d), lambda i: (i, 0))
    return pl.pallas_call(
        body,
        grid=(n // blk,),
        in_specs=[spec, spec, spec],
        out_specs=spec,
        out_shape=jax.ShapeDtypeStruct((n, d), jnp.float32),
    )(p0, p1, features0)


@jax.jit
def kernel(features, features0, edge_index, edge_weight):
    partials = _sc_partials(features, edge_index, edge_weight)
    return _combine(partials[0], partials[1], features0)

# --- scband reference (transcript-rebuilt; emitter-appended) ---
"""Pipeline reference for scband-static-graph-convolution-85727547228210 (READ-ONLY COPY).

The authoritative reference and input builder live on the scoring server;
editing this copy changes nothing except your own understanding.
"""

import jax, jax.numpy as jnp
import numpy as np

ALPHA = 0.1
N = 10000
E = 320000
D = 128


def setup_inputs(seed: int = 0) -> dict:
    key = jax.random.key(seed)
    k1, k2, k3, k4 = jax.random.split(key, 4)
    features = jax.random.normal(k1, (N, D), dtype=jnp.float32)
    features0 = jax.random.normal(k2, (N, D), dtype=jnp.float32)
    edge_index = jax.random.randint(k3, (2, E), 0, N, dtype=jnp.int32)
    edge_weight = jax.random.uniform(k4, (E,), dtype=jnp.float32)
    return {
        "features": features,
        "features0": features0,
        "edge_index": edge_index,
        "edge_weight": edge_weight,
    }


def reference(features, features0, edge_index, edge_weight):
    # simple_prop is a sparse [N, N] matrix in COO form:
    # rows = edge_index[0] (dst), cols = edge_index[1] (src), values = edge_weight.
    # hi = simple_prop @ features  -> gather rows from features by src, scale by
    # edge weight, scatter-add into dst rows (sparse_dense_matmul equivalent).
    dst = edge_index[0]
    src = edge_index[1]
    msgs = jnp.take(features, src, axis=0) * edge_weight[:, None]
    hi = jax.ops.segment_sum(msgs, dst, num_segments=N)
    x = (1.0 - ALPHA) * hi + ALPHA * features0
    return jax.nn.relu(x)

if __name__ == "__main__":
    import jax
    _d = setup_inputs()
    print(jax.jit(kernel)(*tuple(_d.values())))

</pallas_src>

<mosaic_0001>
#map = affine_map<(d0, d1) -> (0, 0)>
#map1 = affine_map<(d0, d1) -> (0)>
#map2 = affine_map<(d0, d1) -> (0, 0, 0)>
module attributes {stable_mosaic.version = 14 : i64} {
  func.func @sc_kernel(%arg0: i32, %arg1: i32, %arg2: memref<10000x128xf32, #tpu.memory_space<hbm>>, %arg3: memref<640000xi32, #tpu.memory_space<hbm>>, %arg4: memref<320000xf32, #tpu.memory_space<hbm>>, %arg5: memref<2x10000x128xf32, #tpu.memory_space<hbm>>, %arg6: memref<10000x128xf32, #tpu.memory_space<vmem_shared>>, %arg7: memref<10000xi32, #tpu.memory_space<vmem>>, %arg8: memref<10000xi32, #tpu.memory_space<vmem>>, %arg9: memref<10000xf32, #tpu.memory_space<vmem>>, %arg10: memref<80x128xf32, #tpu.memory_space<vmem>>, %arg11: memref<80x128xf32, #tpu.memory_space<vmem>>, %arg12: memref<!tpu.dma_semaphore, #tpu.memory_space<semaphore_mem>>, %arg13: memref<!tpu.dma_semaphore, #tpu.memory_space<semaphore_mem>>, %arg14: memref<!tpu.dma_semaphore, #tpu.memory_space<semaphore_mem>>) attributes {dimension_semantics = [#tpu.dimension_semantics<core_parallel>, #tpu.dimension_semantics<subcore_parallel>], iteration_bounds = array<i64: 2, 16>, scalar_prefetch = 0 : i64, scratch_operands = 9 : i64, tpu.core_type = #tpu.core_type<sc_vector_subcore>, window_params = [{transform_indices = #map}, {transform_indices = #map1}, {transform_indices = #map1}, {transform_indices = #map2}]} {
    %mul3A = arith.constant 2 : i32
    %mul3A_0 = arith.muli %arg1, %mul3A : i32
    %add3A = arith.addi %mul3A_0, %arg0 : i32
    %mul3A_1 = arith.constant 10000 : i32
    %mul3A_2 = arith.muli %add3A, %mul3A_1 : i32
    %add3A_3 = arith.constant 320000 : i32
    %add3A_4 = arith.addi %add3A_3, %mul3A_2 : i32
    %dma_start3A = tpu.memref_slice %arg3[%add3A_4] : memref<640000xi32, #tpu.memory_space<hbm>> -> memref<10000xi32, #tpu.memory_space<hbm>>
    %dma_start3A_5 = tpu.memref_slice %arg3[%add3A_4] : memref<640000xi32, #tpu.memory_space<hbm>> -> memref<10000xi32, #tpu.memory_space<hbm>>
    tpu.enqueue_dma source(%dma_start3A_5 : memref<10000xi32, #tpu.memory_space<hbm>>) target(%arg7 : memref<10000xi32, #tpu.memory_space<vmem>>) target_semaphore(%arg13 : memref<!tpu.dma_semaphore, #tpu.memory_space<semaphore_mem>>)
    %dma_start3A_6 = tpu.memref_slice %arg3[%mul3A_2] : memref<640000xi32, #tpu.memory_space<hbm>> -> memref<10000xi32, #tpu.memory_space<hbm>>
    %dma_start3A_7 = tpu.memref_slice %arg3[%mul3A_2] : memref<640000xi32, #tpu.memory_space<hbm>> -> memref<10000xi32, #tpu.memory_space<hbm>>
    tpu.enqueue_dma source(%dma_start3A_7 : memref<10000xi32, #tpu.memory_space<hbm>>) target(%arg8 : memref<10000xi32, #tpu.memory_space<vmem>>) target_semaphore(%arg13 : memref<!tpu.dma_semaphore, #tpu.memory_space<semaphore_mem>>)
    %dma_start3A_8 = tpu.memref_slice %arg4[%mul3A_2] : memref<320000xf32, #tpu.memory_space<hbm>> -> memref<10000xf32, #tpu.memory_space<hbm>>
    %dma_start3A_9 = tpu.memref_slice %arg4[%mul3A_2] : memref<320000xf32, #tpu.memory_space<hbm>> -> memref<10000xf32, #tpu.memory_space<hbm>>
    tpu.enqueue_dma source(%dma_start3A_9 : memref<10000xf32, #tpu.memory_space<hbm>>) target(%arg9 : memref<10000xf32, #tpu.memory_space<vmem>>) target_semaphore(%arg13 : memref<!tpu.dma_semaphore, #tpu.memory_space<semaphore_mem>>)
    %scan3A = arith.constant 0 : i32
    %scan3A_10 = arith.constant 0 : i32
    %scan3A_11 = arith.constant 80 : i32
    %scan3A_12 = arith.addi %scan3A_10, %scan3A_11 : i32
    %scan3A_13 = arith.constant 1 : i32
    scf.for %scan3A_85 = %scan3A_10 to %scan3A_12 step %scan3A_13  : i32 {
      %broadcast_in_dim3A = arith.constant 0.000000e+00 : f32
      %broadcast_in_dim3A_86 = vector.broadcast %broadcast_in_dim3A : f32 to vector<16xf32>
      %swap3A = arith.index_cast %scan3A_85 : i32 to index
      %swap3A_87 = arith.constant 0 : index
      %swap3A_88 = tpu.vector_load %arg10[%swap3A, %swap3A_87] {strides = array<i32>} : memref<80x128xf32, #tpu.memory_space<vmem>>, vector<1x16xf32>,
      %swap3A_89 = vector.shape_cast %swap3A_88 : vector<1x16xf32> to vector<16xf32>
      %swap3A_90 = vector.shape_cast %broadcast_in_dim3A_86 : vector<16xf32> to vector<1x16xf32>
      tpu.vector_store %arg10[%swap3A, %swap3A_87], %swap3A_90 {strides = array<i32>} : memref<80x128xf32, #tpu.memory_space<vmem>>, vector<1x16xf32>,
      %broadcast_in_dim3A_91 = arith.constant 0.000000e+00 : f32
      %broadcast_in_dim3A_92 = vector.broadcast %broadcast_in_dim3A_91 : f32 to vector<16xf32>
      %swap3A_93 = arith.index_cast %scan3A_85 : i32 to index
      %swap3A_94 = arith.constant 16 : index
      %swap3A_95 = tpu.vector_load %arg10[%swap3A_93, %swap3A_94] {strides = array<i32>} : memref<80x128xf32, #tpu.memory_space<vmem>>, vector<1x16xf32>,
      %swap3A_96 = vector.shape_cast %swap3A_95 : vector<1x16xf32> to vector<16xf32>
      %swap3A_97 = vector.shape_cast %broadcast_in_dim3A_92 : vector<16xf32> to vector<1x16xf32>
      tpu.vector_store %arg10[%swap3A_93, %swap3A_94], %swap3A_97 {strides = array<i32>} : memref<80x128xf32, #tpu.memory_space<vmem>>, vector<1x16xf32>,
      %broadcast_in_dim3A_98 = arith.constant 0.000000e+00 : f32
      %broadcast_in_dim3A_99 = vector.broadcast %broadcast_in_dim3A_98 : f32 to vector<16xf32>
      %swap3A_100 = arith.index_cast %scan3A_85 : i32 to index
      %swap3A_101 = arith.constant 32 : index
      %swap3A_102 = tpu.vector_load %arg10[%swap3A_100, %swap3A_101] {strides = array<i32>} : memref<80x128xf32, #tpu.memory_space<vmem>>, vector<1x16xf32>,
      %swap3A_103 = vector.shape_cast %swap3A_102 : vector<1x16xf32> to vector<16xf32>
      %swap3A_104 = vector.shape_cast %broadcast_in_dim3A_99 : vector<16xf32> to vector<1x16xf32>
      tpu.vector_store %arg10[%swap3A_100, %swap3A_101], %swap3A_104 {strides = array<i32>} : memref<80x128xf32, #tpu.memory_space<vmem>>, vector<1x16xf32>,
      %broadcast_in_dim3A_105 = arith.constant 0.000000e+00 : f32
      %broadcast_in_dim3A_106 = vector.broadcast %broadcast_in_dim3A_105 : f32 to vector<16xf32>
      %swap3A_107 = arith.index_cast %scan3A_85 : i32 to index
      %swap3A_108 = arith.constant 48 : index
      %swap3A_109 = tpu.vector_load %arg10[%swap3A_107, %swap3A_108] {strides = array<i32>} : memref<80x128xf32, #tpu.memory_space<vmem>>, vector<1x16xf32>,
      %swap3A_110 = vector.shape_cast %swap3A_109 : vector<1x16xf32> to vector<16xf32>
      %swap3A_111 = vector.shape_cast %broadcast_in_dim3A_106 : vector<16xf32> to vector<1x16xf32>
      tpu.vector_store %arg10[%swap3A_107, %swap3A_108], %swap3A_111 {strides = array<i32>} : memref<80x128xf32, #tpu.memory_space<vmem>>, vector<1x16xf32>,
      %broadcast_in_dim3A_112 = arith.constant 0.000000e+00 : f32
      %broadcast_in_dim3A_113 = vector.broadcast %broadcast_in_dim3A_112 : f32 to vector<16xf32>
      %swap3A_114 = arith.index_cast %scan3A_85 : i32 to index
      %swap3A_115 = arith.constant 64 : index
      %swap3A_116 = tpu.vector_load %arg10[%swap3A_114, %swap3A_115] {strides = array<i32>} : memref<80x128xf32, #tpu.memory_space<vmem>>, vector<1x16xf32>,
      %swap3A_117 = vector.shape_cast %swap3A_116 : vector<1x16xf32> to vector<16xf32>
      %swap3A_118 = vector.shape_cast %broadcast_in_dim3A_113 : vector<16xf32> to vector<1x16xf32>
      tpu.vector_store %arg10[%swap3A_114, %swap3A_115], %swap3A_118 {strides = array<i32>} : memref<80x128xf32, #tpu.memory_space<vmem>>, vector<1x16xf32>,
      %broadcast_in_dim3A_119 = arith.constant 0.000000e+00 : f32
      %broadcast_in_dim3A_120 = vector.broadcast %broadcast_in_dim3A_119 : f32 to vector<16xf32>
      %swap3A_121 = arith.index_cast %scan3A_85 : i32 to index
      %swap3A_122 = arith.constant 80 : index
      %swap3A_123 = tpu.vector_load %arg10[%swap3A_121, %swap3A_122] {strides = array<i32>} : memref<80x128xf32, #tpu.memory_space<vmem>>, vector<1x16xf32>,
      %swap3A_124 = vector.shape_cast %swap3A_123 : vector<1x16xf32> to vector<16xf32>
      %swap3A_125 = vector.shape_cast %broadcast_in_dim3A_120 : vector<16xf32> to vector<1x16xf32>
      tpu.vector_store %arg10[%swap3A_121, %swap3A_122], %swap3A_125 {strides = array<i32>} : memref<80x128xf32, #tpu.memory_space<vmem>>, vector<1x16xf32>,
      %broadcast_in_dim3A_126 = arith.constant 0.000000e+00 : f32
      %broadcast_in_dim3A_127 = vector.broadcast %broadcast_in_dim3A_126 : f32 to vector<16xf32>
      %swap3A_128 = arith.index_cast %scan3A_85 : i32 to index
      %swap3A_129 = arith.constant 96 : index
      %swap3A_130 = tpu.vector_load %arg10[%swap3A_128, %swap3A_129] {strides = array<i32>} : memref<80x128xf32, #tpu.memory_space<vmem>>, vector<1x16xf32>,
      %swap3A_131 = vector.shape_cast %swap3A_130 : vector<1x16xf32> to vector<16xf32>
      %swap3A_132 = vector.shape_cast %broadcast_in_dim3A_127 : vector<16xf32> to vector<1x16xf32>
      tpu.vector_store %arg10[%swap3A_128, %swap3A_129], %swap3A_132 {strides = array<i32>} : memref<80x128xf32, #tpu.memory_space<vmem>>, vector<1x16xf32>,
      %broadcast_in_dim3A_133 = arith.constant 0.000000e+00 : f32
      %broadcast_in_dim3A_134 = vector.broadcast %broadcast_in_dim3A_133 : f32 to vector<16xf32>
      %swap3A_135 = arith.index_cast %scan3A_85 : i32 to index
      %swap3A_136 = arith.constant 112 : index
      %swap3A_137 = tpu.vector_load %arg10[%swap3A_135, %swap3A_136] {strides = array<i32>} : memref<80x128xf32, #tpu.memory_space<vmem>>, vector<1x16xf32>,
      %swap3A_138 = vector.shape_cast %swap3A_137 : vector<1x16xf32> to vector<16xf32>
      %swap3A_139 = vector.shape_cast %broadcast_in_dim3A_134 : vector<16xf32> to vector<1x16xf32>
      tpu.vector_store %arg10[%swap3A_135, %swap3A_136], %swap3A_139 {strides = array<i32>} : memref<80x128xf32, #tpu.memory_space<vmem>>, vector<1x16xf32>,
    }
    %scan3A_14 = arith.constant 80 : i32
    %scan3A_15 = arith.constant 0 : i32
    %scan3A_16 = arith.constant 0 : i32
    %scan3A_17 = arith.constant 8 : i32
    %scan3A_18 = arith.addi %scan3A_16, %scan3A_17 : i32
    %scan3A_19 = arith.constant 1 : i32
    scf.for %scan3A_85 = %scan3A_16 to %scan3A_18 step %scan3A_19  : i32 {
      %mul3A_86 = arith.constant 16 : i32
      %mul3A_87 = arith.muli %mul3A_86, %scan3A_85 : i32
      %add3A_88 = arith.addi %arg1, %mul3A_87 : i32
      %lt3A = arith.constant 125 : i32
      %lt3A_89 = arith.cmpi slt, %add3A_88, %lt3A : i32
      %convert_element_type3A = arith.extui %lt3A_89 : i1 to i32
      %cond3A = arith.constant 0 : i32
      %cond3A_90 = arith.cmpi ne, %convert_element_type3A, %cond3A : i32
      scf.if %cond3A_90 {
        %mul3A_91 = arith.constant 80 : i32
        %mul3A_92 = arith.muli %add3A_88, %mul3A_91 : i32
        %dma_start3A_93 = arith.constant 0 : i32
        %dma_start3A_94 = arith.constant 0 : i32
        %dma_start3A_95 = tpu.memref_slice %arg10[%dma_start3A_93, %dma_start3A_94] : memref<80x128xf32, #tpu.memory_space<vmem>> -> memref<80x128xf32, #tpu.memory_space<vmem>>
        %dma_start3A_96 = arith.constant 0 : i32
        %dma_start3A_97 = tpu.memref_slice %arg6[%mul3A_92, %dma_start3A_96] : memref<10000x128xf32, #tpu.memory_space<vmem_shared>> -> memref<80x128xf32, #tpu.memory_space<vmem_shared>>
        %dma_start3A_98 = arith.constant 0 : i32
        %dma_start3A_99 = tpu.memref_slice %arg6[%mul3A_92, %dma_start3A_98] : memref<10000x128xf32, #tpu.memory_space<vmem_shared>> -> memref<80x128xf32, #tpu.memory_space<vmem_shared>>
        %dma_start3A_100 = arith.constant 0 : i32
        %dma_start3A_101 = arith.constant 0 : i32
        %dma_start3A_102 = tpu.memref_slice %arg10[%dma_start3A_100, %dma_start3A_101] : memref<80x128xf32, #tpu.memory_space<vmem>> -> memref<80x128xf32, #tpu.memory_space<vmem>>
        tpu.enqueue_dma source(%dma_start3A_102 : memref<80x128xf32, #tpu.memory_space<vmem>>) target(%dma_start3A_99 : memref<80x128xf32, #tpu.memory_space<vmem_shared>>) target_semaphore(%arg12 : memref<!tpu.dma_semaphore, #tpu.memory_space<semaphore_mem>>)
      } else {
      }
    }
    %scan3A_20 = arith.constant 8 : i32
    %scan3A_21 = arith.constant 0 : i32
    %scan3A_22 = arith.constant 0 : i32
    %scan3A_23 = arith.constant 8 : i32
    %scan3A_24 = arith.addi %scan3A_22, %scan3A_23 : i32
    %scan3A_25 = arith.constant 1 : i32
    scf.for %scan3A_85 = %scan3A_22 to %scan3A_24 step %scan3A_25  : i32 {
      %mul3A_86 = arith.constant 16 : i32
      %mul3A_87 = arith.muli %mul3A_86, %scan3A_85 : i32
      %add3A_88 = arith.addi %arg1, %mul3A_87 : i32
      %lt3A = arith.constant 125 : i32
      %lt3A_89 = arith.cmpi slt, %add3A_88, %lt3A : i32
      %convert_element_type3A = arith.extui %lt3A_89 : i1 to i32
      %cond3A = arith.constant 0 : i32
      %cond3A_90 = arith.cmpi ne, %convert_element_type3A, %cond3A : i32
      scf.if %cond3A_90 {
        %mul3A_91 = arith.constant 80 : i32
        %mul3A_92 = arith.muli %add3A_88, %mul3A_91 : i32
        %dma_wait3A_93 = arith.constant 0 : i32
        %dma_wait3A_94 = arith.constant 0 : i32
        %dma_wait3A_95 = tpu.memref_slice %arg10[%dma_wait3A_93, %dma_wait3A_94] : memref<80x128xf32, #tpu.memory_space<vmem>> -> memref<80x128xf32, #tpu.memory_space<vmem>>
        %dma_wait3A_96 = arith.constant 0 : i32
        %dma_wait3A_97 = tpu.memref_slice %arg6[%mul3A_92, %dma_wait3A_96] : memref<10000x128xf32, #tpu.memory_space<vmem_shared>> -> memref<80x128xf32, #tpu.memory_space<vmem_shared>>
        %dma_wait3A_98 = arith.constant 0 : i32
        %dma_wait3A_99 = tpu.memref_slice %arg6[%mul3A_92, %dma_wait3A_98] : memref<10000x128xf32, #tpu.memory_space<vmem_shared>> -> memref<80x128xf32, #tpu.memory_space<vmem_shared>>
        %dma_wait3A_100 = arith.constant 0 : i32
        %dma_wait3A_101 = arith.constant 0 : i32
        %dma_wait3A_102 = tpu.memref_slice %arg10[%dma_wait3A_100, %dma_wait3A_101] : memref<80x128xf32, #tpu.memory_space<vmem>> -> memref<80x128xf32, #tpu.memory_space<vmem>>
        tpu.wait_dma2 semaphore(%arg12 : memref<!tpu.dma_semaphore, #tpu.memory_space<semaphore_mem>>) src(%dma_wait3A_102 : memref<80x128xf32, #tpu.memory_space<vmem>>) dst(%dma_wait3A_99 : memref<80x128xf32, #tpu.memory_space<vmem_shared>>)
      } else {
      }
    }
    %scan3A_26 = arith.constant 8 : i32
    %dma_wait3A = tpu.memref_slice %arg3[%add3A_4] : memref<640000xi32, #tpu.memory_space<hbm>> -> memref<10000xi32, #tpu.memory_space<hbm>>
    %dma_wait3A_27 = tpu.memref_slice %arg3[%add3A_4] : memref<640000xi32, #tpu.memory_space<hbm>> -> memref<10000xi32, #tpu.memory_space<hbm>>
    tpu.wait_dma2 semaphore(%arg13 : memref<!tpu.dma_semaphore, #tpu.memory_space<semaphore_mem>>) src(%dma_wait3A_27 : memref<10000xi32, #tpu.memory_space<hbm>>) dst(%arg7 : memref<10000xi32, #tpu.memory_space<vmem>>)
    %dma_wait3A_28 = tpu.memref_slice %arg3[%mul3A_2] : memref<640000xi32, #tpu.memory_space<hbm>> -> memref<10000xi32, #tpu.memory_space<hbm>>
    %dma_wait3A_29 = tpu.memref_slice %arg3[%mul3A_2] : memref<640000xi32, #tpu.memory_space<hbm>> -> memref<10000xi32, #tpu.memory_space<hbm>>
    tpu.wait_dma2 semaphore(%arg13 : memref<!tpu.dma_semaphore, #tpu.memory_space<semaphore_mem>>) src(%dma_wait3A_29 : memref<10000xi32, #tpu.memory_space<hbm>>) dst(%arg8 : memref<10000xi32, #tpu.memory_space<vmem>>)
    %dma_wait3A_30 = tpu.memref_slice %arg4[%mul3A_2] : memref<320000xf32, #tpu.memory_space<hbm>> -> memref<10000xf32, #tpu.memory_space<hbm>>
    %dma_wait3A_31 = tpu.memref_slice %arg4[%mul3A_2] : memref<320000xf32, #tpu.memory_space<hbm>> -> memref<10000xf32, #tpu.memory_space<hbm>>
    tpu.wait_dma2 semaphore(%arg13 : memref<!tpu.dma_semaphore, #tpu.memory_space<semaphore_mem>>) src(%dma_wait3A_31 : memref<10000xf32, #tpu.memory_space<hbm>>) dst(%arg9 : memref<10000xf32, #tpu.memory_space<vmem>>)
    %barrier3A = arith.constant 0 : index
    tpu.barrier barrier_id(%barrier3A)
    %dma_start3A_32 = arith.constant 0 : i32
    %dma_start3A_33 = arith.constant 0 : i32
    %dma_start3A_34 = tpu.memref_slice %arg10[%dma_start3A_32, %dma_start3A_33] : memref<80x128xf32, #tpu.memory_space<vmem>> -> memref<80x128xf32, #tpu.memory_space<vmem>>
    %dma_start3A_35 = arith.constant 0 : i32
    %dma_start3A_36 = tpu.memref_slice %arg7[%dma_start3A_35] : memref<10000xi32, #tpu.memory_space<vmem>> -> memref<80xi32, #tpu.memory_space<vmem>>
    %dma_start3A_37 = arith.constant 0 : i32
    %dma_start3A_38 = arith.constant 0 : i32
    %dma_start3A_39 = tpu.memref_slice %arg2[%dma_start3A_37, %dma_start3A_38] : memref<10000x128xf32, #tpu.memory_space<hbm>> -> memref<10000x128xf32, #tpu.memory_space<hbm>>
    tpu.enqueue_indirect_dma source(%dma_start3A_39 : memref<10000x128xf32, #tpu.memory_space<hbm>>) target(%dma_start3A_34 : memref<80x128xf32, #tpu.memory_space<vmem>>) offsets(%dma_start3A_36 : memref<80xi32, #tpu.memory_space<vmem>>) semaphore(%arg12 : memref<!tpu.dma_semaphore, #tpu.memory_space<semaphore_mem>>)
    %scan3A_40 = arith.constant 0 : i32
    %scan3A_41 = arith.constant 0 : i32
    %scan3A_42 = arith.constant 62 : i32
    %scan3A_43 = arith.addi %scan3A_41, %scan3A_42 : i32
    %scan3A_44 = arith.constant 1 : i32
    scf.for %scan3A_85 = %scan3A_41 to %scan3A_43 step %scan3A_44  : i32 {
      %mul3A_86 = arith.constant 2 : i32
      %mul3A_87 = arith.muli %mul3A_86, %scan3A_85 : i32
      %mul3A_88 = arith.constant 80 : i32
      %mul3A_89 = arith.muli %mul3A_87, %mul3A_88 : i32
      %add3A_90 = arith.constant 80 : i32
      %add3A_91 = arith.addi %mul3A_89, %add3A_90 : i32
      %dma_start3A_92 = arith.constant 0 : i32
      %dma_start3A_93 = arith.constant 0 : i32
      %dma_start3A_94 = tpu.memref_slice %arg11[%dma_start3A_92, %dma_start3A_93] : memref<80x128xf32, #tpu.memory_space<vmem>> -> memref<80x128xf32, #tpu.memory_space<vmem>>
      %dma_start3A_95 = tpu.memref_slice %arg7[%add3A_91] : memref<10000xi32, #tpu.memory_space<vmem>> -> memref<80xi32, #tpu.memory_space<vmem>>
      %dma_start3A_96 = arith.constant 0 : i32
      %dma_start3A_97 = arith.constant 0 : i32
      %dma_start3A_98 = tpu.memref_slice %arg2[%dma_start3A_96, %dma_start3A_97] : memref<10000x128xf32, #tpu.memory_space<hbm>> -> memref<10000x128xf32, #tpu.memory_space<hbm>>
      tpu.enqueue_indirect_dma source(%dma_start3A_98 : memref<10000x128xf32, #tpu.memory_space<hbm>>) target(%dma_start3A_94 : memref<80x128xf32, #tpu.memory_space<vmem>>) offsets(%dma_start3A_95 : memref<80xi32, #tpu.memory_space<vmem>>) semaphore(%arg13 : memref<!tpu.dma_semaphore, #tpu.memory_space<semaphore_mem>>)
      %dma_wait3A_99 = arith.constant 0 : i32
      %dma_wait3A_100 = arith.constant 0 : i32
      %dma_wait3A_101 = tpu.memref_slice %arg10[%dma_wait3A_99, %dma_wait3A_100] : memref<80x128xf32, #tpu.memory_space<vmem>> -> memref<80x128xf32, #tpu.memory_space<vmem>>
      %dma_wait3A_102 = tpu.memref_slice %arg7[%mul3A_89] : memref<10000xi32, #tpu.memory_space<vmem>> -> memref<80xi32, #tpu.memory_space<vmem>>
      %dma_wait3A_103 = arith.constant 0 : i32
      %dma_wait3A_104 = arith.constant 0 : i32
      %dma_wait3A_105 = tpu.memref_slice %arg2[%dma_wait3A_103, %dma_wait3A_104] : memref<10000x128xf32, #tpu.memory_space<hbm>> -> memref<10000x128xf32, #tpu.memory_space<hbm>>
      tpu.wait_indirect_dma semaphore(%arg12 : memref<!tpu.dma_semaphore, #tpu.memory_space<semaphore_mem>>) src(%dma_wait3A_105 : memref<10000x128xf32, #tpu.memory_space<hbm>>) dst(%dma_wait3A_101 : memref<80x128xf32, #tpu.memory_space<vmem>>)
      %scan3A_106 = arith.constant 0 : i32
      %scan3A_107 = arith.constant 0 : i32
      %scan3A_108 = arith.constant 5 : i32
      %scan3A_109 = arith.addi %scan3A_107, %scan3A_108 : i32
      %scan3A_110 = arith.constant 1 : i32
      scf.for %scan3A_158 = %scan3A_107 to %scan3A_109 step %scan3A_110  : i32 {
        %mul3A_159 = arith.constant 16 : i32
        %mul3A_160 = arith.muli %scan3A_158, %mul3A_159 : i32
        %add3A_161 = arith.addi %mul3A_89, %mul3A_160 : i32
        %get3A = arith.index_cast %add3A_161 : i32 to index
        %get3A_162 = tpu.vector_load %arg9[%get3A] {strides = array<i32>} : memref<10000xf32, #tpu.memory_space<vmem>>, vector<16xf32>,
        %get3A_163 = vector.shape_cast %get3A_162 : vector<16xf32> to vector<16xf32>
        %mul3A_164 = arith.constant 16 : i32
        %mul3A_165 = arith.muli %scan3A_158, %mul3A_164 : i32
        %add3A_166 = arith.constant 0 : i32
        %add3A_167 = arith.addi %mul3A_165, %add3A_166 : i32
        %slice3A = vector.extract_strided_slice %get3A_163 {offsets = [0], sizes = [1], strides = [1]} : vector<16xf32> to vector<1xf32>
        %squeeze3A = vector.extract %slice3A[0] : f32 from vector<1xf32>
        %broadcast_in_dim3A = vector.broadcast %squeeze3A : f32 to vector<16xf32>
        %get3A_168 = arith.index_cast %add3A_167 : i32 to index
        %get3A_169 = arith.constant 0 : index
        %get3A_170 = tpu.vector_load %arg10[%get3A_168, %get3A_169] {strides = array<i32>} : memref<80x128xf32, #tpu.memory_space<vmem>>, vector<1x16xf32>,
        %get3A_171 = vector.shape_cast %get3A_170 : vector<1x16xf32> to vector<16xf32>
        %mul3A_172 = arith.mulf %get3A_171, %broadcast_in_dim3A : vector<16xf32>
        %swap3A = arith.index_cast %add3A_167 : i32 to index
        %swap3A_173 = arith.constant 0 : index
        %swap3A_174 = tpu.vector_load %arg10[%swap3A, %swap3A_173] {strides = array<i32>} : memref<80x128xf32, #tpu.memory_space<vmem>>, vector<1x16xf32>,
        %swap3A_175 = vector.shape_cast %swap3A_174 : vector<1x16xf32> to vector<16xf32>
        %swap3A_176 = vector.shape_cast %mul3A_172 : vector<16xf32> to vector<1x16xf32>
        tpu.vector_store %arg10[%swap3A, %swap3A_173], %swap3A_176 {strides = array<i32>} : memref<80x128xf32, #tpu.memory_space<vmem>>, vector<1x16xf32>,
        %get3A_177 = arith.index_cast %add3A_167 : i32 to index
        %get3A_178 = arith.constant 16 : index
        %get3A_179 = tpu.vector_load %arg10[%get3A_177, %get3A_178] {strides = array<i32>} : memref<80x128xf32, #tpu.memory_space<vmem>>, vector<1x16xf32>,
        %get3A_180 = vector.shape_cast %get3A_179 : vector<1x16xf32> to vector<16xf32>
        %mul3A_181 = arith.mulf %get3A_180, %broadcast_in_dim3A : vector<16xf32>
        %swap3A_182 = arith.index_cast %add3A_167 : i32 to index
        %swap3A_183 = arith.constant 16 : index
        %swap3A_184 = tpu.vector_load %arg10[%swap3A_182, %swap3A_183] {strides = array<i32>} : memref<80x128xf32, #tpu.memory_space<vmem>>, vector<1x16xf32>,
        %swap3A_185 = vector.shape_cast %swap3A_184 : vector<1x16xf32> to vector<16xf32>
        %swap3A_186 = vector.shape_cast %mul3A_181 : vector<16xf32> to vector<1x16xf32>
        tpu.vector_store %arg10[%swap3A_182, %swap3A_183], %swap3A_186 {strides = array<i32>} : memref<80x128xf32, #tpu.memory_space<vmem>>, vector<1x16xf32>,
        %get3A_187 = arith.index_cast %add3A_167 : i32 to index
        %get3A_188 = arith.constant 32 : index
        %get3A_189 = tpu.vector_load %arg10[%get3A_187, %get3A_188] {strides = array<i32>} : memref<80x128xf32, #tpu.memory_space<vmem>>, vector<1x16xf32>,
        %get3A_190 = vector.shape_cast %get3A_189 : vector<1x16xf32> to vector<16xf32>
        %mul3A_191 = arith.mulf %get3A_190, %broadcast_in_dim3A : vector<16xf32>
        %swap3A_192 = arith.index_cast %add3A_167 : i32 to index
        %swap3A_193 = arith.constant 32 : index
        %swap3A_194 = tpu.vector_load %arg10[%swap3A_192, %swap3A_193] {strides = array<i32>} : memref<80x128xf32, #tpu.memory_space<vmem>>, vector<1x16xf32>,
        %swap3A_195 = vector.shape_cast %swap3A_194 : vector<1x16xf32> to vector<16xf32>
        %swap3A_196 = vector.shape_cast %mul3A_191 : vector<16xf32> to vector<1x16xf32>
        tpu.vector_store %arg10[%swap3A_192, %swap3A_193], %swap3A_196 {strides = array<i32>} : memref<80x128xf32, #tpu.memory_space<vmem>>, vector<1x16xf32>,
        %get3A_197 = arith.index_cast %add3A_167 : i32 to index
        %get3A_198 = arith.constant 48 : index
        %get3A_199 = tpu.vector_load %arg10[%get3A_197, %get3A_198] {strides = array<i32>} : memref<80x128xf32, #tpu.memory_space<vmem>>, vector<1x16xf32>,
        %get3A_200 = vector.shape_cast %get3A_199 : vector<1x16xf32> to vector<16xf32>
        %mul3A_201 = arith.mulf %get3A_200, %broadcast_in_dim3A : vector<16xf32>
        %swap3A_202 = arith.index_cast %add3A_167 : i32 to index
        %swap3A_203 = arith.constant 48 : index
        %swap3A_204 = tpu.vector_load %arg10[%swap3A_202, %swap3A_203] {strides = array<i32>} : memref<80x128xf32, #tpu.memory_space<vmem>>, vector<1x16xf32>,
        %swap3A_205 = vector.shape_cast %swap3A_204 : vector<1x16xf32> to vector<16xf32>
        %swap3A_206 = vector.shape_cast %mul3A_201 : vector<16xf32> to vector<1x16xf32>
        tpu.vector_store %arg10[%swap3A_202, %swap3A_203], %swap3A_206 {strides = array<i32>} : memref<80x128xf32, #tpu.memory_space<vmem>>, vector<1x16xf32>,
        %get3A_207 = arith.index_cast %add3A_167 : i32 to index
        %get3A_208 = arith.constant 64 : index
        %get3A_209 = tpu.vector_load %arg10[%get3A_207, %get3A_208] {strides = array<i32>} : memref<80x128xf32, #tpu.memory_space<vmem>>, vector<1x16xf32>,
        %get3A_210 = vector.shape_cast %get3A_209 : vector<1x16xf32> to vector<16xf32>
        %mul3A_211 = arith.mulf %get3A_210, %broadcast_in_dim3A : vector<16xf32>
        %swap3A_212 = arith.index_cast %add3A_167 : i32 to index
        %swap3A_213 = arith.constant 64 : index
        %swap3A_214 = tpu.vector_load %arg10[%swap3A_212, %swap3A_213] {strides = array<i32>} : memref<80x128xf32, #tpu.memory_space<vmem>>, vector<1x16xf32>,
        %swap3A_215 = vector.shape_cast %swap3A_214 : vector<1x16xf32> to vector<16xf32>
        %swap3A_216 = vector.shape_cast %mul3A_211 : vector<16xf32> to vector<1x16xf32>
        tpu.vector_store %arg10[%swap3A_212, %swap3A_213], %swap3A_216 {strides = array<i32>} : memref<80x128xf32, #tpu.memory_space<vmem>>, vector<1x16xf32>,
        %get3A_217 = arith.index_cast %add3A_167 : i32 to index
        %get3A_218 = arith.constant 80 : index
        %get3A_219 = tpu.vector_load %arg10[%get3A_217, %get3A_218] {strides = array<i32>} : memref<80x128xf32, #tpu.memory_space<vmem>>, vector<1x16xf32>,
        %get3A_220 = vector.shape_cast %get3A_219 : vector<1x16xf32> to vector<16xf32>
        %mul3A_221 = arith.mulf %get3A_220, %broadcast_in_dim3A : vector<16xf32>
        %swap3A_222 = arith.index_cast %add3A_167 : i32 to index
        %swap3A_223 = arith.constant 80 : index
        %swap3A_224 = tpu.vector_load %arg10[%swap3A_222, %swap3A_223] {strides = array<i32>} : memref<80x128xf32, #tpu.memory_space<vmem>>, vector<1x16xf32>,
        %swap3A_225 = vector.shape_cast %swap3A_224 : vector<1x16xf32> to vector<16xf32>
        %swap3A_226 = vector.shape_cast %mul3A_221 : vector<16xf32> to vector<1x16xf32>
        tpu.vector_store %arg10[%swap3A_222, %swap3A_223], %swap3A_226 {strides = array<i32>} : memref<80x128xf32, #tpu.memory_space<vmem>>, vector<1x16xf32>,
        %get3A_227 = arith.index_cast %add3A_167 : i32 to index
        %get3A_228 = arith.constant 96 : index
        %get3A_229 = tpu.vector_load %arg10[%get3A_227, %get3A_228] {strides = array<i32>} : memref<80x128xf32, #tpu.memory_space<vmem>>, vector<1x16xf32>,
        %get3A_230 = vector.shape_cast %get3A_229 : vector<1x16xf32> to vector<16xf32>
        %mul3A_231 = arith.mulf %get3A_230, %broadcast_in_dim3A : vector<16xf32>
        %swap3A_232 = arith.index_cast %add3A_167 : i32 to index
        %swap3A_233 = arith.constant 96 : index
        %swap3A_234 = tpu.vector_load %arg10[%swap3A_232, %swap3A_233] {strides = array<i32>} : memref<80x128xf32, #tpu.memory_space<vmem>>, vector<1x16xf32>,
        %swap3A_235 = vector.shape_cast %swap3A_234 : vector<1x16xf32> to vector<16xf32>
        %swap3A_236 = vector.shape_cast %mul3A_231 : vector<16xf32> to vector<1x16xf32>
        tpu.vector_store %arg10[%swap3A_232, %swap3A_233], %swap3A_236 {strides = array<i32>} : memref<80x128xf32, #tpu.memory_space<vmem>>, vector<1x16xf32>,
        %get3A_237 = arith.index_cast %add3A_167 : i32 to index
        %get3A_238 = arith.constant 112 : index
        %get3A_239 = tpu.vector_load %arg10[%get3A_237, %get3A_238] {strides = array<i32>} : memref<80x128xf32, #tpu.memory_space<vmem>>, vector<1x16xf32>,
        %get3A_240 = vector.shape_cast %get3A_239 : vector<1x16xf32> to vector<16xf32>
        %mul3A_241 = arith.mulf %get3A_240, %broadcast_in_dim3A : vector<16xf32>
        %swap3A_242 = arith.index_cast %add3A_167 : i32 to index
        %swap3A_243 = arith.constant 112 : index
        %swap3A_244 = tpu.vector_load %arg10[%swap3A_242, %swap3A_243] {strides = array<i32>} : memref<80x128xf32, #tpu.memory_space<vmem>>, vector<1x16xf32>,
        %swap3A_245 = vector.shape_cast %swap3A_244 : vector<1x16xf32> to vector<16xf32>
        %swap3A_246 = vector.shape_cast %mul3A_241 : vector<16xf32> to vector<1x16xf32>
        tpu.vector_store %arg10[%swap3A_242, %swap3A_243], %swap3A_246 {strides = array<i32>} : memref<80x128xf32, #tpu.memory_space<vmem>>, vector<1x16xf32>,
        %mul3A_247 = arith.constant 16 : i32
        %mul3A_248 = arith.muli %scan3A_158, %mul3A_247 : i32
        %add3A_249 = arith.constant 1 : i32
        %add3A_250 = arith.addi %mul3A_248, %add3A_249 : i32
        %slice3A_251 = vector.extract_strided_slice %get3A_163 {offsets = [1], sizes = [1], strides = [1]} : vector<16xf32> to vector<1xf32>
        %squeeze3A_252 = vector.extract %slice3A_251[0] : f32 from vector<1xf32>
        %broadcast_in_dim3A_253 = vector.broadcast %squeeze3A_252 : f32 to vector<16xf32>
        %get3A_254 = arith.index_cast %add3A_250 : i32 to index
        %get3A_255 = arith.constant 0 : index
        %get3A_256 = tpu.vector_load %arg10[%get3A_254, %get3A_255] {strides = array<i32>} : memref<80x128xf32, #tpu.memory_space<vmem>>, vector<1x16xf32>,
        %get3A_257 = vector.shape_cast %get3A_256 : vector<1x16xf32> to vector<16xf32>
        %mul3A_258 = arith.mulf %get3A_257, %broadcast_in_dim3A_253 : vector<16xf32>
        %swap3A_259 = arith.index_cast %add3A_250 : i32 to index
        %swap3A_260 = arith.constant 0 : index
        %swap3A_261 = tpu.vector_load %arg10[%swap3A_259, %swap3A_260] {strides = array<i32>} : memref<80x128xf32, #tpu.memory_space<vmem>>, vector<1x16xf32>,
        %swap3A_262 = vector.shape_cast %swap3A_261 : vector<1x16xf32> to vector<16xf32>
        %swap3A_263 = vector.shape_cast %mul3A_258 : vector<16xf32> to vector<1x16xf32>
        tpu.vector_store %arg10[%swap3A_259, %swap3A_260], %swap3A_263 {strides = array<i32>} : memref<80x128xf32, #tpu.memory_space<vmem>>, vector<1x16xf32>,
        %get3A_264 = arith.index_cast %add3A_250 : i32 to index
        %get3A_265 = arith.constant 16 : index
        %get3A_266 = tpu.vector_load %arg10[%get3A_264, %get3A_265] {strides = array<i32>} : memref<80x128xf32, #tpu.memory_space<vmem>>, vector<1x16xf32>,
        %get3A_267 = vector.shape_cast %get3A_266 : vector<1x16xf32> to vector<16xf32>
        %mul3A_268 = arith.mulf %get3A_267, %broadcast_in_dim3A_253 : vector<16xf32>
        %swap3A_269 = arith.index_cast %add3A_250 : i32 to index
        %swap3A_270 = arith.constant 16 : index
        %swap3A_271 = tpu.vector_load %arg10[%swap3A_269, %swap3A_270] {strides = array<i32>} : memref<80x128xf32, #tpu.memory_space<vmem>>, vector<1x16xf32>,
        %swap3A_272 = vector.shape_cast %swap3A_271 : vector<1x16xf32> to vector<16xf32>
        %swap3A_273 = vector.shape_cast %mul3A_268 : vector<16xf32> to vector<1x16xf32>
        tpu.vector_store %arg10[%swap3A_269, %swap3A_270], %swap3A_273 {strides = array<i32>} : memref<80x128xf32, #tpu.memory_space<vmem>>, vector<1x16xf32>,
        %get3A_274 = arith.index_cast %add3A_250 : i32 to index
        %get3A_275 = arith.constant 32 : index
        %get3A_276 = tpu.vector_load %arg10[%get3A_274, %get3A_275] {strides = array<i32>} : memref<80x128xf32, #tpu.memory_space<vmem>>, vector<1x16xf32>,
        %get3A_277 = vector.shape_cast %get3A_276 : vector<1x16xf32> to vector<16xf32>
        %mul3A_278 = arith.mulf %get3A_277, %broadcast_in_dim3A_253 : vector<16xf32>
        %swap3A_279 = arith.index_cast %add3A_250 : i32 to index
        %swap3A_280 = arith.constant 32 : index
        %swap3A_281 = tpu.vector_load %arg10[%swap3A_279, %swap3A_280] {strides = array<i32>} : memref<80x128xf32, #tpu.memory_space<vmem>>, vector<1x16xf32>,
        %swap3A_282 = vector.shape_cast %swap3A_281 : vector<1x16xf32> to vector<16xf32>
        %swap3A_283 = vector.shape_cast %mul3A_278 : vector<16xf32> to vector<1x16xf32>
        tpu.vector_store %arg10[%swap3A_279, %swap3A_280], %swap3A_283 {strides = array<i32>} : memref<80x128xf32, #tpu.memory_space<vmem>>, vector<1x16xf32>,
        %get3A_284 = arith.index_cast %add3A_250 : i32 to index
        %get3A_285 = arith.constant 48 : index
        %get3A_286 = tpu.vector_load %arg10[%get3A_284, %get3A_285] {strides = array<i32>} : memref<80x128xf32, #tpu.memory_space<vmem>>, vector<1x16xf32>,
        %get3A_287 = vector.shape_cast %get3A_286 : vector<1x16xf32> to vector<16xf32>
        %mul3A_288 = arith.mulf %get3A_287, %broadcast_in_dim3A_253 : vector<16xf32>
        %swap3A_289 = arith.index_cast %add3A_250 : i32 to index
        %swap3A_290 = arith.constant 48 : index
        %swap3A_291 = tpu.vector_load %arg10[%swap3A_289, %swap3A_290] {strides = array<i32>} : memref<80x128xf32, #tpu.memory_space<vmem>>, vector<1x16xf32>,
        %swap3A_292 = vector.shape_cast %swap3A_291 : vector<1x16xf32> to vector<16xf32>
        %swap3A_293 = vector.shape_cast %mul3A_288 : vector<16xf32> to vector<1x16xf32>
        tpu.vector_store %arg10[%swap3A_289, %swap3A_290], %swap3A_293 {strides = array<i32>} : memref<80x128xf32, #tpu.memory_space<vmem>>, vector<1x16xf32>,
        %get3A_294 = arith.index_cast %add3A_250 : i32 to index
        %get3A_295 = arith.constant 64 : index
        %get3A_296 = tpu.vector_load %arg10[%get3A_294, %get3A_295] {strides = array<i32>} : memref<80x128xf32, #tpu.memory_space<vmem>>, vector<1x16xf32>,
        %get3A_297 = vector.shape_cast %get3A_296 : vector<1x16xf32> to vector<16xf32>
        %mul3A_298 = arith.mulf %get3A_297, %broadcast_in_dim3A_253 : vector<16xf32>
        %swap3A_299 = arith.index_cast %add3A_250 : i32 to index
        %swap3A_300 = arith.constant 64 : index
        %swap3A_301 = tpu.vector_load %arg10[%swap3A_299, %swap3A_300] {strides = array<i32>} : memref<80x128xf32, #tpu.memory_space<vmem>>, vector<1x16xf32>,
        %swap3A_302 = vector.shape_cast %swap3A_301 : vector<1x16xf32> to vector<16xf32>
        %swap3A_303 = vector.shape_cast %mul3A_298 : vector<16xf32> to vector<1x16xf32>
        tpu.vector_store %arg10[%swap3A_299, %swap3A_300], %swap3A_303 {strides = array<i32>} : memref<80x128xf32, #tpu.memory_space<vmem>>, vector<1x16xf32>,
        %get3A_304 = arith.index_cast %add3A_250 : i32 to index
        %get3A_305 = arith.constant 80 : index
        %get3A_306 = tpu.vector_load %arg10[%get3A_304, %get3A_305] {strides = array<i32>} : memref<80x128xf32, #tpu.memory_space<vmem>>, vector<1x16xf32>,
        %get3A_307 = vector.shape_cast %get3A_306 : vector<1x16xf32> to vector<16xf32>
        %mul3A_308 = arith.mulf %get3A_307, %broadcast_in_dim3A_253 : vector<16xf32>
        %swap3A_309 = arith.index_cast %add3A_250 : i32 to index
        %swap3A_310 = arith.constant 80 : index
        %swap3A_311 = tpu.vector_load %arg10[%swap3A_309, %swap3A_310] {strides = array<i32>} : memref<80x128xf32, #tpu.memory_space<vmem>>, vector<1x16xf32>,
        %swap3A_312 = vector.shape_cast %swap3A_311 : vector<1x16xf32> to vector<16xf32>
        %swap3A_313 = vector.shape_cast %mul3A_308 : vector<16xf32> to vector<1x16xf32>
        tpu.vector_store %arg10[%swap3A_309, %swap3A_310], %swap3A_313 {strides = array<i32>} : memref<80x128xf32, #tpu.memory_space<vmem>>, vector<1x16xf32>,
        %get3A_314 = arith.index_cast %add3A_250 : i32 to index
        %get3A_315 = arith.constant 96 : index
        %get3A_316 = tpu.vector_load %arg10[%get3A_314, %get3A_315] {strides = array<i32>} : memref<80x128xf32, #tpu.memory_space<vmem>>, vector<1x16xf32>,
        %get3A_317 = vector.shape_cast %get3A_316 : vector<1x16xf32> to vector<16xf32>
        %mul3A_318 = arith.mulf %get3A_317, %broadcast_in_dim3A_253 : vector<16xf32>
        %swap3A_319 = arith.index_cast %add3A_250 : i32 to index
        %swap3A_320 = arith.constant 96 : index
        %swap3A_321 = tpu.vector_load %arg10[%swap3A_319, %swap3A_320] {strides = array<i32>} : memref<80x128xf32, #tpu.memory_space<vmem>>, vector<1x16xf32>,
        %swap3A_322 = vector.shape_cast %swap3A_321 : vector<1x16xf32> to vector<16xf32>
        %swap3A_323 = vector.shape_cast %mul3A_318 : vector<16xf32> to vector<1x16xf32>
        tpu.vector_store %arg10[%swap3A_319, %swap3A_320], %swap3A_323 {strides = array<i32>} : memref<80x128xf32, #tpu.memory_space<vmem>>, vector<1x16xf32>,
        %get3A_324 = arith.index_cast %add3A_250 : i32 to index
        %get3A_325 = arith.constant 112 : index
        %get3A_326 = tpu.vector_load %arg10[%get3A_324, %get3A_325] {strides = array<i32>} : memref<80x128xf32, #tpu.memory_space<vmem>>, vector<1x16xf32>,
        %get3A_327 = vector.shape_cast %get3A_326 : vector<1x16xf32> to vector<16xf32>
        %mul3A_328 = arith.mulf %get3A_327, %broadcast_in_dim3A_253 : vector<16xf32>
        %swap3A_329 = arith.index_cast %add3A_250 : i32 to index
        %swap3A_330 = arith.constant 112 : index
        %swap3A_331 = tpu.vector_load %arg10[%swap3A_329, %swap3A_330] {strides = array<i32>} : memref<80x128xf32, #tpu.memory_space<vmem>>, vector<1x16xf32>,
        %swap3A_332 = vector.shape_cast %swap3A_331 : vector<1x16xf32> to vector<16xf32>
        %swap3A_333 = vector.shape_cast %mul3A_328 : vector<16xf32> to vector<1x16xf32>
        tpu.vector_store %arg10[%swap3A_329, %swap3A_330], %swap3A_333 {strides = array<i32>} : memref<80x128xf32, #tpu.memory_space<vmem>>, vector<1x16xf32>,
        %mul3A_334 = arith.constant 16 : i32
        %mul3A_335 = arith.muli %scan3A_158, %mul3A_334 : i32
        %add3A_336 = arith.constant 2 : i32
        %add3A_337 = arith.addi %mul3A_335, %add3A_336 : i32
        %slice3A_338 = vector.extract_strided_slice %get3A_163 {offsets = [2], sizes = [1], strides = [1]} : vector<16xf32> to vector<1xf32>
        %squeeze3A_339 = vector.extract %slice3A_338[0] : f32 from vector<1xf32>
        %broadcast_in_dim3A_340 = vector.broadcast %squeeze3A_339 : f32 to vector<16xf32>
        %get3A_341 = arith.index_cast %add3A_337 : i32 to index
        %get3A_342 = arith.constant 0 : index
        %get3A_343 = tpu.vector_load %arg10[%get3A_341, %get3A_342] {strides = array<i32>} : memref<80x128xf32, #tpu.memory_space<vmem>>, vector<1x16xf32>,
        %get3A_344 = vector.shape_cast %get3A_343 : vector<1x16xf32> to vector<16xf32>
        %mul3A_345 = arith.mulf %get3A_344, %broadcast_in_dim3A_340 : vector<16xf32>
        %swap3A_346 = arith.index_cast %add3A_337 : i32 to index
        %swap3A_347 = arith.constant 0 : index
        %swap3A_348 = tpu.vector_load %arg10[%swap3A_346, %swap3A_347] {strides = array<i32>} : memref<80x128xf32, #tpu.memory_space<vmem>>, vector<1x16xf32>,
        %swap3A_349 = vector.shape_cast %swap3A_348 : vector<1x16xf32> to vector<16xf32>
        %swap3A_350 = vector.shape_cast %mul3A_345 : vector<16xf32> to vector<1x16xf32>
        tpu.vector_store %arg10[%swap3A_346, %swap3A_347], %swap3A_350 {strides = array<i32>} : memref<80x128xf32, #tpu.memory_space<vmem>>, vector<1x16xf32>,
        %get3A_351 = arith.index_cast %add3A_337 : i32 to index
        %get3A_352 = arith.constant 16 : index
        %get3A_353 = tpu.vector_load %arg10[%get3A_351, %get3A_352] {strides = array<i32>} : memref<80x128xf32, #tpu.memory_space<vmem>>, vector<1x16xf32>,
        %get3A_354 = vector.shape_cast %get3A_353 : vector<1x16xf32> to vector<16xf32>
        %mul3A_355 = arith.mulf %get3A_354, %broadcast_in_dim3A_340 : vector<16xf32>
        %swap3A_356 = arith.index_cast %add3A_337 : i32 to index
        %swap3A_357 = arith.constant 16 : index
        %swap3A_358 = tpu.vector_load %arg10[%swap3A_356, %swap3A_357] {strides = array<i32>} : memref<80x128xf32, #tpu.memory_space<vmem>>, vector<1x16xf32>,
        %swap3A_359 = vector.shape_cast %swap3A_358 : vector<1x16xf32> to vector<16xf32>
        %swap3A_360 = vector.shape_cast %mul3A_355 : vector<16xf32> to vector<1x16xf32>
        tpu.vector_store %arg10[%swap3A_356, %swap3A_357], %swap3A_360 {strides = array<i32>} : memref<80x128xf32, #tpu.memory_space<vmem>>, vector<1x16xf32>,
        %get3A_361 = arith.index_cast %add3A_337 : i32 to index
        %get3A_362 = arith.constant 32 : index
        %get3A_363 = tpu.vector_load %arg10[%get3A_361, %get3A_362] {strides = array<i32>} : memref<80x128xf32, #tpu.memory_space<vmem>>, vector<1x16xf32>,
        %get3A_364 = vector.shape_cast %get3A_363 : vector<1x16xf32> to vector<16xf32>
        %mul3A_365 = arith.mulf %get3A_364, %broadcast_in_dim3A_340 : vector<16xf32>
        %swap3A_366 = arith.index_cast %add3A_337 : i32 to index
        %swap3A_367 = arith.constant 32 : index
        %swap3A_368 = tpu.vector_load %arg10[%swap3A_366, %swap3A_367] {strides = array<i32>} : memref<80x128xf32, #tpu.memory_space<vmem>>, vector<1x16xf32>,
        %swap3A_369 = vector.shape_cast %swap3A_368 : vector<1x16xf32> to vector<16xf32>
        %swap3A_370 = vector.shape_cast %mul3A_365 : vector<16xf32> to vector<1x16xf32>
        tpu.vector_store %arg10[%swap3A_366, %swap3A_367], %swap3A_370 {strides = array<i32>} : memref<80x128xf32, #tpu.memory_space<vmem>>, vector<1x16xf32>,
        %get3A_371 = arith.index_cast %add3A_337 : i32 to index
        %get3A_372 = arith.constant 48 : index
        %get3A_373 = tpu.vector_load %arg10[%get3A_371, %get3A_372] {strides = array<i32>} : memref<80x128xf32, #tpu.memory_space<vmem>>, vector<1x16xf32>,
        %get3A_374 = vector.shape_cast %get3A_373 : vector<1x16xf32> to vector<16xf32>
        %mul3A_375 = arith.mulf %get3A_374, %broadcast_in_dim3A_340 : vector<16xf32>
        %swap3A_376 = arith.index_cast %add3A_337 : i32 to index
        %swap3A_377 = arith.constant 48 : index
        %swap3A_378 = tpu.vector_load %arg10[%swap3A_376, %swap3A_377] {strides = array<i32>} : memref<80x128xf32, #tpu.memory_space<vmem>>, vector<1x16xf32>,
        %swap3A_379 = vector.shape_cast %swap3A_378 : vector<1x16xf32> to vector<16xf32>
        %swap3A_380 = vector.shape_cast %mul3A_375 : vector<16xf32> to vector<1x16xf32>
        tpu.vector_store %arg10[%swap3A_376, %swap3A_377], %swap3A_380 {strides = array<i32>} : memref<80x128xf32, #tpu.memory_space<vmem>>, vector<1x16xf32>,
        %get3A_381 = arith.index_cast %add3A_337 : i32 to index
        %get3A_382 = arith.constant 64 : index
        %get3A_383 = tpu.vector_load %arg10[%get3A_381, %get3A_382] {strides = array<i32>} : memref<80x128xf32, #tpu.memory_space<vmem>>, vector<1x16xf32>,
        %get3A_384 = vector.shape_cast %get3A_383 : vector<1x16xf32> to vector<16xf32>
        %mul3A_385 = arith.mulf %get3A_384, %broadcast_in_dim3A_340 : vector<16xf32>
        %swap3A_386 = arith.index_cast %add3A_337 : i32 to index
        %swap3A_387 = arith.constant 64 : index
        %swap3A_388 = tpu.vector_load %arg10[%swap3A_386, %swap3A_387] {strides = array<i32>} : memref<80x128xf32, #tpu.memory_space<vmem>>, vector<1x16xf32>,
        %swap3A_389 = vector.shape_cast %swap3A_388 : vector<1x16xf32> to vector<16xf32>
        %swap3A_390 = vector.shape_cast %mul3A_385 : vector<16xf32> to vector<1x16xf32>
        tpu.vector_store %arg10[%swap3A_386, %swap3A_387], %swap3A_390 {strides = array<i32>} : memref<80x128xf32, #tpu.memory_space<vmem>>, vector<1x16xf32>,
        %get3A_391 = arith.index_cast %add3A_337 : i32 to index
        %get3A_392 = arith.constant 80 : index
        %get3A_393 = tpu.vector_load %arg10[%get3A_391, %get3A_392] {strides = array<i32>} : memref<80x128xf32, #tpu.memory_space<vmem>>, vector<1x16xf32>,
        %get3A_394 = vector.shape_cast %get3A_393 : vector<1x16xf32> to vector<16xf32>
        %mul3A_395 = arith.mulf %get3A_394, %broadcast_in_dim3A_340 : vector<16xf32>
        %swap3A_396 = arith.index_cast %add3A_337 : i32 to index
        %swap3A_397 = arith.constant 80 : index
        %swap3A_398 = tpu.vector_load %arg10[%swap3A_396, %swap3A_397] {strides = array<i32>} : memref<80x128xf32, #tpu.memory_space<vmem>>, vector<1x16xf32>,
        %swap3A_399 = vector.shape_cast %swap3A_398 : vector<1x16xf32> to vector<16xf32>
        %swap3A_400 = vector.shape_cast %mul3A_395 : vector<16xf32> to vector<1x16xf32>
        tpu.vector_store %arg10[%swap3A_396, %swap3A_397], %swap3A_400 {strides = array<i32>} : memref<80x128xf32, #tpu.memory_space<vmem>>, vector<1x16xf32>,
        %get3A_401 = arith.index_cast %add3A_337 : i32 to index
        %get3A_402 = arith.constant 96 : index
        %get3A_403 = tpu.vector_load %arg10[%get3A_401, %get3A_402] {strides = array<i32>} : memref<80x128xf32, #tpu.memory_space<vmem>>, vector<1x16xf32>,
        %get3A_404 = vector.shape_cast %get3A_403 : vector<1x16xf32> to vector<16xf32>
        %mul3A_405 = arith.mulf %get3A_404, %broadcast_in_dim3A_340 : vector<16xf32>
        %swap3A_406 = arith.index_cast %add3A_337 : i32 to index
        %swap3A_407 = arith.constant 96 : index
        %swap3A_408 = tpu.vector_load %arg10[%swap3A_406, %swap3A_407] {strides = array<i32>} : memref<80x128xf32, #tpu.memory_space<vmem>>, vector<1x16xf32>,
        %swap3A_409 = vector.shape_cast %swap3A_408 : vector<1x16xf32> to vector<16xf32>
        %swap3A_410 = vector.shape_cast %mul3A_405 : vector<16xf32> to vector<1x16xf32>
        tpu.vector_store %arg10[%swap3A_406, %swap3A_407], %swap3A_410 {strides = array<i32>} : memref<80x128xf32, #tpu.memory_space<vmem>>, vector<1x16xf32>,
        %get3A_411 = arith.index_cast %add3A_337 : i32 to index
        %get3A_412 = arith.constant 112 : index
        %get3A_413 = tpu.vector_load %arg10[%get3A_411, %get3A_412] {strides = array<i32>} : memref<80x128xf32, #tpu.memory_space<vmem>>, vector<1x16xf32>,
        %get3A_414 = vector.shape_cast %get3A_413 : vector<1x16xf32> to vector<16xf32>
        %mul3A_415 = arith.mulf %get3A_414, %broadcast_in_dim3A_340 : vector<16xf32>
        %swap3A_416 = arith.index_cast %add3A_337 : i32 to index
        %swap3A_417 = arith.constant 112 : index
        %swap3A_418 = tpu.vector_load %arg10[%swap3A_416, %swap3A_417] {strides = array<i32>} : memref<80x128xf32, #tpu.memory_space<vmem>>, vector<1x16xf32>,
        %swap3A_419 = vector.shape_cast %swap3A_418 : vector<1x16xf32> to vector<16xf32>
        %swap3A_420 = vector.shape_cast %mul3A_415 : vector<16xf32> to vector<1x16xf32>
        tpu.vector_store %arg10[%swap3A_416, %swap3A_417], %swap3A_420 {strides = array<i32>} : memref<80x128xf32, #tpu.memory_space<vmem>>, vector<1x16xf32>,
        %mul3A_421 = arith.constant 16 : i32
        %mul3A_422 = arith.muli %scan3A_158, %mul3A_421 : i32
        %add3A_423 = arith.constant 3 : i32
        %add3A_424 = arith.addi %mul3A_422, %add3A_423 : i32
        %slice3A_425 = vector.extract_strided_slice %get3A_163 {offsets = [3], sizes = [1], strides = [1]} : vector<16xf32> to vector<1xf32>
        %squeeze3A_426 = vector.extract %slice3A_425[0] : f32 from vector<1xf32>
        %broadcast_in_dim3A_427 = vector.broadcast %squeeze3A_426 : f32 to vector<16xf32>
        %get3A_428 = arith.index_cast %add3A_424 : i32 to index
        %get3A_429 = arith.constant 0 : index
        %get3A_430 = tpu.vector_load %arg10[%get3A_428, %get3A_429] {strides = array<i32>} : memref<80x128xf32, #tpu.memory_space<vmem>>, vector<1x16xf32>,
        %get3A_431 = vector.shape_cast %get3A_430 : vector<1x16xf32> to vector<16xf32>
        %mul3A_432 = arith.mulf %get3A_431, %broadcast_in_dim3A_427 : vector<16xf32>
        %swap3A_433 = arith.index_cast %add3A_424 : i32 to index
        %swap3A_434 = arith.constant 0 : index
        %swap3A_435 = tpu.vector_load %arg10[%swap3A_433, %swap3A_434] {strides = array<i32>} : memref<80x128xf32, #tpu.memory_space<vmem>>, vector<1x16xf32>,
        %swap3A_436 = vector.shape_cast %swap3A_435 : vector<1x16xf32> to vector<16xf32>
        %swap3A_437 = vector.shape_cast %mul3A_432 : vector<16xf32> to vector<1x16xf32>
        tpu.vector_store %arg10[%swap3A_433, %swap3A_434], %swap3A_437 {strides = array<i32>} : memref<80x128xf32, #tpu.memory_space<vmem>>, vector<1x16xf32>,
        %get3A_438 = arith.index_cast %add3A_424 : i32 to index
        %get3A_439 = arith.constant 16 : index
        %get3A_440 = tpu.vector_load %arg10[%get3A_438, %get3A_439] {strides = array<i32>} : memref<80x128xf32, #tpu.memory_space<vmem>>, vector<1x16xf32>,
        %get3A_441 = vector.shape_cast %get3A_440 : vector<1x16xf32> to vector<16xf32>
        %mul3A_442 = arith.mulf %get3A_441, %broadcast_in_dim3A_427 : vector<16xf32>
        %swap3A_443 = arith.index_cast %add3A_424 : i32 to index
        %swap3A_444 = arith.constant 16 : index
        %swap3A_445 = tpu.vector_load %arg10[%swap3A_443, %swap3A_444] {strides = array<i32>} : memref<80x128xf32, #tpu.memory_space<vmem>>, vector<1x16xf32>,
        %swap3A_446 = vector.shape_cast %swap3A_445 : vector<1x16xf32> to vector<16xf32>
        %swap3A_447 = vector.shape_cast %mul3A_442 : vector<16xf32> to vector<1x16xf32>
        tpu.vector_store %arg10[%swap3A_443, %swap3A_444], %swap3A_447 {strides = array<i32>} : memref<80x128xf32, #tpu.memory_space<vmem>>, vector<1x16xf32>,
        %get3A_448 = arith.index_cast %add3A_424 : i32 to index
        %get3A_449 = arith.constant 32 : index
        %get3A_450 = tpu.vector_load %arg10[%get3A_448, %get3A_449] {strides = array<i32>} : memref<80x128xf32, #tpu.memory_space<vmem>>, vector<1x16xf32>,
        %get3A_451 = vector.shape_cast %get3A_450 : vector<1x16xf32> to vector<16xf32>
        %mul3A_452 = arith.mulf %get3A_451, %broadcast_in_dim3A_427 : vector<16xf32>
        %swap3A_453 = arith.index_cast %add3A_424 : i32 to index
        %swap3A_454 = arith.constant 32 : index
        %swap3A_455 = tpu.vector_load %arg10[%swap3A_453, %swap3A_454] {strides = array<i32>} : memref<80x128xf32, #tpu.memory_space<vmem>>, vector<1x16xf32>,
        %swap3A_456 = vector.shape_cast %swap3A_455 : vector<1x16xf32> to vector<16xf32>
        %swap3A_457 = vector.shape_cast %mul3A_452 : vector<16xf32> to vector<1x16xf32>
        tpu.vector_store %arg10[%swap3A_453, %swap3A_454], %swap3A_457 {strides = array<i32>} : memref<80x128xf32, #tpu.memory_space<vmem>>, vector<1x16xf32>,
        %get3A_458 = arith.index_cast %add3A_424 : i32 to index
        %get3A_459 = arith.constant 48 : index
        %get3A_460 = tpu.vector_load %arg10[%get3A_458, %get3A_459] {strides = array<i32>} : memref<80x128xf32, #tpu.memory_space<vmem>>, vector<1x16xf32>,
        %get3A_461 = vector.shape_cast %get3A_460 : vector<1x16xf32> to vector<16xf32>
        %mul3A_462 = arith.mulf %get3A_461, %broadcast_in_dim3A_427 : vector<16xf32>
        %swap3A_463 = arith.index_cast %add3A_424 : i32 to index
        %swap3A_464 = arith.constant 48 : index
        %swap3A_465 = tpu.vector_load %arg10[%swap3A_463, %swap3A_464] {strides = array<i32>} : memref<80x128xf32, #tpu.memory_space<vmem>>, vector<1x16xf32>,
        %swap3A_466 = vector.shape_cast %swap3A_465 : vector<1x16xf32> to vector<16xf32>
        %swap3A_467 = vector.shape_cast %mul3A_462 : vector<16xf32> to vector<1x16xf32>
        tpu.vector_store %arg10[%swap3A_463, %swap3A_464], %swap3A_467 {strides = array<i32>} : memref<80x128xf32, #tpu.memory_space<vmem>>, vector<1x16xf32>,
        %get3A_468 = arith.index_cast %add3A_424 : i32 to index
        %get3A_469 = arith.constant 64 : index
        %get3A_470 = tpu.vector_load %arg10[%get3A_468, %get3A_469] {strides = array<i32>} : memref<80x128xf32, #tpu.memory_space<vmem>>, vector<1x16xf32>,
        %get3A_471 = vector.shape_cast %get3A_470 : vector<1x16xf32> to vector<16xf32>
        %mul3A_472 = arith.mulf %get3A_471, %broadcast_in_dim3A_427 : vector<16xf32>
        %swap3A_473 = arith.index_cast %add3A_424 : i32 to index
        %swap3A_474 = arith.constant 64 : index
        %swap3A_475 = tpu.vector_load %arg10[%swap3A_473, %swap3A_474] {strides = array<i32>} : memref<80x128xf32, #tpu.memory_space<vmem>>, vector<1x16xf32>,
        %swap3A_476 = vector.shape_cast %swap3A_475 : vector<1x16xf32> to vector<16xf32>
        %swap3A_477 = vector.shape_cast %mul3A_472 : vector<16xf32> to vector<1x16xf32>
        tpu.vector_store %arg10[%swap3A_473, %swap3A_474], %swap3A_477 {strides = array<i32>} : memref<80x128xf32, #tpu.memory_space<vmem>>, vector<1x16xf32>,
        %get3A_478 = arith.index_cast %add3A_424 : i32 to index
        %get3A_479 = arith.constant 80 : index
        %get3A_480 = tpu.vector_load %arg10[%get3A_478, %get3A_479] {strides = array<i32>} : memref<80x128xf32, #tpu.memory_space<vmem>>, vector<1x16xf32>,
        %get3A_481 = vector.shape_cast %get3A_480 : vector<1x16xf32> to vector<16xf32>
        %mul3A_482 = arith.mulf %get3A_481, %broadcast_in_dim3A_427 : vector<16xf32>
        %swap3A_483 = arith.index_cast %add3A_424 : i32 to index
        %swap3A_484 = arith.constant 80 : index
        %swap3A_485 = tpu.vector_load %arg10[%swap3A_483, %swap3A_484] {strides = array<i32>} : memref<80x128xf32, #tpu.memory_space<vmem>>, vector<1x16xf32>,
        %swap3A_486 = vector.shape_cast %swap3A_485 : vector<1x16xf32> to vector<16xf32>
        %swap3A_487 = vector.shape_cast %mul3A_482 : vector<16xf32> to vector<1x16xf32>
        tpu.vector_store %arg10[%swap3A_483, %swap3A_484], %swap3A_487 {strides = array<i32>} : memref<80x128xf32, #tpu.memory_space<vmem>>, vector<1x16xf32>,
        %get3A_488 = arith.index_cast %add3A_424 : i32 to index
        %get3A_489 = arith.constant 96 : index
        %get3A_490 = tpu.vector_load %arg10[%get3A_488, %get3A_489] {strides = array<i32>} : memref<80x128xf32, #tpu.memory_space<vmem>>, vector<1x16xf32>,
        %get3A_491 = vector.shape_cast %get3A_490 : vector<1x16xf32> to vector<16xf32>
        %mul3A_492 = arith.mulf %get3A_491, %broadcast_in_dim3A_427 : vector<16xf32>
        %swap3A_493 = arith.index_cast %add3A_424 : i32 to index
        %swap3A_494 = arith.constant 96 : index
        %swap3A_495 = tpu.vector_load %arg10[%swap3A_493, %swap3A_494] {strides = array<i32>} : memref<80x128xf32, #tpu.memory_space<vmem>>, vector<1x16xf32>,
        %swap3A_496 = vector.shape_cast %swap3A_495 : vector<1x16xf32> to vector<16xf32>
        %swap3A_497 = vector.shape_cast %mul3A_492 : vector<16xf32> to vector<1x16xf32>
        tpu.vector_store %arg10[%swap3A_493, %swap3A_494], %swap3A_497 {strides = array<i32>} : memref<80x128xf32, #tpu.memory_space<vmem>>, vector<1x16xf32>,
        %get3A_498 = arith.index_cast %add3A_424 : i32 to index
        %get3A_499 = arith.constant 112 : index
        %get3A_500 = tpu.vector_load %arg10[%get3A_498, %get3A_499] {strides = array<i32>} : memref<80x128xf32, #tpu.memory_space<vmem>>, vector<1x16xf32>,
        %get3A_501 = vector.shape_cast %get3A_500 : vector<1x16xf32> to vector<16xf32>
        %mul3A_502 = arith.mulf %get3A_501, %broadcast_in_dim3A_427 : vector<16xf32>
        %swap3A_503 = arith.index_cast %add3A_424 : i32 to index
        %swap3A_504 = arith.constant 112 : index
        %swap3A_505 = tpu.vector_load %arg10[%swap3A_503, %swap3A_504] {strides = array<i32>} : memref<80x128xf32, #tpu.memory_space<vmem>>, vector<1x16xf32>,
        %swap3A_506 = vector.shape_cast %swap3A_505 : vector<1x16xf32> to vector<16xf32>
        %swap3A_507 = vector.shape_cast %mul3A_502 : vector<16xf32> to vector<1x16xf32>
        tpu.vector_store %arg10[%swap3A_503, %swap3A_504], %swap3A_507 {strides = array<i32>} : memref<80x128xf32, #tpu.memory_space<vmem>>, vector<1x16xf32>,
        %mul3A_508 = arith.constant 16 : i32
        %mul3A_509 = arith.muli %scan3A_158, %mul3A_508 : i32
        %add3A_510 = arith.constant 4 : i32
        %add3A_511 = arith.addi %mul3A_509, %add3A_510 : i32
        %slice3A_512 = vector.extract_strided_slice %get3A_163 {offsets = [4], sizes = [1], strides = [1]} : vector<16xf32> to vector<1xf32>
        %squeeze3A_513 = vector.extract %slice3A_512[0] : f32 from vector<1xf32>
        %broadcast_in_dim3A_514 = vector.broadcast %squeeze3A_513 : f32 to vector<16xf32>
        %get3A_515 = arith.index_cast %add3A_511 : i32 to index
        %get3A_516 = arith.constant 0 : index
        %get3A_517 = tpu.vector_load %arg10[%get3A_515, %get3A_516] {strides = array<i32>} : memref<80x128xf32, #tpu.memory_space<vmem>>, vector<1x16xf32>,
        %get3A_518 = vector.shape_cast %get3A_517 : vector<1x16xf32> to vector<16xf32>
        %mul3A_519 = arith.mulf %get3A_518, %broadcast_in_dim3A_514 : vector<16xf32>
        %swap3A_520 = arith.index_cast %add3A_511 : i32 to index
        %swap3A_521 = arith.constant 0 : index
        %swap3A_522 = tpu.vector_load %arg10[%swap3A_520, %swap3A_521] {strides = array<i32>} : memref<80x128xf32, #tpu.memory_space<vmem>>, vector<1x16xf32>,
        %swap3A_523 = vector.shape_cast %swap3A_522 : vector<1x16xf32> to vector<16xf32>
        %swap3A_524 = vector.shape_cast %mul3A_519 : vector<16xf32> to vector<1x16xf32>
        tpu.vector_store %arg10[%swap3A_520, %swap3A_521], %swap3A_524 {strides = array<i32>} : memref<80x128xf32, #tpu.memory_space<vmem>>, vector<1x16xf32>,
        %get3A_525 = arith.index_cast %add3A_511 : i32 to index
        %get3A_526 = arith.constant 16 : index
        %get3A_527 = tpu.vector_load %arg10[%get3A_525, %get3A_526] {strides = array<i32>} : memref<80x128xf32, #tpu.memory_space<vmem>>, vector<1x16xf32>,
        %get3A_528 = vector.shape_cast %get3A_527 : vector<1x16xf32> to vector<16xf32>
        %mul3A_529 = arith.mulf %get3A_528, %broadcast_in_dim3A_514 : vector<16xf32>
        %swap3A_530 = arith.index_cast %add3A_511 : i32 to index
        %swap3A_531 = arith.constant 16 : index
        %swap3A_532 = tpu.vector_load %arg10[%swap3A_530, %swap3A_531] {strides = array<i32>} : memref<80x128xf32, #tpu.memory_space<vmem>>, vector<1x16xf32>,
        %swap3A_533 = vector.shape_cast %swap3A_532 : vector<1x16xf32> to vector<16xf32>
        %swap3A_534 = vector.shape_cast %mul3A_529 : vector<16xf32> to vector<1x16xf32>
        tpu.vector_store %arg10[%swap3A_530, %swap3A_531], %swap3A_534 {strides = array<i32>} : memref<80x128xf32, #tpu.memory_space<vmem>>, vector<1x16xf32>,
        %get3A_535 = arith.index_cast %add3A_511 : i32 to index
        %get3A_536 = arith.constant 32 : index
        %get3A_537 = tpu.vector_load %arg10[%get3A_535, %get3A_536] {strides = array<i32>} : memref<80x128xf32, #tpu.memory_space<vmem>>, vector<1x16xf32>,
        %get3A_538 = vector.shape_cast %get3A_537 : vector<1x16xf32> to vector<16xf32>
        %mul3A_539 = arith.mulf %get3A_538, %broadcast_in_dim3A_514 : vector<16xf32>
        %swap3A_540 = arith.index_cast %add3A_511 : i32 to index
        %swap3A_541 = arith.constant 32 : index
        %swap3A_542 = tpu.vector_load %arg10[%swap3A_540, %swap3A_541] {strides = array<i32>} : memref<80x128xf32, #tpu.memory_space<vmem>>, vector<1x16xf32>,
        %swap3A_543 = vector.shape_cast %swap3A_542 : vector<1x16xf32> to vector<16xf32>
        %swap3A_544 = vector.shape_cast %mul3A_539 : vector<16xf32> to vector<1x16xf32>
        tpu.vector_store %arg10[%swap3A_540, %swap3A_541], %swap3A_544 {strides = array<i32>} : memref<80x128xf32, #tpu.memory_space<vmem>>, vector<1x16xf32>,
        %get3A_545 = arith.index_cast %add3A_511 : i32 to index
        %get3A_546 = arith.constant 48 : index
        %get3A_547 = tpu.vector_load %arg10[%get3A_545, %get3A_546] {strides = array<i32>} : memref<80x128xf32, #tpu.memory_space<vmem>>, vector<1x16xf32>,
        %get3A_548 = vector.shape_cast %get3A_547 : vector<1x16xf32> to vector<16xf32>
        %mul3A_549 = arith.mulf %get3A_548, %broadcast_in_dim3A_514 : vector<16xf32>
        %swap3A_550 = arith.index_cast %add3A_511 : i32 to index
        %swap3A_551 = arith.constant 48 : index
        %swap3A_552 = tpu.vector_load %arg10[%swap3A_550, %swap3A_551] {strides = array<i32>} : memref<80x128xf32, #tpu.memory_space<vmem>>, vector<1x16xf32>,
        %swap3A_553 = vector.shape_cast %swap3A_552 : vector<1x16xf32> to vector<16xf32>
        %swap3A_554 = vector.shape_cast %mul3A_549 : vector<16xf32> to vector<1x16xf32>
        tpu.vector_store %arg10[%swap3A_550, %swap3A_551], %swap3A_554 {strides = array<i32>} : memref<80x128xf32, #tpu.memory_space<vmem>>, vector<1x16xf32>,
        %get3A_555 = arith.index_cast %add3A_511 : i32 to index
        %get3A_556 = arith.constant 64 : index
        %get3A_557 = tpu.vector_load %arg10[%get3A_555, %get3A_556] {strides = array<i32>} : memref<80x128xf32, #tpu.memory_space<vmem>>, vector<1x16xf32>,
        %get3A_558 = vector.shape_cast %get3A_557 : vector<1x16xf32> to vector<16xf32>
        %mul3A_559 = arith.mulf %get3A_558, %broadcast_in_dim3A_514 : vector<16xf32>
        %swap3A_560 = arith.index_cast %add3A_511 : i32 to index
        %swap3A_561 = arith.constant 64 : index
        %swap3A_562 = tpu.vector_load %arg10[%swap3A_560, %swap3A_561] {strides = array<i32>} : memref<80x128xf32, #tpu.memory_space<vmem>>, vector<1x16xf32>,
        %swap3A_563 = vector.shape_cast %swap3A_562 : vector<1x16xf32> to vector<16xf32>
        %swap3A_564 = vector.shape_cast %mul3A_559 : vector<16xf32> to vector<1x16xf32>
        tpu.vector_store %arg10[%swap3A_560, %swap3A_561], %swap3A_564 {strides = array<i32>} : memref<80x128xf32, #tpu.memory_space<vmem>>, vector<1x16xf32>,
        %get3A_565 = arith.index_cast %add3A_511 : i32 to index
        %get3A_566 = arith.constant 80 : index
        %get3A_567 = tpu.vector_load %arg10[%get3A_565, %get3A_566] {strides = array<i32>} : memref<80x128xf32, #tpu.memory_space<vmem>>, vector<1x16xf32>,
        %get3A_568 = vector.shape_cast %get3A_567 : vector<1x16xf32> to vector<16xf32>
        %mul3A_569 = arith.mulf %get3A_568, %broadcast_in_dim3A_514 : vector<16xf32>
        %swap3A_570 = arith.index_cast %add3A_511 : i32 to index
        %swap3A_571 = arith.constant 80 : index
        %swap3A_572 = tpu.vector_load %arg10[%swap3A_570, %swap3A_571] {strides = array<i32>} : memref<80x128xf32, #tpu.memory_space<vmem>>, vector<1x16xf32>,
        %swap3A_573 = vector.shape_cast %swap3A_572 : vector<1x16xf32> to vector<16xf32>
        %swap3A_574 = vector.shape_cast %mul3A_569 : vector<16xf32> to vector<1x16xf32>
        tpu.vector_store %arg10[%swap3A_570, %swap3A_571], %swap3A_574 {strides = array<i32>} : memref<80x128xf32, #tpu.memory_space<vmem>>, vector<1x16xf32>,
        %get3A_575 = arith.index_cast %add3A_511 : i32 to index
        %get3A_576 = arith.constant 96 : index
        %get3A_577 = tpu.vector_load %arg10[%get3A_575, %get3A_576] {strides = array<i32>} : memref<80x128xf32, #tpu.memory_space<vmem>>, vector<1x16xf32>,
        %get3A_578 = vector.shape_cast %get3A_577 : vector<1x16xf32> to vector<16xf32>
        %mul3A_579 = arith.mulf %get3A_578, %broadcast_in_dim3A_514 : vector<16xf32>
        %swap3A_580 = arith.index_cast %add3A_511 : i32 to index
        %swap3A_581 = arith.constant 96 : index
        %swap3A_582 = tpu.vector_load %arg10[%swap3A_580, %swap3A_581] {strides = array<i32>} : memref<80x128xf32, #tpu.memory_space<vmem>>, vector<1x16xf32>,
        %swap3A_583 = vector.shape_cast %swap3A_582 : vector<1x16xf32> to vector<16xf32>
        %swap3A_584 = vector.shape_cast %mul3A_579 : vector<16xf32> to vector<1x16xf32>
        tpu.vector_store %arg10[%swap3A_580, %swap3A_581], %swap3A_584 {strides = array<i32>} : memref<80x128xf32, #tpu.memory_space<vmem>>, vector<1x16xf32>,
        %get3A_585 = arith.index_cast %add3A_511 : i32 to index
        %get3A_586 = arith.constant 112 : index
        %get3A_587 = tpu.vector_load %arg10[%get3A_585, %get3A_586] {strides = array<i32>} : memref<80x128xf32, #tpu.memory_space<vmem>>, vector<1x16xf32>,
        %get3A_588 = vector.shape_cast %get3A_587 : vector<1x16xf32> to vector<16xf32>
        %mul3A_589 = arith.mulf %get3A_588, %broadcast_in_dim3A_514 : vector<16xf32>
        %swap3A_590 = arith.index_cast %add3A_511 : i32 to index
        %swap3A_591 = arith.constant 112 : index
        %swap3A_592 = tpu.vector_load %arg10[%swap3A_590, %swap3A_591] {strides = array<i32>} : memref<80x128xf32, #tpu.memory_space<vmem>>, vector<1x16xf32>,
        %swap3A_593 = vector.shape_cast %swap3A_592 : vector<1x16xf32> to vector<16xf32>
        %swap3A_594 = vector.shape_cast %mul3A_589 : vector<16xf32> to vector<1x16xf32>
        tpu.vector_store %arg10[%swap3A_590, %swap3A_591], %swap3A_594 {strides = array<i32>} : memref<80x128xf32, #tpu.memory_space<vmem>>, vector<1x16xf32>,
        %mul3A_595 = arith.constant 16 : i32
        %mul3A_596 = arith.muli %scan3A_158, %mul3A_595 : i32
        %add3A_597 = arith.constant 5 : i32
        %add3A_598 = arith.addi %mul3A_596, %add3A_597 : i32
        %slice3A_599 = vector.extract_strided_slice %get3A_163 {offsets = [5], sizes = [1], strides = [1]} : vector<16xf32> to vector<1xf32>
        %squeeze3A_600 = vector.extract %slice3A_599[0] : f32 from vector<1xf32>
        %broadcast_in_dim3A_601 = vector.broadcast %squeeze3A_600 : f32 to vector<16xf32>
        %get3A_602 = arith.index_cast %add3A_598 : i32 to index
        %get3A_603 = arith.constant 0 : index
        %get3A_604 = tpu.vector_load %arg10[%get3A_602, %get3A_603] {strides = array<i32>} : memref<80x128xf32, #tpu.memory_space<vmem>>, vector<1x16xf32>,
        %get3A_605 = vector.shape_cast %get3A_604 : vector<1x16xf32> to vector<16xf32>
        %mul3A_606 = arith.mulf %get3A_605, %broadcast_in_dim3A_601 : vector<16xf32>
        %swap3A_607 = arith.index_cast %add3A_598 : i32 to index
        %swap3A_608 = arith.constant 0 : index
        %swap3A_609 = tpu.vector_load %arg10[%swap3A_607, %swap3A_608] {strides = array<i32>} : memref<80x128xf32, #tpu.memory_space<vmem>>, vector<1x16xf32>,
        %swap3A_610 = vector.shape_cast %swap3A_609 : vector<1x16xf32> to vector<16xf32>
        %swap3A_611 = vector.shape_cast %mul3A_606 : vector<16xf32> to vector<1x16xf32>
        tpu.vector_store %arg10[%swap3A_607, %swap3A_608], %swap3A_611 {strides = array<i32>} : memref<80x128xf32, #tpu.memory_space<vmem>>, vector<1x16xf32>,
        %get3A_612 = arith.index_cast %add3A_598 : i32 to index
        %get3A_613 = arith.constant 16 : index
        %get3A_614 = tpu.vector_load %arg10[%get3A_612, %get3A_613] {strides = array<i32>} : memref<80x128xf32, #tpu.memory_space<vmem>>, vector<1x16xf32>,
        %get3A_615 = vector.shape_cast %get3A_614 : vector<1x16xf32> to vector<16xf32>
        %mul3A_616 = arith.mulf %get3A_615, %broadcast_in_dim3A_601 : vector<16xf32>
        %swap3A_617 = arith.index_cast %add3A_598 : i32 to index
        %swap3A_618 = arith.constant 16 : index
        %swap3A_619 = tpu.vector_load %arg10[%swap3A_617, %swap3A_618] {strides = array<i32>} : memref<80x128xf32, #tpu.memory_space<vmem>>, vector<1x16xf32>,
        %swap3A_620 = vector.shape_cast %swap3A_619 : vector<1x16xf32> to vector<16xf32>
        %swap3A_621 = vector.shape_cast %mul3A_616 : vector<16xf32> to vector<1x16xf32>
        tpu.vector_store %arg10[%swap3A_617, %swap3A_618], %swap3A_621 {strides = array<i32>} : memref<80x128xf32, #tpu.memory_space<vmem>>, vector<1x16xf32>,
        %get3A_622 = arith.index_cast %add3A_598 : i32 to index
        %get3A_623 = arith.constant 32 : index
        %get3A_624 = tpu.vector_load %arg10[%get3A_622, %get3A_623] {strides = array<i32>} : memref<80x128xf32, #tpu.memory_space<vmem>>, vector<1x16xf32>,
        %get3A_625 = vector.shape_cast %get3A_624 : vector<1x16xf32> to vector<16xf32>
        %mul3A_626 = arith.mulf %get3A_625, %broadcast_in_dim3A_601 : vector<16xf32>
        %swap3A_627 = arith.index_cast %add3A_598 : i32 to index
        %swap3A_628 = arith.constant 32 : index
        %swap3A_629 = tpu.vector_load %arg10[%swap3A_627, %swap3A_628] {strides = array<i32>} : memref<80x128xf32, #tpu.memory_space<vmem>>, vector<1x16xf32>,
        %swap3A_630 = vector.shape_cast %swap3A_629 : vector<1x16xf32> to vector<16xf32>
        %swap3A_631 = vector.shape_cast %mul3A_626 : vector<16xf32> to vector<1x16xf32>
        tpu.vector_store %arg10[%swap3A_627, %swap3A_628], %swap3A_631 {strides = array<i32>} : memref<80x128xf32, #tpu.memory_space<vmem>>, vector<1x16xf32>,
        %get3A_632 = arith.index_cast %add3A_598 : i32 to index
        %get3A_633 = arith.constant 48 : index
        %get3A_634 = tpu.vector_load %arg10[%get3A_632, %get3A_633] {strides = array<i32>} : memref<80x128xf32, #tpu.memory_space<vmem>>, vector<1x16xf32>,
        %get3A_635 = vector.shape_cast %get3A_634 : vector<1x16xf32> to vector<16xf32>
        %mul3A_636 = arith.mulf %get3A_635, %broadcast_in_dim3A_601 : vector<16xf32>
        %swap3A_637 = arith.index_cast %add3A_598 : i32 to index
        %swap3A_638 = arith.constant 48 : index
        %swap3A_639 = tpu.vector_load %arg10[%swap3A_637, %swap3A_638] {strides = array<i32>} : memref<80x128xf32, #tpu.memory_space<vmem>>, vector<1x16xf32>,
        %swap3A_640 = vector.shape_cast %swap3A_639 : vector<1x16xf32> to vector<16xf32>
        %swap3A_641 = vector.shape_cast %mul3A_636 : vector<16xf32> to vector<1x16xf32>
        tpu.vector_store %arg10[%swap3A_637, %swap3A_638], %swap3A_641 {strides = array<i32>} : memref<80x128xf32, #tpu.memory_space<vmem>>, vector<1x16xf32>,
        %get3A_642 = arith.index_cast %add3A_598 : i32 to index
        %get3A_643 = arith.constant 64 : index
        %get3A_644 = tpu.vector_load %arg10[%get3A_642, %get3A_643] {strides = array<i32>} : memref<80x128xf32, #tpu.memory_space<vmem>>, vector<1x16xf32>,
        %get3A_645 = vector.shape_cast %get3A_644 : vector<1x16xf32> to vector<16xf32>
        %mul3A_646 = arith.mulf %get3A_645, %broadcast_in_dim3A_601 : vector<16xf32>
        %swap3A_647 = arith.index_cast %add3A_598 : i32 to index
        %swap3A_648 = arith.constant 64 : index
        %swap3A_649 = tpu.vector_load %arg10[%swap3A_647, %swap3A_648] {strides = array<i32>} : memref<80x128xf32, #tpu.memory_space<vmem>>, vector<1x16xf32>,
        %swap3A_650 = vector.shape_cast %swap3A_649 : vector<1x16xf32> to vector<16xf32>
        %swap3A_651 = vector.shape_cast %mul3A_646 : vector<16xf32> to vector<1x16xf32>
        tpu.vector_store %arg10[%swap3A_647, %swap3A_648], %swap3A_651 {strides = array<i32>} : memref<80x128xf32, #tpu.memory_space<vmem>>, vector<1x16xf32>,
        %get3A_652 = arith.index_cast %add3A_598 : i32 to index
        %get3A_653 = arith.constant 80 : index
        %get3A_654 = tpu.vector_load %arg10[%get3A_652, %get3A_653] {strides = array<i32>} : memref<80x128xf32, #tpu.memory_space<vmem>>, vector<1x16xf32>,
        %get3A_655 = vector.shape_cast %get3A_654 : vector<1x16xf32> to vector<16xf32>
        %mul3A_656 = arith.mulf %get3A_655, %broadcast_in_dim3A_601 : vector<16xf32>
        %swap3A_657 = arith.index_cast %add3A_598 : i32 to index
        %swap3A_658 = arith.constant 80 : index
        %swap3A_659 = tpu.vector_load %arg10[%swap3A_657, %swap3A_658] {strides = array<i32>} : memref<80x128xf32, #tpu.memory_space<vmem>>, vector<1x16xf32>,
        %swap3A_660 = vector.shape_cast %swap3A_659 : vector<1x16xf32> to vector<16xf32>
        %swap3A_661 = vector.shape_cast %mul3A_656 : vector<16xf32> to vector<1x16xf32>
        tpu.vector_store %arg10[%swap3A_657, %swap3A_658], %swap3A_661 {strides = array<i32>} : memref<80x128xf32, #tpu.memory_space<vmem>>, vector<1x16xf32>,
        %get3A_662 = arith.index_cast %add3A_598 : i32 to index
        %get3A_663 = arith.constant 96 : index
        %get3A_664 = tpu.vector_load %arg10[%get3A_662, %get3A_663] {strides = array<i32>} : memref<80x128xf32, #tpu.memory_space<vmem>>, vector<1x16xf32>,
        %get3A_665 = vector.shape_cast %get3A_664 : vector<1x16xf32> to vector<16xf32>
        %mul3A_666 = arith.mulf %get3A_665, %broadcast_in_dim3A_601 : vector<16xf32>
        %swap3A_667 = arith.index_cast %add3A_598 : i32 to index
        %swap3A_668 = arith.constant 96 : index
        %swap3A_669 = tpu.vector_load %arg10[%swap3A_667, %swap3A_668] {strides = array<i32>} : memref<80x128xf32, #tpu.memory_space<vmem>>, vector<1x16xf32>,
        %swap3A_670 = vector.shape_cast %swap3A_669 : vector<1x16xf32> to vector<16xf32>
        %swap3A_671 = vector.shape_cast %mul3A_666 : vector<16xf32> to vector<1x16xf32>
        tpu.vector_store %arg10[%swap3A_667, %swap3A_668], %swap3A_671 {strides = array<i32>} : memref<80x128xf32, #tpu.memory_space<vmem>>, vector<1x16xf32>,
        %get3A_672 = arith.index_cast %add3A_598 : i32 to index
        %get3A_673 = arith.constant 112 : index
        %get3A_674 = tpu.vector_load %arg10[%get3A_672, %get3A_673] {strides = array<i32>} : memref<80x128xf32, #tpu.memory_space<vmem>>, vector<1x16xf32>,
        %get3A_675 = vector.shape_cast %get3A_674 : vector<1x16xf32> to vector<16xf32>
        %mul3A_676 = arith.mulf %get3A_675, %broadcast_in_dim3A_601 : vector<16xf32>
        %swap3A_677 = arith.index_cast %add3A_598 : i32 to index
        %swap3A_678 = arith.constant 112 : index
        %swap3A_679 = tpu.vector_load %arg10[%swap3A_677, %swap3A_678] {strides = array<i32>} : memref<80x128xf32, #tpu.memory_space<vmem>>, vector<1x16xf32>,
        %swap3A_680 = vector.shape_cast %swap3A_679 : vector<1x16xf32> to vector<16xf32>
        %swap3A_681 = vector.shape_cast %mul3A_676 : vector<16xf32> to vector<1x16xf32>
        tpu.vector_store %arg10[%swap3A_677, %swap3A_678], %swap3A_681 {strides = array<i32>} : memref<80x128xf32, #tpu.memory_space<vmem>>, vector<1x16xf32>,
        %mul3A_682 = arith.constant 16 : i32
        %mul3A_683 = arith.muli %scan3A_158, %mul3A_682 : i32
        %add3A_684 = arith.constant 6 : i32
        %add3A_685 = arith.addi %mul3A_683, %add3A_684 : i32
        %slice3A_686 = vector.extract_strided_slice %get3A_163 {offsets = [6], sizes = [1], strides = [1]} : vector<16xf32> to vector<1xf32>
        %squeeze3A_687 = vector.extract %slice3A_686[0] : f32 from vector<1xf32>
        %broadcast_in_dim3A_688 = vector.broadcast %squeeze3A_687 : f32 to vector<16xf32>
        %get3A_689 = arith.index_cast %add3A_685 : i32 to index
        %get3A_690 = arith.constant 0 : index
        %get3A_691 = tpu.vector_load %arg10[%get3A_689, %get3A_690] {strides = array<i32>} : memref<80x128xf32, #tpu.memory_space<vmem>>, vector<1x16xf32>,
        %get3A_692 = vector.shape_cast %get3A_691 : vector<1x16xf32> to vector<16xf32>
        %mul3A_693 = arith.mulf %get3A_692, %broadcast_in_dim3A_688 : vector<16xf32>
        %swap3A_694 = arith.index_cast %add3A_685 : i32 to index
        %swap3A_695 = arith.constant 0 : index
        %swap3A_696 = tpu.vector_load %arg10[%swap3A_694, %swap3A_695] {strides = array<i32>} : memref<80x128xf32, #tpu.memory_space<vmem>>, vector<1x16xf32>,
        %swap3A_697 = vector.shape_cast %swap3A_696 : vector<1x16xf32> to vector<16xf32>
        %swap3A_698 = vector.shape_cast %mul3A_693 : vector<16xf32> to vector<1x16xf32>
        tpu.vector_store %arg10[%swap3A_694, %swap3A_695], %swap3A_698 {strides = array<i32>} : memref<80x128xf32, #tpu.memory_space<vmem>>, vector<1x16xf32>,
        %get3A_699 = arith.index_cast %add3A_685 : i32 to index
        %get3A_700 = arith.constant 16 : index
        %get3A_701 = tpu.vector_load %arg10[%get3A_699, %get3A_700] {strides = array<i32>} : memref<80x128xf32, #tpu.memory_space<vmem>>, vector<1x16xf32>,
        %get3A_702 = vector.shape_cast %get3A_701 : vector<1x16xf32> to vector<16xf32>
        %mul3A_703 = arith.mulf %get3A_702, %broadcast_in_dim3A_688 : vector<16xf32>
        %swap3A_704 = arith.index_cast %add3A_685 : i32 to index
        %swap3A_705 = arith.constant 16 : index
        %swap3A_706 = tpu.vector_load %arg10[%swap3A_704, %swap3A_705] {strides = array<i32>} : memref<80x128xf32, #tpu.memory_space<vmem>>, vector<1x16xf32>,
        %swap3A_707 = vector.shape_cast %swap3A_706 : vector<1x16xf32> to vector<16xf32>
        %swap3A_708 = vector.shape_cast %mul3A_703 : vector<16xf32> to vector<1x16xf32>
        tpu.vector_store %arg10[%swap3A_704, %swap3A_705], %swap3A_708 {strides = array<i32>} : memref<80x128xf32, #tpu.memory_space<vmem>>, vector<1x16xf32>,
        %get3A_709 = arith.index_cast %add3A_685 : i32 to index
        %get3A_710 = arith.constant 32 : index
        %get3A_711 = tpu.vector_load %arg10[%get3A_709, %get3A_710] {strides = array<i32>} : memref<80x128xf32, #tpu.memory_space<vmem>>, vector<1x16xf32>,
        %get3A_712 = vector.shape_cast %get3A_711 : vector<1x16xf32> to vector<16xf32>
        %mul3A_713 = arith.mulf %get3A_712, %broadcast_in_dim3A_688 : vector<16xf32>
        %swap3A_714 = arith.index_cast %add3A_685 : i32 to index
        %swap3A_715 = arith.constant 32 : index
        %swap3A_716 = tpu.vector_load %arg10[%swap3A_714, %swap3A_715] {strides = array<i32>} : memref<80x128xf32, #tpu.memory_space<vmem>>, vector<1x16xf32>,
        %swap3A_717 = vector.shape_cast %swap3A_716 : vector<1x16xf32> to vector<16xf32>
        %swap3A_718 = vector.shape_cast %mul3A_713 : vector<16xf32> to vector<1x16xf32>
        tpu.vector_store %arg10[%swap3A_714, %swap3A_715], %swap3A_718 {strides = array<i32>} : memref<80x128xf32, #tpu.memory_space<vmem>>, vector<1x16xf32>,
        %get3A_719 = arith.index_cast %add3A_685 : i32 to index
        %get3A_720 = arith.constant 48 : index
        %get3A_721 = tpu.vector_load %arg10[%get3A_719, %get3A_720] {strides = array<i32>} : memref<80x128xf32, #tpu.memory_space<vmem>>, vector<1x16xf32>,
        %get3A_722 = vector.shape_cast %get3A_721 : vector<1x16xf32> to vector<16xf32>
        %mul3A_723 = arith.mulf %get3A_722, %broadcast_in_dim3A_688 : vector<16xf32>
        %swap3A_724 = arith.index_cast %add3A_685 : i32 to index
        %swap3A_725 = arith.constant 48 : index
        %swap3A_726 = tpu.vector_load %arg10[%swap3A_724, %swap3A_725] {strides = array<i32>} : memref<80x128xf32, #tpu.memory_space<vmem>>, vector<1x16xf32>,
        %swap3A_727 = vector.shape_cast %swap3A_726 : vector<1x16xf32> to vector<16xf32>
        %swap3A_728 = vector.shape_cast %mul3A_723 : vector<16xf32> to vector<1x16xf32>
        tpu.vector_store %arg10[%swap3A_724, %swap3A_725], %swap3A_728 {strides = array<i32>} : memref<80x128xf32, #tpu.memory_space<vmem>>, vector<1x16xf32>,
        %get3A_729 = arith.index_cast %add3A_685 : i32 to index
        %get3A_730 = arith.constant 64 : index
        %get3A_731 = tpu.vector_load %arg10[%get3A_729, %get3A_730] {strides = array<i32>} : memref<80x128xf32, #tpu.memory_space<vmem>>, vector<1x16xf32>,
        %get3A_732 = vector.shape_cast %get3A_731 : vector<1x16xf32> to vector<16xf32>
        %mul3A_733 = arith.mulf %get3A_732, %broadcast_in_dim3A_688 : vector<16xf32>
        %swap3A_734 = arith.index_cast %add3A_685 : i32 to index
        %swap3A_735 = arith.constant 64 : index
        %swap3A_736 = tpu.vector_load %arg10[%swap3A_734, %swap3A_735] {strides = array<i32>} : memref<80x128xf32, #tpu.memory_space<vmem>>, vector<1x16xf32>,
        %swap3A_737 = vector.shape_cast %swap3A_736 : vector<1x16xf32> to vector<16xf32>
        %swap3A_738 = vector.shape_cast %mul3A_733 : vector<16xf32> to vector<1x16xf32>
        tpu.vector_store %arg10[%swap3A_734, %swap3A_735], %swap3A_738 {strides = array<i32>} : memref<80x128xf32, #tpu.memory_space<vmem>>, vector<1x16xf32>,
        %get3A_739 = arith.index_cast %add3A_685 : i32 to index
        %get3A_740 = arith.constant 80 : index
        %get3A_741 = tpu.vector_load %arg10[%get3A_739, %get3A_740] {strides = array<i32>} : memref<80x128xf32, #tpu.memory_space<vmem>>, vector<1x16xf32>,
        %get3A_742 = vector.shape_cast %get3A_741 : vector<1x16xf32> to vector<16xf32>
        %mul3A_743 = arith.mulf %get3A_742, %broadcast_in_dim3A_688 : vector<16xf32>
        %swap3A_744 = arith.index_cast %add3A_685 : i32 to index
        %swap3A_745 = arith.constant 80 : index
        %swap3A_746 = tpu.vector_load %arg10[%swap3A_744, %swap3A_745] {strides = array<i32>} : memref<80x128xf32, #tpu.memory_space<vmem>>, vector<1x16xf32>,
        %swap3A_747 = vector.shape_cast %swap3A_746 : vector<1x16xf32> to vector<16xf32>
        %swap3A_748 = vector.shape_cast %mul3A_743 : vector<16xf32> to vector<1x16xf32>
        tpu.vector_store %arg10[%swap3A_744, %swap3A_745], %swap3A_748 {strides = array<i32>} : memref<80x128xf32, #tpu.memory_space<vmem>>, vector<1x16xf32>,
        %get3A_749 = arith.index_cast %add3A_685 : i32 to index
        %get3A_750 = arith.constant 96 : index
        %get3A_751 = tpu.vector_load %arg10[%get3A_749, %get3A_750] {strides = array<i32>} : memref<80x128xf32, #tpu.memory_space<vmem>>, vector<1x16xf32>,
        %get3A_752 = vector.shape_cast %get3A_751 : vector<1x16xf32> to vector<16xf32>
        %mul3A_753 = arith.mulf %get3A_752, %broadcast_in_dim3A_688 : vector<16xf32>
        %swap3A_754 = arith.index_cast %add3A_685 : i32 to index
        %swap3A_755 = arith.constant 96 : index
        %swap3A_756 = tpu.vector_load %arg10[%swap3A_754, %swap3A_755] {strides = array<i32>} : memref<80x128xf32, #tpu.memory_space<vmem>>, vector<1x16xf32>,
        %swap3A_757 = vector.shape_cast %swap3A_756 : vector<1x16xf32> to vector<16xf32>
        %swap3A_758 = vector.shape_cast %mul3A_753 : vector<16xf32> to vector<1x16xf32>
        tpu.vector_store %arg10[%swap3A_754, %swap3A_755], %swap3A_758 {strides = array<i32>} : memref<80x128xf32, #tpu.memory_space<vmem>>, vector<1x16xf32>,
        %get3A_759 = arith.index_cast %add3A_685 : i32 to index
        %get3A_760 = arith.constant 112 : index
        %get3A_761 = tpu.vector_load %arg10[%get3A_759, %get3A_760] {strides = array<i32>} : memref<80x128xf32, #tpu.memory_space<vmem>>, vector<1x16xf32>,
        %get3A_762 = vector.shape_cast %get3A_761 : vector<1x16xf32> to vector<16xf32>
        %mul3A_763 = arith.mulf %get3A_762, %broadcast_in_dim3A_688 : vector<16xf32>
        %swap3A_764 = arith.index_cast %add3A_685 : i32 to index
        %swap3A_765 = arith.constant 112 : index
        %swap3A_766 = tpu.vector_load %arg10[%swap3A_764, %swap3A_765] {strides = array<i32>} : memref<80x128xf32, #tpu.memory_space<vmem>>, vector<1x16xf32>,
        %swap3A_767 = vector.shape_cast %swap3A_766 : vector<1x16xf32> to vector<16xf32>
        %swap3A_768 = vector.shape_cast %mul3A_763 : vector<16xf32> to vector<1x16xf32>
        tpu.vector_store %arg10[%swap3A_764, %swap3A_765], %swap3A_768 {strides = array<i32>} : memref<80x128xf32, #tpu.memory_space<vmem>>, vector<1x16xf32>,
        %mul3A_769 = arith.constant 16 : i32
        %mul3A_770 = arith.muli %scan3A_158, %mul3A_769 : i32
        %add3A_771 = arith.constant 7 : i32
        %add3A_772 = arith.addi %mul3A_770, %add3A_771 : i32
        %slice3A_773 = vector.extract_strided_slice %get3A_163 {offsets = [7], sizes = [1], strides = [1]} : vector<16xf32> to vector<1xf32>
        %squeeze3A_774 = vector.extract %slice3A_773[0] : f32 from vector<1xf32>
        %broadcast_in_dim3A_775 = vector.broadcast %squeeze3A_774 : f32 to vector<16xf32>
        %get3A_776 = arith.index_cast %add3A_772 : i32 to index
        %get3A_777 = arith.constant 0 : index
        %get3A_778 = tpu.vector_load %arg10[%get3A_776, %get3A_777] {strides = array<i32>} : memref<80x128xf32, #tpu.memory_space<vmem>>, vector<1x16xf32>,
        %get3A_779 = vector.shape_cast %get3A_778 : vector<1x16xf32> to vector<16xf32>
        %mul3A_780 = arith.mulf %get3A_779, %broadcast_in_dim3A_775 : vector<16xf32>
        %swap3A_781 = arith.index_cast %add3A_772 : i32 to index
        %swap3A_782 = arith.constant 0 : index
        %swap3A_783 = tpu.vector_load %arg10[%swap3A_781, %swap3A_782] {strides = array<i32>} : memref<80x128xf32, #tpu.memory_space<vmem>>, vector<1x16xf32>,
        %swap3A_784 = vector.shape_cast %swap3A_783 : vector<1x16xf32> to vector<16xf32>
        %swap3A_785 = vector.shape_cast %mul3A_780 : vector<16xf32> to vector<1x16xf32>
        tpu.vector_store %arg10[%swap3A_781, %swap3A_782], %swap3A_785 {strides = array<i32>} : memref<80x128xf32, #tpu.memory_space<vmem>>, vector<1x16xf32>,
        %get3A_786 = arith.index_cast %add3A_772 : i32 to index
        %get3A_787 = arith.constant 16 : index
        %get3A_788 = tpu.vector_load %arg10[%get3A_786, %get3A_787] {strides = array<i32>} : memref<80x128xf32, #tpu.memory_space<vmem>>, vector<1x16xf32>,
        %get3A_789 = vector.shape_cast %get3A_788 : vector<1x16xf32> to vector<16xf32>
        %mul3A_790 = arith.mulf %get3A_789, %broadcast_in_dim3A_775 : vector<16xf32>
        %swap3A_791 = arith.index_cast %add3A_772 : i32 to index
        %swap3A_792 = arith.constant 16 : index
        %swap3A_793 = tpu.vector_load %arg10[%swap3A_791, %swap3A_792] {strides = array<i32>} : memref<80x128xf32, #tpu.memory_space<vmem>>, vector<1x16xf32>,
        %swap3A_794 = vector.shape_cast %swap3A_793 : vector<1x16xf32> to vector<16xf32>
        %swap3A_795 = vector.shape_cast %mul3A_790 : vector<16xf32> to vector<1x16xf32>
        tpu.vector_store %arg10[%swap3A_791, %swap3A_792], %swap3A_795 {strides = array<i32>} : memref<80x128xf32, #tpu.memory_space<vmem>>, vector<1x16xf32>,
        %get3A_796 = arith.index_cast %add3A_772 : i32 to index
        %get3A_797 = arith.constant 32 : index
        %get3A_798 = tpu.vector_load %arg10[%get3A_796, %get3A_797] {strides = array<i32>} : memref<80x128xf32, #tpu.memory_space<vmem>>, vector<1x16xf32>,
        %get3A_799 = vector.shape_cast %get3A_798 : vector<1x16xf32> to vector<16xf32>
        %mul3A_800 = arith.mulf %get3A_799, %broadcast_in_dim3A_775 : vector<16xf32>
        %swap3A_801 = arith.index_cast %add3A_772 : i32 to index
        %swap3A_802 = arith.constant 32 : index
        %swap3A_803 = tpu.vector_load %arg10[%swap3A_801, %swap3A_802] {strides = array<i32>} : memref<80x128xf32, #tpu.memory_space<vmem>>, vector<1x16xf32>,
        %swap3A_804 = vector.shape_cast %swap3A_803 : vector<1x16xf32> to vector<16xf32>
        %swap3A_805 = vector.shape_cast %mul3A_800 : vector<16xf32> to vector<1x16xf32>
        tpu.vector_store %arg10[%swap3A_801, %swap3A_802], %swap3A_805 {strides = array<i32>} : memref<80x128xf32, #tpu.memory_space<vmem>>, vector<1x16xf32>,
        %get3A_806 = arith.index_cast %add3A_772 : i32 to index
        %get3A_807 = arith.constant 48 : index
        %get3A_808 = tpu.vector_load %arg10[%get3A_806, %get3A_807] {strides = array<i32>} : memref<80x128xf32, #tpu.memory_space<vmem>>, vector<1x16xf32>,
        %get3A_809 = vector.shape_cast %get3A_808 : vector<1x16xf32> to vector<16xf32>
        %mul3A_810 = arith.mulf %get3A_809, %broadcast_in_dim3A_775 : vector<16xf32>
        %swap3A_811 = arith.index_cast %add3A_772 : i32 to index
        %swap3A_812 = arith.constant 48 : index
        %swap3A_813 = tpu.vector_load %arg10[%swap3A_811, %swap3A_812] {strides = array<i32>} : memref<80x128xf32, #tpu.memory_space<vmem>>, vector<1x16xf32>,
        %swap3A_814 = vector.shape_cast %swap3A_813 : vector<1x16xf32> to vector<16xf32>
        %swap3A_815 = vector.shape_cast %mul3A_810 : vector<16xf32> to vector<1x16xf32>
        tpu.vector_store %arg10[%swap3A_811, %swap3A_812], %swap3A_815 {strides = array<i32>} : memref<80x128xf32, #tpu.memory_space<vmem>>, vector<1x16xf32>,
        %get3A_816 = arith.index_cast %add3A_772 : i32 to index
        %get3A_817 = arith.constant 64 : index
        %get3A_818 = tpu.vector_load %arg10[%get3A_816, %get3A_817] {strides = array<i32>} : memref<80x128xf32, #tpu.memory_space<vmem>>, vector<1x16xf32>,
        %get3A_819 = vector.shape_cast %get3A_818 : vector<1x16xf32> to vector<16xf32>
        %mul3A_820 = arith.mulf %get3A_819, %broadcast_in_dim3A_775 : vector<16xf32>
        %swap3A_821 = arith.index_cast %add3A_772 : i32 to index
        %swap3A_822 = arith.constant 64 : index
        %swap3A_823 = tpu.vector_load %arg10[%swap3A_821, %swap3A_822] {strides = array<i32>} : memref<80x128xf32, #tpu.memory_space<vmem>>, vector<1x16xf32>,
        %swap3A_824 = vector.shape_cast %swap3A_823 : vector<1x16xf32> to vector<16xf32>
        %swap3A_825 = vector.shape_cast %mul3A_820 : vector<16xf32> to vector<1x16xf32>
        tpu.vector_store %arg10[%swap3A_821, %swap3A_822], %swap3A_825 {strides = array<i32>} : memref<80x128xf32, #tpu.memory_space<vmem>>, vector<1x16xf32>,
        %get3A_826 = arith.index_cast %add3A_772 : i32 to index
        %get3A_827 = arith.constant 80 : index
        %get3A_828 = tpu.vector_load %arg10[%get3A_826, %get3A_827] {strides = array<i32>} : memref<80x128xf32, #tpu.memory_space<vmem>>, vector<1x16xf32>,
        %get3A_829 = vector.shape_cast %get3A_828 : vector<1x16xf32> to vector<16xf32>
        %mul3A_830 = arith.mulf %get3A_829, %broadcast_in_dim3A_775 : vector<16xf32>
        %swap3A_831 = arith.index_cast %add3A_772 : i32 to index
        %swap3A_832 = arith.constant 80 : index
        %swap3A_833 = tpu.vector_load %arg10[%swap3A_831, %swap3A_832] {strides = array<i32>} : memref<80x128xf32, #tpu.memory_space<vmem>>, vector<1x16xf32>,
        %swap3A_834 = vector.shape_cast %swap3A_833 : vector<1x16xf32> to vector<16xf32>
        %swap3A_835 = vector.shape_cast %mul3A_830 : vector<16xf32> to vector<1x16xf32>
        tpu.vector_store %arg10[%swap3A_831, %swap3A_832], %swap3A_835 {strides = array<i32>} : memref<80x128xf32, #tpu.memory_space<vmem>>, vector<1x16xf32>,
        %get3A_836 = arith.index_cast %add3A_772 : i32 to index
        %get3A_837 = arith.constant 96 : index
        %get3A_838 = tpu.vector_load %arg10[%get3A_836, %get3A_837] {strides = array<i32>} : memref<80x128xf32, #tpu.memory_space<vmem>>, vector<1x16xf32>,
        %get3A_839 = vector.shape_cast %get3A_838 : vector<1x16xf32> to vector<16xf32>
        %mul3A_840 = arith.mulf %get3A_839, %broadcast_in_dim3A_775 : vector<16xf32>
        %swap3A_841 = arith.index_cast %add3A_772 : i32 to index
        %swap3A_842 = arith.constant 96 : index
        %swap3A_843 = tpu.vector_load %arg10[%swap3A_841, %swap3A_842] {strides = array<i32>} : memref<80x128xf32, #tpu.memory_space<vmem>>, vector<1x16xf32>,
        %swap3A_844 = vector.shape_cast %swap3A_843 : vector<1x16xf32> to vector<16xf32>
        %swap3A_845 = vector.shape_cast %mul3A_840 : vector<16xf32> to vector<1x16xf32>
        tpu.vector_store %arg10[%swap3A_841, %swap3A_842], %swap3A_845 {strides = array<i32>} : memref<80x128xf32, #tpu.memory_space<vmem>>, vector<1x16xf32>,
        %get3A_846 = arith.index_cast %add3A_772 : i32 to index
        %get3A_847 = arith.constant 112 : index
        %get3A_848 = tpu.vector_load %arg10[%get3A_846, %get3A_847] {strides = array<i32>} : memref<80x128xf32, #tpu.memory_space<vmem>>, vector<1x16xf32>,
        %get3A_849 = vector.shape_cast %get3A_848 : vector<1x16xf32> to vector<16xf32>
        %mul3A_850 = arith.mulf %get3A_849, %broadcast_in_dim3A_775 : vector<16xf32>
        %swap3A_851 = arith.index_cast %add3A_772 : i32 to index
        %swap3A_852 = arith.constant 112 : index
        %swap3A_853 = tpu.vector_load %arg10[%swap3A_851, %swap3A_852] {strides = array<i32>} : memref<80x128xf32, #tpu.memory_space<vmem>>, vector<1x16xf32>,
        %swap3A_854 = vector.shape_cast %swap3A_853 : vector<1x16xf32> to vector<16xf32>
        %swap3A_855 = vector.shape_cast %mul3A_850 : vector<16xf32> to vector<1x16xf32>
        tpu.vector_store %arg10[%swap3A_851, %swap3A_852], %swap3A_855 {strides = array<i32>} : memref<80x128xf32, #tpu.memory_space<vmem>>, vector<1x16xf32>,
        %mul3A_856 = arith.constant 16 : i32
        %mul3A_857 = arith.muli %scan3A_158, %mul3A_856 : i32
        %add3A_858 = arith.constant 8 : i32
        %add3A_859 = arith.addi %mul3A_857, %add3A_858 : i32
        %slice3A_860 = vector.extract_strided_slice %get3A_163 {offsets = [8], sizes = [1], strides = [1]} : vector<16xf32> to vector<1xf32>
        %squeeze3A_861 = vector.extract %slice3A_860[0] : f32 from vector<1xf32>
        %broadcast_in_dim3A_862 = vector.broadcast %squeeze3A_861 : f32 to vector<16xf32>
        %get3A_863 = arith.index_cast %add3A_859 : i32 to index
        %get3A_864 = arith.constant 0 : index
        %get3A_865 = tpu.vector_load %arg10[%get3A_863, %get3A_864] {strides = array<i32>} : memref<80x128xf32, #tpu.memory_space<vmem>>, vector<1x16xf32>,
        %get3A_866 = vector.shape_cast %get3A_865 : vector<1x16xf32> to vector<16xf32>
        %mul3A_867 = arith.mulf %get3A_866, %broadcast_in_dim3A_862 : vector<16xf32>
        %swap3A_868 = arith.index_cast %add3A_859 : i32 to index
        %swap3A_869 = arith.constant 0 : index
        %swap3A_870 = tpu.vector_load %arg10[%swap3A_868, %swap3A_869] {strides = array<i32>} : memref<80x128xf32, #tpu.memory_space<vmem>>, vector<1x16xf32>,
        %swap3A_871 = vector.shape_cast %swap3A_870 : vector<1x16xf32> to vector<16xf32>
        %swap3A_872 = vector.shape_cast %mul3A_867 : vector<16xf32> to vector<1x16xf32>
        tpu.vector_store %arg10[%swap3A_868, %swap3A_869], %swap3A_872 {strides = array<i32>} : memref<80x128xf32, #tpu.memory_space<vmem>>, vector<1x16xf32>,
        %get3A_873 = arith.index_cast %add3A_859 : i32 to index
        %get3A_874 = arith.constant 16 : index
        %get3A_875 = tpu.vector_load %arg10[%get3A_873, %get3A_874] {strides = array<i32>} : memref<80x128xf32, #tpu.memory_space<vmem>>, vector<1x16xf32>,
        %get3A_876 = vector.shape_cast %get3A_875 : vector<1x16xf32> to vector<16xf32>
        %mul3A_877 = arith.mulf %get3A_876, %broadcast_in_dim3A_862 : vector<16xf32>
        %swap3A_878 = arith.index_cast %add3A_859 : i32 to index
        %swap3A_879 = arith.constant 16 : index
        %swap3A_880 = tpu.vector_load %arg10[%swap3A_878, %swap3A_879] {strides = array<i32>} : memref<80x128xf32, #tpu.memory_space<vmem>>, vector<1x16xf32>,
        %swap3A_881 = vector.shape_cast %swap3A_880 : vector<1x16xf32> to vector<16xf32>
        %swap3A_882 = vector.shape_cast %mul3A_877 : vector<16xf32> to vector<1x16xf32>
        tpu.vector_store %arg10[%swap3A_878, %swap3A_879], %swap3A_882 {strides = array<i32>} : memref<80x128xf32, #tpu.memory_space<vmem>>, vector<1x16xf32>,
        %get3A_883 = arith.index_cast %add3A_859 : i32 to index
        %get3A_884 = arith.constant 32 : index
        %get3A_885 = tpu.vector_load %arg10[%get3A_883, %get3A_884] {strides = array<i32>} : memref<80x128xf32, #tpu.memory_space<vmem>>, vector<1x16xf32>,
        %get3A_886 = vector.shape_cast %get3A_885 : vector<1x16xf32> to vector<16xf32>
        %mul3A_887 = arith.mulf %get3A_886, %broadcast_in_dim3A_862 : vector<16xf32>
        %swap3A_888 = arith.index_cast %add3A_859 : i32 to index
        %swap3A_889 = arith.constant 32 : index
        %swap3A_890 = tpu.vector_load %arg10[%swap3A_888, %swap3A_889] {strides = array<i32>} : memref<80x128xf32, #tpu.memory_space<vmem>>, vector<1x16xf32>,
        %swap3A_891 = vector.shape_cast %swap3A_890 : vector<1x16xf32> to vector<16xf32>
        %swap3A_892 = vector.shape_cast %mul3A_887 : vector<16xf32> to vector<1x16xf32>
        tpu.vector_store %arg10[%swap3A_888, %swap3A_889], %swap3A_892 {strides = array<i32>} : memref<80x128xf32, #tpu.memory_space<vmem>>, vector<1x16xf32>,
        %get3A_893 = arith.index_cast %add3A_859 : i32 to index
        %get3A_894 = arith.constant 48 : index
        %get3A_895 = tpu.vector_load %arg10[%get3A_893, %get3A_894] {strides = array<i32>} : memref<80x128xf32, #tpu.memory_space<vmem>>, vector<1x16xf32>,
        %get3A_896 = vector.shape_cast %get3A_895 : vector<1x16xf32> to vector<16xf32>
        %mul3A_897 = arith.mulf %get3A_896, %broadcast_in_dim3A_862 : vector<16xf32>
        %swap3A_898 = arith.index_cast %add3A_859 : i32 to index
        %swap3A_899 = arith.constant 48 : index
        %swap3A_900 = tpu.vector_load %arg10[%swap3A_898, %swap3A_899] {strides = array<i32>} : memref<80x128xf32, #tpu.memory_space<vmem>>, vector<1x16xf32>,
        %swap3A_901 = vector.shape_cast %swap3A_900 : vector<1x16xf32> to vector<16xf32>
        %swap3A_902 = vector.shape_cast %mul3A_897 : vector<16xf32> to vector<1x16xf32>
        tpu.vector_store %arg10[%swap3A_898, %swap3A_899], %swap3A_902 {strides = array<i32>} : memref<80x128xf32, #tpu.memory_space<vmem>>, vector<1x16xf32>,
        %get3A_903 = arith.index_cast %add3A_859 : i32 to index
        %get3A_904 = arith.constant 64 : index
        %get3A_905 = tpu.vector_load %arg10[%get3A_903, %get3A_904] {strides = array<i32>} : memref<80x128xf32, #tpu.memory_space<vmem>>, vector<1x16xf32>,
        %get3A_906 = vector.shape_cast %get3A_905 : vector<1x16xf32> to vector<16xf32>
        %mul3A_907 = arith.mulf %get3A_906, %broadcast_in_dim3A_862 : vector<16xf32>
        %swap3A_908 = arith.index_cast %add3A_859 : i32 to index
        %swap3A_909 = arith.constant 64 : index
        %swap3A_910 = tpu.vector_load %arg10[%swap3A_908, %swap3A_909] {strides = array<i32>} : memref<80x128xf32, #tpu.memory_space<vmem>>, vector<1x16xf32>,
        %swap3A_911 = vector.shape_cast %swap3A_910 : vector<1x16xf32> to vector<16xf32>
        %swap3A_912 = vector.shape_cast %mul3A_907 : vector<16xf32> to vector<1x16xf32>
        tpu.vector_store %arg10[%swap3A_908, %swap3A_909], %swap3A_912 {strides = array<i32>} : memref<80x128xf32, #tpu.memory_space<vmem>>, vector<1x16xf32>,
        %get3A_913 = arith.index_cast %add3A_859 : i32 to index
        %get3A_914 = arith.constant 80 : index
        %get3A_915 = tpu.vector_load %arg10[%get3A_913, %get3A_914] {strides = array<i32>} : memref<80x128xf32, #tpu.memory_space<vmem>>, vector<1x16xf32>,
        %get3A_916 = vector.shape_cast %get3A_915 : vector<1x16xf32> to vector<16xf32>
        %mul3A_917 = arith.mulf %get3A_916, %broadcast_in_dim3A_862 : vector<16xf32>
        %swap3A_918 = arith.index_cast %add3A_859 : i32 to index
        %swap3A_919 = arith.constant 80 : index
        %swap3A_920 = tpu.vector_load %arg10[%swap3A_918, %swap3A_919] {strides = array<i32>} : memref<80x128xf32, #tpu.memory_space<vmem>>, vector<1x16xf32>,
        %swap3A_921 = vector.shape_cast %swap3A_920 : vector<1x16xf32> to vector<16xf32>
        %swap3A_922 = vector.shape_cast %mul3A_917 : vector<16xf32> to vector<1x16xf32>
        tpu.vector_store %arg10[%swap3A_918, %swap3A_919], %swap3A_922 {strides = array<i32>} : memref<80x128xf32, #tpu.memory_space<vmem>>, vector<1x16xf32>,
        %get3A_923 = arith.index_cast %add3A_859 : i32 to index
        %get3A_924 = arith.constant 96 : index
        %get3A_925 = tpu.vector_load %arg10[%get3A_923, %get3A_924] {strides = array<i32>} : memref<80x128xf32, #tpu.memory_space<vmem>>, vector<1x16xf32>,
        %get3A_926 = vector.shape_cast %get3A_925 : vector<1x16xf32> to vector<16xf32>
        %mul3A_927 = arith.mulf %get3A_926, %broadcast_in_dim3A_862 : vector<16xf32>
        %swap3A_928 = arith.index_cast %add3A_859 : i32 to index
        %swap3A_929 = arith.constant 96 : index
        %swap3A_930 = tpu.vector_load %arg10[%swap3A_928, %swap3A_929] {strides = array<i32>} : memref<80x128xf32, #tpu.memory_space<vmem>>, vector<1x16xf32>,
        %swap3A_931 = vector.shape_cast %swap3A_930 : vector<1x16xf32> to vector<16xf32>
        %swap3A_932 = vector.shape_cast %mul3A_927 : vector<16xf32> to vector<1x16xf32>
        tpu.vector_store %arg10[%swap3A_928, %swap3A_929], %swap3A_932 {strides = array<i32>} : memref<80x128xf32, #tpu.memory_space<vmem>>, vector<1x16xf32>,
        %get3A_933 = arith.index_cast %add3A_859 : i32 to index
        %get3A_934 = arith.constant 112 : index
        %get3A_935 = tpu.vector_load %arg10[%get3A_933, %get3A_934] {strides = array<i32>} : memref<80x128xf32, #tpu.memory_space<vmem>>, vector<1x16xf32>,
        %get3A_936 = vector.shape_cast %get3A_935 : vector<1x16xf32> to vector<16xf32>
        %mul3A_937 = arith.mulf %get3A_936, %broadcast_in_dim3A_862 : vector<16xf32>
        %swap3A_938 = arith.index_cast %add3A_859 : i32 to index
        %swap3A_939 = arith.constant 112 : index
        %swap3A_940 = tpu.vector_load %arg10[%swap3A_938, %swap3A_939] {strides = array<i32>} : memref<80x128xf32, #tpu.memory_space<vmem>>, vector<1x16xf32>,
        %swap3A_941 = vector.shape_cast %swap3A_940 : vector<1x16xf32> to vector<16xf32>
        %swap3A_942 = vector.shape_cast %mul3A_937 : vector<16xf32> to vector<1x16xf32>
        tpu.vector_store %arg10[%swap3A_938, %swap3A_939], %swap3A_942 {strides = array<i32>} : memref<80x128xf32, #tpu.memory_space<vmem>>, vector<1x16xf32>,
        %mul3A_943 = arith.constant 16 : i32
        %mul3A_944 = arith.muli %scan3A_158, %mul3A_943 : i32
        %add3A_945 = arith.constant 9 : i32
        %add3A_946 = arith.addi %mul3A_944, %add3A_945 : i32
        %slice3A_947 = vector.extract_strided_slice %get3A_163 {offsets = [9], sizes = [1], strides = [1]} : vector<16xf32> to vector<1xf32>
        %squeeze3A_948 = vector.extract %slice3A_947[0] : f32 from vector<1xf32>
        %broadcast_in_dim3A_949 = vector.broadcast %squeeze3A_948 : f32 to vector<16xf32>
        %get3A_950 = arith.index_cast %add3A_946 : i32 to index
        %get3A_951 = arith.constant 0 : index
        %get3A_952 = tpu.vector_load %arg10[%get3A_950, %get3A_951] {strides = array<i32>} : memref<80x128xf32, #tpu.memory_space<vmem>>, vector<1x16xf32>,
        %get3A_953 = vector.shape_cast %get3A_952 : vector<1x16xf32> to vector<16xf32>
        %mul3A_954 = arith.mulf %get3A_953, %broadcast_in_dim3A_949 : vector<16xf32>
        %swap3A_955 = arith.index_cast %add3A_946 : i32 to index
        %swap3A_956 = arith.constant 0 : index
        %swap3A_957 = tpu.vector_load %arg10[%swap3A_955, %swap3A_956] {strides = array<i32>} : memref<80x128xf32, #tpu.memory_space<vmem>>, vector<1x16xf32>,
        %swap3A_958 = vector.shape_cast %swap3A_957 : vector<1x16xf32> to vector<16xf32>
        %swap3A_959 = vector.shape_cast %mul3A_954 : vector<16xf32> to vector<1x16xf32>
        tpu.vector_store %arg10[%swap3A_955, %swap3A_956], %swap3A_959 {strides = array<i32>} : memref<80x128xf32, #tpu.memory_space<vmem>>, vector<1x16xf32>,
        %get3A_960 = arith.index_cast %add3A_946 : i32 to index
        %get3A_961 = arith.constant 16 : index
        %get3A_962 = tpu.vector_load %arg10[%get3A_960, %get3A_961] {strides = array<i32>} : memref<80x128xf32, #tpu.memory_space<vmem>>, vector<1x16xf32>,
        %get3A_963 = vector.shape_cast %get3A_962 : vector<1x16xf32> to vector<16xf32>
        %mul3A_964 = arith.mulf %get3A_963, %broadcast_in_dim3A_949 : vector<16xf32>
        %swap3A_965 = arith.index_cast %add3A_946 : i32 to index
        %swap3A_966 = arith.constant 16 : index
        %swap3A_967 = tpu.vector_load %arg10[%swap3A_965, %swap3A_966] {strides = array<i32>} : memref<80x128xf32, #tpu.memory_space<vmem>>, vector<1x16xf32>,
        %swap3A_968 = vector.shape_cast %swap3A_967 : vector<1x16xf32> to vector<16xf32>
        %swap3A_969 = vector.shape_cast %mul3A_964 : vector<16xf32> to vector<1x16xf32>
        tpu.vector_store %arg10[%swap3A_965, %swap3A_966], %swap3A_969 {strides = array<i32>} : memref<80x128xf32, #tpu.memory_space<vmem>>, vector<1x16xf32>,
        %get3A_970 = arith.index_cast %add3A_946 : i32 to index
        %get3A_971 = arith.constant 32 : index
        %get3A_972 = tpu.vector_load %arg10[%get3A_970, %get3A_971] {strides = array<i32>} : memref<80x128xf32, #tpu.memory_space<vmem>>, vector<1x16xf32>,
        %get3A_973 = vector.shape_cast %get3A_972 : vector<1x16xf32> to vector<16xf32>
        %mul3A_974 = arith.mulf %get3A_973, %broadcast_in_dim3A_949 : vector<16xf32>
        %swap3A_975 = arith.index_cast %add3A_946 : i32 to index
        %swap3A_976 = arith.constant 32 : index
        %swap3A_977 = tpu.vector_load %arg10[%swap3A_975, %swap3A_976] {strides = array<i32>} : memref<80x128xf32, #tpu.memory_space<vmem>>, vector<1x16xf32>,
        %swap3A_978 = vector.shape_cast %swap3A_977 : vector<1x16xf32> to vector<16xf32>
        %swap3A_979 = vector.shape_cast %mul3A_974 : vector<16xf32> to vector<1x16xf32>
        tpu.vector_store %arg10[%swap3A_975, %swap3A_976], %swap3A_979 {strides = array<i32>} : memref<80x128xf32, #tpu.memory_space<vmem>>, vector<1x16xf32>,
        %get3A_980 = arith.index_cast %add3A_946 : i32 to index
        %get3A_981 = arith.constant 48 : index
        %get3A_982 = tpu.vector_load %arg10[%get3A_980, %get3A_981] {strides = array<i32>} : memref<80x128xf32, #tpu.memory_space<vmem>>, vector<1x16xf32>,
        %get3A_983 = vector.shape_cast %get3A_982 : vector<1x16xf32> to vector<16xf32>
        %mul3A_984 = arith.mulf %get3A_983, %broadcast_in_dim3A_949 : vector<16xf32>
        %swap3A_985 = arith.index_cast %add3A_946 : i32 to index
        %swap3A_986 = arith.constant 48 : index
        %swap3A_987 = tpu.vector_load %arg10[%swap3A_985, %swap3A_986] {strides = array<i32>} : memref<80x128xf32, #tpu.memory_space<vmem>>, vector<1x16xf32>,
        %swap3A_988 = vector.shape_cast %swap3A_987 : vector<1x16xf32> to vector<16xf32>
        %swap3A_989 = vector.shape_cast %mul3A_984 : vector<16xf32> to vector<1x16xf32>
        tpu.vector_store %arg10[%swap3A_985, %swap3A_986], %swap3A_989 {strides = array<i32>} : memref<80x128xf32, #tpu.memory_space<vmem>>, vector<1x16xf32>,
        %get3A_990 = arith.index_cast %add3A_946 : i32 to index
        %get3A_991 = arith.constant 64 : index
        %get3A_992 = tpu.vector_load %arg10[%get3A_990, %get3A_991] {strides = array<i32>} : memref<80x128xf32, #tpu.memory_space<vmem>>, vector<1x16xf32>,
        %get3A_993 = vector.shape_cast %get3A_992 : vector<1x16xf32> to vector<16xf32>
        %mul3A_994 = arith.mulf %get3A_993, %broadcast_in_dim3A_949 : vector<16xf32>
        %swap3A_995 = arith.index_cast %add3A_946 : i32 to index
        %swap3A_996 = arith.constant 64 : index
        %swap3A_997 = tpu.vector_load %arg10[%swap3A_995, %swap3A_996] {strides = array<i32>} : memref<80x128xf32, #tpu.memory_space<vmem>>, vector<1x16xf32>,
        %swap3A_998 = vector.shape_cast %swap3A_997 : vector<1x16xf32> to vector<16xf32>
        %swap3A_999 = vector.shape_cast %mul3A_994 : vector<16xf32> to vector<1x16xf32>
        tpu.vector_store %arg10[%swap3A_995, %swap3A_996], %swap3A_999 {strides = array<i32>} : memref<80x128xf32, #tpu.memory_space<vmem>>, vector<1x16xf32>,
        %get3A_1000 = arith.index_cast %add3A_946 : i32 to index
        %get3A_1001 = arith.constant 80 : index
        %get3A_1002 = tpu.vector_load %arg10[%get3A_1000, %get3A_1001] {strides = array<i32>} : memref<80x128xf32, #tpu.memory_space<vmem>>, vector<1x16xf32>,
        %get3A_1003 = vector.shape_cast %get3A_1002 : vector<1x16xf32> to vector<16xf32>
        %mul3A_1004 = arith.mulf %get3A_1003, %broadcast_in_dim3A_949 : vector<16xf32>
        %swap3A_1005 = arith.index_cast %add3A_946 : i32 to index
        %swap3A_1006 = arith.constant 80 : index
        %swap3A_1007 = tpu.vector_load %arg10[%swap3A_1005, %swap3A_1006] {strides = array<i32>} : memref<80x128xf32, #tpu.memory_space<vmem>>, vector<1x16xf32>,
        %swap3A_1008 = vector.shape_cast %swap3A_1007 : vector<1x16xf32> to vector<16xf32>
        %swap3A_1009 = vector.shape_cast %mul3A_1004 : vector<16xf32> to vector<1x16xf32>
        tpu.vector_store %arg10[%swap3A_1005, %swap3A_1006], %swap3A_1009 {strides = array<i32>} : memref<80x128xf32, #tpu.memory_space<vmem>>, vector<1x16xf32>,
        %get3A_1010 = arith.index_cast %add3A_946 : i32 to index
        %get3A_1011 = arith.constant 96 : index
        %get3A_1012 = tpu.vector_load %arg10[%get3A_1010, %get3A_1011] {strides = array<i32>} : memref<80x128xf32, #tpu.memory_space<vmem>>, vector<1x16xf32>,
        %get3A_1013 = vector.shape_cast %get3A_1012 : vector<1x16xf32> to vector<16xf32>
        %mul3A_1014 = arith.mulf %get3A_1013, %broadcast_in_dim3A_949 : vector<16xf32>
        %swap3A_1015 = arith.index_cast %add3A_946 : i32 to index
        %swap3A_1016 = arith.constant 96 : index
        %swap3A_1017 = tpu.vector_load %arg10[%swap3A_1015, %swap3A_1016] {strides = array<i32>} : memref<80x128xf32, #tpu.memory_space<vmem>>, vector<1x16xf32>,
        %swap3A_1018 = vector.shape_cast %swap3A_1017 : vector<1x16xf32> to vector<16xf32>
        %swap3A_1019 = vector.shape_cast %mul3A_1014 : vector<16xf32> to vector<1x16xf32>
        tpu.vector_store %arg10[%swap3A_1015, %swap3A_1016], %swap3A_1019 {strides = array<i32>} : memref<80x128xf32, #tpu.memory_space<vmem>>, vector<1x16xf32>,
        %get3A_1020 = arith.index_cast %add3A_946 : i32 to index
        %get3A_1021 = arith.constant 112 : index
        %get3A_1022 = tpu.vector_load %arg10[%get3A_1020, %get3A_1021] {strides = array<i32>} : memref<80x128xf32, #tpu.memory_space<vmem>>, vector<1x16xf32>,
        %get3A_1023 = vector.shape_cast %get3A_1022 : vector<1x16xf32> to vector<16xf32>
        %mul3A_1024 = arith.mulf %get3A_1023, %broadcast_in_dim3A_949 : vector<16xf32>
        %swap3A_1025 = arith.index_cast %add3A_946 : i32 to index
        %swap3A_1026 = arith.constant 112 : index
        %swap3A_1027 = tpu.vector_load %arg10[%swap3A_1025, %swap3A_1026] {strides = array<i32>} : memref<80x128xf32, #tpu.memory_space<vmem>>, vector<1x16xf32>,
        %swap3A_1028 = vector.shape_cast %swap3A_1027 : vector<1x16xf32> to vector<16xf32>
        %swap3A_1029 = vector.shape_cast %mul3A_1024 : vector<16xf32> to vector<1x16xf32>
        tpu.vector_store %arg10[%swap3A_1025, %swap3A_1026], %swap3A_1029 {strides = array<i32>} : memref<80x128xf32, #tpu.memory_space<vmem>>, vector<1x16xf32>,
        %mul3A_1030 = arith.constant 16 : i32
        %mul3A_1031 = arith.muli %scan3A_158, %mul3A_1030 : i32
        %add3A_1032 = arith.constant 10 : i32
        %add3A_1033 = arith.addi %mul3A_1031, %add3A_1032 : i32
        %slice3A_1034 = vector.extract_strided_slice %get3A_163 {offsets = [10], sizes = [1], strides = [1]} : vector<16xf32> to vector<1xf32>
        %squeeze3A_1035 = vector.extract %slice3A_1034[0] : f32 from vector<1xf32>
        %broadcast_in_dim3A_1036 = vector.broadcast %squeeze3A_1035 : f32 to vector<16xf32>
        %get3A_1037 = arith.index_cast %add3A_1033 : i32 to index
        %get3A_1038 = arith.constant 0 : index
        %get3A_1039 = tpu.vector_load %arg10[%get3A_1037, %get3A_1038] {strides = array<i32>} : memref<80x128xf32, #tpu.memory_space<vmem>>, vector<1x16xf32>,
        %get3A_1040 = vector.shape_cast %get3A_1039 : vector<1x16xf32> to vector<16xf32>
        %mul3A_1041 = arith.mulf %get3A_1040, %broadcast_in_dim3A_1036 : vector<16xf32>
        %swap3A_1042 = arith.index_cast %add3A_1033 : i32 to index
        %swap3A_1043 = arith.constant 0 : index
        %swap3A_1044 = tpu.vector_load %arg10[%swap3A_1042, %swap3A_1043] {strides = array<i32>} : memref<80x128xf32, #tpu.memory_space<vmem>>, vector<1x16xf32>,
        %swap3A_1045 = vector.shape_cast %swap3A_1044 : vector<1x16xf32> to vector<16xf32>
        %swap3A_1046 = vector.shape_cast %mul3A_1041 : vector<16xf32> to vector<1x16xf32>
        tpu.vector_store %arg10[%swap3A_1042, %swap3A_1043], %swap3A_1046 {strides = array<i32>} : memref<80x128xf32, #tpu.memory_space<vmem>>, vector<1x16xf32>,
        %get3A_1047 = arith.index_cast %add3A_1033 : i32 to index
        %get3A_1048 = arith.constant 16 : index
        %get3A_1049 = tpu.vector_load %arg10[%get3A_1047, %get3A_1048] {strides = array<i32>} : memref<80x128xf32, #tpu.memory_space<vmem>>, vector<1x16xf32>,
        %get3A_1050 = vector.shape_cast %get3A_1049 : vector<1x16xf32> to vector<16xf32>
        %mul3A_1051 = arith.mulf %get3A_1050, %broadcast_in_dim3A_1036 : vector<16xf32>
        %swap3A_1052 = arith.index_cast %add3A_1033 : i32 to index
        %swap3A_1053 = arith.constant 16 : index
        %swap3A_1054 = tpu.vector_load %arg10[%swap3A_1052, %swap3A_1053] {strides = array<i32>} : memref<80x128xf32, #tpu.memory_space<vmem>>, vector<1x16xf32>,
        %swap3A_1055 = vector.shape_cast %swap3A_1054 : vector<1x16xf32> to vector<16xf32>
        %swap3A_1056 = vector.shape_cast %mul3A_1051 : vector<16xf32> to vector<1x16xf32>
        tpu.vector_store %arg10[%swap3A_1052, %swap3A_1053], %swap3A_1056 {strides = array<i32>} : memref<80x128xf32, #tpu.memory_space<vmem>>, vector<1x16xf32>,
        %get3A_1057 = arith.index_cast %add3A_1033 : i32 to index
        %get3A_1058 = arith.constant 32 : index
        %get3A_1059 = tpu.vector_load %arg10[%get3A_1057, %get3A_1058] {strides = array<i32>} : memref<80x128xf32, #tpu.memory_space<vmem>>, vector<1x16xf32>,
        %get3A_1060 = vector.shape_cast %get3A_1059 : vector<1x16xf32> to vector<16xf32>
        %mul3A_1061 = arith.mulf %get3A_1060, %broadcast_in_dim3A_1036 : vector<16xf32>
        %swap3A_1062 = arith.index_cast %add3A_1033 : i32 to index
        %swap3A_1063 = arith.constant 32 : index
        %swap3A_1064 = tpu.vector_load %arg10[%swap3A_1062, %swap3A_1063] {strides = array<i32>} : memref<80x128xf32, #tpu.memory_space<vmem>>, vector<1x16xf32>,
        %swap3A_1065 = vector.shape_cast %swap3A_1064 : vector<1x16xf32> to vector<16xf32>
        %swap3A_1066 = vector.shape_cast %mul3A_1061 : vector<16xf32> to vector<1x16xf32>
        tpu.vector_store %arg10[%swap3A_1062, %swap3A_1063], %swap3A_1066 {strides = array<i32>} : memref<80x128xf32, #tpu.memory_space<vmem>>, vector<1x16xf32>,
        %get3A_1067 = arith.index_cast %add3A_1033 : i32 to index
        %get3A_1068 = arith.constant 48 : index
        %get3A_1069 = tpu.vector_load %arg10[%get3A_1067, %get3A_1068] {strides = array<i32>} : memref<80x128xf32, #tpu.memory_space<vmem>>, vector<1x16xf32>,
        %get3A_1070 = vector.shape_cast %get3A_1069 : vector<1x16xf32> to vector<16xf32>
        %mul3A_1071 = arith.mulf %get3A_1070, %broadcast_in_dim3A_1036 : vector<16xf32>
        %swap3A_1072 = arith.index_cast %add3A_1033 : i32 to index
        %swap3A_1073 = arith.constant 48 : index
        %swap3A_1074 = tpu.vector_load %arg10[%swap3A_1072, %swap3A_1073] {strides = array<i32>} : memref<80x128xf32, #tpu.memory_space<vmem>>, vector<1x16xf32>,
        %swap3A_1075 = vector.shape_cast %swap3A_1074 : vector<1x16xf32> to vector<16xf32>
        %swap3A_1076 = vector.shape_cast %mul3A_1071 : vector<16xf32> to vector<1x16xf32>
        tpu.vector_store %arg10[%swap3A_1072, %swap3A_1073], %swap3A_1076 {strides = array<i32>} : memref<80x128xf32, #tpu.memory_space<vmem>>, vector<1x16xf32>,
        %get3A_1077 = arith.index_cast %add3A_1033 : i32 to index
        %get3A_1078 = arith.constant 64 : index
        %get3A_1079 = tpu.vector_load %arg10[%get3A_1077, %get3A_1078] {strides = array<i32>} : memref<80x128xf32, #tpu.memory_space<vmem>>, vector<1x16xf32>,
        %get3A_1080 = vector.shape_cast %get3A_1079 : vector<1x16xf32> to vector<16xf32>
        %mul3A_1081 = arith.mulf %get3A_1080, %broadcast_in_dim3A_1036 : vector<16xf32>
        %swap3A_1082 = arith.index_cast %add3A_1033 : i32 to index
        %swap3A_1083 = arith.constant 64 : index
        %swap3A_1084 = tpu.vector_load %arg10[%swap3A_1082, %swap3A_1083] {strides = array<i32>} : memref<80x128xf32, #tpu.memory_space<vmem>>, vector<1x16xf32>,
        %swap3A_1085 = vector.shape_cast %swap3A_1084 : vector<1x16xf32> to vector<16xf32>
        %swap3A_1086 = vector.shape_cast %mul3A_1081 : vector<16xf32> to vector<1x16xf32>
        tpu.vector_store %arg10[%swap3A_1082, %swap3A_1083], %swap3A_1086 {strides = array<i32>} : memref<80x128xf32, #tpu.memory_space<vmem>>, vector<1x16xf32>,
        %get3A_1087 = arith.index_cast %add3A_1033 : i32 to index
        %get3A_1088 = arith.constant 80 : index
        %get3A_1089 = tpu.vector_load %arg10[%get3A_1087, %get3A_1088] {strides = array<i32>} : memref<80x128xf32, #tpu.memory_space<vmem>>, vector<1x16xf32>,
        %get3A_1090 = vector.shape_cast %get3A_1089 : vector<1x16xf32> to vector<16xf32>
        %mul3A_1091 = arith.mulf %get3A_1090, %broadcast_in_dim3A_1036 : vector<16xf32>
        %swap3A_1092 = arith.index_cast %add3A_1033 : i32 to index
        %swap3A_1093 = arith.constant 80 : index
        %swap3A_1094 = tpu.vector_load %arg10[%swap3A_1092, %swap3A_1093] {strides = array<i32>} : memref<80x128xf32, #tpu.memory_space<vmem>>, vector<1x16xf32>,
        %swap3A_1095 = vector.shape_cast %swap3A_1094 : vector<1x16xf32> to vector<16xf32>
        %swap3A_1096 = vector.shape_cast %mul3A_1091 : vector<16xf32> to vector<1x16xf32>
        tpu.vector_store %arg10[%swap3A_1092, %swap3A_1093], %swap3A_1096 {strides = array<i32>} : memref<80x128xf32, #tpu.memory_space<vmem>>, vector<1x16xf32>,
        %get3A_1097 = arith.index_cast %add3A_1033 : i32 to index
        %get3A_1098 = arith.constant 96 : index
        %get3A_1099 = tpu.vector_load %arg10[%get3A_1097, %get3A_1098] {strides = array<i32>} : memref<80x128xf32, #tpu.memory_space<vmem>>, vector<1x16xf32>,
        %get3A_1100 = vector.shape_cast %get3A_1099 : vector<1x16xf32> to vector<16xf32>
        %mul3A_1101 = arith.mulf %get3A_1100, %broadcast_in_dim3A_1036 : vector<16xf32>
        %swap3A_1102 = arith.index_cast %add3A_1033 : i32 to index
        %swap3A_1103 = arith.constant 96 : index
        %swap3A_1104 = tpu.vector_load %arg10[%swap3A_1102, %swap3A_1103] {strides = array<i32>} : memref<80x128xf32, #tpu.memory_space<vmem>>, vector<1x16xf32>,
        %swap3A_1105 = vector.shape_cast %swap3A_1104 : vector<1x16xf32> to vector<16xf32>
        %swap3A_1106 = vector.shape_cast %mul3A_1101 : vector<16xf32> to vector<1x16xf32>
        tpu.vector_store %arg10[%swap3A_1102, %swap3A_1103], %swap3A_1106 {strides = array<i32>} : memref<80x128xf32, #tpu.memory_space<vmem>>, vector<1x16xf32>,
        %get3A_1107 = arith.index_cast %add3A_1033 : i32 to index
        %get3A_1108 = arith.constant 112 : index
        %get3A_1109 = tpu.vector_load %arg10[%get3A_1107, %get3A_1108] {strides = array<i32>} : memref<80x128xf32, #tpu.memory_space<vmem>>, vector<1x16xf32>,
        %get3A_1110 = vector.shape_cast %get3A_1109 : vector<1x16xf32> to vector<16xf32>
        %mul3A_1111 = arith.mulf %get3A_1110, %broadcast_in_dim3A_1036 : vector<16xf32>
        %swap3A_1112 = arith.index_cast %add3A_1033 : i32 to index
        %swap3A_1113 = arith.constant 112 : index
        %swap3A_1114 = tpu.vector_load %arg10[%swap3A_1112, %swap3A_1113] {strides = array<i32>} : memref<80x128xf32, #tpu.memory_space<vmem>>, vector<1x16xf32>,
        %swap3A_1115 = vector.shape_cast %swap3A_1114 : vector<1x16xf32> to vector<16xf32>
        %swap3A_1116 = vector.shape_cast %mul3A_1111 : vector<16xf32> to vector<1x16xf32>
        tpu.vector_store %arg10[%swap3A_1112, %swap3A_1113], %swap3A_1116 {strides = array<i32>} : memref<80x128xf32, #tpu.memory_space<vmem>>, vector<1x16xf32>,
        %mul3A_1117 = arith.constant 16 : i32
        %mul3A_1118 = arith.muli %scan3A_158, %mul3A_1117 : i32
        %add3A_1119 = arith.constant 11 : i32
        %add3A_1120 = arith.addi %mul3A_1118, %add3A_1119 : i32
        %slice3A_1121 = vector.extract_strided_slice %get3A_163 {offsets = [11], sizes = [1], strides = [1]} : vector<16xf32> to vector<1xf32>
        %squeeze3A_1122 = vector.extract %slice3A_1121[0] : f32 from vector<1xf32>
        %broadcast_in_dim3A_1123 = vector.broadcast %squeeze3A_1122 : f32 to vector<16xf32>
        %get3A_1124 = arith.index_cast %add3A_1120 : i32 to index
        %get3A_1125 = arith.constant 0 : index
        %get3A_1126 = tpu.vector_load %arg10[%get3A_1124, %get3A_1125] {strides = array<i32>} : memref<80x128xf32, #tpu.memory_space<vmem>>, vector<1x16xf32>,
        %get3A_1127 = vector.shape_cast %get3A_1126 : vector<1x16xf32> to vector<16xf32>
        %mul3A_1128 = arith.mulf %get3A_1127, %broadcast_in_dim3A_1123 : vector<16xf32>
        %swap3A_1129 = arith.index_cast %add3A_1120 : i32 to index
        %swap3A_1130 = arith.constant 0 : index
        %swap3A_1131 = tpu.vector_load %arg10[%swap3A_1129, %swap3A_1130] {strides = array<i32>} : memref<80x128xf32, #tpu.memory_space<vmem>>, vector<1x16xf32>,
        %swap3A_1132 = vector.shape_cast %swap3A_1131 : vector<1x16xf32> to vector<16xf32>
        %swap3A_1133 = vector.shape_cast %mul3A_1128 : vector<16xf32> to vector<1x16xf32>
        tpu.vector_store %arg10[%swap3A_1129, %swap3A_1130], %swap3A_1133 {strides = array<i32>} : memref<80x128xf32, #tpu.memory_space<vmem>>, vector<1x16xf32>,
        %get3A_1134 = arith.index_cast %add3A_1120 : i32 to index
        %get3A_1135 = arith.constant 16 : index
        %get3A_1136 = tpu.vector_load %arg10[%get3A_1134, %get3A_1135] {strides = array<i32>} : memref<80x128xf32, #tpu.memory_space<vmem>>, vector<1x16xf32>,
        %get3A_1137 = vector.shape_cast %get3A_1136 : vector<1x16xf32> to vector<16xf32>
        %mul3A_1138 = arith.mulf %get3A_1137, %broadcast_in_dim3A_1123 : vector<16xf32>
        %swap3A_1139 = arith.index_cast %add3A_1120 : i32 to index
        %swap3A_1140 = arith.constant 16 : index
        %swap3A_1141 = tpu.vector_load %arg10[%swap3A_1139, %swap3A_1140] {strides = array<i32>} : memref<80x128xf32, #tpu.memory_space<vmem>>, vector<1x16xf32>,
        %swap3A_1142 = vector.shape_cast %swap3A_1141 : vector<1x16xf32> to vector<16xf32>
        %swap3A_1143 = vector.shape_cast %mul3A_1138 : vector<16xf32> to vector<1x16xf32>
        tpu.vector_store %arg10[%swap3A_1139, %swap3A_1140], %swap3A_1143 {strides = array<i32>} : memref<80x128xf32, #tpu.memory_space<vmem>>, vector<1x16xf32>,
        %get3A_1144 = arith.index_cast %add3A_1120 : i32 to index
        %get3A_1145 = arith.constant 32 : index
        %get3A_1146 = tpu.vector_load %arg10[%get3A_1144, %get3A_1145] {strides = array<i32>} : memref<80x128xf32, #tpu.memory_space<vmem>>, vector<1x16xf32>,
        %get3A_1147 = vector.shape_cast %get3A_1146 : vector<1x16xf32> to vector<16xf32>
        %mul3A_1148 = arith.mulf %get3A_1147, %broadcast_in_dim3A_1123 : vector<16xf32>
        %swap3A_1149 = arith.index_cast %add3A_1120 : i32 to index
        %swap3A_1150 = arith.constant 32 : index
        %swap3A_1151 = tpu.vector_load %arg10[%swap3A_1149, %swap3A_1150] {strides = array<i32>} : memref<80x128xf32, #tpu.memory_space<vmem>>, vector<1x16xf32>,
        %swap3A_1152 = vector.shape_cast %swap3A_1151 : vector<1x16xf32> to vector<16xf32>
        %swap3A_1153 = vector.shape_cast %mul3A_1148 : vector<16xf32> to vector<1x16xf32>
        tpu.vector_store %arg10[%swap3A_1149, %swap3A_1150], %swap3A_1153 {strides = array<i32>} : memref<80x128xf32, #tpu.memory_space<vmem>>, vector<1x16xf32>,
        %get3A_1154 = arith.index_cast %add3A_1120 : i32 to index
        %get3A_1155 = arith.constant 48 : index
        %get3A_1156 = tpu.vector_load %arg10[%get3A_1154, %get3A_1155] {strides = array<i32>} : memref<80x128xf32, #tpu.memory_space<vmem>>, vector<1x16xf32>,
        %get3A_1157 = vector.shape_cast %get3A_1156 : vector<1x16xf32> to vector<16xf32>
        %mul3A_1158 = arith.mulf %get3A_1157, %broadcast_in_dim3A_1123 : vector<16xf32>
        %swap3A_1159 = arith.index_cast %add3A_1120 : i32 to index
        %swap3A_1160 = arith.constant 48 : index
        %swap3A_1161 = tpu.vector_load %arg10[%swap3A_1159, %swap3A_1160] {strides = array<i32>} : memref<80x128xf32, #tpu.memory_space<vmem>>, vector<1x16xf32>,
        %swap3A_1162 = vector.shape_cast %swap3A_1161 : vector<1x16xf32> to vector<16xf32>
        %swap3A_1163 = vector.shape_cast %mul3A_1158 : vector<16xf32> to vector<1x16xf32>
        tpu.vector_store %arg10[%swap3A_1159, %swap3A_1160], %swap3A_1163 {strides = array<i32>} : memref<80x128xf32, #tpu.memory_space<vmem>>, vector<1x16xf32>,
        %get3A_1164 = arith.index_cast %add3A_1120 : i32 to index
        %get3A_1165 = arith.constant 64 : index
        %get3A_1166 = tpu.vector_load %arg10[%get3A_1164, %get3A_1165] {strides = array<i32>} : memref<80x128xf32, #tpu.memory_space<vmem>>, vector<1x16xf32>,
        %get3A_1167 = vector.shape_cast %get3A_1166 : vector<1x16xf32> to vector<16xf32>
        %mul3A_1168 = arith.mulf %get3A_1167, %broadcast_in_dim3A_1123 : vector<16xf32>
        %swap3A_1169 = arith.index_cast %add3A_1120 : i32 to index
        %swap3A_1170 = arith.constant 64 : index
        %swap3A_1171 = tpu.vector_load %arg10[%swap3A_1169, %swap3A_1170] {strides = array<i32>} : memref<80x128xf32, #tpu.memory_space<vmem>>, vector<1x16xf32>,
        %swap3A_1172 = vector.shape_cast %swap3A_1171 : vector<1x16xf32> to vector<16xf32>
        %swap3A_1173 = vector.shape_cast %mul3A_1168 : vector<16xf32> to vector<1x16xf32>
        tpu.vector_store %arg10[%swap3A_1169, %swap3A_1170], %swap3A_1173 {strides = array<i32>} : memref<80x128xf32, #tpu.memory_space<vmem>>, vector<1x16xf32>,
        %get3A_1174 = arith.index_cast %add3A_1120 : i32 to index
        %get3A_1175 = arith.constant 80 : index
        %get3A_1176 = tpu.vector_load %arg10[%get3A_1174, %get3A_1175] {strides = array<i32>} : memref<80x128xf32, #tpu.memory_space<vmem>>, vector<1x16xf32>,
        %get3A_1177 = vector.shape_cast %get3A_1176 : vector<1x16xf32> to vector<16xf32>
        %mul3A_1178 = arith.mulf %get3A_1177, %broadcast_in_dim3A_1123 : vector<16xf32>
        %swap3A_1179 = arith.index_cast %add3A_1120 : i32 to index
        %swap3A_1180 = arith.constant 80 : index
        %swap3A_1181 = tpu.vector_load %arg10[%swap3A_1179, %swap3A_1180] {strides = array<i32>} : memref<80x128xf32, #tpu.memory_space<vmem>>, vector<1x16xf32>,
        %swap3A_1182 = vector.shape_cast %swap3A_1181 : vector<1x16xf32> to vector<16xf32>
        %swap3A_1183 = vector.shape_cast %mul3A_1178 : vector<16xf32> to vector<1x16xf32>
        tpu.vector_store %arg10[%swap3A_1179, %swap3A_1180], %swap3A_1183 {strides = array<i32>} : memref<80x128xf32, #tpu.memory_space<vmem>>, vector<1x16xf32>,
        %get3A_1184 = arith.index_cast %add3A_1120 : i32 to index
        %get3A_1185 = arith.constant 96 : index
        %get3A_1186 = tpu.vector_load %arg10[%get3A_1184, %get3A_1185] {strides = array<i32>} : memref<80x128xf32, #tpu.memory_space<vmem>>, vector<1x16xf32>,
        %get3A_1187 = vector.shape_cast %get3A_1186 : vector<1x16xf32> to vector<16xf32>
        %mul3A_1188 = arith.mulf %get3A_1187, %broadcast_in_dim3A_1123 : vector<16xf32>
        %swap3A_1189 = arith.index_cast %add3A_1120 : i32 to index
        %swap3A_1190 = arith.constant 96 : index
        %swap3A_1191 = tpu.vector_load %arg10[%swap3A_1189, %swap3A_1190] {strides = array<i32>} : memref<80x128xf32, #tpu.memory_space<vmem>>, vector<1x16xf32>,
        %swap3A_1192 = vector.shape_cast %swap3A_1191 : vector<1x16xf32> to vector<16xf32>
        %swap3A_1193 = vector.shape_cast %mul3A_1188 : vector<16xf32> to vector<1x16xf32>
        tpu.vector_store %arg10[%swap3A_1189, %swap3A_1190], %swap3A_1193 {strides = array<i32>} : memref<80x128xf32, #tpu.memory_space<vmem>>, vector<1x16xf32>,
        %get3A_1194 = arith.index_cast %add3A_1120 : i32 to index
        %get3A_1195 = arith.constant 112 : index
        %get3A_1196 = tpu.vector_load %arg10[%get3A_1194, %get3A_1195] {strides = array<i32>} : memref<80x128xf32, #tpu.memory_space<vmem>>, vector<1x16xf32>,
        %get3A_1197 = vector.shape_cast %get3A_1196 : vector<1x16xf32> to vector<16xf32>
        %mul3A_1198 = arith.mulf %get3A_1197, %broadcast_in_dim3A_1123 : vector<16xf32>
        %swap3A_1199 = arith.index_cast %add3A_1120 : i32 to index
        %swap3A_1200 = arith.constant 112 : index
        %swap3A_1201 = tpu.vector_load %arg10[%swap3A_1199, %swap3A_1200] {strides = array<i32>} : memref<80x128xf32, #tpu.memory_space<vmem>>, vector<1x16xf32>,
        %swap3A_1202 = vector.shape_cast %swap3A_1201 : vector<1x16xf32> to vector<16xf32>
        %swap3A_1203 = vector.shape_cast %mul3A_1198 : vector<16xf32> to vector<1x16xf32>
        tpu.vector_store %arg10[%swap3A_1199, %swap3A_1200], %swap3A_1203 {strides = array<i32>} : memref<80x128xf32, #tpu.memory_space<vmem>>, vector<1x16xf32>,
        %mul3A_1204 = arith.constant 16 : i32
        %mul3A_1205 = arith.muli %scan3A_158, %mul3A_1204 : i32
        %add3A_1206 = arith.constant 12 : i32
        %add3A_1207 = arith.addi %mul3A_1205, %add3A_1206 : i32
        %slice3A_1208 = vector.extract_strided_slice %get3A_163 {offsets = [12], sizes = [1], strides = [1]} : vector<16xf32> to vector<1xf32>
        %squeeze3A_1209 = vector.extract %slice3A_1208[0] : f32 from vector<1xf32>
        %broadcast_in_dim3A_1210 = vector.broadcast %squeeze3A_1209 : f32 to vector<16xf32>
        %get3A_1211 = arith.index_cast %add3A_1207 : i32 to index
        %get3A_1212 = arith.constant 0 : index
        %get3A_1213 = tpu.vector_load %arg10[%get3A_1211, %get3A_1212] {strides = array<i32>} : memref<80x128xf32, #tpu.memory_space<vmem>>, vector<1x16xf32>,
        %get3A_1214 = vector.shape_cast %get3A_1213 : vector<1x16xf32> to vector<16xf32>
        %mul3A_1215 = arith.mulf %get3A_1214, %broadcast_in_dim3A_1210 : vector<16xf32>
        %swap3A_1216 = arith.index_cast %add3A_1207 : i32 to index
        %swap3A_1217 = arith.constant 0 : index
        %swap3A_1218 = tpu.vector_load %arg10[%swap3A_1216, %swap3A_1217] {strides = array<i32>} : memref<80x128xf32, #tpu.memory_space<vmem>>, vector<1x16xf32>,
        %swap3A_1219 = vector.shape_cast %swap3A_1218 : vector<1x16xf32> to vector<16xf32>
        %swap3A_1220 = vector.shape_cast %mul3A_1215 : vector<16xf32> to vector<1x16xf32>
        tpu.vector_store %arg10[%swap3A_1216, %swap3A_1217], %swap3A_1220 {strides = array<i32>} : memref<80x128xf32, #tpu.memory_space<vmem>>, vector<1x16xf32>,
        %get3A_1221 = arith.index_cast %add3A_1207 : i32 to index
        %get3A_1222 = arith.constant 16 : index
        %get3A_1223 = tpu.vector_load %arg10[%get3A_1221, %get3A_1222] {strides = array<i32>} : memref<80x128xf32, #tpu.memory_space<vmem>>, vector<1x16xf32>,
        %get3A_1224 = vector.shape_cast %get3A_1223 : vector<1x16xf32> to vector<16xf32>
        %mul3A_1225 = arith.mulf %get3A_1224, %broadcast_in_dim3A_1210 : vector<16xf32>
        %swap3A_1226 = arith.index_cast %add3A_1207 : i32 to index
        %swap3A_1227 = arith.constant 16 : index
        %swap3A_1228 = tpu.vector_load %arg10[%swap3A_1226, %swap3A_1227] {strides = array<i32>} : memref<80x128xf32, #tpu.memory_space<vmem>>, vector<1x16xf32>,
        %swap3A_1229 = vector.shape_cast %swap3A_1228 : vector<1x16xf32> to vector<16xf32>
        %swap3A_1230 = vector.shape_cast %mul3A_1225 : vector<16xf32> to vector<1x16xf32>
        tpu.vector_store %arg10[%swap3A_1226, %swap3A_1227], %swap3A_1230 {strides = array<i32>} : memref<80x128xf32, #tpu.memory_space<vmem>>, vector<1x16xf32>,
        %get3A_1231 = arith.index_cast %add3A_1207 : i32 to index
        %get3A_1232 = arith.constant 32 : index
        %get3A_1233 = tpu.vector_load %arg10[%get3A_1231, %get3A_1232] {strides = array<i32>} : memref<80x128xf32, #tpu.memory_space<vmem>>, vector<1x16xf32>,
        %get3A_1234 = vector.shape_cast %get3A_1233 : vector<1x16xf32> to vector<16xf32>
        %mul3A_1235 = arith.mulf %get3A_1234, %broadcast_in_dim3A_1210 : vector<16xf32>
        %swap3A_1236 = arith.index_cast %add3A_1207 : i32 to index
        %swap3A_1237 = arith.constant 32 : index
        %swap3A_1238 = tpu.vector_load %arg10[%swap3A_1236, %swap3A_1237] {strides = array<i32>} : memref<80x128xf32, #tpu.memory_space<vmem>>, vector<1x16xf32>,
        %swap3A_1239 = vector.shape_cast %swap3A_1238 : vector<1x16xf32> to vector<16xf32>
        %swap3A_1240 = vector.shape_cast %mul3A_1235 : vector<16xf32> to vector<1x16xf32>
        tpu.vector_store %arg10[%swap3A_1236, %swap3A_1237], %swap3A_1240 {strides = array<i32>} : memref<80x128xf32, #tpu.memory_space<vmem>>, vector<1x16xf32>,
        %get3A_1241 = arith.index_cast %add3A_1207 : i32 to index
        %get3A_1242 = arith.constant 48 : index
        %get3A_1243 = tpu.vector_load %arg10[%get3A_1241, %get3A_1242] {strides = array<i32>} : memref<80x128xf32, #tpu.memory_space<vmem>>, vector<1x16xf32>,
        %get3A_1244 = vector.shape_cast %get3A_1243 : vector<1x16xf32> to vector<16xf32>
        %mul3A_1245 = arith.mulf %get3A_1244, %broadcast_in_dim3A_1210 : vector<16xf32>
        %swap3A_1246 = arith.index_cast %add3A_1207 : i32 to index
        %swap3A_1247 = arith.constant 48 : index
        %swap3A_1248 = tpu.vector_load %arg10[%swap3A_1246, %swap3A_1247] {strides = array<i32>} : memref<80x128xf32, #tpu.memory_space<vmem>>, vector<1x16xf32>,
        %swap3A_1249 = vector.shape_cast %swap3A_1248 : vector<1x16xf32> to vector<16xf32>
        %swap3A_1250 = vector.shape_cast %mul3A_1245 : vector<16xf32> to vector<1x16xf32>
        tpu.vector_store %arg10[%swap3A_1246, %swap3A_1247], %swap3A_1250 {strides = array<i32>} : memref<80x128xf32, #tpu.memory_space<vmem>>, vector<1x16xf32>,
        %get3A_1251 = arith.index_cast %add3A_1207 : i32 to index
        %get3A_1252 = arith.constant 64 : index
        %get3A_1253 = tpu.vector_load %arg10[%get3A_1251, %get3A_1252] {strides = array<i32>} : memref<80x128xf32, #tpu.memory_space<vmem>>, vector<1x16xf32>,
        %get3A_1254 = vector.shape_cast %get3A_1253 : vector<1x16xf32> to vector<16xf32>
        %mul3A_1255 = arith.mulf %get3A_1254, %broadcast_in_dim3A_1210 : vector<16xf32>
        %swap3A_1256 = arith.index_cast %add3A_1207 : i32 to index
        %swap3A_1257 = arith.constant 64 : index
        %swap3A_1258 = tpu.vector_load %arg10[%swap3A_1256, %swap3A_1257] {strides = array<i32>} : memref<80x128xf32, #tpu.memory_space<vmem>>, vector<1x16xf32>,
        %swap3A_1259 = vector.shape_cast %swap3A_1258 : vector<1x16xf32> to vector<16xf32>
        %swap3A_1260 = vector.shape_cast %mul3A_1255 : vector<16xf32> to vector<1x16xf32>
        tpu.vector_store %arg10[%swap3A_1256, %swap3A_1257], %swap3A_1260 {strides = array<i32>} : memref<80x128xf32, #tpu.memory_space<vmem>>, vector<1x16xf32>,
        %get3A_1261 = arith.index_cast %add3A_1207 : i32 to index
        %get3A_1262 = arith.constant 80 : index
        %get3A_1263 = tpu.vector_load %arg10[%get3A_1261, %get3A_1262] {strides = array<i32>} : memref<80x128xf32, #tpu.memory_space<vmem>>, vector<1x16xf32>,
        %get3A_1264 = vector.shape_cast %get3A_1263 : vector<1x16xf32> to vector<16xf32>
        %mul3A_1265 = arith.mulf %get3A_1264, %broadcast_in_dim3A_1210 : vector<16xf32>
        %swap3A_1266 = arith.index_cast %add3A_1207 : i32 to index
        %swap3A_1267 = arith.constant 80 : index
        %swap3A_1268 = tpu.vector_load %arg10[%swap3A_1266, %swap3A_1267] {strides = array<i32>} : memref<80x128xf32, #tpu.memory_space<vmem>>, vector<1x16xf32>,
        %swap3A_1269 = vector.shape_cast %swap3A_1268 : vector<1x16xf32> to vector<16xf32>
        %swap3A_1270 = vector.shape_cast %mul3A_1265 : vector<16xf32> to vector<1x16xf32>
        tpu.vector_store %arg10[%swap3A_1266, %swap3A_1267], %swap3A_1270 {strides = array<i32>} : memref<80x128xf32, #tpu.memory_space<vmem>>, vector<1x16xf32>,
        %get3A_1271 = arith.index_cast %add3A_1207 : i32 to index
        %get3A_1272 = arith.constant 96 : index
        %get3A_1273 = tpu.vector_load %arg10[%get3A_1271, %get3A_1272] {strides = array<i32>} : memref<80x128xf32, #tpu.memory_space<vmem>>, vector<1x16xf32>,
        %get3A_1274 = vector.shape_cast %get3A_1273 : vector<1x16xf32> to vector<16xf32>
        %mul3A_1275 = arith.mulf %get3A_1274, %broadcast_in_dim3A_1210 : vector<16xf32>
        %swap3A_1276 = arith.index_cast %add3A_1207 : i32 to index
        %swap3A_1277 = arith.constant 96 : index
        %swap3A_1278 = tpu.vector_load %arg10[%swap3A_1276, %swap3A_1277] {strides = array<i32>} : memref<80x128xf32, #tpu.memory_space<vmem>>, vector<1x16xf32>,
        %swap3A_1279 = vector.shape_cast %swap3A_1278 : vector<1x16xf32> to vector<16xf32>
        %swap3A_1280 = vector.shape_cast %mul3A_1275 : vector<16xf32> to vector<1x16xf32>
        tpu.vector_store %arg10[%swap3A_1276, %swap3A_1277], %swap3A_1280 {strides = array<i32>} : memref<80x128xf32, #tpu.memory_space<vmem>>, vector<1x16xf32>,
        %get3A_1281 = arith.index_cast %add3A_1207 : i32 to index
        %get3A_1282 = arith.constant 112 : index
        %get3A_1283 = tpu.vector_load %arg10[%get3A_1281, %get3A_1282] {strides = array<i32>} : memref<80x128xf32, #tpu.memory_space<vmem>>, vector<1x16xf32>,
        %get3A_1284 = vector.shape_cast %get3A_1283 : vector<1x16xf32> to vector<16xf32>
        %mul3A_1285 = arith.mulf %get3A_1284, %broadcast_in_dim3A_1210 : vector<16xf32>
        %swap3A_1286 = arith.index_cast %add3A_1207 : i32 to index
        %swap3A_1287 = arith.constant 112 : index
        %swap3A_1288 = tpu.vector_load %arg10[%swap3A_1286, %swap3A_1287] {strides = array<i32>} : memref<80x128xf32, #tpu.memory_space<vmem>>, vector<1x16xf32>,
        %swap3A_1289 = vector.shape_cast %swap3A_1288 : vector<1x16xf32> to vector<16xf32>
        %swap3A_1290 = vector.shape_cast %mul3A_1285 : vector<16xf32> to vector<1x16xf32>
        tpu.vector_store %arg10[%swap3A_1286, %swap3A_1287], %swap3A_1290 {strides = array<i32>} : memref<80x128xf32, #tpu.memory_space<vmem>>, vector<1x16xf32>,
        %mul3A_1291 = arith.constant 16 : i32
        %mul3A_1292 = arith.muli %scan3A_158, %mul3A_1291 : i32
        %add3A_1293 = arith.constant 13 : i32
        %add3A_1294 = arith.addi %mul3A_1292, %add3A_1293 : i32
        %slice3A_1295 = vector.extract_strided_slice %get3A_163 {offsets = [13], sizes = [1], strides = [1]} : vector<16xf32> to vector<1xf32>
        %squeeze3A_1296 = vector.extract %slice3A_1295[0] : f32 from vector<1xf32>
        %broadcast_in_dim3A_1297 = vector.broadcast %squeeze3A_1296 : f32 to vector<16xf32>
        %get3A_1298 = arith.index_cast %add3A_1294 : i32 to index
        %get3A_1299 = arith.constant 0 : index
        %get3A_1300 = tpu.vector_load %arg10[%get3A_1298, %get3A_1299] {strides = array<i32>} : memref<80x128xf32, #tpu.memory_space<vmem>>, vector<1x16xf32>,
        %get3A_1301 = vector.shape_cast %get3A_1300 : vector<1x16xf32> to vector<16xf32>
        %mul3A_1302 = arith.mulf %get3A_1301, %broadcast_in_dim3A_1297 : vector<16xf32>
        %swap3A_1303 = arith.index_cast %add3A_1294 : i32 to index
        %swap3A_1304 = arith.constant 0 : index
        %swap3A_1305 = tpu.vector_load %arg10[%swap3A_1303, %swap3A_1304] {strides = array<i32>} : memref<80x128xf32, #tpu.memory_space<vmem>>, vector<1x16xf32>,
        %swap3A_1306 = vector.shape_cast %swap3A_1305 : vector<1x16xf32> to vector<16xf32>
        %swap3A_1307 = vector.shape_cast %mul3A_1302 : vector<16xf32> to vector<1x16xf32>
        tpu.vector_store %arg10[%swap3A_1303, %swap3A_1304], %swap3A_1307 {strides = array<i32>} : memref<80x128xf32, #tpu.memory_space<vmem>>, vector<1x16xf32>,
        %get3A_1308 = arith.index_cast %add3A_1294 : i32 to index
        %get3A_1309 = arith.constant 16 : index
        %get3A_1310 = tpu.vector_load %arg10[%get3A_1308, %get3A_1309] {strides = array<i32>} : memref<80x128xf32, #tpu.memory_space<vmem>>, vector<1x16xf32>,
        %get3A_1311 = vector.shape_cast %get3A_1310 : vector<1x16xf32> to vector<16xf32>
        %mul3A_1312 = arith.mulf %get3A_1311, %broadcast_in_dim3A_1297 : vector<16xf32>
        %swap3A_1313 = arith.index_cast %add3A_1294 : i32 to index
        %swap3A_1314 = arith.constant 16 : index
        %swap3A_1315 = tpu.vector_load %arg10[%swap3A_1313, %swap3A_1314] {strides = array<i32>} : memref<80x128xf32, #tpu.memory_space<vmem>>, vector<1x16xf32>,
        %swap3A_1316 = vector.shape_cast %swap3A_1315 : vector<1x16xf32> to vector<16xf32>
        %swap3A_1317 = vector.shape_cast %mul3A_1312 : vector<16xf32> to vector<1x16xf32>
        tpu.vector_store %arg10[%swap3A_1313, %swap3A_1314], %swap3A_1317 {strides = array<i32>} : memref<80x128xf32, #tpu.memory_space<vmem>>, vector<1x16xf32>,
        %get3A_1318 = arith.index_cast %add3A_1294 : i32 to index
        %get3A_1319 = arith.constant 32 : index
        %get3A_1320 = tpu.vector_load %arg10[%get3A_1318, %get3A_1319] {strides = array<i32>} : memref<80x128xf32, #tpu.memory_space<vmem>>, vector<1x16xf32>,
        %get3A_1321 = vector.shape_cast %get3A_1320 : vector<1x16xf32> to vector<16xf32>
        %mul3A_1322 = arith.mulf %get3A_1321, %broadcast_in_dim3A_1297 : vector<16xf32>
        %swap3A_1323 = arith.index_cast %add3A_1294 : i32 to index
        %swap3A_1324 = arith.constant 32 : index
        %swap3A_1325 = tpu.vector_load %arg10[%swap3A_1323, %swap3A_1324] {strides = array<i32>} : memref<80x128xf32, #tpu.memory_space<vmem>>, vector<1x16xf32>,
        %swap3A_1326 = vector.shape_cast %swap3A_1325 : vector<1x16xf32> to vector<16xf32>
        %swap3A_1327 = vector.shape_cast %mul3A_1322 : vector<16xf32> to vector<1x16xf32>
        tpu.vector_store %arg10[%swap3A_1323, %swap3A_1324], %swap3A_1327 {strides = array<i32>} : memref<80x128xf32, #tpu.memory_space<vmem>>, vector<1x16xf32>,
        %get3A_1328 = arith.index_cast %add3A_1294 : i32 to index
        %get3A_1329 = arith.constant 48 : index
        %get3A_1330 = tpu.vector_load %arg10[%get3A_1328, %get3A_1329] {strides = array<i32>} : memref<80x128xf32, #tpu.memory_space<vmem>>, vector<1x16xf32>,
        %get3A_1331 = vector.shape_cast %get3A_1330 : vector<1x16xf32> to vector<16xf32>
        %mul3A_1332 = arith.mulf %get3A_1331, %broadcast_in_dim3A_1297 : vector<16xf32>
        %swap3A_1333 = arith.index_cast %add3A_1294 : i32 to index
        %swap3A_1334 = arith.constant 48 : index
        %swap3A_1335 = tpu.vector_load %arg10[%swap3A_1333, %swap3A_1334] {strides = array<i32>} : memref<80x128xf32, #tpu.memory_space<vmem>>, vector<1x16xf32>,
        %swap3A_1336 = vector.shape_cast %swap3A_1335 : vector<1x16xf32> to vector<16xf32>
        %swap3A_1337 = vector.shape_cast %mul3A_1332 : vector<16xf32> to vector<1x16xf32>
        tpu.vector_store %arg10[%swap3A_1333, %swap3A_1334], %swap3A_1337 {strides = array<i32>} : memref<80x128xf32, #tpu.memory_space<vmem>>, vector<1x16xf32>,
        %get3A_1338 = arith.index_cast %add3A_1294 : i32 to index
        %get3A_1339 = arith.constant 64 : index
        %get3A_1340 = tpu.vector_load %arg10[%get3A_1338, %get3A_1339] {strides = array<i32>} : memref<80x128xf32, #tpu.memory_space<vmem>>, vector<1x16xf32>,
        %get3A_1341 = vector.shape_cast %get3A_1340 : vector<1x16xf32> to vector<16xf32>
        %mul3A_1342 = arith.mulf %get3A_1341, %broadcast_in_dim3A_1297 : vector<16xf32>
        %swap3A_1343 = arith.index_cast %add3A_1294 : i32 to index
        %swap3A_1344 = arith.constant 64 : index
        %swap3A_1345 = tpu.vector_load %arg10[%swap3A_1343, %swap3A_1344] {strides = array<i32>} : memref<80x128xf32, #tpu.memory_space<vmem>>, vector<1x16xf32>,
        %swap3A_1346 = vector.shape_cast %swap3A_1345 : vector<1x16xf32> to vector<16xf32>
        %swap3A_1347 = vector.shape_cast %mul3A_1342 : vector<16xf32> to vector<1x16xf32>
        tpu.vector_store %arg10[%swap3A_1343, %swap3A_1344], %swap3A_1347 {strides = array<i32>} : memref<80x128xf32, #tpu.memory_space<vmem>>, vector<1x16xf32>,
        %get3A_1348 = arith.index_cast %add3A_1294 : i32 to index
        %get3A_1349 = arith.constant 80 : index
        %get3A_1350 = tpu.vector_load %arg10[%get3A_1348, %get3A_1349] {strides = array<i32>} : memref<80x128xf32, #tpu.memory_space<vmem>>, vector<1x16xf32>,
        %get3A_1351 = vector.shape_cast %get3A_1350 : vector<1x16xf32> to vector<16xf32>
        %mul3A_1352 = arith.mulf %get3A_1351, %broadcast_in_dim3A_1297 : vector<16xf32>
        %swap3A_1353 = arith.index_cast %add3A_1294 : i32 to index
        %swap3A_1354 = arith.constant 80 : index
        %swap3A_1355 = tpu.vector_load %arg10[%swap3A_1353, %swap3A_1354] {strides = array<i32>} : memref<80x128xf32, #tpu.memory_space<vmem>>, vector<1x16xf32>,
        %swap3A_1356 = vector.shape_cast %swap3A_1355 : vector<1x16xf32> to vector<16xf32>
        %swap3A_1357 = vector.shape_cast %mul3A_1352 : vector<16xf32> to vector<1x16xf32>
        tpu.vector_store %arg10[%swap3A_1353, %swap3A_1354], %swap3A_1357 {strides = array<i32>} : memref<80x128xf32, #tpu.memory_space<vmem>>, vector<1x16xf32>,
        %get3A_1358 = arith.index_cast %add3A_1294 : i32 to index
        %get3A_1359 = arith.constant 96 : index
        %get3A_1360 = tpu.vector_load %arg10[%get3A_1358, %get3A_1359] {strides = array<i32>} : memref<80x128xf32, #tpu.memory_space<vmem>>, vector<1x16xf32>,
        %get3A_1361 = vector.shape_cast %get3A_1360 : vector<1x16xf32> to vector<16xf32>
        %mul3A_1362 = arith.mulf %get3A_1361, %broadcast_in_dim3A_1297 : vector<16xf32>
        %swap3A_1363 = arith.index_cast %add3A_1294 : i32 to index
        %swap3A_1364 = arith.constant 96 : index
        %swap3A_1365 = tpu.vector_load %arg10[%swap3A_1363, %swap3A_1364] {strides = array<i32>} : memref<80x128xf32, #tpu.memory_space<vmem>>, vector<1x16xf32>,
        %swap3A_1366 = vector.shape_cast %swap3A_1365 : vector<1x16xf32> to vector<16xf32>
        %swap3A_1367 = vector.shape_cast %mul3A_1362 : vector<16xf32> to vector<1x16xf32>
        tpu.vector_store %arg10[%swap3A_1363, %swap3A_1364], %swap3A_1367 {strides = array<i32>} : memref<80x128xf32, #tpu.memory_space<vmem>>, vector<1x16xf32>,
        %get3A_1368 = arith.index_cast %add3A_1294 : i32 to index
        %get3A_1369 = arith.constant 112 : index
        %get3A_1370 = tpu.vector_load %arg10[%get3A_1368, %get3A_1369] {strides = array<i32>} : memref<80x128xf32, #tpu.memory_space<vmem>>, vector<1x16xf32>,
        %get3A_1371 = vector.shape_cast %get3A_1370 : vector<1x16xf32> to vector<16xf32>
        %mul3A_1372 = arith.mulf %get3A_1371, %broadcast_in_dim3A_1297 : vector<16xf32>
        %swap3A_1373 = arith.index_cast %add3A_1294 : i32 to index
        %swap3A_1374 = arith.constant 112 : index
        %swap3A_1375 = tpu.vector_load %arg10[%swap3A_1373, %swap3A_1374] {strides = array<i32>} : memref<80x128xf32, #tpu.memory_space<vmem>>, vector<1x16xf32>,
        %swap3A_1376 = vector.shape_cast %swap3A_1375 : vector<1x16xf32> to vector<16xf32>
        %swap3A_1377 = vector.shape_cast %mul3A_1372 : vector<16xf32> to vector<1x16xf32>
        tpu.vector_store %arg10[%swap3A_1373, %swap3A_1374], %swap3A_1377 {strides = array<i32>} : memref<80x128xf32, #tpu.memory_space<vmem>>, vector<1x16xf32>,
        %mul3A_1378 = arith.constant 16 : i32
        %mul3A_1379 = arith.muli %scan3A_158, %mul3A_1378 : i32
        %add3A_1380 = arith.constant 14 : i32
        %add3A_1381 = arith.addi %mul3A_1379, %add3A_1380 : i32
        %slice3A_1382 = vector.extract_strided_slice %get3A_163 {offsets = [14], sizes = [1], strides = [1]} : vector<16xf32> to vector<1xf32>
        %squeeze3A_1383 = vector.extract %slice3A_1382[0] : f32 from vector<1xf32>
        %broadcast_in_dim3A_1384 = vector.broadcast %squeeze3A_1383 : f32 to vector<16xf32>
        %get3A_1385 = arith.index_cast %add3A_1381 : i32 to index
        %get3A_1386 = arith.constant 0 : index
        %get3A_1387 = tpu.vector_load %arg10[%get3A_1385, %get3A_1386] {strides = array<i32>} : memref<80x128xf32, #tpu.memory_space<vmem>>, vector<1x16xf32>,
        %get3A_1388 = vector.shape_cast %get3A_1387 : vector<1x16xf32> to vector<16xf32>
        %mul3A_1389 = arith.mulf %get3A_1388, %broadcast_in_dim3A_1384 : vector<16xf32>
        %swap3A_1390 = arith.index_cast %add3A_1381 : i32 to index
        %swap3A_1391 = arith.constant 0 : index
        %swap3A_1392 = tpu.vector_load %arg10[%swap3A_1390, %swap3A_1391] {strides = array<i32>} : memref<80x128xf32, #tpu.memory_space<vmem>>, vector<1x16xf32>,
        %swap3A_1393 = vector.shape_cast %swap3A_1392 : vector<1x16xf32> to vector<16xf32>
        %swap3A_1394 = vector.shape_cast %mul3A_1389 : vector<16xf32> to vector<1x16xf32>
        tpu.vector_store %arg10[%swap3A_1390, %swap3A_1391], %swap3A_1394 {strides = array<i32>} : memref<80x128xf32, #tpu.memory_space<vmem>>, vector<1x16xf32>,
        %get3A_1395 = arith.index_cast %add3A_1381 : i32 to index
        %get3A_1396 = arith.constant 16 : index
        %get3A_1397 = tpu.vector_load %arg10[%get3A_1395, %get3A_1396] {strides = array<i32>} : memref<80x128xf32, #tpu.memory_space<vmem>>, vector<1x16xf32>,
        %get3A_1398 = vector.shape_cast %get3A_1397 : vector<1x16xf32> to vector<16xf32>
        %mul3A_1399 = arith.mulf %get3A_1398, %broadcast_in_dim3A_1384 : vector<16xf32>
        %swap3A_1400 = arith.index_cast %add3A_1381 : i32 to index
        %swap3A_1401 = arith.constant 16 : index
        %swap3A_1402 = tpu.vector_load %arg10[%swap3A_1400, %swap3A_1401] {strides = array<i32>} : memref<80x128xf32, #tpu.memory_space<vmem>>, vector<1x16xf32>,
        %swap3A_1403 = vector.shape_cast %swap3A_1402 : vector<1x16xf32> to vector<16xf32>
        %swap3A_1404 = vector.shape_cast %mul3A_1399 : vector<16xf32> to vector<1x16xf32>
        tpu.vector_store %arg10[%swap3A_1400, %swap3A_1401], %swap3A_1404 {strides = array<i32>} : memref<80x128xf32, #tpu.memory_space<vmem>>, vector<1x16xf32>,
        %get3A_1405 = arith.index_cast %add3A_1381 : i32 to index
        %get3A_1406 = arith.constant 32 : index
        %get3A_1407 = tpu.vector_load %arg10[%get3A_1405, %get3A_1406] {strides = array<i32>} : memref<80x128xf32, #tpu.memory_space<vmem>>, vector<1x16xf32>,
        %get3A_1408 = vector.shape_cast %get3A_1407 : vector<1x16xf32> to vector<16xf32>
        %mul3A_1409 = arith.mulf %get3A_1408, %broadcast_in_dim3A_1384 : vector<16xf32>
        %swap3A_1410 = arith.index_cast %add3A_1381 : i32 to index
        %swap3A_1411 = arith.constant 32 : index
        %swap3A_1412 = tpu.vector_load %arg10[%swap3A_1410, %swap3A_1411] {strides = array<i32>} : memref<80x128xf32, #tpu.memory_space<vmem>>, vector<1x16xf32>,
        %swap3A_1413 = vector.shape_cast %swap3A_1412 : vector<1x16xf32> to vector<16xf32>
        %swap3A_1414 = vector.shape_cast %mul3A_1409 : vector<16xf32> to vector<1x16xf32>
        tpu.vector_store %arg10[%swap3A_1410, %swap3A_1411], %swap3A_1414 {strides = array<i32>} : memref<80x128xf32, #tpu.memory_space<vmem>>, vector<1x16xf32>,
        %get3A_1415 = arith.index_cast %add3A_1381 : i32 to index
        %get3A_1416 = arith.constant 48 : index
        %get3A_1417 = tpu.vector_load %arg10[%get3A_1415, %get3A_1416] {strides = array<i32>} : memref<80x128xf32, #tpu.memory_space<vmem>>, vector<1x16xf32>,
        %get3A_1418 = vector.shape_cast %get3A_1417 : vector<1x16xf32> to vector<16xf32>
        %mul3A_1419 = arith.mulf %get3A_1418, %broadcast_in_dim3A_1384 : vector<16xf32>
        %swap3A_1420 = arith.index_cast %add3A_1381 : i32 to index
        %swap3A_1421 = arith.constant 48 : index
        %swap3A_1422 = tpu.vector_load %arg10[%swap3A_1420, %swap3A_1421] {strides = array<i32>} : memref<80x128xf32, #tpu.memory_space<vmem>>, vector<1x16xf32>,
        %swap3A_1423 = vector.shape_cast %swap3A_1422 : vector<1x16xf32> to vector<16xf32>
        %swap3A_1424 = vector.shape_cast %mul3A_1419 : vector<16xf32> to vector<1x16xf32>
        tpu.vector_store %arg10[%swap3A_1420, %swap3A_1421], %swap3A_1424 {strides = array<i32>} : memref<80x128xf32, #tpu.memory_space<vmem>>, vector<1x16xf32>,
        %get3A_1425 = arith.index_cast %add3A_1381 : i32 to index
        %get3A_1426 = arith.constant 64 : index
        %get3A_1427 = tpu.vector_load %arg10[%get3A_1425, %get3A_1426] {strides = array<i32>} : memref<80x128xf32, #tpu.memory_space<vmem>>, vector<1x16xf32>,
        %get3A_1428 = vector.shape_cast %get3A_1427 : vector<1x16xf32> to vector<16xf32>
        %mul3A_1429 = arith.mulf %get3A_1428, %broadcast_in_dim3A_1384 : vector<16xf32>
        %swap3A_1430 = arith.index_cast %add3A_1381 : i32 to index
        %swap3A_1431 = arith.constant 64 : index
        %swap3A_1432 = tpu.vector_load %arg10[%swap3A_1430, %swap3A_1431] {strides = array<i32>} : memref<80x128xf32, #tpu.memory_space<vmem>>, vector<1x16xf32>,
        %swap3A_1433 = vector.shape_cast %swap3A_1432 : vector<1x16xf32> to vector<16xf32>
        %swap3A_1434 = vector.shape_cast %mul3A_1429 : vector<16xf32> to vector<1x16xf32>
        tpu.vector_store %arg10[%swap3A_1430, %swap3A_1431], %swap3A_1434 {strides = array<i32>} : memref<80x128xf32, #tpu.memory_space<vmem>>, vector<1x16xf32>,
        %get3A_1435 = arith.index_cast %add3A_1381 : i32 to index
        %get3A_1436 = arith.constant 80 : index
        %get3A_1437 = tpu.vector_load %arg10[%get3A_1435, %get3A_1436] {strides = array<i32>} : memref<80x128xf32, #tpu.memory_space<vmem>>, vector<1x16xf32>,
        %get3A_1438 = vector.shape_cast %get3A_1437 : vector<1x16xf32> to vector<16xf32>
        %mul3A_1439 = arith.mulf %get3A_1438, %broadcast_in_dim3A_1384 : vector<16xf32>
        %swap3A_1440 = arith.index_cast %add3A_1381 : i32 to index
        %swap3A_1441 = arith.constant 80 : index
        %swap3A_1442 = tpu.vector_load %arg10[%swap3A_1440, %swap3A_1441] {strides = array<i32>} : memref<80x128xf32, #tpu.memory_space<vmem>>, vector<1x16xf32>,
        %swap3A_1443 = vector.shape_cast %swap3A_1442 : vector<1x16xf32> to vector<16xf32>
        %swap3A_1444 = vector.shape_cast %mul3A_1439 : vector<16xf32> to vector<1x16xf32>
        tpu.vector_store %arg10[%swap3A_1440, %swap3A_1441], %swap3A_1444 {strides = array<i32>} : memref<80x128xf32, #tpu.memory_space<vmem>>, vector<1x16xf32>,
        %get3A_1445 = arith.index_cast %add3A_1381 : i32 to index
        %get3A_1446 = arith.constant 96 : index
        %get3A_1447 = tpu.vector_load %arg10[%get3A_1445, %get3A_1446] {strides = array<i32>} : memref<80x128xf32, #tpu.memory_space<vmem>>, vector<1x16xf32>,
        %get3A_1448 = vector.shape_cast %get3A_1447 : vector<1x16xf32> to vector<16xf32>
        %mul3A_1449 = arith.mulf %get3A_1448, %broadcast_in_dim3A_1384 : vector<16xf32>
        %swap3A_1450 = arith.index_cast %add3A_1381 : i32 to index
        %swap3A_1451 = arith.constant 96 : index
        %swap3A_1452 = tpu.vector_load %arg10[%swap3A_1450, %swap3A_1451] {strides = array<i32>} : memref<80x128xf32, #tpu.memory_space<vmem>>, vector<1x16xf32>,
        %swap3A_1453 = vector.shape_cast %swap3A_1452 : vector<1x16xf32> to vector<16xf32>
        %swap3A_1454 = vector.shape_cast %mul3A_1449 : vector<16xf32> to vector<1x16xf32>
        tpu.vector_store %arg10[%swap3A_1450, %swap3A_1451], %swap3A_1454 {strides = array<i32>} : memref<80x128xf32, #tpu.memory_space<vmem>>, vector<1x16xf32>,
        %get3A_1455 = arith.index_cast %add3A_1381 : i32 to index
        %get3A_1456 = arith.constant 112 : index
        %get3A_1457 = tpu.vector_load %arg10[%get3A_1455, %get3A_1456] {strides = array<i32>} : memref<80x128xf32, #tpu.memory_space<vmem>>, vector<1x16xf32>,
        %get3A_1458 = vector.shape_cast %get3A_1457 : vector<1x16xf32> to vector<16xf32>
        %mul3A_1459 = arith.mulf %get3A_1458, %broadcast_in_dim3A_1384 : vector<16xf32>
        %swap3A_1460 = arith.index_cast %add3A_1381 : i32 to index
        %swap3A_1461 = arith.constant 112 : index
        %swap3A_1462 = tpu.vector_load %arg10[%swap3A_1460, %swap3A_1461] {strides = array<i32>} : memref<80x128xf32, #tpu.memory_space<vmem>>, vector<1x16xf32>,
        %swap3A_1463 = vector.shape_cast %swap3A_1462 : vector<1x16xf32> to vector<16xf32>
        %swap3A_1464 = vector.shape_cast %mul3A_1459 : vector<16xf32> to vector<1x16xf32>
        tpu.vector_store %arg10[%swap3A_1460, %swap3A_1461], %swap3A_1464 {strides = array<i32>} : memref<80x128xf32, #tpu.memory_space<vmem>>, vector<1x16xf32>,
        %mul3A_1465 = arith.constant 16 : i32
        %mul3A_1466 = arith.muli %scan3A_158, %mul3A_1465 : i32
        %add3A_1467 = arith.constant 15 : i32
        %add3A_1468 = arith.addi %mul3A_1466, %add3A_1467 : i32
        %slice3A_1469 = vector.extract_strided_slice %get3A_163 {offsets = [15], sizes = [1], strides = [1]} : vector<16xf32> to vector<1xf32>
        %squeeze3A_1470 = vector.extract %slice3A_1469[0] : f32 from vector<1xf32>
        %broadcast_in_dim3A_1471 = vector.broadcast %squeeze3A_1470 : f32 to vector<16xf32>
        %get3A_1472 = arith.index_cast %add3A_1468 : i32 to index
        %get3A_1473 = arith.constant 0 : index
        %get3A_1474 = tpu.vector_load %arg10[%get3A_1472, %get3A_1473] {strides = array<i32>} : memref<80x128xf32, #tpu.memory_space<vmem>>, vector<1x16xf32>,
        %get3A_1475 = vector.shape_cast %get3A_1474 : vector<1x16xf32> to vector<16xf32>
        %mul3A_1476 = arith.mulf %get3A_1475, %broadcast_in_dim3A_1471 : vector<16xf32>
        %swap3A_1477 = arith.index_cast %add3A_1468 : i32 to index
        %swap3A_1478 = arith.constant 0 : index
        %swap3A_1479 = tpu.vector_load %arg10[%swap3A_1477, %swap3A_1478] {strides = array<i32>} : memref<80x128xf32, #tpu.memory_space<vmem>>, vector<1x16xf32>,
        %swap3A_1480 = vector.shape_cast %swap3A_1479 : vector<1x16xf32> to vector<16xf32>
        %swap3A_1481 = vector.shape_cast %mul3A_1476 : vector<16xf32> to vector<1x16xf32>
        tpu.vector_store %arg10[%swap3A_1477, %swap3A_1478], %swap3A_1481 {strides = array<i32>} : memref<80x128xf32, #tpu.memory_space<vmem>>, vector<1x16xf32>,
        %get3A_1482 = arith.index_cast %add3A_1468 : i32 to index
        %get3A_1483 = arith.constant 16 : index
        %get3A_1484 = tpu.vector_load %arg10[%get3A_1482, %get3A_1483] {strides = array<i32>} : memref<80x128xf32, #tpu.memory_space<vmem>>, vector<1x16xf32>,
        %get3A_1485 = vector.shape_cast %get3A_1484 : vector<1x16xf32> to vector<16xf32>
        %mul3A_1486 = arith.mulf %get3A_1485, %broadcast_in_dim3A_1471 : vector<16xf32>
        %swap3A_1487 = arith.index_cast %add3A_1468 : i32 to index
        %swap3A_1488 = arith.constant 16 : index
        %swap3A_1489 = tpu.vector_load %arg10[%swap3A_1487, %swap3A_1488] {strides = array<i32>} : memref<80x128xf32, #tpu.memory_space<vmem>>, vector<1x16xf32>,
        %swap3A_1490 = vector.shape_cast %swap3A_1489 : vector<1x16xf32> to vector<16xf32>
        %swap3A_1491 = vector.shape_cast %mul3A_1486 : vector<16xf32> to vector<1x16xf32>
        tpu.vector_store %arg10[%swap3A_1487, %swap3A_1488], %swap3A_1491 {strides = array<i32>} : memref<80x128xf32, #tpu.memory_space<vmem>>, vector<1x16xf32>,
        %get3A_1492 = arith.index_cast %add3A_1468 : i32 to index
        %get3A_1493 = arith.constant 32 : index
        %get3A_1494 = tpu.vector_load %arg10[%get3A_1492, %get3A_1493] {strides = array<i32>} : memref<80x128xf32, #tpu.memory_space<vmem>>, vector<1x16xf32>,
        %get3A_1495 = vector.shape_cast %get3A_1494 : vector<1x16xf32> to vector<16xf32>
        %mul3A_1496 = arith.mulf %get3A_1495, %broadcast_in_dim3A_1471 : vector<16xf32>
        %swap3A_1497 = arith.index_cast %add3A_1468 : i32 to index
        %swap3A_1498 = arith.constant 32 : index
        %swap3A_1499 = tpu.vector_load %arg10[%swap3A_1497, %swap3A_1498] {strides = array<i32>} : memref<80x128xf32, #tpu.memory_space<vmem>>, vector<1x16xf32>,
        %swap3A_1500 = vector.shape_cast %swap3A_1499 : vector<1x16xf32> to vector<16xf32>
        %swap3A_1501 = vector.shape_cast %mul3A_1496 : vector<16xf32> to vector<1x16xf32>
        tpu.vector_store %arg10[%swap3A_1497, %swap3A_1498], %swap3A_1501 {strides = array<i32>} : memref<80x128xf32, #tpu.memory_space<vmem>>, vector<1x16xf32>,
        %get3A_1502 = arith.index_cast %add3A_1468 : i32 to index
        %get3A_1503 = arith.constant 48 : index
        %get3A_1504 = tpu.vector_load %arg10[%get3A_1502, %get3A_1503] {strides = array<i32>} : memref<80x128xf32, #tpu.memory_space<vmem>>, vector<1x16xf32>,
        %get3A_1505 = vector.shape_cast %get3A_1504 : vector<1x16xf32> to vector<16xf32>
        %mul3A_1506 = arith.mulf %get3A_1505, %broadcast_in_dim3A_1471 : vector<16xf32>
        %swap3A_1507 = arith.index_cast %add3A_1468 : i32 to index
        %swap3A_1508 = arith.constant 48 : index
        %swap3A_1509 = tpu.vector_load %arg10[%swap3A_1507, %swap3A_1508] {strides = array<i32>} : memref<80x128xf32, #tpu.memory_space<vmem>>, vector<1x16xf32>,
        %swap3A_1510 = vector.shape_cast %swap3A_1509 : vector<1x16xf32> to vector<16xf32>
        %swap3A_1511 = vector.shape_cast %mul3A_1506 : vector<16xf32> to vector<1x16xf32>
        tpu.vector_store %arg10[%swap3A_1507, %swap3A_1508], %swap3A_1511 {strides = array<i32>} : memref<80x128xf32, #tpu.memory_space<vmem>>, vector<1x16xf32>,
        %get3A_1512 = arith.index_cast %add3A_1468 : i32 to index
        %get3A_1513 = arith.constant 64 : index
        %get3A_1514 = tpu.vector_load %arg10[%get3A_1512, %get3A_1513] {strides = array<i32>} : memref<80x128xf32, #tpu.memory_space<vmem>>, vector<1x16xf32>,
        %get3A_1515 = vector.shape_cast %get3A_1514 : vector<1x16xf32> to vector<16xf32>
        %mul3A_1516 = arith.mulf %get3A_1515, %broadcast_in_dim3A_1471 : vector<16xf32>
        %swap3A_1517 = arith.index_cast %add3A_1468 : i32 to index
        %swap3A_1518 = arith.constant 64 : index
        %swap3A_1519 = tpu.vector_load %arg10[%swap3A_1517, %swap3A_1518] {strides = array<i32>} : memref<80x128xf32, #tpu.memory_space<vmem>>, vector<1x16xf32>,
        %swap3A_1520 = vector.shape_cast %swap3A_1519 : vector<1x16xf32> to vector<16xf32>
        %swap3A_1521 = vector.shape_cast %mul3A_1516 : vector<16xf32> to vector<1x16xf32>
        tpu.vector_store %arg10[%swap3A_1517, %swap3A_1518], %swap3A_1521 {strides = array<i32>} : memref<80x128xf32, #tpu.memory_space<vmem>>, vector<1x16xf32>,
        %get3A_1522 = arith.index_cast %add3A_1468 : i32 to index
        %get3A_1523 = arith.constant 80 : index
        %get3A_1524 = tpu.vector_load %arg10[%get3A_1522, %get3A_1523] {strides = array<i32>} : memref<80x128xf32, #tpu.memory_space<vmem>>, vector<1x16xf32>,
        %get3A_1525 = vector.shape_cast %get3A_1524 : vector<1x16xf32> to vector<16xf32>
        %mul3A_1526 = arith.mulf %get3A_1525, %broadcast_in_dim3A_1471 : vector<16xf32>
        %swap3A_1527 = arith.index_cast %add3A_1468 : i32 to index
        %swap3A_1528 = arith.constant 80 : index
        %swap3A_1529 = tpu.vector_load %arg10[%swap3A_1527, %swap3A_1528] {strides = array<i32>} : memref<80x128xf32, #tpu.memory_space<vmem>>, vector<1x16xf32>,
        %swap3A_1530 = vector.shape_cast %swap3A_1529 : vector<1x16xf32> to vector<16xf32>
        %swap3A_1531 = vector.shape_cast %mul3A_1526 : vector<16xf32> to vector<1x16xf32>
        tpu.vector_store %arg10[%swap3A_1527, %swap3A_1528], %swap3A_1531 {strides = array<i32>} : memref<80x128xf32, #tpu.memory_space<vmem>>, vector<1x16xf32>,
        %get3A_1532 = arith.index_cast %add3A_1468 : i32 to index
        %get3A_1533 = arith.constant 96 : index
        %get3A_1534 = tpu.vector_load %arg10[%get3A_1532, %get3A_1533] {strides = array<i32>} : memref<80x128xf32, #tpu.memory_space<vmem>>, vector<1x16xf32>,
        %get3A_1535 = vector.shape_cast %get3A_1534 : vector<1x16xf32> to vector<16xf32>
        %mul3A_1536 = arith.mulf %get3A_1535, %broadcast_in_dim3A_1471 : vector<16xf32>
        %swap3A_1537 = arith.index_cast %add3A_1468 : i32 to index
        %swap3A_1538 = arith.constant 96 : index
        %swap3A_1539 = tpu.vector_load %arg10[%swap3A_1537, %swap3A_1538] {strides = array<i32>} : memref<80x128xf32, #tpu.memory_space<vmem>>, vector<1x16xf32>,
        %swap3A_1540 = vector.shape_cast %swap3A_1539 : vector<1x16xf32> to vector<16xf32>
        %swap3A_1541 = vector.shape_cast %mul3A_1536 : vector<16xf32> to vector<1x16xf32>
        tpu.vector_store %arg10[%swap3A_1537, %swap3A_1538], %swap3A_1541 {strides = array<i32>} : memref<80x128xf32, #tpu.memory_space<vmem>>, vector<1x16xf32>,
        %get3A_1542 = arith.index_cast %add3A_1468 : i32 to index
        %get3A_1543 = arith.constant 112 : index
        %get3A_1544 = tpu.vector_load %arg10[%get3A_1542, %get3A_1543] {strides = array<i32>} : memref<80x128xf32, #tpu.memory_space<vmem>>, vector<1x16xf32>,
        %get3A_1545 = vector.shape_cast %get3A_1544 : vector<1x16xf32> to vector<16xf32>
        %mul3A_1546 = arith.mulf %get3A_1545, %broadcast_in_dim3A_1471 : vector<16xf32>
        %swap3A_1547 = arith.index_cast %add3A_1468 : i32 to index
        %swap3A_1548 = arith.constant 112 : index
        %swap3A_1549 = tpu.vector_load %arg10[%swap3A_1547, %swap3A_1548] {strides = array<i32>} : memref<80x128xf32, #tpu.memory_space<vmem>>, vector<1x16xf32>,
        %swap3A_1550 = vector.shape_cast %swap3A_1549 : vector<1x16xf32> to vector<16xf32>
        %swap3A_1551 = vector.shape_cast %mul3A_1546 : vector<16xf32> to vector<1x16xf32>
        tpu.vector_store %arg10[%swap3A_1547, %swap3A_1548], %swap3A_1551 {strides = array<i32>} : memref<80x128xf32, #tpu.memory_space<vmem>>, vector<1x16xf32>,
        %mul3A_1552 = arith.constant 16 : i32
        %mul3A_1553 = arith.muli %scan3A_158, %mul3A_1552 : i32
        %add3A_1554 = arith.addi %mul3A_89, %mul3A_1553 : i32
        %get3A_1555 = arith.index_cast %add3A_1554 : i32 to index
        %get3A_1556 = tpu.vector_load %arg8[%get3A_1555] {strides = array<i32>} : memref<10000xi32, #tpu.memory_space<vmem>>, vector<16xi32>,
        %get3A_1557 = vector.shape_cast %get3A_1556 : vector<16xi32> to vector<16xi32>
        %mul3A_1558 = arith.constant 16 : i32
        %mul3A_1559 = arith.muli %scan3A_158, %mul3A_1558 : i32
        %dma_start3A_1560 = arith.constant 0 : i32
        %dma_start3A_1561 = tpu.memref_slice %arg10[%mul3A_1559, %dma_start3A_1560] : memref<80x128xf32, #tpu.memory_space<vmem>> -> memref<16x128xf32, #tpu.memory_space<vmem>>
        %dma_start3A_1562 = arith.constant 0 : i32
        %dma_start3A_1563 = arith.constant 0 : i32
        %dma_start3A_1564 = tpu.memref_slice %arg6[%dma_start3A_1562, %dma_start3A_1563] : memref<10000x128xf32, #tpu.memory_space<vmem_shared>> -> memref<10000x128xf32, #tpu.memory_space<vmem_shared>>
        tpu.enqueue_indirect_dma source(%dma_start3A_1561 : memref<16x128xf32, #tpu.memory_space<vmem>>) target(%dma_start3A_1564 : memref<10000x128xf32, #tpu.memory_space<vmem_shared>>) offsets(%get3A_1557 : vector<16xi32>) semaphore(%arg14 : memref<!tpu.dma_semaphore, #tpu.memory_space<semaphore_mem>>) {add = true}
      }
      %scan3A_111 = arith.constant 5 : i32
      %dma_wait3A_112 = arith.constant 0 : i32
      %dma_wait3A_113 = arith.constant 0 : i32
      %dma_wait3A_114 = tpu.memref_slice %arg10[%dma_wait3A_112, %dma_wait3A_113] : memref<80x128xf32, #tpu.memory_space<vmem>> -> memref<80x128xf32, #tpu.memory_space<vmem>>
      %dma_wait3A_115 = arith.constant 0 : i32
      %dma_wait3A_116 = arith.constant 0 : i32
      %dma_wait3A_117 = tpu.memref_slice %arg2[%dma_wait3A_115, %dma_wait3A_116] : memref<10000x128xf32, #tpu.memory_space<hbm>> -> memref<80x128xf32, #tpu.memory_space<hbm>>
      %dma_wait3A_118 = arith.constant 0 : i32
      %dma_wait3A_119 = arith.constant 0 : i32
      %dma_wait3A_120 = tpu.memref_slice %arg10[%dma_wait3A_118, %dma_wait3A_119] : memref<80x128xf32, #tpu.memory_space<vmem>> -> memref<80x128xf32, #tpu.memory_space<vmem>>
      %dma_wait3A_121 = arith.constant 0 : i32
      %dma_wait3A_122 = arith.constant 0 : i32
      %dma_wait3A_123 = tpu.memref_slice %arg2[%dma_wait3A_121, %dma_wait3A_122] : memref<10000x128xf32, #tpu.memory_space<hbm>> -> memref<80x128xf32, #tpu.memory_space<hbm>>
      tpu.wait_dma2 semaphore(%arg14 : memref<!tpu.dma_semaphore, #tpu.memory_space<semaphore_mem>>) src(%dma_wait3A_123 : memref<80x128xf32, #tpu.memory_space<hbm>>) dst(%dma_wait3A_120 : memref<80x128xf32, #tpu.memory_space<vmem>>)
      %add3A_124 = arith.constant 160 : i32
      %add3A_125 = arith.addi %mul3A_89, %add3A_124 : i32
      %dma_start3A_126 = arith.constant 0 : i32
      %dma_start3A_127 = arith.constant 0 : i32
      %dma_start3A_128 = tpu.memref_slice %arg10[%dma_start3A_126, %dma_start3A_127] : memref<80x128xf32, #tpu.memory_space<vmem>> -> memref<80x128xf32, #tpu.memory_space<vmem>>
      %dma_start3A_129 = tpu.memref_slice %arg7[%add3A_125] : memref<10000xi32, #tpu.memory_space<vmem>> -> memref<80xi32, #tpu.memory_space<vmem>>
      %dma_start3A_130 = arith.constant 0 : i32
      %dma_start3A_131 = arith.constant 0 : i32
      %dma_start3A_132 = tpu.memref_slice %arg2[%dma_start3A_130, %dma_start3A_131] : memref<10000x128xf32, #tpu.memory_space<hbm>> -> memref<10000x128xf32, #tpu.memory_space<hbm>>
      tpu.enqueue_indirect_dma source(%dma_start3A_132 : memref<10000x128xf32, #tpu.memory_space<hbm>>) target(%dma_start3A_128 : memref<80x128xf32, #tpu.memory_space<vmem>>) offsets(%dma_start3A_129 : memref<80xi32, #tpu.memory_space<vmem>>) semaphore(%arg12 : memref<!tpu.dma_semaphore, #tpu.memory_space<semaphore_mem>>)
      %dma_wait3A_133 = arith.constant 0 : i32
      %dma_wait3A_134 = arith.constant 0 : i32
      %dma_wait3A_135 = tpu.memref_slice %arg11[%dma_wait3A_133, %dma_wait3A_134] : memref<80x128xf32, #tpu.memory_space<vmem>> -> memref<80x128xf32, #tpu.memory_space<vmem>>
      %dma_wait3A_136 = tpu.memref_slice %arg7[%add3A_91] : memref<10000xi32, #tpu.memory_space<vmem>> -> memref<80xi32, #tpu.memory_space<vmem>>
      %dma_wait3A_137 = arith.constant 0 : i32
      %dma_wait3A_138 = arith.constant 0 : i32
      %dma_wait3A_139 = tpu.memref_slice %arg2[%dma_wait3A_137, %dma_wait3A_138] : memref<10000x128xf32, #tpu.memory_space<hbm>> -> memref<10000x128xf32, #tpu.memory_space<hbm>>
      tpu.wait_indirect_dma semaphore(%arg13 : memref<!tpu.dma_semaphore, #tpu.memory_space<semaphore_mem>>) src(%dma_wait3A_139 : memref<10000x128xf32, #tpu.memory_space<hbm>>) dst(%dma_wait3A_135 : memref<80x128xf32, #tpu.memory_space<vmem>>)
      %scan3A_140 = arith.constant 0 : i32
      %scan3A_141 = arith.constant 0 : i32
      %scan3A_142 = arith.constant 5 : i32
      %scan3A_143 = arith.addi %scan3A_141, %scan3A_142 : i32
      %scan3A_144 = arith.constant 1 : i32
      scf.for %scan3A_158 = %scan3A_141 to %scan3A_143 step %scan3A_144  : i32 {
        %mul3A_159 = arith.constant 16 : i32
        %mul3A_160 = arith.muli %scan3A_158, %mul3A_159 : i32
        %add3A_161 = arith.addi %add3A_91, %mul3A_160 : i32
        %get3A = arith.index_cast %add3A_161 : i32 to index
        %get3A_162 = tpu.vector_load %arg9[%get3A] {strides = array<i32>} : memref<10000xf32, #tpu.memory_space<vmem>>, vector<16xf32>,
        %get3A_163 = vector.shape_cast %get3A_162 : vector<16xf32> to vector<16xf32>
        %mul3A_164 = arith.constant 16 : i32
        %mul3A_165 = arith.muli %scan3A_158, %mul3A_164 : i32
        %add3A_166 = arith.constant 0 : i32
        %add3A_167 = arith.addi %mul3A_165, %add3A_166 : i32
        %slice3A = vector.extract_strided_slice %get3A_163 {offsets = [0], sizes = [1], strides = [1]} : vector<16xf32> to vector<1xf32>
        %squeeze3A = vector.extract %slice3A[0] : f32 from vector<1xf32>
        %broadcast_in_dim3A = vector.broadcast %squeeze3A : f32 to vector<16xf32>
        %get3A_168 = arith.index_cast %add3A_167 : i32 to index
        %get3A_169 = arith.constant 0 : index
        %get3A_170 = tpu.vector_load %arg11[%get3A_168, %get3A_169] {strides = array<i32>} : memref<80x128xf32, #tpu.memory_space<vmem>>, vector<1x16xf32>,
        %get3A_171 = vector.shape_cast %get3A_170 : vector<1x16xf32> to vector<16xf32>
        %mul3A_172 = arith.mulf %get3A_171, %broadcast_in_dim3A : vector<16xf32>
        %swap3A = arith.index_cast %add3A_167 : i32 to index
        %swap3A_173 = arith.constant 0 : index
        %swap3A_174 = tpu.vector_load %arg11[%swap3A, %swap3A_173] {strides = array<i32>} : memref<80x128xf32, #tpu.memory_space<vmem>>, vector<1x16xf32>,
        %swap3A_175 = vector.shape_cast %swap3A_174 : vector<1x16xf32> to vector<16xf32>
        %swap3A_176 = vector.shape_cast %mul3A_172 : vector<16xf32> to vector<1x16xf32>
        tpu.vector_store %arg11[%swap3A, %swap3A_173], %swap3A_176 {strides = array<i32>} : memref<80x128xf32, #tpu.memory_space<vmem>>, vector<1x16xf32>,
        %get3A_177 = arith.index_cast %add3A_167 : i32 to index
        %get3A_178 = arith.constant 16 : index
        %get3A_179 = tpu.vector_load %arg11[%get3A_177, %get3A_178] {strides = array<i32>} : memref<80x128xf32, #tpu.memory_space<vmem>>, vector<1x16xf32>,
        %get3A_180 = vector.shape_cast %get3A_179 : vector<1x16xf32> to vector<16xf32>
        %mul3A_181 = arith.mulf %get3A_180, %broadcast_in_dim3A : vector<16xf32>
        %swap3A_182 = arith.index_cast %add3A_167 : i32 to index
        %swap3A_183 = arith.constant 16 : index
        %swap3A_184 = tpu.vector_load %arg11[%swap3A_182, %swap3A_183] {strides = array<i32>} : memref<80x128xf32, #tpu.memory_space<vmem>>, vector<1x16xf32>,
        %swap3A_185 = vector.shape_cast %swap3A_184 : vector<1x16xf32> to vector<16xf32>
        %swap3A_186 = vector.shape_cast %mul3A_181 : vector<16xf32> to vector<1x16xf32>
        tpu.vector_store %arg11[%swap3A_182, %swap3A_183], %swap3A_186 {strides = array<i32>} : memref<80x128xf32, #tpu.memory_space<vmem>>, vector<1x16xf32>,
        %get3A_187 = arith.index_cast %add3A_167 : i32 to index
        %get3A_188 = arith.constant 32 : index
        %get3A_189 = tpu.vector_load %arg11[%get3A_187, %get3A_188] {strides = array<i32>} : memref<80x128xf32, #tpu.memory_space<vmem>>, vector<1x16xf32>,
        %get3A_190 = vector.shape_cast %get3A_189 : vector<1x16xf32> to vector<16xf32>
        %mul3A_191 = arith.mulf %get3A_190, %broadcast_in_dim3A : vector<16xf32>
        %swap3A_192 = arith.index_cast %add3A_167 : i32 to index
        %swap3A_193 = arith.constant 32 : index
        %swap3A_194 = tpu.vector_load %arg11[%swap3A_192, %swap3A_193] {strides = array<i32>} : memref<80x128xf32, #tpu.memory_space<vmem>>, vector<1x16xf32>,
        %swap3A_195 = vector.shape_cast %swap3A_194 : vector<1x16xf32> to vector<16xf32>
        %swap3A_196 = vector.shape_cast %mul3A_191 : vector<16xf32> to vector<1x16xf32>
        tpu.vector_store %arg11[%swap3A_192, %swap3A_193], %swap3A_196 {strides = array<i32>} : memref<80x128xf32, #tpu.memory_space<vmem>>, vector<1x16xf32>,
        %get3A_197 = arith.index_cast %add3A_167 : i32 to index
        %get3A_198 = arith.constant 48 : index
        %get3A_199 = tpu.vector_load %arg11[%get3A_197, %get3A_198] {strides = array<i32>} : memref<80x128xf32, #tpu.memory_space<vmem>>, vector<1x16xf32>,
        %get3A_200 = vector.shape_cast %get3A_199 : vector<1x16xf32> to vector<16xf32>
        %mul3A_201 = arith.mulf %get3A_200, %broadcast_in_dim3A : vector<16xf32>
        %swap3A_202 = arith.index_cast %add3A_167 : i32 to index
        %swap3A_203 = arith.constant 48 : index
        %swap3A_204 = tpu.vector_load %arg11[%swap3A_202, %swap3A_203] {strides = array<i32>} : memref<80x128xf32, #tpu.memory_space<vmem>>, vector<1x16xf32>,
        %swap3A_205 = vector.shape_cast %swap3A_204 : vector<1x16xf32> to vector<16xf32>
        %swap3A_206 = vector.shape_cast %mul3A_201 : vector<16xf32> to vector<1x16xf32>
        tpu.vector_store %arg11[%swap3A_202, %swap3A_203], %swap3A_206 {strides = array<i32>} : memref<80x128xf32, #tpu.memory_space<vmem>>, vector<1x16xf32>,
        %get3A_207 = arith.index_cast %add3A_167 : i32 to index
        %get3A_208 = arith.constant 64 : index
        %get3A_209 = tpu.vector_load %arg11[%get3A_207, %get3A_208] {strides = array<i32>} : memref<80x128xf32, #tpu.memory_space<vmem>>, vector<1x16xf32>,
        %get3A_210 = vector.shape_cast %get3A_209 : vector<1x16xf32> to vector<16xf32>
        %mul3A_211 = arith.mulf %get3A_210, %broadcast_in_dim3A : vector<16xf32>
        %swap3A_212 = arith.index_cast %add3A_167 : i32 to index
        %swap3A_213 = arith.constant 64 : index
        %swap3A_214 = tpu.vector_load %arg11[%swap3A_212, %swap3A_213] {strides = array<i32>} : memref<80x128xf32, #tpu.memory_space<vmem>>, vector<1x16xf32>,
        %swap3A_215 = vector.shape_cast %swap3A_214 : vector<1x16xf32> to vector<16xf32>
        %swap3A_216 = vector.shape_cast %mul3A_211 : vector<16xf32> to vector<1x16xf32>
        tpu.vector_store %arg11[%swap3A_212, %swap3A_213], %swap3A_216 {strides = array<i32>} : memref<80x128xf32, #tpu.memory_space<vmem>>, vector<1x16xf32>,
        %get3A_217 = arith.index_cast %add3A_167 : i32 to index
        %get3A_218 = arith.constant 80 : index
        %get3A_219 = tpu.vector_load %arg11[%get3A_217, %get3A_218] {strides = array<i32>} : memref<80x128xf32, #tpu.memory_space<vmem>>, vector<1x16xf32>,
        %get3A_220 = vector.shape_cast %get3A_219 : vector<1x16xf32> to vector<16xf32>
        %mul3A_221 = arith.mulf %get3A_220, %broadcast_in_dim3A : vector<16xf32>
        %swap3A_222 = arith.index_cast %add3A_167 : i32 to index
        %swap3A_223 = arith.constant 80 : index
        %swap3A_224 = tpu.vector_load %arg11[%swap3A_222, %swap3A_223] {strides = array<i32>} : memref<80x128xf32, #tpu.memory_space<vmem>>, vector<1x16xf32>,
        %swap3A_225 = vector.shape_cast %swap3A_224 : vector<1x16xf32> to vector<16xf32>
        %swap3A_226 = vector.shape_cast %mul3A_221 : vector<16xf32> to vector<1x16xf32>
        tpu.vector_store %arg11[%swap3A_222, %swap3A_223], %swap3A_226 {strides = array<i32>} : memref<80x128xf32, #tpu.memory_space<vmem>>, vector<1x16xf32>,
        %get3A_227 = arith.index_cast %add3A_167 : i32 to index
        %get3A_228 = arith.constant 96 : index
        %get3A_229 = tpu.vector_load %arg11[%get3A_227, %get3A_228] {strides = array<i32>} : memref<80x128xf32, #tpu.memory_space<vmem>>, vector<1x16xf32>,
        %get3A_230 = vector.shape_cast %get3A_229 : vector<1x16xf32> to vector<16xf32>
        %mul3A_231 = arith.mulf %get3A_230, %broadcast_in_dim3A : vector<16xf32>
        %swap3A_232 = arith.index_cast %add3A_167 : i32 to index
        %swap3A_233 = arith.constant 96 : index
        %swap3A_234 = tpu.vector_load %arg11[%swap3A_232, %swap3A_233] {strides = array<i32>} : memref<80x128xf32, #tpu.memory_space<vmem>>, vector<1x16xf32>,
        %swap3A_235 = vector.shape_cast %swap3A_234 : vector<1x16xf32> to vector<16xf32>
        %swap3A_236 = vector.shape_cast %mul3A_231 : vector<16xf32> to vector<1x16xf32>
        tpu.vector_store %arg11[%swap3A_232, %swap3A_233], %swap3A_236 {strides = array<i32>} : memref<80x128xf32, #tpu.memory_space<vmem>>, vector<1x16xf32>,
        %get3A_237 = arith.index_cast %add3A_167 : i32 to index
        %get3A_238 = arith.constant 112 : index
        %get3A_239 = tpu.vector_load %arg11[%get3A_237, %get3A_238] {strides = array<i32>} : memref<80x128xf32, #tpu.memory_space<vmem>>, vector<1x16xf32>,
        %get3A_240 = vector.shape_cast %get3A_239 : vector<1x16xf32> to vector<16xf32>
        %mul3A_241 = arith.mulf %get3A_240, %broadcast_in_dim3A : vector<16xf32>
        %swap3A_242 = arith.index_cast %add3A_167 : i32 to index
        %swap3A_243 = arith.constant 112 : index
        %swap3A_244 = tpu.vector_load %arg11[%swap3A_242, %swap3A_243] {strides = array<i32>} : memref<80x128xf32, #tpu.memory_space<vmem>>, vector<1x16xf32>,
        %swap3A_245 = vector.shape_cast %swap3A_244 : vector<1x16xf32> to vector<16xf32>
        %swap3A_246 = vector.shape_cast %mul3A_241 : vector<16xf32> to vector<1x16xf32>
        tpu.vector_store %arg11[%swap3A_242, %swap3A_243], %swap3A_246 {strides = array<i32>} : memref<80x128xf32, #tpu.memory_space<vmem>>, vector<1x16xf32>,
        %mul3A_247 = arith.constant 16 : i32
        %mul3A_248 = arith.muli %scan3A_158, %mul3A_247 : i32
        %add3A_249 = arith.constant 1 : i32
        %add3A_250 = arith.addi %mul3A_248, %add3A_249 : i32
        %slice3A_251 = vector.extract_strided_slice %get3A_163 {offsets = [1], sizes = [1], strides = [1]} : vector<16xf32> to vector<1xf32>
        %squeeze3A_252 = vector.extract %slice3A_251[0] : f32 from vector<1xf32>
        %broadcast_in_dim3A_253 = vector.broadcast %squeeze3A_252 : f32 to vector<16xf32>
        %get3A_254 = arith.index_cast %add3A_250 : i32 to index
        %get3A_255 = arith.constant 0 : index
        %get3A_256 = tpu.vector_load %arg11[%get3A_254, %get3A_255] {strides = array<i32>} : memref<80x128xf32, #tpu.memory_space<vmem>>, vector<1x16xf32>,
        %get3A_257 = vector.shape_cast %get3A_256 : vector<1x16xf32> to vector<16xf32>
        %mul3A_258 = arith.mulf %get3A_257, %broadcast_in_dim3A_253 : vector<16xf32>
        %swap3A_259 = arith.index_cast %add3A_250 : i32 to index
        %swap3A_260 = arith.constant 0 : index
        %swap3A_261 = tpu.vector_load %arg11[%swap3A_259, %swap3A_260] {strides = array<i32>} : memref<80x128xf32, #tpu.memory_space<vmem>>, vector<1x16xf32>,
        %swap3A_262 = vector.shape_cast %swap3A_261 : vector<1x16xf32> to vector<16xf32>
        %swap3A_263 = vector.shape_cast %mul3A_258 : vector<16xf32> to vector<1x16xf32>
        tpu.vector_store %arg11[%swap3A_259, %swap3A_260], %swap3A_263 {strides = array<i32>} : memref<80x128xf32, #tpu.memory_space<vmem>>, vector<1x16xf32>,
        %get3A_264 = arith.index_cast %add3A_250 : i32 to index
        %get3A_265 = arith.constant 16 : index
        %get3A_266 = tpu.vector_load %arg11[%get3A_264, %get3A_265] {strides = array<i32>} : memref<80x128xf32, #tpu.memory_space<vmem>>, vector<1x16xf32>,
        %get3A_267 = vector.shape_cast %get3A_266 : vector<1x16xf32> to vector<16xf32>
        %mul3A_268 = arith.mulf %get3A_267, %broadcast_in_dim3A_253 : vector<16xf32>
        %swap3A_269 = arith.index_cast %add3A_250 : i32 to index
        %swap3A_270 = arith.constant 16 : index
        %swap3A_271 = tpu.vector_load %arg11[%swap3A_269, %swap3A_270] {strides = array<i32>} : memref<80x128xf32, #tpu.memory_space<vmem>>, vector<1x16xf32>,
        %swap3A_272 = vector.shape_cast %swap3A_271 : vector<1x16xf32> to vector<16xf32>
        %swap3A_273 = vector.shape_cast %mul3A_268 : vector<16xf32> to vector<1x16xf32>
        tpu.vector_store %arg11[%swap3A_269, %swap3A_270], %swap3A_273 {strides = array<i32>} : memref<80x128xf32, #tpu.memory_space<vmem>>, vector<1x16xf32>,
        %get3A_274 = arith.index_cast %add3A_250 : i32 to index
        %get3A_275 = arith.constant 32 : index
        %get3A_276 = tpu.vector_load %arg11[%get3A_274, %get3A_275] {strides = array<i32>} : memref<80x128xf32, #tpu.memory_space<vmem>>, vector<1x16xf32>,
        %get3A_277 = vector.shape_cast %get3A_276 : vector<1x16xf32> to vector<16xf32>
        %mul3A_278 = arith.mulf %get3A_277, %broadcast_in_dim3A_253 : vector<16xf32>
        %swap3A_279 = arith.index_cast %add3A_250 : i32 to index
        %swap3A_280 = arith.constant 32 : index
        %swap3A_281 = tpu.vector_load %arg11[%swap3A_279, %swap3A_280] {strides = array<i32>} : memref<80x128xf32, #tpu.memory_space<vmem>>, vector<1x16xf32>,
        %swap3A_282 = vector.shape_cast %swap3A_281 : vector<1x16xf32> to vector<16xf32>
        %swap3A_283 = vector.shape_cast %mul3A_278 : vector<16xf32> to vector<1x16xf32>
        tpu.vector_store %arg11[%swap3A_279, %swap3A_280], %swap3A_283 {strides = array<i32>} : memref<80x128xf32, #tpu.memory_space<vmem>>, vector<1x16xf32>,
        %get3A_284 = arith.index_cast %add3A_250 : i32 to index
        %get3A_285 = arith.constant 48 : index
        %get3A_286 = tpu.vector_load %arg11[%get3A_284, %get3A_285] {strides = array<i32>} : memref<80x128xf32, #tpu.memory_space<vmem>>, vector<1x16xf32>,
        %get3A_287 = vector.shape_cast %get3A_286 : vector<1x16xf32> to vector<16xf32>
        %mul3A_288 = arith.mulf %get3A_287, %broadcast_in_dim3A_253 : vector<16xf32>
        %swap3A_289 = arith.index_cast %add3A_250 : i32 to index
        %swap3A_290 = arith.constant 48 : index
        %swap3A_291 = tpu.vector_load %arg11[%swap3A_289, %swap3A_290] {strides = array<i32>} : memref<80x128xf32, #tpu.memory_space<vmem>>, vector<1x16xf32>,
        %swap3A_292 = vector.shape_cast %swap3A_291 : vector<1x16xf32> to vector<16xf32>
        %swap3A_293 = vector.shape_cast %mul3A_288 : vector<16xf32> to vector<1x16xf32>
        tpu.vector_store %arg11[%swap3A_289, %swap3A_290], %swap3A_293 {strides = array<i32>} : memref<80x128xf32, #tpu.memory_space<vmem>>, vector<1x16xf32>,
        %get3A_294 = arith.index_cast %add3A_250 : i32 to index
        %get3A_295 = arith.constant 64 : index
        %get3A_296 = tpu.vector_load %arg11[%get3A_294, %get3A_295] {strides = array<i32>} : memref<80x128xf32, #tpu.memory_space<vmem>>, vector<1x16xf32>,
        %get3A_297 = vector.shape_cast %get3A_296 : vector<1x16xf32> to vector<16xf32>
        %mul3A_298 = arith.mulf %get3A_297, %broadcast_in_dim3A_253 : vector<16xf32>
        %swap3A_299 = arith.index_cast %add3A_250 : i32 to index
        %swap3A_300 = arith.constant 64 : index
        %swap3A_301 = tpu.vector_load %arg11[%swap3A_299, %swap3A_300] {strides = array<i32>} : memref<80x128xf32, #tpu.memory_space<vmem>>, vector<1x16xf32>,
        %swap3A_302 = vector.shape_cast %swap3A_301 : vector<1x16xf32> to vector<16xf32>
        %swap3A_303 = vector.shape_cast %mul3A_298 : vector<16xf32> to vector<1x16xf32>
        tpu.vector_store %arg11[%swap3A_299, %swap3A_300], %swap3A_303 {strides = array<i32>} : memref<80x128xf32, #tpu.memory_space<vmem>>, vector<1x16xf32>,
        %get3A_304 = arith.index_cast %add3A_250 : i32 to index
        %get3A_305 = arith.constant 80 : index
        %get3A_306 = tpu.vector_load %arg11[%get3A_304, %get3A_305] {strides = array<i32>} : memref<80x128xf32, #tpu.memory_space<vmem>>, vector<1x16xf32>,
        %get3A_307 = vector.shape_cast %get3A_306 : vector<1x16xf32> to vector<16xf32>
        %mul3A_308 = arith.mulf %get3A_307, %broadcast_in_dim3A_253 : vector<16xf32>
        %swap3A_309 = arith.index_cast %add3A_250 : i32 to index
        %swap3A_310 = arith.constant 80 : index
        %swap3A_311 = tpu.vector_load %arg11[%swap3A_309, %swap3A_310] {strides = array<i32>} : memref<80x128xf32, #tpu.memory_space<vmem>>, vector<1x16xf32>,
        %swap3A_312 = vector.shape_cast %swap3A_311 : vector<1x16xf32> to vector<16xf32>
        %swap3A_313 = vector.shape_cast %mul3A_308 : vector<16xf32> to vector<1x16xf32>
        tpu.vector_store %arg11[%swap3A_309, %swap3A_310], %swap3A_313 {strides = array<i32>} : memref<80x128xf32, #tpu.memory_space<vmem>>, vector<1x16xf32>,
        %get3A_314 = arith.index_cast %add3A_250 : i32 to index
        %get3A_315 = arith.constant 96 : index
        %get3A_316 = tpu.vector_load %arg11[%get3A_314, %get3A_315] {strides = array<i32>} : memref<80x128xf32, #tpu.memory_space<vmem>>, vector<1x16xf32>,
        %get3A_317 = vector.shape_cast %get3A_316 : vector<1x16xf32> to vector<16xf32>
        %mul3A_318 = arith.mulf %get3A_317, %broadcast_in_dim3A_253 : vector<16xf32>
        %swap3A_319 = arith.index_cast %add3A_250 : i32 to index
        %swap3A_320 = arith.constant 96 : index
        %swap3A_321 = tpu.vector_load %arg11[%swap3A_319, %swap3A_320] {strides = array<i32>} : memref<80x128xf32, #tpu.memory_space<vmem>>, vector<1x16xf32>,
        %swap3A_322 = vector.shape_cast %swap3A_321 : vector<1x16xf32> to vector<16xf32>
        %swap3A_323 = vector.shape_cast %mul3A_318 : vector<16xf32> to vector<1x16xf32>
        tpu.vector_store %arg11[%swap3A_319, %swap3A_320], %swap3A_323 {strides = array<i32>} : memref<80x128xf32, #tpu.memory_space<vmem>>, vector<1x16xf32>,
        %get3A_324 = arith.index_cast %add3A_250 : i32 to index
        %get3A_325 = arith.constant 112 : index
        %get3A_326 = tpu.vector_load %arg11[%get3A_324, %get3A_325] {strides = array<i32>} : memref<80x128xf32, #tpu.memory_space<vmem>>, vector<1x16xf32>,
        %get3A_327 = vector.shape_cast %get3A_326 : vector<1x16xf32> to vector<16xf32>
        %mul3A_328 = arith.mulf %get3A_327, %broadcast_in_dim3A_253 : vector<16xf32>
        %swap3A_329 = arith.index_cast %add3A_250 : i32 to index
        %swap3A_330 = arith.constant 112 : index
        %swap3A_331 = tpu.vector_load %arg11[%swap3A_329, %swap3A_330] {strides = array<i32>} : memref<80x128xf32, #tpu.memory_space<vmem>>, vector<1x16xf32>,
        %swap3A_332 = vector.shape_cast %swap3A_331 : vector<1x16xf32> to vector<16xf32>
        %swap3A_333 = vector.shape_cast %mul3A_328 : vector<16xf32> to vector<1x16xf32>
        tpu.vector_store %arg11[%swap3A_329, %swap3A_330], %swap3A_333 {strides = array<i32>} : memref<80x128xf32, #tpu.memory_space<vmem>>, vector<1x16xf32>,
        %mul3A_334 = arith.constant 16 : i32
        %mul3A_335 = arith.muli %scan3A_158, %mul3A_334 : i32
        %add3A_336 = arith.constant 2 : i32
        %add3A_337 = arith.addi %mul3A_335, %add3A_336 : i32
        %slice3A_338 = vector.extract_strided_slice %get3A_163 {offsets = [2], sizes = [1], strides = [1]} : vector<16xf32> to vector<1xf32>
        %squeeze3A_339 = vector.extract %slice3A_338[0] : f32 from vector<1xf32>
        %broadcast_in_dim3A_340 = vector.broadcast %squeeze3A_339 : f32 to vector<16xf32>
        %get3A_341 = arith.index_cast %add3A_337 : i32 to index
        %get3A_342 = arith.constant 0 : index
        %get3A_343 = tpu.vector_load %arg11[%get3A_341, %get3A_342] {strides = array<i32>} : memref<80x128xf32, #tpu.memory_space<vmem>>, vector<1x16xf32>,
        %get3A_344 = vector.shape_cast %get3A_343 : vector<1x16xf32> to vector<16xf32>
        %mul3A_345 = arith.mulf %get3A_344, %broadcast_in_dim3A_340 : vector<16xf32>
        %swap3A_346 = arith.index_cast %add3A_337 : i32 to index
        %swap3A_347 = arith.constant 0 : index
        %swap3A_348 = tpu.vector_load %arg11[%swap3A_346, %swap3A_347] {strides = array<i32>} : memref<80x128xf32, #tpu.memory_space<vmem>>, vector<1x16xf32>,
        %swap3A_349 = vector.shape_cast %swap3A_348 : vector<1x16xf32> to vector<16xf32>
        %swap3A_350 = vector.shape_cast %mul3A_345 : vector<16xf32> to vector<1x16xf32>
        tpu.vector_store %arg11[%swap3A_346, %swap3A_347], %swap3A_350 {strides = array<i32>} : memref<80x128xf32, #tpu.memory_space<vmem>>, vector<1x16xf32>,
        %get3A_351 = arith.index_cast %add3A_337 : i32 to index
        %get3A_352 = arith.constant 16 : index
        %get3A_353 = tpu.vector_load %arg11[%get3A_351, %get3A_352] {strides = array<i32>} : memref<80x128xf32, #tpu.memory_space<vmem>>, vector<1x16xf32>,
        %get3A_354 = vector.shape_cast %get3A_353 : vector<1x16xf32> to vector<16xf32>
        %mul3A_355 = arith.mulf %get3A_354, %broadcast_in_dim3A_340 : vector<16xf32>
        %swap3A_356 = arith.index_cast %add3A_337 : i32 to index
        %swap3A_357 = arith.constant 16 : index
        %swap3A_358 = tpu.vector_load %arg11[%swap3A_356, %swap3A_357] {strides = array<i32>} : memref<80x128xf32, #tpu.memory_space<vmem>>, vector<1x16xf32>,
        %swap3A_359 = vector.shape_cast %swap3A_358 : vector<1x16xf32> to vector<16xf32>
        %swap3A_360 = vector.shape_cast %mul3A_355 : vector<16xf32> to vector<1x16xf32>
        tpu.vector_store %arg11[%swap3A_356, %swap3A_357], %swap3A_360 {strides = array<i32>} : memref<80x128xf32, #tpu.memory_space<vmem>>, vector<1x16xf32>,
        %get3A_361 = arith.index_cast %add3A_337 : i32 to index
        %get3A_362 = arith.constant 32 : index
        %get3A_363 = tpu.vector_load %arg11[%get3A_361, %get3A_362] {strides = array<i32>} : memref<80x128xf32, #tpu.memory_space<vmem>>, vector<1x16xf32>,
        %get3A_364 = vector.shape_cast %get3A_363 : vector<1x16xf32> to vector<16xf32>
        %mul3A_365 = arith.mulf %get3A_364, %broadcast_in_dim3A_340 : vector<16xf32>
        %swap3A_366 = arith.index_cast %add3A_337 : i32 to index
        %swap3A_367 = arith.constant 32 : index
        %swap3A_368 = tpu.vector_load %arg11[%swap3A_366, %swap3A_367] {strides = array<i32>} : memref<80x128xf32, #tpu.memory_space<vmem>>, vector<1x16xf32>,
        %swap3A_369 = vector.shape_cast %swap3A_368 : vector<1x16xf32> to vector<16xf32>
        %swap3A_370 = vector.shape_cast %mul3A_365 : vector<16xf32> to vector<1x16xf32>
        tpu.vector_store %arg11[%swap3A_366, %swap3A_367], %swap3A_370 {strides = array<i32>} : memref<80x128xf32, #tpu.memory_space<vmem>>, vector<1x16xf32>,
        %get3A_371 = arith.index_cast %add3A_337 : i32 to index
        %get3A_372 = arith.constant 48 : index
        %get3A_373 = tpu.vector_load %arg11[%get3A_371, %get3A_372] {strides = array<i32>} : memref<80x128xf32, #tpu.memory_space<vmem>>, vector<1x16xf32>,
        %get3A_374 = vector.shape_cast %get3A_373 : vector<1x16xf32> to vector<16xf32>
        %mul3A_375 = arith.mulf %get3A_374, %broadcast_in_dim3A_340 : vector<16xf32>
        %swap3A_376 = arith.index_cast %add3A_337 : i32 to index
        %swap3A_377 = arith.constant 48 : index
        %swap3A_378 = tpu.vector_load %arg11[%swap3A_376, %swap3A_377] {strides = array<i32>} : memref<80x128xf32, #tpu.memory_space<vmem>>, vector<1x16xf32>,
        %swap3A_379 = vector.shape_cast %swap3A_378 : vector<1x16xf32> to vector<16xf32>
        %swap3A_380 = vector.shape_cast %mul3A_375 : vector<16xf32> to vector<1x16xf32>
        tpu.vector_store %arg11[%swap3A_376, %swap3A_377], %swap3A_380 {strides = array<i32>} : memref<80x128xf32, #tpu.memory_space<vmem>>, vector<1x16xf32>,
        %get3A_381 = arith.index_cast %add3A_337 : i32 to index
        %get3A_382 = arith.constant 64 : index
        %get3A_383 = tpu.vector_load %arg11[%get3A_381, %get3A_382] {strides = array<i32>} : memref<80x128xf32, #tpu.memory_space<vmem>>, vector<1x16xf32>,
        %get3A_384 = vector.shape_cast %get3A_383 : vector<1x16xf32> to vector<16xf32>
        %mul3A_385 = arith.mulf %get3A_384, %broadcast_in_dim3A_340 : vector<16xf32>
        %swap3A_386 = arith.index_cast %add3A_337 : i32 to index
        %swap3A_387 = arith.constant 64 : index
        %swap3A_388 = tpu.vector_load %arg11[%swap3A_386, %swap3A_387] {strides = array<i32>} : memref<80x128xf32, #tpu.memory_space<vmem>>, vector<1x16xf32>,
        %swap3A_389 = vector.shape_cast %swap3A_388 : vector<1x16xf32> to vector<16xf32>
        %swap3A_390 = vector.shape_cast %mul3A_385 : vector<16xf32> to vector<1x16xf32>
        tpu.vector_store %arg11[%swap3A_386, %swap3A_387], %swap3A_390 {strides = array<i32>} : memref<80x128xf32, #tpu.memory_space<vmem>>, vector<1x16xf32>,
        %get3A_391 = arith.index_cast %add3A_337 : i32 to index
        %get3A_392 = arith.constant 80 : index
        %get3A_393 = tpu.vector_load %arg11[%get3A_391, %get3A_392] {strides = array<i32>} : memref<80x128xf32, #tpu.memory_space<vmem>>, vector<1x16xf32>,
        %get3A_394 = vector.shape_cast %get3A_393 : vector<1x16xf32> to vector<16xf32>
        %mul3A_395 = arith.mulf %get3A_394, %broadcast_in_dim3A_340 : vector<16xf32>
        %swap3A_396 = arith.index_cast %add3A_337 : i32 to index
        %swap3A_397 = arith.constant 80 : index
        %swap3A_398 = tpu.vector_load %arg11[%swap3A_396, %swap3A_397] {strides = array<i32>} : memref<80x128xf32, #tpu.memory_space<vmem>>, vector<1x16xf32>,
        %swap3A_399 = vector.shape_cast %swap3A_398 : vector<1x16xf32> to vector<16xf32>
        %swap3A_400 = vector.shape_cast %mul3A_395 : vector<16xf32> to vector<1x16xf32>
        tpu.vector_store %arg11[%swap3A_396, %swap3A_397], %swap3A_400 {strides = array<i32>} : memref<80x128xf32, #tpu.memory_space<vmem>>, vector<1x16xf32>,
        %get3A_401 = arith.index_cast %add3A_337 : i32 to index
        %get3A_402 = arith.constant 96 : index
        %get3A_403 = tpu.vector_load %arg11[%get3A_401, %get3A_402] {strides = array<i32>} : memref<80x128xf32, #tpu.memory_space<vmem>>, vector<1x16xf32>,
        %get3A_404 = vector.shape_cast %get3A_403 : vector<1x16xf32> to vector<16xf32>
        %mul3A_405 = arith.mulf %get3A_404, %broadcast_in_dim3A_340 : vector<16xf32>
        %swap3A_406 = arith.index_cast %add3A_337 : i32 to index
        %swap3A_407 = arith.constant 96 : index
        %swap3A_408 = tpu.vector_load %arg11[%swap3A_406, %swap3A_407] {strides = array<i32>} : memref<80x128xf32, #tpu.memory_space<vmem>>, vector<1x16xf32>,
        %swap3A_409 = vector.shape_cast %swap3A_408 : vector<1x16xf32> to vector<16xf32>
        %swap3A_410 = vector.shape_cast %mul3A_405 : vector<16xf32> to vector<1x16xf32>
        tpu.vector_store %arg11[%swap3A_406, %swap3A_407], %swap3A_410 {strides = array<i32>} : memref<80x128xf32, #tpu.memory_space<vmem>>, vector<1x16xf32>,
        %get3A_411 = arith.index_cast %add3A_337 : i32 to index
        %get3A_412 = arith.constant 112 : index
        %get3A_413 = tpu.vector_load %arg11[%get3A_411, %get3A_412] {strides = array<i32>} : memref<80x128xf32, #tpu.memory_space<vmem>>, vector<1x16xf32>,
        %get3A_414 = vector.shape_cast %get3A_413 : vector<1x16xf32> to vector<16xf32>
        %mul3A_415 = arith.mulf %get3A_414, %broadcast_in_dim3A_340 : vector<16xf32>
        %swap3A_416 = arith.index_cast %add3A_337 : i32 to index
        %swap3A_417 = arith.constant 112 : index
        %swap3A_418 = tpu.vector_load %arg11[%swap3A_416, %swap3A_417] {strides = array<i32>} : memref<80x128xf32, #tpu.memory_space<vmem>>, vector<1x16xf32>,
        %swap3A_419 = vector.shape_cast %swap3A_418 : vector<1x16xf32> to vector<16xf32>
        %swap3A_420 = vector.shape_cast %mul3A_415 : vector<16xf32> to vector<1x16xf32>
        tpu.vector_store %arg11[%swap3A_416, %swap3A_417], %swap3A_420 {strides = array<i32>} : memref<80x128xf32, #tpu.memory_space<vmem>>, vector<1x16xf32>,
        %mul3A_421 = arith.constant 16 : i32
        %mul3A_422 = arith.muli %scan3A_158, %mul3A_421 : i32
        %add3A_423 = arith.constant 3 : i32
        %add3A_424 = arith.addi %mul3A_422, %add3A_423 : i32
        %slice3A_425 = vector.extract_strided_slice %get3A_163 {offsets = [3], sizes = [1], strides = [1]} : vector<16xf32> to vector<1xf32>
        %squeeze3A_426 = vector.extract %slice3A_425[0] : f32 from vector<1xf32>
        %broadcast_in_dim3A_427 = vector.broadcast %squeeze3A_426 : f32 to vector<16xf32>
        %get3A_428 = arith.index_cast %add3A_424 : i32 to index
        %get3A_429 = arith.constant 0 : index
        %get3A_430 = tpu.vector_load %arg11[%get3A_428, %get3A_429] {strides = array<i32>} : memref<80x128xf32, #tpu.memory_space<vmem>>, vector<1x16xf32>,
        %get3A_431 = vector.shape_cast %get3A_430 : vector<1x16xf32> to vector<16xf32>
        %mul3A_432 = arith.mulf %get3A_431, %broadcast_in_dim3A_427 : vector<16xf32>
        %swap3A_433 = arith.index_cast %add3A_424 : i32 to index
        %swap3A_434 = arith.constant 0 : index
        %swap3A_435 = tpu.vector_load %arg11[%swap3A_433, %swap3A_434] {strides = array<i32>} : memref<80x128xf32, #tpu.memory_space<vmem>>, vector<1x16xf32>,
        %swap3A_436 = vector.shape_cast %swap3A_435 : vector<1x16xf32> to vector<16xf32>
        %swap3A_437 = vector.shape_cast %mul3A_432 : vector<16xf32> to vector<1x16xf32>
        tpu.vector_store %arg11[%swap3A_433, %swap3A_434], %swap3A_437 {strides = array<i32>} : memref<80x128xf32, #tpu.memory_space<vmem>>, vector<1x16xf32>,
        %get3A_438 = arith.index_cast %add3A_424 : i32 to index
        %get3A_439 = arith.constant 16 : index
        %get3A_440 = tpu.vector_load %arg11[%get3A_438, %get3A_439] {strides = array<i32>} : memref<80x128xf32, #tpu.memory_space<vmem>>, vector<1x16xf32>,
        %get3A_441 = vector.shape_cast %get3A_440 : vector<1x16xf32> to vector<16xf32>
        %mul3A_442 = arith.mulf %get3A_441, %broadcast_in_dim3A_427 : vector<16xf32>
        %swap3A_443 = arith.index_cast %add3A_424 : i32 to index
        %swap3A_444 = arith.constant 16 : index
        %swap3A_445 = tpu.vector_load %arg11[%swap3A_443, %swap3A_444] {strides = array<i32>} : memref<80x128xf32, #tpu.memory_space<vmem>>, vector<1x16xf32>,
        %swap3A_446 = vector.shape_cast %swap3A_445 : vector<1x16xf32> to vector<16xf32>
        %swap3A_447 = vector.shape_cast %mul3A_442 : vector<16xf32> to vector<1x16xf32>
        tpu.vector_store %arg11[%swap3A_443, %swap3A_444], %swap3A_447 {strides = array<i32>} : memref<80x128xf32, #tpu.memory_space<vmem>>, vector<1x16xf32>,
        %get3A_448 = arith.index_cast %add3A_424 : i32 to index
        %get3A_449 = arith.constant 32 : index
        %get3A_450 = tpu.vector_load %arg11[%get3A_448, %get3A_449] {strides = array<i32>} : memref<80x128xf32, #tpu.memory_space<vmem>>, vector<1x16xf32>,
        %get3A_451 = vector.shape_cast %get3A_450 : vector<1x16xf32> to vector<16xf32>
        %mul3A_452 = arith.mulf %get3A_451, %broadcast_in_dim3A_427 : vector<16xf32>
        %swap3A_453 = arith.index_cast %add3A_424 : i32 to index
        %swap3A_454 = arith.constant 32 : index
        %swap3A_455 = tpu.vector_load %arg11[%swap3A_453, %swap3A_454] {strides = array<i32>} : memref<80x128xf32, #tpu.memory_space<vmem>>, vector<1x16xf32>,
        %swap3A_456 = vector.shape_cast %swap3A_455 : vector<1x16xf32> to vector<16xf32>
        %swap3A_457 = vector.shape_cast %mul3A_452 : vector<16xf32> to vector<1x16xf32>
        tpu.vector_store %arg11[%swap3A_453, %swap3A_454], %swap3A_457 {strides = array<i32>} : memref<80x128xf32, #tpu.memory_space<vmem>>, vector<1x16xf32>,
        %get3A_458 = arith.index_cast %add3A_424 : i32 to index
        %get3A_459 = arith.constant 48 : index
        %get3A_460 = tpu.vector_load %arg11[%get3A_458, %get3A_459] {strides = array<i32>} : memref<80x128xf32, #tpu.memory_space<vmem>>, vector<1x16xf32>,
        %get3A_461 = vector.shape_cast %get3A_460 : vector<1x16xf32> to vector<16xf32>
        %mul3A_462 = arith.mulf %get3A_461, %broadcast_in_dim3A_427 : vector<16xf32>
        %swap3A_463 = arith.index_cast %add3A_424 : i32 to index
        %swap3A_464 = arith.constant 48 : index
        %swap3A_465 = tpu.vector_load %arg11[%swap3A_463, %swap3A_464] {strides = array<i32>} : memref<80x128xf32, #tpu.memory_space<vmem>>, vector<1x16xf32>,
        %swap3A_466 = vector.shape_cast %swap3A_465 : vector<1x16xf32> to vector<16xf32>
        %swap3A_467 = vector.shape_cast %mul3A_462 : vector<16xf32> to vector<1x16xf32>
        tpu.vector_store %arg11[%swap3A_463, %swap3A_464], %swap3A_467 {strides = array<i32>} : memref<80x128xf32, #tpu.memory_space<vmem>>, vector<1x16xf32>,
        %get3A_468 = arith.index_cast %add3A_424 : i32 to index
        %get3A_469 = arith.constant 64 : index
        %get3A_470 = tpu.vector_load %arg11[%get3A_468, %get3A_469] {strides = array<i32>} : memref<80x128xf32, #tpu.memory_space<vmem>>, vector<1x16xf32>,
        %get3A_471 = vector.shape_cast %get3A_470 : vector<1x16xf32> to vector<16xf32>
        %mul3A_472 = arith.mulf %get3A_471, %broadcast_in_dim3A_427 : vector<16xf32>
        %swap3A_473 = arith.index_cast %add3A_424 : i32 to index
        %swap3A_474 = arith.constant 64 : index
        %swap3A_475 = tpu.vector_load %arg11[%swap3A_473, %swap3A_474] {strides = array<i32>} : memref<80x128xf32, #tpu.memory_space<vmem>>, vector<1x16xf32>,
        %swap3A_476 = vector.shape_cast %swap3A_475 : vector<1x16xf32> to vector<16xf32>
        %swap3A_477 = vector.shape_cast %mul3A_472 : vector<16xf32> to vector<1x16xf32>
        tpu.vector_store %arg11[%swap3A_473, %swap3A_474], %swap3A_477 {strides = array<i32>} : memref<80x128xf32, #tpu.memory_space<vmem>>, vector<1x16xf32>,
        %get3A_478 = arith.index_cast %add3A_424 : i32 to index
        %get3A_479 = arith.constant 80 : index
        %get3A_480 = tpu.vector_load %arg11[%get3A_478, %get3A_479] {strides = array<i32>} : memref<80x128xf32, #tpu.memory_space<vmem>>, vector<1x16xf32>,
        %get3A_481 = vector.shape_cast %get3A_480 : vector<1x16xf32> to vector<16xf32>
        %mul3A_482 = arith.mulf %get3A_481, %broadcast_in_dim3A_427 : vector<16xf32>
        %swap3A_483 = arith.index_cast %add3A_424 : i32 to index
        %swap3A_484 = arith.constant 80 : index
        %swap3A_485 = tpu.vector_load %arg11[%swap3A_483, %swap3A_484] {strides = array<i32>} : memref<80x128xf32, #tpu.memory_space<vmem>>, vector<1x16xf32>,
        %swap3A_486 = vector.shape_cast %swap3A_485 : vector<1x16xf32> to vector<16xf32>
        %swap3A_487 = vector.shape_cast %mul3A_482 : vector<16xf32> to vector<1x16xf32>
        tpu.vector_store %arg11[%swap3A_483, %swap3A_484], %swap3A_487 {strides = array<i32>} : memref<80x128xf32, #tpu.memory_space<vmem>>, vector<1x16xf32>,
        %get3A_488 = arith.index_cast %add3A_424 : i32 to index
        %get3A_489 = arith.constant 96 : index
        %get3A_490 = tpu.vector_load %arg11[%get3A_488, %get3A_489] {strides = array<i32>} : memref<80x128xf32, #tpu.memory_space<vmem>>, vector<1x16xf32>,
        %get3A_491 = vector.shape_cast %get3A_490 : vector<1x16xf32> to vector<16xf32>
        %mul3A_492 = arith.mulf %get3A_491, %broadcast_in_dim3A_427 : vector<16xf32>
        %swap3A_493 = arith.index_cast %add3A_424 : i32 to index
        %swap3A_494 = arith.constant 96 : index
        %swap3A_495 = tpu.vector_load %arg11[%swap3A_493, %swap3A_494] {strides = array<i32>} : memref<80x128xf32, #tpu.memory_space<vmem>>, vector<1x16xf32>,
        %swap3A_496 = vector.shape_cast %swap3A_495 : vector<1x16xf32> to vector<16xf32>
        %swap3A_497 = vector.shape_cast %mul3A_492 : vector<16xf32> to vector<1x16xf32>
        tpu.vector_store %arg11[%swap3A_493, %swap3A_494], %swap3A_497 {strides = array<i32>} : memref<80x128xf32, #tpu.memory_space<vmem>>, vector<1x16xf32>,
        %get3A_498 = arith.index_cast %add3A_424 : i32 to index
        %get3A_499 = arith.constant 112 : index
        %get3A_500 = tpu.vector_load %arg11[%get3A_498, %get3A_499] {strides = array<i32>} : memref<80x128xf32, #tpu.memory_space<vmem>>, vector<1x16xf32>,
        %get3A_501 = vector.shape_cast %get3A_500 : vector<1x16xf32> to vector<16xf32>
        %mul3A_502 = arith.mulf %get3A_501, %broadcast_in_dim3A_427 : vector<16xf32>
        %swap3A_503 = arith.index_cast %add3A_424 : i32 to index
        %swap3A_504 = arith.constant 112 : index
        %swap3A_505 = tpu.vector_load %arg11[%swap3A_503, %swap3A_504] {strides = array<i32>} : memref<80x128xf32, #tpu.memory_space<vmem>>, vector<1x16xf32>,
        %swap3A_506 = vector.shape_cast %swap3A_505 : vector<1x16xf32> to vector<16xf32>
        %swap3A_507 = vector.shape_cast %mul3A_502 : vector<16xf32> to vector<1x16xf32>
        tpu.vector_store %arg11[%swap3A_503, %swap3A_504], %swap3A_507 {strides = array<i32>} : memref<80x128xf32, #tpu.memory_space<vmem>>, vector<1x16xf32>,
        %mul3A_508 = arith.constant 16 : i32
        %mul3A_509 = arith.muli %scan3A_158, %mul3A_508 : i32
        %add3A_510 = arith.constant 4 : i32
        %add3A_511 = arith.addi %mul3A_509, %add3A_510 : i32
        %slice3A_512 = vector.extract_strided_slice %get3A_163 {offsets = [4], sizes = [1], strides = [1]} : vector<16xf32> to vector<1xf32>
        %squeeze3A_513 = vector.extract %slice3A_512[0] : f32 from vector<1xf32>
        %broadcast_in_dim3A_514 = vector.broadcast %squeeze3A_513 : f32 to vector<16xf32>
        %get3A_515 = arith.index_cast %add3A_511 : i32 to index
        %get3A_516 = arith.constant 0 : index
        %get3A_517 = tpu.vector_load %arg11[%get3A_515, %get3A_516] {strides = array<i32>} : memref<80x128xf32, #tpu.memory_space<vmem>>, vector<1x16xf32>,
        %get3A_518 = vector.shape_cast %get3A_517 : vector<1x16xf32> to vector<16xf32>
        %mul3A_519 = arith.mulf %get3A_518, %broadcast_in_dim3A_514 : vector<16xf32>
        %swap3A_520 = arith.index_cast %add3A_511 : i32 to index
        %swap3A_521 = arith.constant 0 : index
        %swap3A_522 = tpu.vector_load %arg11[%swap3A_520, %swap3A_521] {strides = array<i32>} : memref<80x128xf32, #tpu.memory_space<vmem>>, vector<1x16xf32>,
        %swap3A_523 = vector.shape_cast %swap3A_522 : vector<1x16xf32> to vector<16xf32>
        %swap3A_524 = vector.shape_cast %mul3A_519 : vector<16xf32> to vector<1x16xf32>
        tpu.vector_store %arg11[%swap3A_520, %swap3A_521], %swap3A_524 {strides = array<i32>} : memref<80x128xf32, #tpu.memory_space<vmem>>, vector<1x16xf32>,
        %get3A_525 = arith.index_cast %add3A_511 : i32 to index
        %get3A_526 = arith.constant 16 : index
        %get3A_527 = tpu.vector_load %arg11[%get3A_525, %get3A_526] {strides = array<i32>} : memref<80x128xf32, #tpu.memory_space<vmem>>, vector<1x16xf32>,
        %get3A_528 = vector.shape_cast %get3A_527 : vector<1x16xf32> to vector<16xf32>
        %mul3A_529 = arith.mulf %get3A_528, %broadcast_in_dim3A_514 : vector<16xf32>
        %swap3A_530 = arith.index_cast %add3A_511 : i32 to index
        %swap3A_531 = arith.constant 16 : index
        %swap3A_532 = tpu.vector_load %arg11[%swap3A_530, %swap3A_531] {strides = array<i32>} : memref<80x128xf32, #tpu.memory_space<vmem>>, vector<1x16xf32>,
        %swap3A_533 = vector.shape_cast %swap3A_532 : vector<1x16xf32> to vector<16xf32>
        %swap3A_534 = vector.shape_cast %mul3A_529 : vector<16xf32> to vector<1x16xf32>
        tpu.vector_store %arg11[%swap3A_530, %swap3A_531], %swap3A_534 {strides = array<i32>} : memref<80x128xf32, #tpu.memory_space<vmem>>, vector<1x16xf32>,
        %get3A_535 = arith.index_cast %add3A_511 : i32 to index
        %get3A_536 = arith.constant 32 : index
        %get3A_537 = tpu.vector_load %arg11[%get3A_535, %get3A_536] {strides = array<i32>} : memref<80x128xf32, #tpu.memory_space<vmem>>, vector<1x16xf32>,
        %get3A_538 = vector.shape_cast %get3A_537 : vector<1x16xf32> to vector<16xf32>
        %mul3A_539 = arith.mulf %get3A_538, %broadcast_in_dim3A_514 : vector<16xf32>
        %swap3A_540 = arith.index_cast %add3A_511 : i32 to index
        %swap3A_541 = arith.constant 32 : index
        %swap3A_542 = tpu.vector_load %arg11[%swap3A_540, %swap3A_541] {strides = array<i32>} : memref<80x128xf32, #tpu.memory_space<vmem>>, vector<1x16xf32>,
        %swap3A_543 = vector.shape_cast %swap3A_542 : vector<1x16xf32> to vector<16xf32>
        %swap3A_544 = vector.shape_cast %mul3A_539 : vector<16xf32> to vector<1x16xf32>
        tpu.vector_store %arg11[%swap3A_540, %swap3A_541], %swap3A_544 {strides = array<i32>} : memref<80x128xf32, #tpu.memory_space<vmem>>, vector<1x16xf32>,
        %get3A_545 = arith.index_cast %add3A_511 : i32 to index
        %get3A_546 = arith.constant 48 : index
        %get3A_547 = tpu.vector_load %arg11[%get3A_545, %get3A_546] {strides = array<i32>} : memref<80x128xf32, #tpu.memory_space<vmem>>, vector<1x16xf32>,
        %get3A_548 = vector.shape_cast %get3A_547 : vector<1x16xf32> to vector<16xf32>
        %mul3A_549 = arith.mulf %get3A_548, %broadcast_in_dim3A_514 : vector<16xf32>
        %swap3A_550 = arith.index_cast %add3A_511 : i32 to index
        %swap3A_551 = arith.constant 48 : index
        %swap3A_552 = tpu.vector_load %arg11[%swap3A_550, %swap3A_551] {strides = array<i32>} : memref<80x128xf32, #tpu.memory_space<vmem>>, vector<1x16xf32>,
        %swap3A_553 = vector.shape_cast %swap3A_552 : vector<1x16xf32> to vector<16xf32>
        %swap3A_554 = vector.shape_cast %mul3A_549 : vector<16xf32> to vector<1x16xf32>
        tpu.vector_store %arg11[%swap3A_550, %swap3A_551], %swap3A_554 {strides = array<i32>} : memref<80x128xf32, #tpu.memory_space<vmem>>, vector<1x16xf32>,
        %get3A_555 = arith.index_cast %add3A_511 : i32 to index
        %get3A_556 = arith.constant 64 : index
        %get3A_557 = tpu.vector_load %arg11[%get3A_555, %get3A_556] {strides = array<i32>} : memref<80x128xf32, #tpu.memory_space<vmem>>, vector<1x16xf32>,
        %get3A_558 = vector.shape_cast %get3A_557 : vector<1x16xf32> to vector<16xf32>
        %mul3A_559 = arith.mulf %get3A_558, %broadcast_in_dim3A_514 : vector<16xf32>
        %swap3A_560 = arith.index_cast %add3A_511 : i32 to index
        %swap3A_561 = arith.constant 64 : index
        %swap3A_562 = tpu.vector_load %arg11[%swap3A_560, %swap3A_561] {strides = array<i32>} : memref<80x128xf32, #tpu.memory_space<vmem>>, vector<1x16xf32>,
        %swap3A_563 = vector.shape_cast %swap3A_562 : vector<1x16xf32> to vector<16xf32>
        %swap3A_564 = vector.shape_cast %mul3A_559 : vector<16xf32> to vector<1x16xf32>
        tpu.vector_store %arg11[%swap3A_560, %swap3A_561], %swap3A_564 {strides = array<i32>} : memref<80x128xf32, #tpu.memory_space<vmem>>, vector<1x16xf32>,
        %get3A_565 = arith.index_cast %add3A_511 : i32 to index
        %get3A_566 = arith.constant 80 : index
        %get3A_567 = tpu.vector_load %arg11[%get3A_565, %get3A_566] {strides = array<i32>} : memref<80x128xf32, #tpu.memory_space<vmem>>, vector<1x16xf32>,
        %get3A_568 = vector.shape_cast %get3A_567 : vector<1x16xf32> to vector<16xf32>
        %mul3A_569 = arith.mulf %get3A_568, %broadcast_in_dim3A_514 : vector<16xf32>
        %swap3A_570 = arith.index_cast %add3A_511 : i32 to index
        %swap3A_571 = arith.constant 80 : index
        %swap3A_572 = tpu.vector_load %arg11[%swap3A_570, %swap3A_571] {strides = array<i32>} : memref<80x128xf32, #tpu.memory_space<vmem>>, vector<1x16xf32>,
        %swap3A_573 = vector.shape_cast %swap3A_572 : vector<1x16xf32> to vector<16xf32>
        %swap3A_574 = vector.shape_cast %mul3A_569 : vector<16xf32> to vector<1x16xf32>
        tpu.vector_store %arg11[%swap3A_570, %swap3A_571], %swap3A_574 {strides = array<i32>} : memref<80x128xf32, #tpu.memory_space<vmem>>, vector<1x16xf32>,
        %get3A_575 = arith.index_cast %add3A_511 : i32 to index
        %get3A_576 = arith.constant 96 : index
        %get3A_577 = tpu.vector_load %arg11[%get3A_575, %get3A_576] {strides = array<i32>} : memref<80x128xf32, #tpu.memory_space<vmem>>, vector<1x16xf32>,
        %get3A_578 = vector.shape_cast %get3A_577 : vector<1x16xf32> to vector<16xf32>
        %mul3A_579 = arith.mulf %get3A_578, %broadcast_in_dim3A_514 : vector<16xf32>
        %swap3A_580 = arith.index_cast %add3A_511 : i32 to index
        %swap3A_581 = arith.constant 96 : index
        %swap3A_582 = tpu.vector_load %arg11[%swap3A_580, %swap3A_581] {strides = array<i32>} : memref<80x128xf32, #tpu.memory_space<vmem>>, vector<1x16xf32>,
        %swap3A_583 = vector.shape_cast %swap3A_582 : vector<1x16xf32> to vector<16xf32>
        %swap3A_584 = vector.shape_cast %mul3A_579 : vector<16xf32> to vector<1x16xf32>
        tpu.vector_store %arg11[%swap3A_580, %swap3A_581], %swap3A_584 {strides = array<i32>} : memref<80x128xf32, #tpu.memory_space<vmem>>, vector<1x16xf32>,
        %get3A_585 = arith.index_cast %add3A_511 : i32 to index
        %get3A_586 = arith.constant 112 : index
        %get3A_587 = tpu.vector_load %arg11[%get3A_585, %get3A_586] {strides = array<i32>} : memref<80x128xf32, #tpu.memory_space<vmem>>, vector<1x16xf32>,
        %get3A_588 = vector.shape_cast %get3A_587 : vector<1x16xf32> to vector<16xf32>
        %mul3A_589 = arith.mulf %get3A_588, %broadcast_in_dim3A_514 : vector<16xf32>
        %swap3A_590 = arith.index_cast %add3A_511 : i32 to index
        %swap3A_591 = arith.constant 112 : index
        %swap3A_592 = tpu.vector_load %arg11[%swap3A_590, %swap3A_591] {strides = array<i32>} : memref<80x128xf32, #tpu.memory_space<vmem>>, vector<1x16xf32>,
        %swap3A_593 = vector.shape_cast %swap3A_592 : vector<1x16xf32> to vector<16xf32>
        %swap3A_594 = vector.shape_cast %mul3A_589 : vector<16xf32> to vector<1x16xf32>
        tpu.vector_store %arg11[%swap3A_590, %swap3A_591], %swap3A_594 {strides = array<i32>} : memref<80x128xf32, #tpu.memory_space<vmem>>, vector<1x16xf32>,
        %mul3A_595 = arith.constant 16 : i32
        %mul3A_596 = arith.muli %scan3A_158, %mul3A_595 : i32
        %add3A_597 = arith.constant 5 : i32
        %add3A_598 = arith.addi %mul3A_596, %add3A_597 : i32
        %slice3A_599 = vector.extract_strided_slice %get3A_163 {offsets = [5], sizes = [1], strides = [1]} : vector<16xf32> to vector<1xf32>
        %squeeze3A_600 = vector.extract %slice3A_599[0] : f32 from vector<1xf32>
        %broadcast_in_dim3A_601 = vector.broadcast %squeeze3A_600 : f32 to vector<16xf32>
        %get3A_602 = arith.index_cast %add3A_598 : i32 to index
        %get3A_603 = arith.constant 0 : index
        %get3A_604 = tpu.vector_load %arg11[%get3A_602, %get3A_603] {strides = array<i32>} : memref<80x128xf32, #tpu.memory_space<vmem>>, vector<1x16xf32>,
        %get3A_605 = vector.shape_cast %get3A_604 : vector<1x16xf32> to vector<16xf32>
        %mul3A_606 = arith.mulf %get3A_605, %broadcast_in_dim3A_601 : vector<16xf32>
        %swap3A_607 = arith.index_cast %add3A_598 : i32 to index
        %swap3A_608 = arith.constant 0 : index
        %swap3A_609 = tpu.vector_load %arg11[%swap3A_607, %swap3A_608] {strides = array<i32>} : memref<80x128xf32, #tpu.memory_space<vmem>>, vector<1x16xf32>,
        %swap3A_610 = vector.shape_cast %swap3A_609 : vector<1x16xf32> to vector<16xf32>
        %swap3A_611 = vector.shape_cast %mul3A_606 : vector<16xf32> to vector<1x16xf32>
        tpu.vector_store %arg11[%swap3A_607, %swap3A_608], %swap3A_611 {strides = array<i32>} : memref<80x128xf32, #tpu.memory_space<vmem>>, vector<1x16xf32>,
        %get3A_612 = arith.index_cast %add3A_598 : i32 to index
        %get3A_613 = arith.constant 16 : index
        %get3A_614 = tpu.vector_load %arg11[%get3A_612, %get3A_613] {strides = array<i32>} : memref<80x128xf32, #tpu.memory_space<vmem>>, vector<1x16xf32>,
        %get3A_615 = vector.shape_cast %get3A_614 : vector<1x16xf32> to vector<16xf32>
        %mul3A_616 = arith.mulf %get3A_615, %broadcast_in_dim3A_601 : vector<16xf32>
        %swap3A_617 = arith.index_cast %add3A_598 : i32 to index
        %swap3A_618 = arith.constant 16 : index
        %swap3A_619 = tpu.vector_load %arg11[%swap3A_617, %swap3A_618] {strides = array<i32>} : memref<80x128xf32, #tpu.memory_space<vmem>>, vector<1x16xf32>,
        %swap3A_620 = vector.shape_cast %swap3A_619 : vector<1x16xf32> to vector<16xf32>
        %swap3A_621 = vector.shape_cast %mul3A_616 : vector<16xf32> to vector<1x16xf32>
        tpu.vector_store %arg11[%swap3A_617, %swap3A_618], %swap3A_621 {strides = array<i32>} : memref<80x128xf32, #tpu.memory_space<vmem>>, vector<1x16xf32>,
        %get3A_622 = arith.index_cast %add3A_598 : i32 to index
        %get3A_623 = arith.constant 32 : index
        %get3A_624 = tpu.vector_load %arg11[%get3A_622, %get3A_623] {strides = array<i32>} : memref<80x128xf32, #tpu.memory_space<vmem>>, vector<1x16xf32>,
        %get3A_625 = vector.shape_cast %get3A_624 : vector<1x16xf32> to vector<16xf32>
        %mul3A_626 = arith.mulf %get3A_625, %broadcast_in_dim3A_601 : vector<16xf32>
        %swap3A_627 = arith.index_cast %add3A_598 : i32 to index
        %swap3A_628 = arith.constant 32 : index
        %swap3A_629 = tpu.vector_load %arg11[%swap3A_627, %swap3A_628] {strides = array<i32>} : memref<80x128xf32, #tpu.memory_space<vmem>>, vector<1x16xf32>,
        %swap3A_630 = vector.shape_cast %swap3A_629 : vector<1x16xf32> to vector<16xf32>
        %swap3A_631 = vector.shape_cast %mul3A_626 : vector<16xf32> to vector<1x16xf32>
        tpu.vector_store %arg11[%swap3A_627, %swap3A_628], %swap3A_631 {strides = array<i32>} : memref<80x128xf32, #tpu.memory_space<vmem>>, vector<1x16xf32>,
        %get3A_632 = arith.index_cast %add3A_598 : i32 to index
        %get3A_633 = arith.constant 48 : index
        %get3A_634 = tpu.vector_load %arg11[%get3A_632, %get3A_633] {strides = array<i32>} : memref<80x128xf32, #tpu.memory_space<vmem>>, vector<1x16xf32>,
        %get3A_635 = vector.shape_cast %get3A_634 : vector<1x16xf32> to vector<16xf32>
        %mul3A_636 = arith.mulf %get3A_635, %broadcast_in_dim3A_601 : vector<16xf32>
        %swap3A_637 = arith.index_cast %add3A_598 : i32 to index
        %swap3A_638 = arith.constant 48 : index
        %swap3A_639 = tpu.vector_load %arg11[%swap3A_637, %swap3A_638] {strides = array<i32>} : memref<80x128xf32, #tpu.memory_space<vmem>>, vector<1x16xf32>,
        %swap3A_640 = vector.shape_cast %swap3A_639 : vector<1x16xf32> to vector<16xf32>
        %swap3A_641 = vector.shape_cast %mul3A_636 : vector<16xf32> to vector<1x16xf32>
        tpu.vector_store %arg11[%swap3A_637, %swap3A_638], %swap3A_641 {strides = array<i32>} : memref<80x128xf32, #tpu.memory_space<vmem>>, vector<1x16xf32>,
        %get3A_642 = arith.index_cast %add3A_598 : i32 to index
        %get3A_643 = arith.constant 64 : index
        %get3A_644 = tpu.vector_load %arg11[%get3A_642, %get3A_643] {strides = array<i32>} : memref<80x128xf32, #tpu.memory_space<vmem>>, vector<1x16xf32>,
        %get3A_645 = vector.shape_cast %get3A_644 : vector<1x16xf32> to vector<16xf32>
        %mul3A_646 = arith.mulf %get3A_645, %broadcast_in_dim3A_601 : vector<16xf32>
        %swap3A_647 = arith.index_cast %add3A_598 : i32 to index
        %swap3A_648 = arith.constant 64 : index
        %swap3A_649 = tpu.vector_load %arg11[%swap3A_647, %swap3A_648] {strides = array<i32>} : memref<80x128xf32, #tpu.memory_space<vmem>>, vector<1x16xf32>,
        %swap3A_650 = vector.shape_cast %swap3A_649 : vector<1x16xf32> to vector<16xf32>
        %swap3A_651 = vector.shape_cast %mul3A_646 : vector<16xf32> to vector<1x16xf32>
        tpu.vector_store %arg11[%swap3A_647, %swap3A_648], %swap3A_651 {strides = array<i32>} : memref<80x128xf32, #tpu.memory_space<vmem>>, vector<1x16xf32>,
        %get3A_652 = arith.index_cast %add3A_598 : i32 to index
        %get3A_653 = arith.constant 80 : index
        %get3A_654 = tpu.vector_load %arg11[%get3A_652, %get3A_653] {strides = array<i32>} : memref<80x128xf32, #tpu.memory_space<vmem>>, vector<1x16xf32>,
        %get3A_655 = vector.shape_cast %get3A_654 : vector<1x16xf32> to vector<16xf32>
        %mul3A_656 = arith.mulf %get3A_655, %broadcast_in_dim3A_601 : vector<16xf32>
        %swap3A_657 = arith.index_cast %add3A_598 : i32 to index
        %swap3A_658 = arith.constant 80 : index
        %swap3A_659 = tpu.vector_load %arg11[%swap3A_657, %swap3A_658] {strides = array<i32>} : memref<80x128xf32, #tpu.memory_space<vmem>>, vector<1x16xf32>,
        %swap3A_660 = vector.shape_cast %swap3A_659 : vector<1x16xf32> to vector<16xf32>
        %swap3A_661 = vector.shape_cast %mul3A_656 : vector<16xf32> to vector<1x16xf32>
        tpu.vector_store %arg11[%swap3A_657, %swap3A_658], %swap3A_661 {strides = array<i32>} : memref<80x128xf32, #tpu.memory_space<vmem>>, vector<1x16xf32>,
        %get3A_662 = arith.index_cast %add3A_598 : i32 to index
        %get3A_663 = arith.constant 96 : index
        %get3A_664 = tpu.vector_load %arg11[%get3A_662, %get3A_663] {strides = array<i32>} : memref<80x128xf32, #tpu.memory_space<vmem>>, vector<1x16xf32>,
        %get3A_665 = vector.shape_cast %get3A_664 : vector<1x16xf32> to vector<16xf32>
        %mul3A_666 = arith.mulf %get3A_665, %broadcast_in_dim3A_601 : vector<16xf32>
        %swap3A_667 = arith.index_cast %add3A_598 : i32 to index
        %swap3A_668 = arith.constant 96 : index
        %swap3A_669 = tpu.vector_load %arg11[%swap3A_667, %swap3A_668] {strides = array<i32>} : memref<80x128xf32, #tpu.memory_space<vmem>>, vector<1x16xf32>,
        %swap3A_670 = vector.shape_cast %swap3A_669 : vector<1x16xf32> to vector<16xf32>
        %swap3A_671 = vector.shape_cast %mul3A_666 : vector<16xf32> to vector<1x16xf32>
        tpu.vector_store %arg11[%swap3A_667, %swap3A_668], %swap3A_671 {strides = array<i32>} : memref<80x128xf32, #tpu.memory_space<vmem>>, vector<1x16xf32>,
        %get3A_672 = arith.index_cast %add3A_598 : i32 to index
        %get3A_673 = arith.constant 112 : index
        %get3A_674 = tpu.vector_load %arg11[%get3A_672, %get3A_673] {strides = array<i32>} : memref<80x128xf32, #tpu.memory_space<vmem>>, vector<1x16xf32>,
        %get3A_675 = vector.shape_cast %get3A_674 : vector<1x16xf32> to vector<16xf32>
        %mul3A_676 = arith.mulf %get3A_675, %broadcast_in_dim3A_601 : vector<16xf32>
        %swap3A_677 = arith.index_cast %add3A_598 : i32 to index
        %swap3A_678 = arith.constant 112 : index
        %swap3A_679 = tpu.vector_load %arg11[%swap3A_677, %swap3A_678] {strides = array<i32>} : memref<80x128xf32, #tpu.memory_space<vmem>>, vector<1x16xf32>,
        %swap3A_680 = vector.shape_cast %swap3A_679 : vector<1x16xf32> to vector<16xf32>
        %swap3A_681 = vector.shape_cast %mul3A_676 : vector<16xf32> to vector<1x16xf32>
        tpu.vector_store %arg11[%swap3A_677, %swap3A_678], %swap3A_681 {strides = array<i32>} : memref<80x128xf32, #tpu.memory_space<vmem>>, vector<1x16xf32>,
        %mul3A_682 = arith.constant 16 : i32
        %mul3A_683 = arith.muli %scan3A_158, %mul3A_682 : i32
        %add3A_684 = arith.constant 6 : i32
        %add3A_685 = arith.addi %mul3A_683, %add3A_684 : i32
        %slice3A_686 = vector.extract_strided_slice %get3A_163 {offsets = [6], sizes = [1], strides = [1]} : vector<16xf32> to vector<1xf32>
        %squeeze3A_687 = vector.extract %slice3A_686[0] : f32 from vector<1xf32>
        %broadcast_in_dim3A_688 = vector.broadcast %squeeze3A_687 : f32 to vector<16xf32>
        %get3A_689 = arith.index_cast %add3A_685 : i32 to index
        %get3A_690 = arith.constant 0 : index
        %get3A_691 = tpu.vector_load %arg11[%get3A_689, %get3A_690] {strides = array<i32>} : memref<80x128xf32, #tpu.memory_space<vmem>>, vector<1x16xf32>,
        %get3A_692 = vector.shape_cast %get3A_691 : vector<1x16xf32> to vector<16xf32>
        %mul3A_693 = arith.mulf %get3A_692, %broadcast_in_dim3A_688 : vector<16xf32>
        %swap3A_694 = arith.index_cast %add3A_685 : i32 to index
        %swap3A_695 = arith.constant 0 : index
        %swap3A_696 = tpu.vector_load %arg11[%swap3A_694, %swap3A_695] {strides = array<i32>} : memref<80x128xf32, #tpu.memory_space<vmem>>, vector<1x16xf32>,
        %swap3A_697 = vector.shape_cast %swap3A_696 : vector<1x16xf32> to vector<16xf32>
        %swap3A_698 = vector.shape_cast %mul3A_693 : vector<16xf32> to vector<1x16xf32>
        tpu.vector_store %arg11[%swap3A_694, %swap3A_695], %swap3A_698 {strides = array<i32>} : memref<80x128xf32, #tpu.memory_space<vmem>>, vector<1x16xf32>,
        %get3A_699 = arith.index_cast %add3A_685 : i32 to index
        %get3A_700 = arith.constant 16 : index
        %get3A_701 = tpu.vector_load %arg11[%get3A_699, %get3A_700] {strides = array<i32>} : memref<80x128xf32, #tpu.memory_space<vmem>>, vector<1x16xf32>,
        %get3A_702 = vector.shape_cast %get3A_701 : vector<1x16xf32> to vector<16xf32>
        %mul3A_703 = arith.mulf %get3A_702, %broadcast_in_dim3A_688 : vector<16xf32>
        %swap3A_704 = arith.index_cast %add3A_685 : i32 to index
        %swap3A_705 = arith.constant 16 : index
        %swap3A_706 = tpu.vector_load %arg11[%swap3A_704, %swap3A_705] {strides = array<i32>} : memref<80x128xf32, #tpu.memory_space<vmem>>, vector<1x16xf32>,
        %swap3A_707 = vector.shape_cast %swap3A_706 : vector<1x16xf32> to vector<16xf32>
        %swap3A_708 = vector.shape_cast %mul3A_703 : vector<16xf32> to vector<1x16xf32>
        tpu.vector_store %arg11[%swap3A_704, %swap3A_705], %swap3A_708 {strides = array<i32>} : memref<80x128xf32, #tpu.memory_space<vmem>>, vector<1x16xf32>,
        %get3A_709 = arith.index_cast %add3A_685 : i32 to index
        %get3A_710 = arith.constant 32 : index
        %get3A_711 = tpu.vector_load %arg11[%get3A_709, %get3A_710] {strides = array<i32>} : memref<80x128xf32, #tpu.memory_space<vmem>>, vector<1x16xf32>,
        %get3A_712 = vector.shape_cast %get3A_711 : vector<1x16xf32> to vector<16xf32>
        %mul3A_713 = arith.mulf %get3A_712, %broadcast_in_dim3A_688 : vector<16xf32>
        %swap3A_714 = arith.index_cast %add3A_685 : i32 to index
        %swap3A_715 = arith.constant 32 : index
        %swap3A_716 = tpu.vector_load %arg11[%swap3A_714, %swap3A_715] {strides = array<i32>} : memref<80x128xf32, #tpu.memory_space<vmem>>, vector<1x16xf32>,
        %swap3A_717 = vector.shape_cast %swap3A_716 : vector<1x16xf32> to vector<16xf32>
        %swap3A_718 = vector.shape_cast %mul3A_713 : vector<16xf32> to vector<1x16xf32>
        tpu.vector_store %arg11[%swap3A_714, %swap3A_715], %swap3A_718 {strides = array<i32>} : memref<80x128xf32, #tpu.memory_space<vmem>>, vector<1x16xf32>,
        %get3A_719 = arith.index_cast %add3A_685 : i32 to index
        %get3A_720 = arith.constant 48 : index
        %get3A_721 = tpu.vector_load %arg11[%get3A_719, %get3A_720] {strides = array<i32>} : memref<80x128xf32, #tpu.memory_space<vmem>>, vector<1x16xf32>,
        %get3A_722 = vector.shape_cast %get3A_721 : vector<1x16xf32> to vector<16xf32>
        %mul3A_723 = arith.mulf %get3A_722, %broadcast_in_dim3A_688 : vector<16xf32>
        %swap3A_724 = arith.index_cast %add3A_685 : i32 to index
        %swap3A_725 = arith.constant 48 : index
        %swap3A_726 = tpu.vector_load %arg11[%swap3A_724, %swap3A_725] {strides = array<i32>} : memref<80x128xf32, #tpu.memory_space<vmem>>, vector<1x16xf32>,
        %swap3A_727 = vector.shape_cast %swap3A_726 : vector<1x16xf32> to vector<16xf32>
        %swap3A_728 = vector.shape_cast %mul3A_723 : vector<16xf32> to vector<1x16xf32>
        tpu.vector_store %arg11[%swap3A_724, %swap3A_725], %swap3A_728 {strides = array<i32>} : memref<80x128xf32, #tpu.memory_space<vmem>>, vector<1x16xf32>,
        %get3A_729 = arith.index_cast %add3A_685 : i32 to index
        %get3A_730 = arith.constant 64 : index
        %get3A_731 = tpu.vector_load %arg11[%get3A_729, %get3A_730] {strides = array<i32>} : memref<80x128xf32, #tpu.memory_space<vmem>>, vector<1x16xf32>,
        %get3A_732 = vector.shape_cast %get3A_731 : vector<1x16xf32> to vector<16xf32>
        %mul3A_733 = arith.mulf %get3A_732, %broadcast_in_dim3A_688 : vector<16xf32>
        %swap3A_734 = arith.index_cast %add3A_685 : i32 to index
        %swap3A_735 = arith.constant 64 : index
        %swap3A_736 = tpu.vector_load %arg11[%swap3A_734, %swap3A_735] {strides = array<i32>} : memref<80x128xf32, #tpu.memory_space<vmem>>, vector<1x16xf32>,
        %swap3A_737 = vector.shape_cast %swap3A_736 : vector<1x16xf32> to vector<16xf32>
        %swap3A_738 = vector.shape_cast %mul3A_733 : vector<16xf32> to vector<1x16xf32>
        tpu.vector_store %arg11[%swap3A_734, %swap3A_735], %swap3A_738 {strides = array<i32>} : memref<80x128xf32, #tpu.memory_space<vmem>>, vector<1x16xf32>,
        %get3A_739 = arith.index_cast %add3A_685 : i32 to index
        %get3A_740 = arith.constant 80 : index
        %get3A_741 = tpu.vector_load %arg11[%get3A_739, %get3A_740] {strides = array<i32>} : memref<80x128xf32, #tpu.memory_space<vmem>>, vector<1x16xf32>,
        %get3A_742 = vector.shape_cast %get3A_741 : vector<1x16xf32> to vector<16xf32>
        %mul3A_743 = arith.mulf %get3A_742, %broadcast_in_dim3A_688 : vector<16xf32>
        %swap3A_744 = arith.index_cast %add3A_685 : i32 to index
        %swap3A_745 = arith.constant 80 : index
        %swap3A_746 = tpu.vector_load %arg11[%swap3A_744, %swap3A_745] {strides = array<i32>} : memref<80x128xf32, #tpu.memory_space<vmem>>, vector<1x16xf32>,
        %swap3A_747 = vector.shape_cast %swap3A_746 : vector<1x16xf32> to vector<16xf32>
        %swap3A_748 = vector.shape_cast %mul3A_743 : vector<16xf32> to vector<1x16xf32>
        tpu.vector_store %arg11[%swap3A_744, %swap3A_745], %swap3A_748 {strides = array<i32>} : memref<80x128xf32, #tpu.memory_space<vmem>>, vector<1x16xf32>,
        %get3A_749 = arith.index_cast %add3A_685 : i32 to index
        %get3A_750 = arith.constant 96 : index
        %get3A_751 = tpu.vector_load %arg11[%get3A_749, %get3A_750] {strides = array<i32>} : memref<80x128xf32, #tpu.memory_space<vmem>>, vector<1x16xf32>,
        %get3A_752 = vector.shape_cast %get3A_751 : vector<1x16xf32> to vector<16xf32>
        %mul3A_753 = arith.mulf %get3A_752, %broadcast_in_dim3A_688 : vector<16xf32>
        %swap3A_754 = arith.index_cast %add3A_685 : i32 to index
        %swap3A_755 = arith.constant 96 : index
        %swap3A_756 = tpu.vector_load %arg11[%swap3A_754, %swap3A_755] {strides = array<i32>} : memref<80x128xf32, #tpu.memory_space<vmem>>, vector<1x16xf32>,
        %swap3A_757 = vector.shape_cast %swap3A_756 : vector<1x16xf32> to vector<16xf32>
        %swap3A_758 = vector.shape_cast %mul3A_753 : vector<16xf32> to vector<1x16xf32>
        tpu.vector_store %arg11[%swap3A_754, %swap3A_755], %swap3A_758 {strides = array<i32>} : memref<80x128xf32, #tpu.memory_space<vmem>>, vector<1x16xf32>,
        %get3A_759 = arith.index_cast %add3A_685 : i32 to index
        %get3A_760 = arith.constant 112 : index
        %get3A_761 = tpu.vector_load %arg11[%get3A_759, %get3A_760] {strides = array<i32>} : memref<80x128xf32, #tpu.memory_space<vmem>>, vector<1x16xf32>,
        %get3A_762 = vector.shape_cast %get3A_761 : vector<1x16xf32> to vector<16xf32>
        %mul3A_763 = arith.mulf %get3A_762, %broadcast_in_dim3A_688 : vector<16xf32>
        %swap3A_764 = arith.index_cast %add3A_685 : i32 to index
        %swap3A_765 = arith.constant 112 : index
        %swap3A_766 = tpu.vector_load %arg11[%swap3A_764, %swap3A_765] {strides = array<i32>} : memref<80x128xf32, #tpu.memory_space<vmem>>, vector<1x16xf32>,
        %swap3A_767 = vector.shape_cast %swap3A_766 : vector<1x16xf32> to vector<16xf32>
        %swap3A_768 = vector.shape_cast %mul3A_763 : vector<16xf32> to vector<1x16xf32>
        tpu.vector_store %arg11[%swap3A_764, %swap3A_765], %swap3A_768 {strides = array<i32>} : memref<80x128xf32, #tpu.memory_space<vmem>>, vector<1x16xf32>,
        %mul3A_769 = arith.constant 16 : i32
        %mul3A_770 = arith.muli %scan3A_158, %mul3A_769 : i32
        %add3A_771 = arith.constant 7 : i32
        %add3A_772 = arith.addi %mul3A_770, %add3A_771 : i32
        %slice3A_773 = vector.extract_strided_slice %get3A_163 {offsets = [7], sizes = [1], strides = [1]} : vector<16xf32> to vector<1xf32>
        %squeeze3A_774 = vector.extract %slice3A_773[0] : f32 from vector<1xf32>
        %broadcast_in_dim3A_775 = vector.broadcast %squeeze3A_774 : f32 to vector<16xf32>
        %get3A_776 = arith.index_cast %add3A_772 : i32 to index
        %get3A_777 = arith.constant 0 : index
        %get3A_778 = tpu.vector_load %arg11[%get3A_776, %get3A_777] {strides = array<i32>} : memref<80x128xf32, #tpu.memory_space<vmem>>, vector<1x16xf32>,
        %get3A_779 = vector.shape_cast %get3A_778 : vector<1x16xf32> to vector<16xf32>
        %mul3A_780 = arith.mulf %get3A_779, %broadcast_in_dim3A_775 : vector<16xf32>
        %swap3A_781 = arith.index_cast %add3A_772 : i32 to index
        %swap3A_782 = arith.constant 0 : index
        %swap3A_783 = tpu.vector_load %arg11[%swap3A_781, %swap3A_782] {strides = array<i32>} : memref<80x128xf32, #tpu.memory_space<vmem>>, vector<1x16xf32>,
        %swap3A_784 = vector.shape_cast %swap3A_783 : vector<1x16xf32> to vector<16xf32>
        %swap3A_785 = vector.shape_cast %mul3A_780 : vector<16xf32> to vector<1x16xf32>
        tpu.vector_store %arg11[%swap3A_781, %swap3A_782], %swap3A_785 {strides = array<i32>} : memref<80x128xf32, #tpu.memory_space<vmem>>, vector<1x16xf32>,
        %get3A_786 = arith.index_cast %add3A_772 : i32 to index
        %get3A_787 = arith.constant 16 : index
        %get3A_788 = tpu.vector_load %arg11[%get3A_786, %get3A_787] {strides = array<i32>} : memref<80x128xf32, #tpu.memory_space<vmem>>, vector<1x16xf32>,
        %get3A_789 = vector.shape_cast %get3A_788 : vector<1x16xf32> to vector<16xf32>
        %mul3A_790 = arith.mulf %get3A_789, %broadcast_in_dim3A_775 : vector<16xf32>
        %swap3A_791 = arith.index_cast %add3A_772 : i32 to index
        %swap3A_792 = arith.constant 16 : index
        %swap3A_793 = tpu.vector_load %arg11[%swap3A_791, %swap3A_792] {strides = array<i32>} : memref<80x128xf32, #tpu.memory_space<vmem>>, vector<1x16xf32>,
        %swap3A_794 = vector.shape_cast %swap3A_793 : vector<1x16xf32> to vector<16xf32>
        %swap3A_795 = vector.shape_cast %mul3A_790 : vector<16xf32> to vector<1x16xf32>
        tpu.vector_store %arg11[%swap3A_791, %swap3A_792], %swap3A_795 {strides = array<i32>} : memref<80x128xf32, #tpu.memory_space<vmem>>, vector<1x16xf32>,
        %get3A_796 = arith.index_cast %add3A_772 : i32 to index
        %get3A_797 = arith.constant 32 : index
        %get3A_798 = tpu.vector_load %arg11[%get3A_796, %get3A_797] {strides = array<i32>} : memref<80x128xf32, #tpu.memory_space<vmem>>, vector<1x16xf32>,
        %get3A_799 = vector.shape_cast %get3A_798 : vector<1x16xf32> to vector<16xf32>
        %mul3A_800 = arith.mulf %get3A_799, %broadcast_in_dim3A_775 : vector<16xf32>
        %swap3A_801 = arith.index_cast %add3A_772 : i32 to index
        %swap3A_802 = arith.constant 32 : index
        %swap3A_803 = tpu.vector_load %arg11[%swap3A_801, %swap3A_802] {strides = array<i32>} : memref<80x128xf32, #tpu.memory_space<vmem>>, vector<1x16xf32>,
        %swap3A_804 = vector.shape_cast %swap3A_803 : vector<1x16xf32> to vector<16xf32>
        %swap3A_805 = vector.shape_cast %mul3A_800 : vector<16xf32> to vector<1x16xf32>
        tpu.vector_store %arg11[%swap3A_801, %swap3A_802], %swap3A_805 {strides = array<i32>} : memref<80x128xf32, #tpu.memory_space<vmem>>, vector<1x16xf32>,
        %get3A_806 = arith.index_cast %add3A_772 : i32 to index
        %get3A_807 = arith.constant 48 : index
        %get3A_808 = tpu.vector_load %arg11[%get3A_806, %get3A_807] {strides = array<i32>} : memref<80x128xf32, #tpu.memory_space<vmem>>, vector<1x16xf32>,
        %get3A_809 = vector.shape_cast %get3A_808 : vector<1x16xf32> to vector<16xf32>
        %mul3A_810 = arith.mulf %get3A_809, %broadcast_in_dim3A_775 : vector<16xf32>
        %swap3A_811 = arith.index_cast %add3A_772 : i32 to index
        %swap3A_812 = arith.constant 48 : index
        %swap3A_813 = tpu.vector_load %arg11[%swap3A_811, %swap3A_812] {strides = array<i32>} : memref<80x128xf32, #tpu.memory_space<vmem>>, vector<1x16xf32>,
        %swap3A_814 = vector.shape_cast %swap3A_813 : vector<1x16xf32> to vector<16xf32>
        %swap3A_815 = vector.shape_cast %mul3A_810 : vector<16xf32> to vector<1x16xf32>
        tpu.vector_store %arg11[%swap3A_811, %swap3A_812], %swap3A_815 {strides = array<i32>} : memref<80x128xf32, #tpu.memory_space<vmem>>, vector<1x16xf32>,
        %get3A_816 = arith.index_cast %add3A_772 : i32 to index
        %get3A_817 = arith.constant 64 : index
        %get3A_818 = tpu.vector_load %arg11[%get3A_816, %get3A_817] {strides = array<i32>} : memref<80x128xf32, #tpu.memory_space<vmem>>, vector<1x16xf32>,
        %get3A_819 = vector.shape_cast %get3A_818 : vector<1x16xf32> to vector<16xf32>
        %mul3A_820 = arith.mulf %get3A_819, %broadcast_in_dim3A_775 : vector<16xf32>
        %swap3A_821 = arith.index_cast %add3A_772 : i32 to index
        %swap3A_822 = arith.constant 64 : index
        %swap3A_823 = tpu.vector_load %arg11[%swap3A_821, %swap3A_822] {strides = array<i32>} : memref<80x128xf32, #tpu.memory_space<vmem>>, vector<1x16xf32>,
        %swap3A_824 = vector.shape_cast %swap3A_823 : vector<1x16xf32> to vector<16xf32>
        %swap3A_825 = vector.shape_cast %mul3A_820 : vector<16xf32> to vector<1x16xf32>
        tpu.vector_store %arg11[%swap3A_821, %swap3A_822], %swap3A_825 {strides = array<i32>} : memref<80x128xf32, #tpu.memory_space<vmem>>, vector<1x16xf32>,
        %get3A_826 = arith.index_cast %add3A_772 : i32 to index
        %get3A_827 = arith.constant 80 : index
        %get3A_828 = tpu.vector_load %arg11[%get3A_826, %get3A_827] {strides = array<i32>} : memref<80x128xf32, #tpu.memory_space<vmem>>, vector<1x16xf32>,
        %get3A_829 = vector.shape_cast %get3A_828 : vector<1x16xf32> to vector<16xf32>
        %mul3A_830 = arith.mulf %get3A_829, %broadcast_in_dim3A_775 : vector<16xf32>
        %swap3A_831 = arith.index_cast %add3A_772 : i32 to index
        %swap3A_832 = arith.constant 80 : index
        %swap3A_833 = tpu.vector_load %arg11[%swap3A_831, %swap3A_832] {strides = array<i32>} : memref<80x128xf32, #tpu.memory_space<vmem>>, vector<1x16xf32>,
        %swap3A_834 = vector.shape_cast %swap3A_833 : vector<1x16xf32> to vector<16xf32>
        %swap3A_835 = vector.shape_cast %mul3A_830 : vector<16xf32> to vector<1x16xf32>
        tpu.vector_store %arg11[%swap3A_831, %swap3A_832], %swap3A_835 {strides = array<i32>} : memref<80x128xf32, #tpu.memory_space<vmem>>, vector<1x16xf32>,
        %get3A_836 = arith.index_cast %add3A_772 : i32 to index
        %get3A_837 = arith.constant 96 : index
        %get3A_838 = tpu.vector_load %arg11[%get3A_836, %get3A_837] {strides = array<i32>} : memref<80x128xf32, #tpu.memory_space<vmem>>, vector<1x16xf32>,
        %get3A_839 = vector.shape_cast %get3A_838 : vector<1x16xf32> to vector<16xf32>
        %mul3A_840 = arith.mulf %get3A_839, %broadcast_in_dim3A_775 : vector<16xf32>
        %swap3A_841 = arith.index_cast %add3A_772 : i32 to index
        %swap3A_842 = arith.constant 96 : index
        %swap3A_843 = tpu.vector_load %arg11[%swap3A_841, %swap3A_842] {strides = array<i32>} : memref<80x128xf32, #tpu.memory_space<vmem>>, vector<1x16xf32>,
        %swap3A_844 = vector.shape_cast %swap3A_843 : vector<1x16xf32> to vector<16xf32>
        %swap3A_845 = vector.shape_cast %mul3A_840 : vector<16xf32> to vector<1x16xf32>
        tpu.vector_store %arg11[%swap3A_841, %swap3A_842], %swap3A_845 {strides = array<i32>} : memref<80x128xf32, #tpu.memory_space<vmem>>, vector<1x16xf32>,
        %get3A_846 = arith.index_cast %add3A_772 : i32 to index
        %get3A_847 = arith.constant 112 : index
        %get3A_848 = tpu.vector_load %arg11[%get3A_846, %get3A_847] {strides = array<i32>} : memref<80x128xf32, #tpu.memory_space<vmem>>, vector<1x16xf32>,
        %get3A_849 = vector.shape_cast %get3A_848 : vector<1x16xf32> to vector<16xf32>
        %mul3A_850 = arith.mulf %get3A_849, %broadcast_in_dim3A_775 : vector<16xf32>
        %swap3A_851 = arith.index_cast %add3A_772 : i32 to index
        %swap3A_852 = arith.constant 112 : index
        %swap3A_853 = tpu.vector_load %arg11[%swap3A_851, %swap3A_852] {strides = array<i32>} : memref<80x128xf32, #tpu.memory_space<vmem>>, vector<1x16xf32>,
        %swap3A_854 = vector.shape_cast %swap3A_853 : vector<1x16xf32> to vector<16xf32>
        %swap3A_855 = vector.shape_cast %mul3A_850 : vector<16xf32> to vector<1x16xf32>
        tpu.vector_store %arg11[%swap3A_851, %swap3A_852], %swap3A_855 {strides = array<i32>} : memref<80x128xf32, #tpu.memory_space<vmem>>, vector<1x16xf32>,
        %mul3A_856 = arith.constant 16 : i32
        %mul3A_857 = arith.muli %scan3A_158, %mul3A_856 : i32
        %add3A_858 = arith.constant 8 : i32
        %add3A_859 = arith.addi %mul3A_857, %add3A_858 : i32
        %slice3A_860 = vector.extract_strided_slice %get3A_163 {offsets = [8], sizes = [1], strides = [1]} : vector<16xf32> to vector<1xf32>
        %squeeze3A_861 = vector.extract %slice3A_860[0] : f32 from vector<1xf32>
        %broadcast_in_dim3A_862 = vector.broadcast %squeeze3A_861 : f32 to vector<16xf32>
        %get3A_863 = arith.index_cast %add3A_859 : i32 to index
        %get3A_864 = arith.constant 0 : index
        %get3A_865 = tpu.vector_load %arg11[%get3A_863, %get3A_864] {strides = array<i32>} : memref<80x128xf32, #tpu.memory_space<vmem>>, vector<1x16xf32>,
        %get3A_866 = vector.shape_cast %get3A_865 : vector<1x16xf32> to vector<16xf32>
        %mul3A_867 = arith.mulf %get3A_866, %broadcast_in_dim3A_862 : vector<16xf32>
        %swap3A_868 = arith.index_cast %add3A_859 : i32 to index
        %swap3A_869 = arith.constant 0 : index
        %swap3A_870 = tpu.vector_load %arg11[%swap3A_868, %swap3A_869] {strides = array<i32>} : memref<80x128xf32, #tpu.memory_space<vmem>>, vector<1x16xf32>,
        %swap3A_871 = vector.shape_cast %swap3A_870 : vector<1x16xf32> to vector<16xf32>
        %swap3A_872 = vector.shape_cast %mul3A_867 : vector<16xf32> to vector<1x16xf32>
        tpu.vector_store %arg11[%swap3A_868, %swap3A_869], %swap3A_872 {strides = array<i32>} : memref<80x128xf32, #tpu.memory_space<vmem>>, vector<1x16xf32>,
        %get3A_873 = arith.index_cast %add3A_859 : i32 to index
        %get3A_874 = arith.constant 16 : index
        %get3A_875 = tpu.vector_load %arg11[%get3A_873, %get3A_874] {strides = array<i32>} : memref<80x128xf32, #tpu.memory_space<vmem>>, vector<1x16xf32>,
        %get3A_876 = vector.shape_cast %get3A_875 : vector<1x16xf32> to vector<16xf32>
        %mul3A_877 = arith.mulf %get3A_876, %broadcast_in_dim3A_862 : vector<16xf32>
        %swap3A_878 = arith.index_cast %add3A_859 : i32 to index
        %swap3A_879 = arith.constant 16 : index
        %swap3A_880 = tpu.vector_load %arg11[%swap3A_878, %swap3A_879] {strides = array<i32>} : memref<80x128xf32, #tpu.memory_space<vmem>>, vector<1x16xf32>,
        %swap3A_881 = vector.shape_cast %swap3A_880 : vector<1x16xf32> to vector<16xf32>
        %swap3A_882 = vector.shape_cast %mul3A_877 : vector<16xf32> to vector<1x16xf32>
        tpu.vector_store %arg11[%swap3A_878, %swap3A_879], %swap3A_882 {strides = array<i32>} : memref<80x128xf32, #tpu.memory_space<vmem>>, vector<1x16xf32>,
        %get3A_883 = arith.index_cast %add3A_859 : i32 to index
        %get3A_884 = arith.constant 32 : index
        %get3A_885 = tpu.vector_load %arg11[%get3A_883, %get3A_884] {strides = array<i32>} : memref<80x128xf32, #tpu.memory_space<vmem>>, vector<1x16xf32>,
        %get3A_886 = vector.shape_cast %get3A_885 : vector<1x16xf32> to vector<16xf32>
        %mul3A_887 = arith.mulf %get3A_886, %broadcast_in_dim3A_862 : vector<16xf32>
        %swap3A_888 = arith.index_cast %add3A_859 : i32 to index
        %swap3A_889 = arith.constant 32 : index
        %swap3A_890 = tpu.vector_load %arg11[%swap3A_888, %swap3A_889] {strides = array<i32>} : memref<80x128xf32, #tpu.memory_space<vmem>>, vector<1x16xf32>,
        %swap3A_891 = vector.shape_cast %swap3A_890 : vector<1x16xf32> to vector<16xf32>
        %swap3A_892 = vector.shape_cast %mul3A_887 : vector<16xf32> to vector<1x16xf32>
        tpu.vector_store %arg11[%swap3A_888, %swap3A_889], %swap3A_892 {strides = array<i32>} : memref<80x128xf32, #tpu.memory_space<vmem>>, vector<1x16xf32>,
        %get3A_893 = arith.index_cast %add3A_859 : i32 to index
        %get3A_894 = arith.constant 48 : index
        %get3A_895 = tpu.vector_load %arg11[%get3A_893, %get3A_894] {strides = array<i32>} : memref<80x128xf32, #tpu.memory_space<vmem>>, vector<1x16xf32>,
        %get3A_896 = vector.shape_cast %get3A_895 : vector<1x16xf32> to vector<16xf32>
        %mul3A_897 = arith.mulf %get3A_896, %broadcast_in_dim3A_862 : vector<16xf32>
        %swap3A_898 = arith.index_cast %add3A_859 : i32 to index
        %swap3A_899 = arith.constant 48 : index
        %swap3A_900 = tpu.vector_load %arg11[%swap3A_898, %swap3A_899] {strides = array<i32>} : memref<80x128xf32, #tpu.memory_space<vmem>>, vector<1x16xf32>,
        %swap3A_901 = vector.shape_cast %swap3A_900 : vector<1x16xf32> to vector<16xf32>
        %swap3A_902 = vector.shape_cast %mul3A_897 : vector<16xf32> to vector<1x16xf32>
        tpu.vector_store %arg11[%swap3A_898, %swap3A_899], %swap3A_902 {strides = array<i32>} : memref<80x128xf32, #tpu.memory_space<vmem>>, vector<1x16xf32>,
        %get3A_903 = arith.index_cast %add3A_859 : i32 to index
        %get3A_904 = arith.constant 64 : index
        %get3A_905 = tpu.vector_load %arg11[%get3A_903, %get3A_904] {strides = array<i32>} : memref<80x128xf32, #tpu.memory_space<vmem>>, vector<1x16xf32>,
        %get3A_906 = vector.shape_cast %get3A_905 : vector<1x16xf32> to vector<16xf32>
        %mul3A_907 = arith.mulf %get3A_906, %broadcast_in_dim3A_862 : vector<16xf32>
        %swap3A_908 = arith.index_cast %add3A_859 : i32 to index
        %swap3A_909 = arith.constant 64 : index
        %swap3A_910 = tpu.vector_load %arg11[%swap3A_908, %swap3A_909] {strides = array<i32>} : memref<80x128xf32, #tpu.memory_space<vmem>>, vector<1x16xf32>,
        %swap3A_911 = vector.shape_cast %swap3A_910 : vector<1x16xf32> to vector<16xf32>
        %swap3A_912 = vector.shape_cast %mul3A_907 : vector<16xf32> to vector<1x16xf32>
        tpu.vector_store %arg11[%swap3A_908, %swap3A_909], %swap3A_912 {strides = array<i32>} : memref<80x128xf32, #tpu.memory_space<vmem>>, vector<1x16xf32>,
        %get3A_913 = arith.index_cast %add3A_859 : i32 to index
        %get3A_914 = arith.constant 80 : index
        %get3A_915 = tpu.vector_load %arg11[%get3A_913, %get3A_914] {strides = array<i32>} : memref<80x128xf32, #tpu.memory_space<vmem>>, vector<1x16xf32>,
        %get3A_916 = vector.shape_cast %get3A_915 : vector<1x16xf32> to vector<16xf32>
        %mul3A_917 = arith.mulf %get3A_916, %broadcast_in_dim3A_862 : vector<16xf32>
        %swap3A_918 = arith.index_cast %add3A_859 : i32 to index
        %swap3A_919 = arith.constant 80 : index
        %swap3A_920 = tpu.vector_load %arg11[%swap3A_918, %swap3A_919] {strides = array<i32>} : memref<80x128xf32, #tpu.memory_space<vmem>>, vector<1x16xf32>,
        %swap3A_921 = vector.shape_cast %swap3A_920 : vector<1x16xf32> to vector<16xf32>
        %swap3A_922 = vector.shape_cast %mul3A_917 : vector<16xf32> to vector<1x16xf32>
        tpu.vector_store %arg11[%swap3A_918, %swap3A_919], %swap3A_922 {strides = array<i32>} : memref<80x128xf32, #tpu.memory_space<vmem>>, vector<1x16xf32>,
        %get3A_923 = arith.index_cast %add3A_859 : i32 to index
        %get3A_924 = arith.constant 96 : index
        %get3A_925 = tpu.vector_load %arg11[%get3A_923, %get3A_924] {strides = array<i32>} : memref<80x128xf32, #tpu.memory_space<vmem>>, vector<1x16xf32>,
        %get3A_926 = vector.shape_cast %get3A_925 : vector<1x16xf32> to vector<16xf32>
        %mul3A_927 = arith.mulf %get3A_926, %broadcast_in_dim3A_862 : vector<16xf32>
        %swap3A_928 = arith.index_cast %add3A_859 : i32 to index
        %swap3A_929 = arith.constant 96 : index
        %swap3A_930 = tpu.vector_load %arg11[%swap3A_928, %swap3A_929] {strides = array<i32>} : memref<80x128xf32, #tpu.memory_space<vmem>>, vector<1x16xf32>,
        %swap3A_931 = vector.shape_cast %swap3A_930 : vector<1x16xf32> to vector<16xf32>
        %swap3A_932 = vector.shape_cast %mul3A_927 : vector<16xf32> to vector<1x16xf32>
        tpu.vector_store %arg11[%swap3A_928, %swap3A_929], %swap3A_932 {strides = array<i32>} : memref<80x128xf32, #tpu.memory_space<vmem>>, vector<1x16xf32>,
        %get3A_933 = arith.index_cast %add3A_859 : i32 to index
        %get3A_934 = arith.constant 112 : index
        %get3A_935 = tpu.vector_load %arg11[%get3A_933, %get3A_934] {strides = array<i32>} : memref<80x128xf32, #tpu.memory_space<vmem>>, vector<1x16xf32>,
        %get3A_936 = vector.shape_cast %get3A_935 : vector<1x16xf32> to vector<16xf32>
        %mul3A_937 = arith.mulf %get3A_936, %broadcast_in_dim3A_862 : vector<16xf32>
        %swap3A_938 = arith.index_cast %add3A_859 : i32 to index
        %swap3A_939 = arith.constant 112 : index
        %swap3A_940 = tpu.vector_load %arg11[%swap3A_938, %swap3A_939] {strides = array<i32>} : memref<80x128xf32, #tpu.memory_space<vmem>>, vector<1x16xf32>,
        %swap3A_941 = vector.shape_cast %swap3A_940 : vector<1x16xf32> to vector<16xf32>
        %swap3A_942 = vector.shape_cast %mul3A_937 : vector<16xf32> to vector<1x16xf32>
        tpu.vector_store %arg11[%swap3A_938, %swap3A_939], %swap3A_942 {strides = array<i32>} : memref<80x128xf32, #tpu.memory_space<vmem>>, vector<1x16xf32>,
        %mul3A_943 = arith.constant 16 : i32
        %mul3A_944 = arith.muli %scan3A_158, %mul3A_943 : i32
        %add3A_945 = arith.constant 9 : i32
        %add3A_946 = arith.addi %mul3A_944, %add3A_945 : i32
        %slice3A_947 = vector.extract_strided_slice %get3A_163 {offsets = [9], sizes = [1], strides = [1]} : vector<16xf32> to vector<1xf32>
        %squeeze3A_948 = vector.extract %slice3A_947[0] : f32 from vector<1xf32>
        %broadcast_in_dim3A_949 = vector.broadcast %squeeze3A_948 : f32 to vector<16xf32>
        %get3A_950 = arith.index_cast %add3A_946 : i32 to index
        %get3A_951 = arith.constant 0 : index
        %get3A_952 = tpu.vector_load %arg11[%get3A_950, %get3A_951] {strides = array<i32>} : memref<80x128xf32, #tpu.memory_space<vmem>>, vector<1x16xf32>,
        %get3A_953 = vector.shape_cast %get3A_952 : vector<1x16xf32> to vector<16xf32>
        %mul3A_954 = arith.mulf %get3A_953, %broadcast_in_dim3A_949 : vector<16xf32>
        %swap3A_955 = arith.index_cast %add3A_946 : i32 to index
        %swap3A_956 = arith.constant 0 : index
        %swap3A_957 = tpu.vector_load %arg11[%swap3A_955, %swap3A_956] {strides = array<i32>} : memref<80x128xf32, #tpu.memory_space<vmem>>, vector<1x16xf32>,
        %swap3A_958 = vector.shape_cast %swap3A_957 : vector<1x16xf32> to vector<16xf32>
        %swap3A_959 = vector.shape_cast %mul3A_954 : vector<16xf32> to vector<1x16xf32>
        tpu.vector_store %arg11[%swap3A_955, %swap3A_956], %swap3A_959 {strides = array<i32>} : memref<80x128xf32, #tpu.memory_space<vmem>>, vector<1x16xf32>,
        %get3A_960 = arith.index_cast %add3A_946 : i32 to index
        %get3A_961 = arith.constant 16 : index
        %get3A_962 = tpu.vector_load %arg11[%get3A_960, %get3A_961] {strides = array<i32>} : memref<80x128xf32, #tpu.memory_space<vmem>>, vector<1x16xf32>,
        %get3A_963 = vector.shape_cast %get3A_962 : vector<1x16xf32> to vector<16xf32>
        %mul3A_964 = arith.mulf %get3A_963, %broadcast_in_dim3A_949 : vector<16xf32>
        %swap3A_965 = arith.index_cast %add3A_946 : i32 to index
        %swap3A_966 = arith.constant 16 : index
        %swap3A_967 = tpu.vector_load %arg11[%swap3A_965, %swap3A_966] {strides = array<i32>} : memref<80x128xf32, #tpu.memory_space<vmem>>, vector<1x16xf32>,
        %swap3A_968 = vector.shape_cast %swap3A_967 : vector<1x16xf32> to vector<16xf32>
        %swap3A_969 = vector.shape_cast %mul3A_964 : vector<16xf32> to vector<1x16xf32>
        tpu.vector_store %arg11[%swap3A_965, %swap3A_966], %swap3A_969 {strides = array<i32>} : memref<80x128xf32, #tpu.memory_space<vmem>>, vector<1x16xf32>,
        %get3A_970 = arith.index_cast %add3A_946 : i32 to index
        %get3A_971 = arith.constant 32 : index
        %get3A_972 = tpu.vector_load %arg11[%get3A_970, %get3A_971] {strides = array<i32>} : memref<80x128xf32, #tpu.memory_space<vmem>>, vector<1x16xf32>,
        %get3A_973 = vector.shape_cast %get3A_972 : vector<1x16xf32> to vector<16xf32>
        %mul3A_974 = arith.mulf %get3A_973, %broadcast_in_dim3A_949 : vector<16xf32>
        %swap3A_975 = arith.index_cast %add3A_946 : i32 to index
        %swap3A_976 = arith.constant 32 : index
        %swap3A_977 = tpu.vector_load %arg11[%swap3A_975, %swap3A_976] {strides = array<i32>} : memref<80x128xf32, #tpu.memory_space<vmem>>, vector<1x16xf32>,
        %swap3A_978 = vector.shape_cast %swap3A_977 : vector<1x16xf32> to vector<16xf32>
        %swap3A_979 = vector.shape_cast %mul3A_974 : vector<16xf32> to vector<1x16xf32>
        tpu.vector_store %arg11[%swap3A_975, %swap3A_976], %swap3A_979 {strides = array<i32>} : memref<80x128xf32, #tpu.memory_space<vmem>>, vector<1x16xf32>,
        %get3A_980 = arith.index_cast %add3A_946 : i32 to index
        %get3A_981 = arith.constant 48 : index
        %get3A_982 = tpu.vector_load %arg11[%get3A_980, %get3A_981] {strides = array<i32>} : memref<80x128xf32, #tpu.memory_space<vmem>>, vector<1x16xf32>,
        %get3A_983 = vector.shape_cast %get3A_982 : vector<1x16xf32> to vector<16xf32>
        %mul3A_984 = arith.mulf %get3A_983, %broadcast_in_dim3A_949 : vector<16xf32>
        %swap3A_985 = arith.index_cast %add3A_946 : i32 to index
        %swap3A_986 = arith.constant 48 : index
        %swap3A_987 = tpu.vector_load %arg11[%swap3A_985, %swap3A_986] {strides = array<i32>} : memref<80x128xf32, #tpu.memory_space<vmem>>, vector<1x16xf32>,
        %swap3A_988 = vector.shape_cast %swap3A_987 : vector<1x16xf32> to vector<16xf32>
        %swap3A_989 = vector.shape_cast %mul3A_984 : vector<16xf32> to vector<1x16xf32>
        tpu.vector_store %arg11[%swap3A_985, %swap3A_986], %swap3A_989 {strides = array<i32>} : memref<80x128xf32, #tpu.memory_space<vmem>>, vector<1x16xf32>,
        %get3A_990 = arith.index_cast %add3A_946 : i32 to index
        %get3A_991 = arith.constant 64 : index
        %get3A_992 = tpu.vector_load %arg11[%get3A_990, %get3A_991] {strides = array<i32>} : memref<80x128xf32, #tpu.memory_space<vmem>>, vector<1x16xf32>,
        %get3A_993 = vector.shape_cast %get3A_992 : vector<1x16xf32> to vector<16xf32>
        %mul3A_994 = arith.mulf %get3A_993, %broadcast_in_dim3A_949 : vector<16xf32>
        %swap3A_995 = arith.index_cast %add3A_946 : i32 to index
        %swap3A_996 = arith.constant 64 : index
        %swap3A_997 = tpu.vector_load %arg11[%swap3A_995, %swap3A_996] {strides = array<i32>} : memref<80x128xf32, #tpu.memory_space<vmem>>, vector<1x16xf32>,
        %swap3A_998 = vector.shape_cast %swap3A_997 : vector<1x16xf32> to vector<16xf32>
        %swap3A_999 = vector.shape_cast %mul3A_994 : vector<16xf32> to vector<1x16xf32>
        tpu.vector_store %arg11[%swap3A_995, %swap3A_996], %swap3A_999 {strides = array<i32>} : memref<80x128xf32, #tpu.memory_space<vmem>>, vector<1x16xf32>,
        %get3A_1000 = arith.index_cast %add3A_946 : i32 to index
        %get3A_1001 = arith.constant 80 : index
        %get3A_1002 = tpu.vector_load %arg11[%get3A_1000, %get3A_1001] {strides = array<i32>} : memref<80x128xf32, #tpu.memory_space<vmem>>, vector<1x16xf32>,
        %get3A_1003 = vector.shape_cast %get3A_1002 : vector<1x16xf32> to vector<16xf32>
        %mul3A_1004 = arith.mulf %get3A_1003, %broadcast_in_dim3A_949 : vector<16xf32>
        %swap3A_1005 = arith.index_cast %add3A_946 : i32 to index
        %swap3A_1006 = arith.constant 80 : index
        %swap3A_1007 = tpu.vector_load %arg11[%swap3A_1005, %swap3A_1006] {strides = array<i32>} : memref<80x128xf32, #tpu.memory_space<vmem>>, vector<1x16xf32>,
        %swap3A_1008 = vector.shape_cast %swap3A_1007 : vector<1x16xf32> to vector<16xf32>
        %swap3A_1009 = vector.shape_cast %mul3A_1004 : vector<16xf32> to vector<1x16xf32>
        tpu.vector_store %arg11[%swap3A_1005, %swap3A_1006], %swap3A_1009 {strides = array<i32>} : memref<80x128xf32, #tpu.memory_space<vmem>>, vector<1x16xf32>,
        %get3A_1010 = arith.index_cast %add3A_946 : i32 to index
        %get3A_1011 = arith.constant 96 : index
        %get3A_1012 = tpu.vector_load %arg11[%get3A_1010, %get3A_1011] {strides = array<i32>} : memref<80x128xf32, #tpu.memory_space<vmem>>, vector<1x16xf32>,
        %get3A_1013 = vector.shape_cast %get3A_1012 : vector<1x16xf32> to vector<16xf32>
        %mul3A_1014 = arith.mulf %get3A_1013, %broadcast_in_dim3A_949 : vector<16xf32>
        %swap3A_1015 = arith.index_cast %add3A_946 : i32 to index
        %swap3A_1016 = arith.constant 96 : index
        %swap3A_1017 = tpu.vector_load %arg11[%swap3A_1015, %swap3A_1016] {strides = array<i32>} : memref<80x128xf32, #tpu.memory_space<vmem>>, vector<1x16xf32>,
        %swap3A_1018 = vector.shape_cast %swap3A_1017 : vector<1x16xf32> to vector<16xf32>
        %swap3A_1019 = vector.shape_cast %mul3A_1014 : vector<16xf32> to vector<1x16xf32>
        tpu.vector_store %arg11[%swap3A_1015, %swap3A_1016], %swap3A_1019 {strides = array<i32>} : memref<80x128xf32, #tpu.memory_space<vmem>>, vector<1x16xf32>,
        %get3A_1020 = arith.index_cast %add3A_946 : i32 to index
        %get3A_1021 = arith.constant 112 : index
        %get3A_1022 = tpu.vector_load %arg11[%get3A_1020, %get3A_1021] {strides = array<i32>} : memref<80x128xf32, #tpu.memory_space<vmem>>, vector<1x16xf32>,
        %get3A_1023 = vector.shape_cast %get3A_1022 : vector<1x16xf32> to vector<16xf32>
        %mul3A_1024 = arith.mulf %get3A_1023, %broadcast_in_dim3A_949 : vector<16xf32>
        %swap3A_1025 = arith.index_cast %add3A_946 : i32 to index
        %swap3A_1026 = arith.constant 112 : index
        %swap3A_1027 = tpu.vector_load %arg11[%swap3A_1025, %swap3A_1026] {strides = array<i32>} : memref<80x128xf32, #tpu.memory_space<vmem>>, vector<1x16xf32>,
        %swap3A_1028 = vector.shape_cast %swap3A_1027 : vector<1x16xf32> to vector<16xf32>
        %swap3A_1029 = vector.shape_cast %mul3A_1024 : vector<16xf32> to vector<1x16xf32>
        tpu.vector_store %arg11[%swap3A_1025, %swap3A_1026], %swap3A_1029 {strides = array<i32>} : memref<80x128xf32, #tpu.memory_space<vmem>>, vector<1x16xf32>,
        %mul3A_1030 = arith.constant 16 : i32
        %mul3A_1031 = arith.muli %scan3A_158, %mul3A_1030 : i32
        %add3A_1032 = arith.constant 10 : i32
        %add3A_1033 = arith.addi %mul3A_1031, %add3A_1032 : i32
        %slice3A_1034 = vector.extract_strided_slice %get3A_163 {offsets = [10], sizes = [1], strides = [1]} : vector<16xf32> to vector<1xf32>
        %squeeze3A_1035 = vector.extract %slice3A_1034[0] : f32 from vector<1xf32>
        %broadcast_in_dim3A_1036 = vector.broadcast %squeeze3A_1035 : f32 to vector<16xf32>
        %get3A_1037 = arith.index_cast %add3A_1033 : i32 to index
        %get3A_1038 = arith.constant 0 : index
        %get3A_1039 = tpu.vector_load %arg11[%get3A_1037, %get3A_1038] {strides = array<i32>} : memref<80x128xf32, #tpu.memory_space<vmem>>, vector<1x16xf32>,
        %get3A_1040 = vector.shape_cast %get3A_1039 : vector<1x16xf32> to vector<16xf32>
        %mul3A_1041 = arith.mulf %get3A_1040, %broadcast_in_dim3A_1036 : vector<16xf32>
        %swap3A_1042 = arith.index_cast %add3A_1033 : i32 to index
        %swap3A_1043 = arith.constant 0 : index
        %swap3A_1044 = tpu.vector_load %arg11[%swap3A_1042, %swap3A_1043] {strides = array<i32>} : memref<80x128xf32, #tpu.memory_space<vmem>>, vector<1x16xf32>,
        %swap3A_1045 = vector.shape_cast %swap3A_1044 : vector<1x16xf32> to vector<16xf32>
        %swap3A_1046 = vector.shape_cast %mul3A_1041 : vector<16xf32> to vector<1x16xf32>
        tpu.vector_store %arg11[%swap3A_1042, %swap3A_1043], %swap3A_1046 {strides = array<i32>} : memref<80x128xf32, #tpu.memory_space<vmem>>, vector<1x16xf32>,
        %get3A_1047 = arith.index_cast %add3A_1033 : i32 to index
        %get3A_1048 = arith.constant 16 : index
        %get3A_1049 = tpu.vector_load %arg11[%get3A_1047, %get3A_1048] {strides = array<i32>} : memref<80x128xf32, #tpu.memory_space<vmem>>, vector<1x16xf32>,
        %get3A_1050 = vector.shape_cast %get3A_1049 : vector<1x16xf32> to vector<16xf32>
        %mul3A_1051 = arith.mulf %get3A_1050, %broadcast_in_dim3A_1036 : vector<16xf32>
        %swap3A_1052 = arith.index_cast %add3A_1033 : i32 to index
        %swap3A_1053 = arith.constant 16 : index
        %swap3A_1054 = tpu.vector_load %arg11[%swap3A_1052, %swap3A_1053] {strides = array<i32>} : memref<80x128xf32, #tpu.memory_space<vmem>>, vector<1x16xf32>,
        %swap3A_1055 = vector.shape_cast %swap3A_1054 : vector<1x16xf32> to vector<16xf32>
        %swap3A_1056 = vector.shape_cast %mul3A_1051 : vector<16xf32> to vector<1x16xf32>
        tpu.vector_store %arg11[%swap3A_1052, %swap3A_1053], %swap3A_1056 {strides = array<i32>} : memref<80x128xf32, #tpu.memory_space<vmem>>, vector<1x16xf32>,
        %get3A_1057 = arith.index_cast %add3A_1033 : i32 to index
        %get3A_1058 = arith.constant 32 : index
        %get3A_1059 = tpu.vector_load %arg11[%get3A_1057, %get3A_1058] {strides = array<i32>} : memref<80x128xf32, #tpu.memory_space<vmem>>, vector<1x16xf32>,
        %get3A_1060 = vector.shape_cast %get3A_1059 : vector<1x16xf32> to vector<16xf32>
        %mul3A_1061 = arith.mulf %get3A_1060, %broadcast_in_dim3A_1036 : vector<16xf32>
        %swap3A_1062 = arith.index_cast %add3A_1033 : i32 to index
        %swap3A_1063 = arith.constant 32 : index
        %swap3A_1064 = tpu.vector_load %arg11[%swap3A_1062, %swap3A_1063] {strides = array<i32>} : memref<80x128xf32, #tpu.memory_space<vmem>>, vector<1x16xf32>,
        %swap3A_1065 = vector.shape_cast %swap3A_1064 : vector<1x16xf32> to vector<16xf32>
        %swap3A_1066 = vector.shape_cast %mul3A_1061 : vector<16xf32> to vector<1x16xf32>
        tpu.vector_store %arg11[%swap3A_1062, %swap3A_1063], %swap3A_1066 {strides = array<i32>} : memref<80x128xf32, #tpu.memory_space<vmem>>, vector<1x16xf32>,
        %get3A_1067 = arith.index_cast %add3A_1033 : i32 to index
        %get3A_1068 = arith.constant 48 : index
        %get3A_1069 = tpu.vector_load %arg11[%get3A_1067, %get3A_1068] {strides = array<i32>} : memref<80x128xf32, #tpu.memory_space<vmem>>, vector<1x16xf32>,
        %get3A_1070 = vector.shape_cast %get3A_1069 : vector<1x16xf32> to vector<16xf32>
        %mul3A_1071 = arith.mulf %get3A_1070, %broadcast_in_dim3A_1036 : vector<16xf32>
        %swap3A_1072 = arith.index_cast %add3A_1033 : i32 to index
        %swap3A_1073 = arith.constant 48 : index
        %swap3A_1074 = tpu.vector_load %arg11[%swap3A_1072, %swap3A_1073] {strides = array<i32>} : memref<80x128xf32, #tpu.memory_space<vmem>>, vector<1x16xf32>,
        %swap3A_1075 = vector.shape_cast %swap3A_1074 : vector<1x16xf32> to vector<16xf32>
        %swap3A_1076 = vector.shape_cast %mul3A_1071 : vector<16xf32> to vector<1x16xf32>
        tpu.vector_store %arg11[%swap3A_1072, %swap3A_1073], %swap3A_1076 {strides = array<i32>} : memref<80x128xf32, #tpu.memory_space<vmem>>, vector<1x16xf32>,
        %get3A_1077 = arith.index_cast %add3A_1033 : i32 to index
        %get3A_1078 = arith.constant 64 : index
        %get3A_1079 = tpu.vector_load %arg11[%get3A_1077, %get3A_1078] {strides = array<i32>} : memref<80x128xf32, #tpu.memory_space<vmem>>, vector<1x16xf32>,
        %get3A_1080 = vector.shape_cast %get3A_1079 : vector<1x16xf32> to vector<16xf32>
        %mul3A_1081 = arith.mulf %get3A_1080, %broadcast_in_dim3A_1036 : vector<16xf32>
        %swap3A_1082 = arith.index_cast %add3A_1033 : i32 to index
        %swap3A_1083 = arith.constant 64 : index
        %swap3A_1084 = tpu.vector_load %arg11[%swap3A_1082, %swap3A_1083] {strides = array<i32>} : memref<80x128xf32, #tpu.memory_space<vmem>>, vector<1x16xf32>,
        %swap3A_1085 = vector.shape_cast %swap3A_1084 : vector<1x16xf32> to vector<16xf32>
        %swap3A_1086 = vector.shape_cast %mul3A_1081 : vector<16xf32> to vector<1x16xf32>
        tpu.vector_store %arg11[%swap3A_1082, %swap3A_1083], %swap3A_1086 {strides = array<i32>} : memref<80x128xf32, #tpu.memory_space<vmem>>, vector<1x16xf32>,
        %get3A_1087 = arith.index_cast %add3A_1033 : i32 to index
        %get3A_1088 = arith.constant 80 : index
        %get3A_1089 = tpu.vector_load %arg11[%get3A_1087, %get3A_1088] {strides = array<i32>} : memref<80x128xf32, #tpu.memory_space<vmem>>, vector<1x16xf32>,
        %get3A_1090 = vector.shape_cast %get3A_1089 : vector<1x16xf32> to vector<16xf32>
        %mul3A_1091 = arith.mulf %get3A_1090, %broadcast_in_dim3A_1036 : vector<16xf32>
        %swap3A_1092 = arith.index_cast %add3A_1033 : i32 to index
        %swap3A_1093 = arith.constant 80 : index
        %swap3A_1094 = tpu.vector_load %arg11[%swap3A_1092, %swap3A_1093] {strides = array<i32>} : memref<80x128xf32, #tpu.memory_space<vmem>>, vector<1x16xf32>,
        %swap3A_1095 = vector.shape_cast %swap3A_1094 : vector<1x16xf32> to vector<16xf32>
        %swap3A_1096 = vector.shape_cast %mul3A_1091 : vector<16xf32> to vector<1x16xf32>
        tpu.vector_store %arg11[%swap3A_1092, %swap3A_1093], %swap3A_1096 {strides = array<i32>} : memref<80x128xf32, #tpu.memory_space<vmem>>, vector<1x16xf32>,
        %get3A_1097 = arith.index_cast %add3A_1033 : i32 to index
        %get3A_1098 = arith.constant 96 : index
        %get3A_1099 = tpu.vector_load %arg11[%get3A_1097, %get3A_1098] {strides = array<i32>} : memref<80x128xf32, #tpu.memory_space<vmem>>, vector<1x16xf32>,
        %get3A_1100 = vector.shape_cast %get3A_1099 : vector<1x16xf32> to vector<16xf32>
        %mul3A_1101 = arith.mulf %get3A_1100, %broadcast_in_dim3A_1036 : vector<16xf32>
        %swap3A_1102 = arith.index_cast %add3A_1033 : i32 to index
        %swap3A_1103 = arith.constant 96 : index
        %swap3A_1104 = tpu.vector_load %arg11[%swap3A_1102, %swap3A_1103] {strides = array<i32>} : memref<80x128xf32, #tpu.memory_space<vmem>>, vector<1x16xf32>,
        %swap3A_1105 = vector.shape_cast %swap3A_1104 : vector<1x16xf32> to vector<16xf32>
        %swap3A_1106 = vector.shape_cast %mul3A_1101 : vector<16xf32> to vector<1x16xf32>
        tpu.vector_store %arg11[%swap3A_1102, %swap3A_1103], %swap3A_1106 {strides = array<i32>} : memref<80x128xf32, #tpu.memory_space<vmem>>, vector<1x16xf32>,
        %get3A_1107 = arith.index_cast %add3A_1033 : i32 to index
        %get3A_1108 = arith.constant 112 : index
        %get3A_1109 = tpu.vector_load %arg11[%get3A_1107, %get3A_1108] {strides = array<i32>} : memref<80x128xf32, #tpu.memory_space<vmem>>, vector<1x16xf32>,
        %get3A_1110 = vector.shape_cast %get3A_1109 : vector<1x16xf32> to vector<16xf32>
        %mul3A_1111 = arith.mulf %get3A_1110, %broadcast_in_dim3A_1036 : vector<16xf32>
        %swap3A_1112 = arith.index_cast %add3A_1033 : i32 to index
        %swap3A_1113 = arith.constant 112 : index
        %swap3A_1114 = tpu.vector_load %arg11[%swap3A_1112, %swap3A_1113] {strides = array<i32>} : memref<80x128xf32, #tpu.memory_space<vmem>>, vector<1x16xf32>,
        %swap3A_1115 = vector.shape_cast %swap3A_1114 : vector<1x16xf32> to vector<16xf32>
        %swap3A_1116 = vector.shape_cast %mul3A_1111 : vector<16xf32> to vector<1x16xf32>
        tpu.vector_store %arg11[%swap3A_1112, %swap3A_1113], %swap3A_1116 {strides = array<i32>} : memref<80x128xf32, #tpu.memory_space<vmem>>, vector<1x16xf32>,
        %mul3A_1117 = arith.constant 16 : i32
        %mul3A_1118 = arith.muli %scan3A_158, %mul3A_1117 : i32
        %add3A_1119 = arith.constant 11 : i32
        %add3A_1120 = arith.addi %mul3A_1118, %add3A_1119 : i32
        %slice3A_1121 = vector.extract_strided_slice %get3A_163 {offsets = [11], sizes = [1], strides = [1]} : vector<16xf32> to vector<1xf32>
        %squeeze3A_1122 = vector.extract %slice3A_1121[0] : f32 from vector<1xf32>
        %broadcast_in_dim3A_1123 = vector.broadcast %squeeze3A_1122 : f32 to vector<16xf32>
        %get3A_1124 = arith.index_cast %add3A_1120 : i32 to index
        %get3A_1125 = arith.constant 0 : index
        %get3A_1126 = tpu.vector_load %arg11[%get3A_1124, %get3A_1125] {strides = array<i32>} : memref<80x128xf32, #tpu.memory_space<vmem>>, vector<1x16xf32>,
        %get3A_1127 = vector.shape_cast %get3A_1126 : vector<1x16xf32> to vector<16xf32>
        %mul3A_1128 = arith.mulf %get3A_1127, %broadcast_in_dim3A_1123 : vector<16xf32>
        %swap3A_1129 = arith.index_cast %add3A_1120 : i32 to index
        %swap3A_1130 = arith.constant 0 : index
        %swap3A_1131 = tpu.vector_load %arg11[%swap3A_1129, %swap3A_1130] {strides = array<i32>} : memref<80x128xf32, #tpu.memory_space<vmem>>, vector<1x16xf32>,
        %swap3A_1132 = vector.shape_cast %swap3A_1131 : vector<1x16xf32> to vector<16xf32>
        %swap3A_1133 = vector.shape_cast %mul3A_1128 : vector<16xf32> to vector<1x16xf32>
        tpu.vector_store %arg11[%swap3A_1129, %swap3A_1130], %swap3A_1133 {strides = array<i32>} : memref<80x128xf32, #tpu.memory_space<vmem>>, vector<1x16xf32>,
        %get3A_1134 = arith.index_cast %add3A_1120 : i32 to index
        %get3A_1135 = arith.constant 16 : index
        %get3A_1136 = tpu.vector_load %arg11[%get3A_1134, %get3A_1135] {strides = array<i32>} : memref<80x128xf32, #tpu.memory_space<vmem>>, vector<1x16xf32>,
        %get3A_1137 = vector.shape_cast %get3A_1136 : vector<1x16xf32> to vector<16xf32>
        %mul3A_1138 = arith.mulf %get3A_1137, %broadcast_in_dim3A_1123 : vector<16xf32>
        %swap3A_1139 = arith.index_cast %add3A_1120 : i32 to index
        %swap3A_1140 = arith.constant 16 : index
        %swap3A_1141 = tpu.vector_load %arg11[%swap3A_1139, %swap3A_1140] {strides = array<i32>} : memref<80x128xf32, #tpu.memory_space<vmem>>, vector<1x16xf32>,
        %swap3A_1142 = vector.shape_cast %swap3A_1141 : vector<1x16xf32> to vector<16xf32>
        %swap3A_1143 = vector.shape_cast %mul3A_1138 : vector<16xf32> to vector<1x16xf32>
        tpu.vector_store %arg11[%swap3A_1139, %swap3A_1140], %swap3A_1143 {strides = array<i32>} : memref<80x128xf32, #tpu.memory_space<vmem>>, vector<1x16xf32>,
        %get3A_1144 = arith.index_cast %add3A_1120 : i32 to index
        %get3A_1145 = arith.constant 32 : index
        %get3A_1146 = tpu.vector_load %arg11[%get3A_1144, %get3A_1145] {strides = array<i32>} : memref<80x128xf32, #tpu.memory_space<vmem>>, vector<1x16xf32>,
        %get3A_1147 = vector.shape_cast %get3A_1146 : vector<1x16xf32> to vector<16xf32>
        %mul3A_1148 = arith.mulf %get3A_1147, %broadcast_in_dim3A_1123 : vector<16xf32>
        %swap3A_1149 = arith.index_cast %add3A_1120 : i32 to index
        %swap3A_1150 = arith.constant 32 : index
        %swap3A_1151 = tpu.vector_load %arg11[%swap3A_1149, %swap3A_1150] {strides = array<i32>} : memref<80x128xf32, #tpu.memory_space<vmem>>, vector<1x16xf32>,
        %swap3A_1152 = vector.shape_cast %swap3A_1151 : vector<1x16xf32> to vector<16xf32>
        %swap3A_1153 = vector.shape_cast %mul3A_1148 : vector<16xf32> to vector<1x16xf32>
        tpu.vector_store %arg11[%swap3A_1149, %swap3A_1150], %swap3A_1153 {strides = array<i32>} : memref<80x128xf32, #tpu.memory_space<vmem>>, vector<1x16xf32>,
        %get3A_1154 = arith.index_cast %add3A_1120 : i32 to index
        %get3A_1155 = arith.constant 48 : index
        %get3A_1156 = tpu.vector_load %arg11[%get3A_1154, %get3A_1155] {strides = array<i32>} : memref<80x128xf32, #tpu.memory_space<vmem>>, vector<1x16xf32>,
        %get3A_1157 = vector.shape_cast %get3A_1156 : vector<1x16xf32> to vector<16xf32>
        %mul3A_1158 = arith.mulf %get3A_1157, %broadcast_in_dim3A_1123 : vector<16xf32>
        %swap3A_1159 = arith.index_cast %add3A_1120 : i32 to index
        %swap3A_1160 = arith.constant 48 : index
        %swap3A_1161 = tpu.vector_load %arg11[%swap3A_1159, %swap3A_1160] {strides = array<i32>} : memref<80x128xf32, #tpu.memory_space<vmem>>, vector<1x16xf32>,
        %swap3A_1162 = vector.shape_cast %swap3A_1161 : vector<1x16xf32> to vector<16xf32>
        %swap3A_1163 = vector.shape_cast %mul3A_1158 : vector<16xf32> to vector<1x16xf32>
        tpu.vector_store %arg11[%swap3A_1159, %swap3A_1160], %swap3A_1163 {strides = array<i32>} : memref<80x128xf32, #tpu.memory_space<vmem>>, vector<1x16xf32>,
        %get3A_1164 = arith.index_cast %add3A_1120 : i32 to index
        %get3A_1165 = arith.constant 64 : index
        %get3A_1166 = tpu.vector_load %arg11[%get3A_1164, %get3A_1165] {strides = array<i32>} : memref<80x128xf32, #tpu.memory_space<vmem>>, vector<1x16xf32>,
        %get3A_1167 = vector.shape_cast %get3A_1166 : vector<1x16xf32> to vector<16xf32>
        %mul3A_1168 = arith.mulf %get3A_1167, %broadcast_in_dim3A_1123 : vector<16xf32>
        %swap3A_1169 = arith.index_cast %add3A_1120 : i32 to index
        %swap3A_1170 = arith.constant 64 : index
        %swap3A_1171 = tpu.vector_load %arg11[%swap3A_1169, %swap3A_1170] {strides = array<i32>} : memref<80x128xf32, #tpu.memory_space<vmem>>, vector<1x16xf32>,
        %swap3A_1172 = vector.shape_cast %swap3A_1171 : vector<1x16xf32> to vector<16xf32>
        %swap3A_1173 = vector.shape_cast %mul3A_1168 : vector<16xf32> to vector<1x16xf32>
        tpu.vector_store %arg11[%swap3A_1169, %swap3A_1170], %swap3A_1173 {strides = array<i32>} : memref<80x128xf32, #tpu.memory_space<vmem>>, vector<1x16xf32>,
        %get3A_1174 = arith.index_cast %add3A_1120 : i32 to index
        %get3A_1175 = arith.constant 80 : index
        %get3A_1176 = tpu.vector_load %arg11[%get3A_1174, %get3A_1175] {strides = array<i32>} : memref<80x128xf32, #tpu.memory_space<vmem>>, vector<1x16xf32>,
        %get3A_1177 = vector.shape_cast %get3A_1176 : vector<1x16xf32> to vector<16xf32>
        %mul3A_1178 = arith.mulf %get3A_1177, %broadcast_in_dim3A_1123 : vector<16xf32>
        %swap3A_1179 = arith.index_cast %add3A_1120 : i32 to index
        %swap3A_1180 = arith.constant 80 : index
        %swap3A_1181 = tpu.vector_load %arg11[%swap3A_1179, %swap3A_1180] {strides = array<i32>} : memref<80x128xf32, #tpu.memory_space<vmem>>, vector<1x16xf32>,
        %swap3A_1182 = vector.shape_cast %swap3A_1181 : vector<1x16xf32> to vector<16xf32>
        %swap3A_1183 = vector.shape_cast %mul3A_1178 : vector<16xf32> to vector<1x16xf32>
        tpu.vector_store %arg11[%swap3A_1179, %swap3A_1180], %swap3A_1183 {strides = array<i32>} : memref<80x128xf32, #tpu.memory_space<vmem>>, vector<1x16xf32>,
        %get3A_1184 = arith.index_cast %add3A_1120 : i32 to index
        %get3A_1185 = arith.constant 96 : index
        %get3A_1186 = tpu.vector_load %arg11[%get3A_1184, %get3A_1185] {strides = array<i32>} : memref<80x128xf32, #tpu.memory_space<vmem>>, vector<1x16xf32>,
        %get3A_1187 = vector.shape_cast %get3A_1186 : vector<1x16xf32> to vector<16xf32>
        %mul3A_1188 = arith.mulf %get3A_1187, %broadcast_in_dim3A_1123 : vector<16xf32>
        %swap3A_1189 = arith.index_cast %add3A_1120 : i32 to index
        %swap3A_1190 = arith.constant 96 : index
        %swap3A_1191 = tpu.vector_load %arg11[%swap3A_1189, %swap3A_1190] {strides = array<i32>} : memref<80x128xf32, #tpu.memory_space<vmem>>, vector<1x16xf32>,
        %swap3A_1192 = vector.shape_cast %swap3A_1191 : vector<1x16xf32> to vector<16xf32>
        %swap3A_1193 = vector.shape_cast %mul3A_1188 : vector<16xf32> to vector<1x16xf32>
        tpu.vector_store %arg11[%swap3A_1189, %swap3A_1190], %swap3A_1193 {strides = array<i32>} : memref<80x128xf32, #tpu.memory_space<vmem>>, vector<1x16xf32>,
        %get3A_1194 = arith.index_cast %add3A_1120 : i32 to index
        %get3A_1195 = arith.constant 112 : index
        %get3A_1196 = tpu.vector_load %arg11[%get3A_1194, %get3A_1195] {strides = array<i32>} : memref<80x128xf32, #tpu.memory_space<vmem>>, vector<1x16xf32>,
        %get3A_1197 = vector.shape_cast %get3A_1196 : vector<1x16xf32> to vector<16xf32>
        %mul3A_1198 = arith.mulf %get3A_1197, %broadcast_in_dim3A_1123 : vector<16xf32>
        %swap3A_1199 = arith.index_cast %add3A_1120 : i32 to index
        %swap3A_1200 = arith.constant 112 : index
        %swap3A_1201 = tpu.vector_load %arg11[%swap3A_1199, %swap3A_1200] {strides = array<i32>} : memref<80x128xf32, #tpu.memory_space<vmem>>, vector<1x16xf32>,
        %swap3A_1202 = vector.shape_cast %swap3A_1201 : vector<1x16xf32> to vector<16xf32>
        %swap3A_1203 = vector.shape_cast %mul3A_1198 : vector<16xf32> to vector<1x16xf32>
        tpu.vector_store %arg11[%swap3A_1199, %swap3A_1200], %swap3A_1203 {strides = array<i32>} : memref<80x128xf32, #tpu.memory_space<vmem>>, vector<1x16xf32>,
        %mul3A_1204 = arith.constant 16 : i32
        %mul3A_1205 = arith.muli %scan3A_158, %mul3A_1204 : i32
        %add3A_1206 = arith.constant 12 : i32
        %add3A_1207 = arith.addi %mul3A_1205, %add3A_1206 : i32
        %slice3A_1208 = vector.extract_strided_slice %get3A_163 {offsets = [12], sizes = [1], strides = [1]} : vector<16xf32> to vector<1xf32>
        %squeeze3A_1209 = vector.extract %slice3A_1208[0] : f32 from vector<1xf32>
        %broadcast_in_dim3A_1210 = vector.broadcast %squeeze3A_1209 : f32 to vector<16xf32>
        %get3A_1211 = arith.index_cast %add3A_1207 : i32 to index
        %get3A_1212 = arith.constant 0 : index
        %get3A_1213 = tpu.vector_load %arg11[%get3A_1211, %get3A_1212] {strides = array<i32>} : memref<80x128xf32, #tpu.memory_space<vmem>>, vector<1x16xf32>,
        %get3A_1214 = vector.shape_cast %get3A_1213 : vector<1x16xf32> to vector<16xf32>
        %mul3A_1215 = arith.mulf %get3A_1214, %broadcast_in_dim3A_1210 : vector<16xf32>
        %swap3A_1216 = arith.index_cast %add3A_1207 : i32 to index
        %swap3A_1217 = arith.constant 0 : index
        %swap3A_1218 = tpu.vector_load %arg11[%swap3A_1216, %swap3A_1217] {strides = array<i32>} : memref<80x128xf32, #tpu.memory_space<vmem>>, vector<1x16xf32>,
        %swap3A_1219 = vector.shape_cast %swap3A_1218 : vector<1x16xf32> to vector<16xf32>
        %swap3A_1220 = vector.shape_cast %mul3A_1215 : vector<16xf32> to vector<1x16xf32>
        tpu.vector_store %arg11[%swap3A_1216, %swap3A_1217], %swap3A_1220 {strides = array<i32>} : memref<80x128xf32, #tpu.memory_space<vmem>>, vector<1x16xf32>,
        %get3A_1221 = arith.index_cast %add3A_1207 : i32 to index
        %get3A_1222 = arith.constant 16 : index
        %get3A_1223 = tpu.vector_load %arg11[%get3A_1221, %get3A_1222] {strides = array<i32>} : memref<80x128xf32, #tpu.memory_space<vmem>>, vector<1x16xf32>,
        %get3A_1224 = vector.shape_cast %get3A_1223 : vector<1x16xf32> to vector<16xf32>
        %mul3A_1225 = arith.mulf %get3A_1224, %broadcast_in_dim3A_1210 : vector<16xf32>
        %swap3A_1226 = arith.index_cast %add3A_1207 : i32 to index
        %swap3A_1227 = arith.constant 16 : index
        %swap3A_1228 = tpu.vector_load %arg11[%swap3A_1226, %swap3A_1227] {strides = array<i32>} : memref<80x128xf32, #tpu.memory_space<vmem>>, vector<1x16xf32>,
        %swap3A_1229 = vector.shape_cast %swap3A_1228 : vector<1x16xf32> to vector<16xf32>
        %swap3A_1230 = vector.shape_cast %mul3A_1225 : vector<16xf32> to vector<1x16xf32>
        tpu.vector_store %arg11[%swap3A_1226, %swap3A_1227], %swap3A_1230 {strides = array<i32>} : memref<80x128xf32, #tpu.memory_space<vmem>>, vector<1x16xf32>,
        %get3A_1231 = arith.index_cast %add3A_1207 : i32 to index
        %get3A_1232 = arith.constant 32 : index
        %get3A_1233 = tpu.vector_load %arg11[%get3A_1231, %get3A_1232] {strides = array<i32>} : memref<80x128xf32, #tpu.memory_space<vmem>>, vector<1x16xf32>,
        %get3A_1234 = vector.shape_cast %get3A_1233 : vector<1x16xf32> to vector<16xf32>
        %mul3A_1235 = arith.mulf %get3A_1234, %broadcast_in_dim3A_1210 : vector<16xf32>
        %swap3A_1236 = arith.index_cast %add3A_1207 : i32 to index
        %swap3A_1237 = arith.constant 32 : index
        %swap3A_1238 = tpu.vector_load %arg11[%swap3A_1236, %swap3A_1237] {strides = array<i32>} : memref<80x128xf32, #tpu.memory_space<vmem>>, vector<1x16xf32>,
        %swap3A_1239 = vector.shape_cast %swap3A_1238 : vector<1x16xf32> to vector<16xf32>
        %swap3A_1240 = vector.shape_cast %mul3A_1235 : vector<16xf32> to vector<1x16xf32>
        tpu.vector_store %arg11[%swap3A_1236, %swap3A_1237], %swap3A_1240 {strides = array<i32>} : memref<80x128xf32, #tpu.memory_space<vmem>>, vector<1x16xf32>,
        %get3A_1241 = arith.index_cast %add3A_1207 : i32 to index
        %get3A_1242 = arith.constant 48 : index
        %get3A_1243 = tpu.vector_load %arg11[%get3A_1241, %get3A_1242] {strides = array<i32>} : memref<80x128xf32, #tpu.memory_space<vmem>>, vector<1x16xf32>,
        %get3A_1244 = vector.shape_cast %get3A_1243 : vector<1x16xf32> to vector<16xf32>
        %mul3A_1245 = arith.mulf %get3A_1244, %broadcast_in_dim3A_1210 : vector<16xf32>
        %swap3A_1246 = arith.index_cast %add3A_1207 : i32 to index
        %swap3A_1247 = arith.constant 48 : index
        %swap3A_1248 = tpu.vector_load %arg11[%swap3A_1246, %swap3A_1247] {strides = array<i32>} : memref<80x128xf32, #tpu.memory_space<vmem>>, vector<1x16xf32>,
        %swap3A_1249 = vector.shape_cast %swap3A_1248 : vector<1x16xf32> to vector<16xf32>
        %swap3A_1250 = vector.shape_cast %mul3A_1245 : vector<16xf32> to vector<1x16xf32>
        tpu.vector_store %arg11[%swap3A_1246, %swap3A_1247], %swap3A_1250 {strides = array<i32>} : memref<80x128xf32, #tpu.memory_space<vmem>>, vector<1x16xf32>,
        %get3A_1251 = arith.index_cast %add3A_1207 : i32 to index
        %get3A_1252 = arith.constant 64 : index
        %get3A_1253 = tpu.vector_load %arg11[%get3A_1251, %get3A_1252] {strides = array<i32>} : memref<80x128xf32, #tpu.memory_space<vmem>>, vector<1x16xf32>,
        %get3A_1254 = vector.shape_cast %get3A_1253 : vector<1x16xf32> to vector<16xf32>
        %mul3A_1255 = arith.mulf %get3A_1254, %broadcast_in_dim3A_1210 : vector<16xf32>
        %swap3A_1256 = arith.index_cast %add3A_1207 : i32 to index
        %swap3A_1257 = arith.constant 64 : index
        %swap3A_1258 = tpu.vector_load %arg11[%swap3A_1256, %swap3A_1257] {strides = array<i32>} : memref<80x128xf32, #tpu.memory_space<vmem>>, vector<1x16xf32>,
        %swap3A_1259 = vector.shape_cast %swap3A_1258 : vector<1x16xf32> to vector<16xf32>
        %swap3A_1260 = vector.shape_cast %mul3A_1255 : vector<16xf32> to vector<1x16xf32>
        tpu.vector_store %arg11[%swap3A_1256, %swap3A_1257], %swap3A_1260 {strides = array<i32>} : memref<80x128xf32, #tpu.memory_space<vmem>>, vector<1x16xf32>,
        %get3A_1261 = arith.index_cast %add3A_1207 : i32 to index
        %get3A_1262 = arith.constant 80 : index
        %get3A_1263 = tpu.vector_load %arg11[%get3A_1261, %get3A_1262] {strides = array<i32>} : memref<80x128xf32, #tpu.memory_space<vmem>>, vector<1x16xf32>,
        %get3A_1264 = vector.shape_cast %get3A_1263 : vector<1x16xf32> to vector<16xf32>
        %mul3A_1265 = arith.mulf %get3A_1264, %broadcast_in_dim3A_1210 : vector<16xf32>
        %swap3A_1266 = arith.index_cast %add3A_1207 : i32 to index
        %swap3A_1267 = arith.constant 80 : index
        %swap3A_1268 = tpu.vector_load %arg11[%swap3A_1266, %swap3A_1267] {strides = array<i32>} : memref<80x128xf32, #tpu.memory_space<vmem>>, vector<1x16xf32>,
        %swap3A_1269 = vector.shape_cast %swap3A_1268 : vector<1x16xf32> to vector<16xf32>
        %swap3A_1270 = vector.shape_cast %mul3A_1265 : vector<16xf32> to vector<1x16xf32>
        tpu.vector_store %arg11[%swap3A_1266, %swap3A_1267], %swap3A_1270 {strides = array<i32>} : memref<80x128xf32, #tpu.memory_space<vmem>>, vector<1x16xf32>,
        %get3A_1271 = arith.index_cast %add3A_1207 : i32 to index
        %get3A_1272 = arith.constant 96 : index
        %get3A_1273 = tpu.vector_load %arg11[%get3A_1271, %get3A_1272] {strides = array<i32>} : memref<80x128xf32, #tpu.memory_space<vmem>>, vector<1x16xf32>,
        %get3A_1274 = vector.shape_cast %get3A_1273 : vector<1x16xf32> to vector<16xf32>
        %mul3A_1275 = arith.mulf %get3A_1274, %broadcast_in_dim3A_1210 : vector<16xf32>
        %swap3A_1276 = arith.index_cast %add3A_1207 : i32 to index
        %swap3A_1277 = arith.constant 96 : index
        %swap3A_1278 = tpu.vector_load %arg11[%swap3A_1276, %swap3A_1277] {strides = array<i32>} : memref<80x128xf32, #tpu.memory_space<vmem>>, vector<1x16xf32>,
        %swap3A_1279 = vector.shape_cast %swap3A_1278 : vector<1x16xf32> to vector<16xf32>
        %swap3A_1280 = vector.shape_cast %mul3A_1275 : vector<16xf32> to vector<1x16xf32>
        tpu.vector_store %arg11[%swap3A_1276, %swap3A_1277], %swap3A_1280 {strides = array<i32>} : memref<80x128xf32, #tpu.memory_space<vmem>>, vector<1x16xf32>,
        %get3A_1281 = arith.index_cast %add3A_1207 : i32 to index
        %get3A_1282 = arith.constant 112 : index
        %get3A_1283 = tpu.vector_load %arg11[%get3A_1281, %get3A_1282] {strides = array<i32>} : memref<80x128xf32, #tpu.memory_space<vmem>>, vector<1x16xf32>,
        %get3A_1284 = vector.shape_cast %get3A_1283 : vector<1x16xf32> to vector<16xf32>
        %mul3A_1285 = arith.mulf %get3A_1284, %broadcast_in_dim3A_1210 : vector<16xf32>
        %swap3A_1286 = arith.index_cast %add3A_1207 : i32 to index
        %swap3A_1287 = arith.constant 112 : index
        %swap3A_1288 = tpu.vector_load %arg11[%swap3A_1286, %swap3A_1287] {strides = array<i32>} : memref<80x128xf32, #tpu.memory_space<vmem>>, vector<1x16xf32>,
        %swap3A_1289 = vector.shape_cast %swap3A_1288 : vector<1x16xf32> to vector<16xf32>
        %swap3A_1290 = vector.shape_cast %mul3A_1285 : vector<16xf32> to vector<1x16xf32>
        tpu.vector_store %arg11[%swap3A_1286, %swap3A_1287], %swap3A_1290 {strides = array<i32>} : memref<80x128xf32, #tpu.memory_space<vmem>>, vector<1x16xf32>,
        %mul3A_1291 = arith.constant 16 : i32
        %mul3A_1292 = arith.muli %scan3A_158, %mul3A_1291 : i32
        %add3A_1293 = arith.constant 13 : i32
        %add3A_1294 = arith.addi %mul3A_1292, %add3A_1293 : i32
        %slice3A_1295 = vector.extract_strided_slice %get3A_163 {offsets = [13], sizes = [1], strides = [1]} : vector<16xf32> to vector<1xf32>
        %squeeze3A_1296 = vector.extract %slice3A_1295[0] : f32 from vector<1xf32>
        %broadcast_in_dim3A_1297 = vector.broadcast %squeeze3A_1296 : f32 to vector<16xf32>
        %get3A_1298 = arith.index_cast %add3A_1294 : i32 to index
        %get3A_1299 = arith.constant 0 : index
        %get3A_1300 = tpu.vector_load %arg11[%get3A_1298, %get3A_1299] {strides = array<i32>} : memref<80x128xf32, #tpu.memory_space<vmem>>, vector<1x16xf32>,
        %get3A_1301 = vector.shape_cast %get3A_1300 : vector<1x16xf32> to vector<16xf32>
        %mul3A_1302 = arith.mulf %get3A_1301, %broadcast_in_dim3A_1297 : vector<16xf32>
        %swap3A_1303 = arith.index_cast %add3A_1294 : i32 to index
        %swap3A_1304 = arith.constant 0 : index
        %swap3A_1305 = tpu.vector_load %arg11[%swap3A_1303, %swap3A_1304] {strides = array<i32>} : memref<80x128xf32, #tpu.memory_space<vmem>>, vector<1x16xf32>,
        %swap3A_1306 = vector.shape_cast %swap3A_1305 : vector<1x16xf32> to vector<16xf32>
        %swap3A_1307 = vector.shape_cast %mul3A_1302 : vector<16xf32> to vector<1x16xf32>
        tpu.vector_store %arg11[%swap3A_1303, %swap3A_1304], %swap3A_1307 {strides = array<i32>} : memref<80x128xf32, #tpu.memory_space<vmem>>, vector<1x16xf32>,
        %get3A_1308 = arith.index_cast %add3A_1294 : i32 to index
        %get3A_1309 = arith.constant 16 : index
        %get3A_1310 = tpu.vector_load %arg11[%get3A_1308, %get3A_1309] {strides = array<i32>} : memref<80x128xf32, #tpu.memory_space<vmem>>, vector<1x16xf32>,
        %get3A_1311 = vector.shape_cast %get3A_1310 : vector<1x16xf32> to vector<16xf32>
        %mul3A_1312 = arith.mulf %get3A_1311, %broadcast_in_dim3A_1297 : vector<16xf32>
        %swap3A_1313 = arith.index_cast %add3A_1294 : i32 to index
        %swap3A_1314 = arith.constant 16 : index
        %swap3A_1315 = tpu.vector_load %arg11[%swap3A_1313, %swap3A_1314] {strides = array<i32>} : memref<80x128xf32, #tpu.memory_space<vmem>>, vector<1x16xf32>,
        %swap3A_1316 = vector.shape_cast %swap3A_1315 : vector<1x16xf32> to vector<16xf32>
        %swap3A_1317 = vector.shape_cast %mul3A_1312 : vector<16xf32> to vector<1x16xf32>
        tpu.vector_store %arg11[%swap3A_1313, %swap3A_1314], %swap3A_1317 {strides = array<i32>} : memref<80x128xf32, #tpu.memory_space<vmem>>, vector<1x16xf32>,
        %get3A_1318 = arith.index_cast %add3A_1294 : i32 to index
        %get3A_1319 = arith.constant 32 : index
        %get3A_1320 = tpu.vector_load %arg11[%get3A_1318, %get3A_1319] {strides = array<i32>} : memref<80x128xf32, #tpu.memory_space<vmem>>, vector<1x16xf32>,
        %get3A_1321 = vector.shape_cast %get3A_1320 : vector<1x16xf32> to vector<16xf32>
        %mul3A_1322 = arith.mulf %get3A_1321, %broadcast_in_dim3A_1297 : vector<16xf32>
        %swap3A_1323 = arith.index_cast %add3A_1294 : i32 to index
        %swap3A_1324 = arith.constant 32 : index
        %swap3A_1325 = tpu.vector_load %arg11[%swap3A_1323, %swap3A_1324] {strides = array<i32>} : memref<80x128xf32, #tpu.memory_space<vmem>>, vector<1x16xf32>,
        %swap3A_1326 = vector.shape_cast %swap3A_1325 : vector<1x16xf32> to vector<16xf32>
        %swap3A_1327 = vector.shape_cast %mul3A_1322 : vector<16xf32> to vector<1x16xf32>
        tpu.vector_store %arg11[%swap3A_1323, %swap3A_1324], %swap3A_1327 {strides = array<i32>} : memref<80x128xf32, #tpu.memory_space<vmem>>, vector<1x16xf32>,
        %get3A_1328 = arith.index_cast %add3A_1294 : i32 to index
        %get3A_1329 = arith.constant 48 : index
        %get3A_1330 = tpu.vector_load %arg11[%get3A_1328, %get3A_1329] {strides = array<i32>} : memref<80x128xf32, #tpu.memory_space<vmem>>, vector<1x16xf32>,
        %get3A_1331 = vector.shape_cast %get3A_1330 : vector<1x16xf32> to vector<16xf32>
        %mul3A_1332 = arith.mulf %get3A_1331, %broadcast_in_dim3A_1297 : vector<16xf32>
        %swap3A_1333 = arith.index_cast %add3A_1294 : i32 to index
        %swap3A_1334 = arith.constant 48 : index
        %swap3A_1335 = tpu.vector_load %arg11[%swap3A_1333, %swap3A_1334] {strides = array<i32>} : memref<80x128xf32, #tpu.memory_space<vmem>>, vector<1x16xf32>,
        %swap3A_1336 = vector.shape_cast %swap3A_1335 : vector<1x16xf32> to vector<16xf32>
        %swap3A_1337 = vector.shape_cast %mul3A_1332 : vector<16xf32> to vector<1x16xf32>
        tpu.vector_store %arg11[%swap3A_1333, %swap3A_1334], %swap3A_1337 {strides = array<i32>} : memref<80x128xf32, #tpu.memory_space<vmem>>, vector<1x16xf32>,
        %get3A_1338 = arith.index_cast %add3A_1294 : i32 to index
        %get3A_1339 = arith.constant 64 : index
        %get3A_1340 = tpu.vector_load %arg11[%get3A_1338, %get3A_1339] {strides = array<i32>} : memref<80x128xf32, #tpu.memory_space<vmem>>, vector<1x16xf32>,
        %get3A_1341 = vector.shape_cast %get3A_1340 : vector<1x16xf32> to vector<16xf32>
        %mul3A_1342 = arith.mulf %get3A_1341, %broadcast_in_dim3A_1297 : vector<16xf32>
        %swap3A_1343 = arith.index_cast %add3A_1294 : i32 to index
        %swap3A_1344 = arith.constant 64 : index
        %swap3A_1345 = tpu.vector_load %arg11[%swap3A_1343, %swap3A_1344] {strides = array<i32>} : memref<80x128xf32, #tpu.memory_space<vmem>>, vector<1x16xf32>,
        %swap3A_1346 = vector.shape_cast %swap3A_1345 : vector<1x16xf32> to vector<16xf32>
        %swap3A_1347 = vector.shape_cast %mul3A_1342 : vector<16xf32> to vector<1x16xf32>
        tpu.vector_store %arg11[%swap3A_1343, %swap3A_1344], %swap3A_1347 {strides = array<i32>} : memref<80x128xf32, #tpu.memory_space<vmem>>, vector<1x16xf32>,
        %get3A_1348 = arith.index_cast %add3A_1294 : i32 to index
        %get3A_1349 = arith.constant 80 : index
        %get3A_1350 = tpu.vector_load %arg11[%get3A_1348, %get3A_1349] {strides = array<i32>} : memref<80x128xf32, #tpu.memory_space<vmem>>, vector<1x16xf32>,
        %get3A_1351 = vector.shape_cast %get3A_1350 : vector<1x16xf32> to vector<16xf32>
        %mul3A_1352 = arith.mulf %get3A_1351, %broadcast_in_dim3A_1297 : vector<16xf32>
        %swap3A_1353 = arith.index_cast %add3A_1294 : i32 to index
        %swap3A_1354 = arith.constant 80 : index
        %swap3A_1355 = tpu.vector_load %arg11[%swap3A_1353, %swap3A_1354] {strides = array<i32>} : memref<80x128xf32, #tpu.memory_space<vmem>>, vector<1x16xf32>,
        %swap3A_1356 = vector.shape_cast %swap3A_1355 : vector<1x16xf32> to vector<16xf32>
        %swap3A_1357 = vector.shape_cast %mul3A_1352 : vector<16xf32> to vector<1x16xf32>
        tpu.vector_store %arg11[%swap3A_1353, %swap3A_1354], %swap3A_1357 {strides = array<i32>} : memref<80x128xf32, #tpu.memory_space<vmem>>, vector<1x16xf32>,
        %get3A_1358 = arith.index_cast %add3A_1294 : i32 to index
        %get3A_1359 = arith.constant 96 : index
        %get3A_1360 = tpu.vector_load %arg11[%get3A_1358, %get3A_1359] {strides = array<i32>} : memref<80x128xf32, #tpu.memory_space<vmem>>, vector<1x16xf32>,
        %get3A_1361 = vector.shape_cast %get3A_1360 : vector<1x16xf32> to vector<16xf32>
        %mul3A_1362 = arith.mulf %get3A_1361, %broadcast_in_dim3A_1297 : vector<16xf32>
        %swap3A_1363 = arith.index_cast %add3A_1294 : i32 to index
        %swap3A_1364 = arith.constant 96 : index
        %swap3A_1365 = tpu.vector_load %arg11[%swap3A_1363, %swap3A_1364] {strides = array<i32>} : memref<80x128xf32, #tpu.memory_space<vmem>>, vector<1x16xf32>,
        %swap3A_1366 = vector.shape_cast %swap3A_1365 : vector<1x16xf32> to vector<16xf32>
        %swap3A_1367 = vector.shape_cast %mul3A_1362 : vector<16xf32> to vector<1x16xf32>
        tpu.vector_store %arg11[%swap3A_1363, %swap3A_1364], %swap3A_1367 {strides = array<i32>} : memref<80x128xf32, #tpu.memory_space<vmem>>, vector<1x16xf32>,
        %get3A_1368 = arith.index_cast %add3A_1294 : i32 to index
        %get3A_1369 = arith.constant 112 : index
        %get3A_1370 = tpu.vector_load %arg11[%get3A_1368, %get3A_1369] {strides = array<i32>} : memref<80x128xf32, #tpu.memory_space<vmem>>, vector<1x16xf32>,
        %get3A_1371 = vector.shape_cast %get3A_1370 : vector<1x16xf32> to vector<16xf32>
        %mul3A_1372 = arith.mulf %get3A_1371, %broadcast_in_dim3A_1297 : vector<16xf32>
        %swap3A_1373 = arith.index_cast %add3A_1294 : i32 to index
        %swap3A_1374 = arith.constant 112 : index
        %swap3A_1375 = tpu.vector_load %arg11[%swap3A_1373, %swap3A_1374] {strides = array<i32>} : memref<80x128xf32, #tpu.memory_space<vmem>>, vector<1x16xf32>,
        %swap3A_1376 = vector.shape_cast %swap3A_1375 : vector<1x16xf32> to vector<16xf32>
        %swap3A_1377 = vector.shape_cast %mul3A_1372 : vector<16xf32> to vector<1x16xf32>
        tpu.vector_store %arg11[%swap3A_1373, %swap3A_1374], %swap3A_1377 {strides = array<i32>} : memref<80x128xf32, #tpu.memory_space<vmem>>, vector<1x16xf32>,
        %mul3A_1378 = arith.constant 16 : i32
        %mul3A_1379 = arith.muli %scan3A_158, %mul3A_1378 : i32
        %add3A_1380 = arith.constant 14 : i32
        %add3A_1381 = arith.addi %mul3A_1379, %add3A_1380 : i32
        %slice3A_1382 = vector.extract_strided_slice %get3A_163 {offsets = [14], sizes = [1], strides = [1]} : vector<16xf32> to vector<1xf32>
        %squeeze3A_1383 = vector.extract %slice3A_1382[0] : f32 from vector<1xf32>
        %broadcast_in_dim3A_1384 = vector.broadcast %squeeze3A_1383 : f32 to vector<16xf32>
        %get3A_1385 = arith.index_cast %add3A_1381 : i32 to index
        %get3A_1386 = arith.constant 0 : index
        %get3A_1387 = tpu.vector_load %arg11[%get3A_1385, %get3A_1386] {strides = array<i32>} : memref<80x128xf32, #tpu.memory_space<vmem>>, vector<1x16xf32>,
        %get3A_1388 = vector.shape_cast %get3A_1387 : vector<1x16xf32> to vector<16xf32>
        %mul3A_1389 = arith.mulf %get3A_1388, %broadcast_in_dim3A_1384 : vector<16xf32>
        %swap3A_1390 = arith.index_cast %add3A_1381 : i32 to index
        %swap3A_1391 = arith.constant 0 : index
        %swap3A_1392 = tpu.vector_load %arg11[%swap3A_1390, %swap3A_1391] {strides = array<i32>} : memref<80x128xf32, #tpu.memory_space<vmem>>, vector<1x16xf32>,
        %swap3A_1393 = vector.shape_cast %swap3A_1392 : vector<1x16xf32> to vector<16xf32>
        %swap3A_1394 = vector.shape_cast %mul3A_1389 : vector<16xf32> to vector<1x16xf32>
        tpu.vector_store %arg11[%swap3A_1390, %swap3A_1391], %swap3A_1394 {strides = array<i32>} : memref<80x128xf32, #tpu.memory_space<vmem>>, vector<1x16xf32>,
        %get3A_1395 = arith.index_cast %add3A_1381 : i32 to index
        %get3A_1396 = arith.constant 16 : index
        %get3A_1397 = tpu.vector_load %arg11[%get3A_1395, %get3A_1396] {strides = array<i32>} : memref<80x128xf32, #tpu.memory_space<vmem>>, vector<1x16xf32>,
        %get3A_1398 = vector.shape_cast %get3A_1397 : vector<1x16xf32> to vector<16xf32>
        %mul3A_1399 = arith.mulf %get3A_1398, %broadcast_in_dim3A_1384 : vector<16xf32>
        %swap3A_1400 = arith.index_cast %add3A_1381 : i32 to index
        %swap3A_1401 = arith.constant 16 : index
        %swap3A_1402 = tpu.vector_load %arg11[%swap3A_1400, %swap3A_1401] {strides = array<i32>} : memref<80x128xf32, #tpu.memory_space<vmem>>, vector<1x16xf32>,
        %swap3A_1403 = vector.shape_cast %swap3A_1402 : vector<1x16xf32> to vector<16xf32>
        %swap3A_1404 = vector.shape_cast %mul3A_1399 : vector<16xf32> to vector<1x16xf32>
        tpu.vector_store %arg11[%swap3A_1400, %swap3A_1401], %swap3A_1404 {strides = array<i32>} : memref<80x128xf32, #tpu.memory_space<vmem>>, vector<1x16xf32>,
        %get3A_1405 = arith.index_cast %add3A_1381 : i32 to index
        %get3A_1406 = arith.constant 32 : index
        %get3A_1407 = tpu.vector_load %arg11[%get3A_1405, %get3A_1406] {strides = array<i32>} : memref<80x128xf32, #tpu.memory_space<vmem>>, vector<1x16xf32>,
        %get3A_1408 = vector.shape_cast %get3A_1407 : vector<1x16xf32> to vector<16xf32>
        %mul3A_1409 = arith.mulf %get3A_1408, %broadcast_in_dim3A_1384 : vector<16xf32>
        %swap3A_1410 = arith.index_cast %add3A_1381 : i32 to index
        %swap3A_1411 = arith.constant 32 : index
        %swap3A_1412 = tpu.vector_load %arg11[%swap3A_1410, %swap3A_1411] {strides = array<i32>} : memref<80x128xf32, #tpu.memory_space<vmem>>, vector<1x16xf32>,
        %swap3A_1413 = vector.shape_cast %swap3A_1412 : vector<1x16xf32> to vector<16xf32>
        %swap3A_1414 = vector.shape_cast %mul3A_1409 : vector<16xf32> to vector<1x16xf32>
        tpu.vector_store %arg11[%swap3A_1410, %swap3A_1411], %swap3A_1414 {strides = array<i32>} : memref<80x128xf32, #tpu.memory_space<vmem>>, vector<1x16xf32>,
        %get3A_1415 = arith.index_cast %add3A_1381 : i32 to index
        %get3A_1416 = arith.constant 48 : index
        %get3A_1417 = tpu.vector_load %arg11[%get3A_1415, %get3A_1416] {strides = array<i32>} : memref<80x128xf32, #tpu.memory_space<vmem>>, vector<1x16xf32>,
        %get3A_1418 = vector.shape_cast %get3A_1417 : vector<1x16xf32> to vector<16xf32>
        %mul3A_1419 = arith.mulf %get3A_1418, %broadcast_in_dim3A_1384 : vector<16xf32>
        %swap3A_1420 = arith.index_cast %add3A_1381 : i32 to index
        %swap3A_1421 = arith.constant 48 : index
        %swap3A_1422 = tpu.vector_load %arg11[%swap3A_1420, %swap3A_1421] {strides = array<i32>} : memref<80x128xf32, #tpu.memory_space<vmem>>, vector<1x16xf32>,
        %swap3A_1423 = vector.shape_cast %swap3A_1422 : vector<1x16xf32> to vector<16xf32>
        %swap3A_1424 = vector.shape_cast %mul3A_1419 : vector<16xf32> to vector<1x16xf32>
        tpu.vector_store %arg11[%swap3A_1420, %swap3A_1421], %swap3A_1424 {strides = array<i32>} : memref<80x128xf32, #tpu.memory_space<vmem>>, vector<1x16xf32>,
        %get3A_1425 = arith.index_cast %add3A_1381 : i32 to index
        %get3A_1426 = arith.constant 64 : index
        %get3A_1427 = tpu.vector_load %arg11[%get3A_1425, %get3A_1426] {strides = array<i32>} : memref<80x128xf32, #tpu.memory_space<vmem>>, vector<1x16xf32>,
        %get3A_1428 = vector.shape_cast %get3A_1427 : vector<1x16xf32> to vector<16xf32>
        %mul3A_1429 = arith.mulf %get3A_1428, %broadcast_in_dim3A_1384 : vector<16xf32>
        %swap3A_1430 = arith.index_cast %add3A_1381 : i32 to index
        %swap3A_1431 = arith.constant 64 : index
        %swap3A_1432 = tpu.vector_load %arg11[%swap3A_1430, %swap3A_1431] {strides = array<i32>} : memref<80x128xf32, #tpu.memory_space<vmem>>, vector<1x16xf32>,
        %swap3A_1433 = vector.shape_cast %swap3A_1432 : vector<1x16xf32> to vector<16xf32>
        %swap3A_1434 = vector.shape_cast %mul3A_1429 : vector<16xf32> to vector<1x16xf32>
        tpu.vector_store %arg11[%swap3A_1430, %swap3A_1431], %swap3A_1434 {strides = array<i32>} : memref<80x128xf32, #tpu.memory_space<vmem>>, vector<1x16xf32>,
        %get3A_1435 = arith.index_cast %add3A_1381 : i32 to index
        %get3A_1436 = arith.constant 80 : index
        %get3A_1437 = tpu.vector_load %arg11[%get3A_1435, %get3A_1436] {strides = array<i32>} : memref<80x128xf32, #tpu.memory_space<vmem>>, vector<1x16xf32>,
        %get3A_1438 = vector.shape_cast %get3A_1437 : vector<1x16xf32> to vector<16xf32>
        %mul3A_1439 = arith.mulf %get3A_1438, %broadcast_in_dim3A_1384 : vector<16xf32>
        %swap3A_1440 = arith.index_cast %add3A_1381 : i32 to index
        %swap3A_1441 = arith.constant 80 : index
        %swap3A_1442 = tpu.vector_load %arg11[%swap3A_1440, %swap3A_1441] {strides = array<i32>} : memref<80x128xf32, #tpu.memory_space<vmem>>, vector<1x16xf32>,
        %swap3A_1443 = vector.shape_cast %swap3A_1442 : vector<1x16xf32> to vector<16xf32>
        %swap3A_1444 = vector.shape_cast %mul3A_1439 : vector<16xf32> to vector<1x16xf32>
        tpu.vector_store %arg11[%swap3A_1440, %swap3A_1441], %swap3A_1444 {strides = array<i32>} : memref<80x128xf32, #tpu.memory_space<vmem>>, vector<1x16xf32>,
        %get3A_1445 = arith.index_cast %add3A_1381 : i32 to index
        %get3A_1446 = arith.constant 96 : index
        %get3A_1447 = tpu.vector_load %arg11[%get3A_1445, %get3A_1446] {strides = array<i32>} : memref<80x128xf32, #tpu.memory_space<vmem>>, vector<1x16xf32>,
        %get3A_1448 = vector.shape_cast %get3A_1447 : vector<1x16xf32> to vector<16xf32>
        %mul3A_1449 = arith.mulf %get3A_1448, %broadcast_in_dim3A_1384 : vector<16xf32>
        %swap3A_1450 = arith.index_cast %add3A_1381 : i32 to index
        %swap3A_1451 = arith.constant 96 : index
        %swap3A_1452 = tpu.vector_load %arg11[%swap3A_1450, %swap3A_1451] {strides = array<i32>} : memref<80x128xf32, #tpu.memory_space<vmem>>, vector<1x16xf32>,
        %swap3A_1453 = vector.shape_cast %swap3A_1452 : vector<1x16xf32> to vector<16xf32>
        %swap3A_1454 = vector.shape_cast %mul3A_1449 : vector<16xf32> to vector<1x16xf32>
        tpu.vector_store %arg11[%swap3A_1450, %swap3A_1451], %swap3A_1454 {strides = array<i32>} : memref<80x128xf32, #tpu.memory_space<vmem>>, vector<1x16xf32>,
        %get3A_1455 = arith.index_cast %add3A_1381 : i32 to index
        %get3A_1456 = arith.constant 112 : index
        %get3A_1457 = tpu.vector_load %arg11[%get3A_1455, %get3A_1456] {strides = array<i32>} : memref<80x128xf32, #tpu.memory_space<vmem>>, vector<1x16xf32>,
        %get3A_1458 = vector.shape_cast %get3A_1457 : vector<1x16xf32> to vector<16xf32>
        %mul3A_1459 = arith.mulf %get3A_1458, %broadcast_in_dim3A_1384 : vector<16xf32>
        %swap3A_1460 = arith.index_cast %add3A_1381 : i32 to index
        %swap3A_1461 = arith.constant 112 : index
        %swap3A_1462 = tpu.vector_load %arg11[%swap3A_1460, %swap3A_1461] {strides = array<i32>} : memref<80x128xf32, #tpu.memory_space<vmem>>, vector<1x16xf32>,
        %swap3A_1463 = vector.shape_cast %swap3A_1462 : vector<1x16xf32> to vector<16xf32>
        %swap3A_1464 = vector.shape_cast %mul3A_1459 : vector<16xf32> to vector<1x16xf32>
        tpu.vector_store %arg11[%swap3A_1460, %swap3A_1461], %swap3A_1464 {strides = array<i32>} : memref<80x128xf32, #tpu.memory_space<vmem>>, vector<1x16xf32>,
        %mul3A_1465 = arith.constant 16 : i32
        %mul3A_1466 = arith.muli %scan3A_158, %mul3A_1465 : i32
        %add3A_1467 = arith.constant 15 : i32
        %add3A_1468 = arith.addi %mul3A_1466, %add3A_1467 : i32
        %slice3A_1469 = vector.extract_strided_slice %get3A_163 {offsets = [15], sizes = [1], strides = [1]} : vector<16xf32> to vector<1xf32>
        %squeeze3A_1470 = vector.extract %slice3A_1469[0] : f32 from vector<1xf32>
        %broadcast_in_dim3A_1471 = vector.broadcast %squeeze3A_1470 : f32 to vector<16xf32>
        %get3A_1472 = arith.index_cast %add3A_1468 : i32 to index
        %get3A_1473 = arith.constant 0 : index
        %get3A_1474 = tpu.vector_load %arg11[%get3A_1472, %get3A_1473] {strides = array<i32>} : memref<80x128xf32, #tpu.memory_space<vmem>>, vector<1x16xf32>,
        %get3A_1475 = vector.shape_cast %get3A_1474 : vector<1x16xf32> to vector<16xf32>
        %mul3A_1476 = arith.mulf %get3A_1475, %broadcast_in_dim3A_1471 : vector<16xf32>
        %swap3A_1477 = arith.index_cast %add3A_1468 : i32 to index
        %swap3A_1478 = arith.constant 0 : index
        %swap3A_1479 = tpu.vector_load %arg11[%swap3A_1477, %swap3A_1478] {strides = array<i32>} : memref<80x128xf32, #tpu.memory_space<vmem>>, vector<1x16xf32>,
        %swap3A_1480 = vector.shape_cast %swap3A_1479 : vector<1x16xf32> to vector<16xf32>
        %swap3A_1481 = vector.shape_cast %mul3A_1476 : vector<16xf32> to vector<1x16xf32>
        tpu.vector_store %arg11[%swap3A_1477, %swap3A_1478], %swap3A_1481 {strides = array<i32>} : memref<80x128xf32, #tpu.memory_space<vmem>>, vector<1x16xf32>,
        %get3A_1482 = arith.index_cast %add3A_1468 : i32 to index
        %get3A_1483 = arith.constant 16 : index
        %get3A_1484 = tpu.vector_load %arg11[%get3A_1482, %get3A_1483] {strides = array<i32>} : memref<80x128xf32, #tpu.memory_space<vmem>>, vector<1x16xf32>,
        %get3A_1485 = vector.shape_cast %get3A_1484 : vector<1x16xf32> to vector<16xf32>
        %mul3A_1486 = arith.mulf %get3A_1485, %broadcast_in_dim3A_1471 : vector<16xf32>
        %swap3A_1487 = arith.index_cast %add3A_1468 : i32 to index
        %swap3A_1488 = arith.constant 16 : index
        %swap3A_1489 = tpu.vector_load %arg11[%swap3A_1487, %swap3A_1488] {strides = array<i32>} : memref<80x128xf32, #tpu.memory_space<vmem>>, vector<1x16xf32>,
        %swap3A_1490 = vector.shape_cast %swap3A_1489 : vector<1x16xf32> to vector<16xf32>
        %swap3A_1491 = vector.shape_cast %mul3A_1486 : vector<16xf32> to vector<1x16xf32>
        tpu.vector_store %arg11[%swap3A_1487, %swap3A_1488], %swap3A_1491 {strides = array<i32>} : memref<80x128xf32, #tpu.memory_space<vmem>>, vector<1x16xf32>,
        %get3A_1492 = arith.index_cast %add3A_1468 : i32 to index
        %get3A_1493 = arith.constant 32 : index
        %get3A_1494 = tpu.vector_load %arg11[%get3A_1492, %get3A_1493] {strides = array<i32>} : memref<80x128xf32, #tpu.memory_space<vmem>>, vector<1x16xf32>,
        %get3A_1495 = vector.shape_cast %get3A_1494 : vector<1x16xf32> to vector<16xf32>
        %mul3A_1496 = arith.mulf %get3A_1495, %broadcast_in_dim3A_1471 : vector<16xf32>
        %swap3A_1497 = arith.index_cast %add3A_1468 : i32 to index
        %swap3A_1498 = arith.constant 32 : index
        %swap3A_1499 = tpu.vector_load %arg11[%swap3A_1497, %swap3A_1498] {strides = array<i32>} : memref<80x128xf32, #tpu.memory_space<vmem>>, vector<1x16xf32>,
        %swap3A_1500 = vector.shape_cast %swap3A_1499 : vector<1x16xf32> to vector<16xf32>
        %swap3A_1501 = vector.shape_cast %mul3A_1496 : vector<16xf32> to vector<1x16xf32>
        tpu.vector_store %arg11[%swap3A_1497, %swap3A_1498], %swap3A_1501 {strides = array<i32>} : memref<80x128xf32, #tpu.memory_space<vmem>>, vector<1x16xf32>,
        %get3A_1502 = arith.index_cast %add3A_1468 : i32 to index
        %get3A_1503 = arith.constant 48 : index
        %get3A_1504 = tpu.vector_load %arg11[%get3A_1502, %get3A_1503] {strides = array<i32>} : memref<80x128xf32, #tpu.memory_space<vmem>>, vector<1x16xf32>,
        %get3A_1505 = vector.shape_cast %get3A_1504 : vector<1x16xf32> to vector<16xf32>
        %mul3A_1506 = arith.mulf %get3A_1505, %broadcast_in_dim3A_1471 : vector<16xf32>
        %swap3A_1507 = arith.index_cast %add3A_1468 : i32 to index
        %swap3A_1508 = arith.constant 48 : index
        %swap3A_1509 = tpu.vector_load %arg11[%swap3A_1507, %swap3A_1508] {strides = array<i32>} : memref<80x128xf32, #tpu.memory_space<vmem>>, vector<1x16xf32>,
        %swap3A_1510 = vector.shape_cast %swap3A_1509 : vector<1x16xf32> to vector<16xf32>
        %swap3A_1511 = vector.shape_cast %mul3A_1506 : vector<16xf32> to vector<1x16xf32>
        tpu.vector_store %arg11[%swap3A_1507, %swap3A_1508], %swap3A_1511 {strides = array<i32>} : memref<80x128xf32, #tpu.memory_space<vmem>>, vector<1x16xf32>,
        %get3A_1512 = arith.index_cast %add3A_1468 : i32 to index
        %get3A_1513 = arith.constant 64 : index
        %get3A_1514 = tpu.vector_load %arg11[%get3A_1512, %get3A_1513] {strides = array<i32>} : memref<80x128xf32, #tpu.memory_space<vmem>>, vector<1x16xf32>,
        %get3A_1515 = vector.shape_cast %get3A_1514 : vector<1x16xf32> to vector<16xf32>
        %mul3A_1516 = arith.mulf %get3A_1515, %broadcast_in_dim3A_1471 : vector<16xf32>
        %swap3A_1517 = arith.index_cast %add3A_1468 : i32 to index
        %swap3A_1518 = arith.constant 64 : index
        %swap3A_1519 = tpu.vector_load %arg11[%swap3A_1517, %swap3A_1518] {strides = array<i32>} : memref<80x128xf32, #tpu.memory_space<vmem>>, vector<1x16xf32>,
        %swap3A_1520 = vector.shape_cast %swap3A_1519 : vector<1x16xf32> to vector<16xf32>
        %swap3A_1521 = vector.shape_cast %mul3A_1516 : vector<16xf32> to vector<1x16xf32>
        tpu.vector_store %arg11[%swap3A_1517, %swap3A_1518], %swap3A_1521 {strides = array<i32>} : memref<80x128xf32, #tpu.memory_space<vmem>>, vector<1x16xf32>,
        %get3A_1522 = arith.index_cast %add3A_1468 : i32 to index
        %get3A_1523 = arith.constant 80 : index
        %get3A_1524 = tpu.vector_load %arg11[%get3A_1522, %get3A_1523] {strides = array<i32>} : memref<80x128xf32, #tpu.memory_space<vmem>>, vector<1x16xf32>,
        %get3A_1525 = vector.shape_cast %get3A_1524 : vector<1x16xf32> to vector<16xf32>
        %mul3A_1526 = arith.mulf %get3A_1525, %broadcast_in_dim3A_1471 : vector<16xf32>
        %swap3A_1527 = arith.index_cast %add3A_1468 : i32 to index
        %swap3A_1528 = arith.constant 80 : index
        %swap3A_1529 = tpu.vector_load %arg11[%swap3A_1527, %swap3A_1528] {strides = array<i32>} : memref<80x128xf32, #tpu.memory_space<vmem>>, vector<1x16xf32>,
        %swap3A_1530 = vector.shape_cast %swap3A_1529 : vector<1x16xf32> to vector<16xf32>
        %swap3A_1531 = vector.shape_cast %mul3A_1526 : vector<16xf32> to vector<1x16xf32>
        tpu.vector_store %arg11[%swap3A_1527, %swap3A_1528], %swap3A_1531 {strides = array<i32>} : memref<80x128xf32, #tpu.memory_space<vmem>>, vector<1x16xf32>,
        %get3A_1532 = arith.index_cast %add3A_1468 : i32 to index
        %get3A_1533 = arith.constant 96 : index
        %get3A_1534 = tpu.vector_load %arg11[%get3A_1532, %get3A_1533] {strides = array<i32>} : memref<80x128xf32, #tpu.memory_space<vmem>>, vector<1x16xf32>,
        %get3A_1535 = vector.shape_cast %get3A_1534 : vector<1x16xf32> to vector<16xf32>
        %mul3A_1536 = arith.mulf %get3A_1535, %broadcast_in_dim3A_1471 : vector<16xf32>
        %swap3A_1537 = arith.index_cast %add3A_1468 : i32 to index
        %swap3A_1538 = arith.constant 96 : index
        %swap3A_1539 = tpu.vector_load %arg11[%swap3A_1537, %swap3A_1538] {strides = array<i32>} : memref<80x128xf32, #tpu.memory_space<vmem>>, vector<1x16xf32>,
        %swap3A_1540 = vector.shape_cast %swap3A_1539 : vector<1x16xf32> to vector<16xf32>
        %swap3A_1541 = vector.shape_cast %mul3A_1536 : vector<16xf32> to vector<1x16xf32>
        tpu.vector_store %arg11[%swap3A_1537, %swap3A_1538], %swap3A_1541 {strides = array<i32>} : memref<80x128xf32, #tpu.memory_space<vmem>>, vector<1x16xf32>,
        %get3A_1542 = arith.index_cast %add3A_1468 : i32 to index
        %get3A_1543 = arith.constant 112 : index
        %get3A_1544 = tpu.vector_load %arg11[%get3A_1542, %get3A_1543] {strides = array<i32>} : memref<80x128xf32, #tpu.memory_space<vmem>>, vector<1x16xf32>,
        %get3A_1545 = vector.shape_cast %get3A_1544 : vector<1x16xf32> to vector<16xf32>
        %mul3A_1546 = arith.mulf %get3A_1545, %broadcast_in_dim3A_1471 : vector<16xf32>
        %swap3A_1547 = arith.index_cast %add3A_1468 : i32 to index
        %swap3A_1548 = arith.constant 112 : index
        %swap3A_1549 = tpu.vector_load %arg11[%swap3A_1547, %swap3A_1548] {strides = array<i32>} : memref<80x128xf32, #tpu.memory_space<vmem>>, vector<1x16xf32>,
        %swap3A_1550 = vector.shape_cast %swap3A_1549 : vector<1x16xf32> to vector<16xf32>
        %swap3A_1551 = vector.shape_cast %mul3A_1546 : vector<16xf32> to vector<1x16xf32>
        tpu.vector_store %arg11[%swap3A_1547, %swap3A_1548], %swap3A_1551 {strides = array<i32>} : memref<80x128xf32, #tpu.memory_space<vmem>>, vector<1x16xf32>,
        %mul3A_1552 = arith.constant 16 : i32
        %mul3A_1553 = arith.muli %scan3A_158, %mul3A_1552 : i32
        %add3A_1554 = arith.addi %add3A_91, %mul3A_1553 : i32
        %get3A_1555 = arith.index_cast %add3A_1554 : i32 to index
        %get3A_1556 = tpu.vector_load %arg8[%get3A_1555] {strides = array<i32>} : memref<10000xi32, #tpu.memory_space<vmem>>, vector<16xi32>,
        %get3A_1557 = vector.shape_cast %get3A_1556 : vector<16xi32> to vector<16xi32>
        %mul3A_1558 = arith.constant 16 : i32
        %mul3A_1559 = arith.muli %scan3A_158, %mul3A_1558 : i32
        %dma_start3A_1560 = arith.constant 0 : i32
        %dma_start3A_1561 = tpu.memref_slice %arg11[%mul3A_1559, %dma_start3A_1560] : memref<80x128xf32, #tpu.memory_space<vmem>> -> memref<16x128xf32, #tpu.memory_space<vmem>>
        %dma_start3A_1562 = arith.constant 0 : i32
        %dma_start3A_1563 = arith.constant 0 : i32
        %dma_start3A_1564 = tpu.memref_slice %arg6[%dma_start3A_1562, %dma_start3A_1563] : memref<10000x128xf32, #tpu.memory_space<vmem_shared>> -> memref<10000x128xf32, #tpu.memory_space<vmem_shared>>
        tpu.enqueue_indirect_dma source(%dma_start3A_1561 : memref<16x128xf32, #tpu.memory_space<vmem>>) target(%dma_start3A_1564 : memref<10000x128xf32, #tpu.memory_space<vmem_shared>>) offsets(%get3A_1557 : vector<16xi32>) semaphore(%arg14 : memref<!tpu.dma_semaphore, #tpu.memory_space<semaphore_mem>>) {add = true}
      }
      %scan3A_145 = arith.constant 5 : i32
      %dma_wait3A_146 = arith.constant 0 : i32
      %dma_wait3A_147 = arith.constant 0 : i32
      %dma_wait3A_148 = tpu.memref_slice %arg11[%dma_wait3A_146, %dma_wait3A_147] : memref<80x128xf32, #tpu.memory_space<vmem>> -> memref<80x128xf32, #tpu.memory_space<vmem>>
      %dma_wait3A_149 = arith.constant 0 : i32
      %dma_wait3A_150 = arith.constant 0 : i32
      %dma_wait3A_151 = tpu.memref_slice %arg2[%dma_wait3A_149, %dma_wait3A_150] : memref<10000x128xf32, #tpu.memory_space<hbm>> -> memref<80x128xf32, #tpu.memory_space<hbm>>
      %dma_wait3A_152 = arith.constant 0 : i32
      %dma_wait3A_153 = arith.constant 0 : i32
      %dma_wait3A_154 = tpu.memref_slice %arg11[%dma_wait3A_152, %dma_wait3A_153] : memref<80x128xf32, #tpu.memory_space<vmem>> -> memref<80x128xf32, #tpu.memory_space<vmem>>
      %dma_wait3A_155 = arith.constant 0 : i32
      %dma_wait3A_156 = arith.constant 0 : i32
      %dma_wait3A_157 = tpu.memref_slice %arg2[%dma_wait3A_155, %dma_wait3A_156] : memref<10000x128xf32, #tpu.memory_space<hbm>> -> memref<80x128xf32, #tpu.memory_space<hbm>>
      tpu.wait_dma2 semaphore(%arg14 : memref<!tpu.dma_semaphore, #tpu.memory_space<semaphore_mem>>) src(%dma_wait3A_157 : memref<80x128xf32, #tpu.memory_space<hbm>>) dst(%dma_wait3A_154 : memref<80x128xf32, #tpu.memory_space<vmem>>)
    }
    %scan3A_45 = arith.constant 62 : i32
    %dma_wait3A_46 = arith.constant 0 : i32
    %dma_wait3A_47 = arith.constant 0 : i32
    %dma_wait3A_48 = tpu.memref_slice %arg10[%dma_wait3A_46, %dma_wait3A_47] : memref<80x128xf32, #tpu.memory_space<vmem>> -> memref<80x128xf32, #tpu.memory_space<vmem>>
    %dma_wait3A_49 = arith.constant 9920 : i32
    %dma_wait3A_50 = tpu.memref_slice %arg7[%dma_wait3A_49] : memref<10000xi32, #tpu.memory_space<vmem>> -> memref<80xi32, #tpu.memory_space<vmem>>
    %dma_wait3A_51 = arith.constant 0 : i32
    %dma_wait3A_52 = arith.constant 0 : i32
    %dma_wait3A_53 = tpu.memref_slice %arg2[%dma_wait3A_51, %dma_wait3A_52] : memref<10000x128xf32, #tpu.memory_space<hbm>> -> memref<10000x128xf32, #tpu.memory_space<hbm>>
    tpu.wait_indirect_dma semaphore(%arg12 : memref<!tpu.dma_semaphore, #tpu.memory_space<semaphore_mem>>) src(%dma_wait3A_53 : memref<10000x128xf32, #tpu.memory_space<hbm>>) dst(%dma_wait3A_48 : memref<80x128xf32, #tpu.memory_space<vmem>>)
    %scan3A_54 = arith.constant 0 : i32
    %scan3A_55 = arith.constant 0 : i32
    %scan3A_56 = arith.constant 5 : i32
    %scan3A_57 = arith.addi %scan3A_55, %scan3A_56 : i32
    %scan3A_58 = arith.constant 1 : i32
    scf.for %scan3A_85 = %scan3A_55 to %scan3A_57 step %scan3A_58  : i32 {
      %mul3A_86 = arith.constant 16 : i32
      %mul3A_87 = arith.muli %scan3A_85, %mul3A_86 : i32
      %add3A_88 = arith.constant 9920 : i32
      %add3A_89 = arith.addi %add3A_88, %mul3A_87 : i32
      %get3A = arith.index_cast %add3A_89 : i32 to index
      %get3A_90 = tpu.vector_load %arg9[%get3A] {strides = array<i32>} : memref<10000xf32, #tpu.memory_space<vmem>>, vector<16xf32>,
      %get3A_91 = vector.shape_cast %get3A_90 : vector<16xf32> to vector<16xf32>
      %mul3A_92 = arith.constant 16 : i32
      %mul3A_93 = arith.muli %scan3A_85, %mul3A_92 : i32
      %add3A_94 = arith.constant 0 : i32
      %add3A_95 = arith.addi %mul3A_93, %add3A_94 : i32
      %slice3A = vector.extract_strided_slice %get3A_91 {offsets = [0], sizes = [1], strides = [1]} : vector<16xf32> to vector<1xf32>
      %squeeze3A = vector.extract %slice3A[0] : f32 from vector<1xf32>
      %broadcast_in_dim3A = vector.broadcast %squeeze3A : f32 to vector<16xf32>
      %get3A_96 = arith.index_cast %add3A_95 : i32 to index
      %get3A_97 = arith.constant 0 : index
      %get3A_98 = tpu.vector_load %arg10[%get3A_96, %get3A_97] {strides = array<i32>} : memref<80x128xf32, #tpu.memory_space<vmem>>, vector<1x16xf32>,
      %get3A_99 = vector.shape_cast %get3A_98 : vector<1x16xf32> to vector<16xf32>
      %mul3A_100 = arith.mulf %get3A_99, %broadcast_in_dim3A : vector<16xf32>
      %swap3A = arith.index_cast %add3A_95 : i32 to index
      %swap3A_101 = arith.constant 0 : index
      %swap3A_102 = tpu.vector_load %arg10[%swap3A, %swap3A_101] {strides = array<i32>} : memref<80x128xf32, #tpu.memory_space<vmem>>, vector<1x16xf32>,
      %swap3A_103 = vector.shape_cast %swap3A_102 : vector<1x16xf32> to vector<16xf32>
      %swap3A_104 = vector.shape_cast %mul3A_100 : vector<16xf32> to vector<1x16xf32>
      tpu.vector_store %arg10[%swap3A, %swap3A_101], %swap3A_104 {strides = array<i32>} : memref<80x128xf32, #tpu.memory_space<vmem>>, vector<1x16xf32>,
      %get3A_105 = arith.index_cast %add3A_95 : i32 to index
      %get3A_106 = arith.constant 16 : index
      %get3A_107 = tpu.vector_load %arg10[%get3A_105, %get3A_106] {strides = array<i32>} : memref<80x128xf32, #tpu.memory_space<vmem>>, vector<1x16xf32>,
      %get3A_108 = vector.shape_cast %get3A_107 : vector<1x16xf32> to vector<16xf32>
      %mul3A_109 = arith.mulf %get3A_108, %broadcast_in_dim3A : vector<16xf32>
      %swap3A_110 = arith.index_cast %add3A_95 : i32 to index
      %swap3A_111 = arith.constant 16 : index
      %swap3A_112 = tpu.vector_load %arg10[%swap3A_110, %swap3A_111] {strides = array<i32>} : memref<80x128xf32, #tpu.memory_space<vmem>>, vector<1x16xf32>,
      %swap3A_113 = vector.shape_cast %swap3A_112 : vector<1x16xf32> to vector<16xf32>
      %swap3A_114 = vector.shape_cast %mul3A_109 : vector<16xf32> to vector<1x16xf32>
      tpu.vector_store %arg10[%swap3A_110, %swap3A_111], %swap3A_114 {strides = array<i32>} : memref<80x128xf32, #tpu.memory_space<vmem>>, vector<1x16xf32>,
      %get3A_115 = arith.index_cast %add3A_95 : i32 to index
      %get3A_116 = arith.constant 32 : index
      %get3A_117 = tpu.vector_load %arg10[%get3A_115, %get3A_116] {strides = array<i32>} : memref<80x128xf32, #tpu.memory_space<vmem>>, vector<1x16xf32>,
      %get3A_118 = vector.shape_cast %get3A_117 : vector<1x16xf32> to vector<16xf32>
      %mul3A_119 = arith.mulf %get3A_118, %broadcast_in_dim3A : vector<16xf32>
      %swap3A_120 = arith.index_cast %add3A_95 : i32 to index
      %swap3A_121 = arith.constant 32 : index
      %swap3A_122 = tpu.vector_load %arg10[%swap3A_120, %swap3A_121] {strides = array<i32>} : memref<80x128xf32, #tpu.memory_space<vmem>>, vector<1x16xf32>,
      %swap3A_123 = vector.shape_cast %swap3A_122 : vector<1x16xf32> to vector<16xf32>
      %swap3A_124 = vector.shape_cast %mul3A_119 : vector<16xf32> to vector<1x16xf32>
      tpu.vector_store %arg10[%swap3A_120, %swap3A_121], %swap3A_124 {strides = array<i32>} : memref<80x128xf32, #tpu.memory_space<vmem>>, vector<1x16xf32>,
      %get3A_125 = arith.index_cast %add3A_95 : i32 to index
      %get3A_126 = arith.constant 48 : index
      %get3A_127 = tpu.vector_load %arg10[%get3A_125, %get3A_126] {strides = array<i32>} : memref<80x128xf32, #tpu.memory_space<vmem>>, vector<1x16xf32>,
      %get3A_128 = vector.shape_cast %get3A_127 : vector<1x16xf32> to vector<16xf32>
      %mul3A_129 = arith.mulf %get3A_128, %broadcast_in_dim3A : vector<16xf32>
      %swap3A_130 = arith.index_cast %add3A_95 : i32 to index
      %swap3A_131 = arith.constant 48 : index
      %swap3A_132 = tpu.vector_load %arg10[%swap3A_130, %swap3A_131] {strides = array<i32>} : memref<80x128xf32, #tpu.memory_space<vmem>>, vector<1x16xf32>,
      %swap3A_133 = vector.shape_cast %swap3A_132 : vector<1x16xf32> to vector<16xf32>
      %swap3A_134 = vector.shape_cast %mul3A_129 : vector<16xf32> to vector<1x16xf32>
      tpu.vector_store %arg10[%swap3A_130, %swap3A_131], %swap3A_134 {strides = array<i32>} : memref<80x128xf32, #tpu.memory_space<vmem>>, vector<1x16xf32>,
      %get3A_135 = arith.index_cast %add3A_95 : i32 to index
      %get3A_136 = arith.constant 64 : index
      %get3A_137 = tpu.vector_load %arg10[%get3A_135, %get3A_136] {strides = array<i32>} : memref<80x128xf32, #tpu.memory_space<vmem>>, vector<1x16xf32>,
      %get3A_138 = vector.shape_cast %get3A_137 : vector<1x16xf32> to vector<16xf32>
      %mul3A_139 = arith.mulf %get3A_138, %broadcast_in_dim3A : vector<16xf32>
      %swap3A_140 = arith.index_cast %add3A_95 : i32 to index
      %swap3A_141 = arith.constant 64 : index
      %swap3A_142 = tpu.vector_load %arg10[%swap3A_140, %swap3A_141] {strides = array<i32>} : memref<80x128xf32, #tpu.memory_space<vmem>>, vector<1x16xf32>,
      %swap3A_143 = vector.shape_cast %swap3A_142 : vector<1x16xf32> to vector<16xf32>
      %swap3A_144 = vector.shape_cast %mul3A_139 : vector<16xf32> to vector<1x16xf32>
      tpu.vector_store %arg10[%swap3A_140, %swap3A_141], %swap3A_144 {strides = array<i32>} : memref<80x128xf32, #tpu.memory_space<vmem>>, vector<1x16xf32>,
      %get3A_145 = arith.index_cast %add3A_95 : i32 to index
      %get3A_146 = arith.constant 80 : index
      %get3A_147 = tpu.vector_load %arg10[%get3A_145, %get3A_146] {strides = array<i32>} : memref<80x128xf32, #tpu.memory_space<vmem>>, vector<1x16xf32>,
      %get3A_148 = vector.shape_cast %get3A_147 : vector<1x16xf32> to vector<16xf32>
      %mul3A_149 = arith.mulf %get3A_148, %broadcast_in_dim3A : vector<16xf32>
      %swap3A_150 = arith.index_cast %add3A_95 : i32 to index
      %swap3A_151 = arith.constant 80 : index
      %swap3A_152 = tpu.vector_load %arg10[%swap3A_150, %swap3A_151] {strides = array<i32>} : memref<80x128xf32, #tpu.memory_space<vmem>>, vector<1x16xf32>,
      %swap3A_153 = vector.shape_cast %swap3A_152 : vector<1x16xf32> to vector<16xf32>
      %swap3A_154 = vector.shape_cast %mul3A_149 : vector<16xf32> to vector<1x16xf32>
      tpu.vector_store %arg10[%swap3A_150, %swap3A_151], %swap3A_154 {strides = array<i32>} : memref<80x128xf32, #tpu.memory_space<vmem>>, vector<1x16xf32>,
      %get3A_155 = arith.index_cast %add3A_95 : i32 to index
      %get3A_156 = arith.constant 96 : index
      %get3A_157 = tpu.vector_load %arg10[%get3A_155, %get3A_156] {strides = array<i32>} : memref<80x128xf32, #tpu.memory_space<vmem>>, vector<1x16xf32>,
      %get3A_158 = vector.shape_cast %get3A_157 : vector<1x16xf32> to vector<16xf32>
      %mul3A_159 = arith.mulf %get3A_158, %broadcast_in_dim3A : vector<16xf32>
      %swap3A_160 = arith.index_cast %add3A_95 : i32 to index
      %swap3A_161 = arith.constant 96 : index
      %swap3A_162 = tpu.vector_load %arg10[%swap3A_160, %swap3A_161] {strides = array<i32>} : memref<80x128xf32, #tpu.memory_space<vmem>>, vector<1x16xf32>,
      %swap3A_163 = vector.shape_cast %swap3A_162 : vector<1x16xf32> to vector<16xf32>
      %swap3A_164 = vector.shape_cast %mul3A_159 : vector<16xf32> to vector<1x16xf32>
      tpu.vector_store %arg10[%swap3A_160, %swap3A_161], %swap3A_164 {strides = array<i32>} : memref<80x128xf32, #tpu.memory_space<vmem>>, vector<1x16xf32>,
      %get3A_165 = arith.index_cast %add3A_95 : i32 to index
      %get3A_166 = arith.constant 112 : index
      %get3A_167 = tpu.vector_load %arg10[%get3A_165, %get3A_166] {strides = array<i32>} : memref<80x128xf32, #tpu.memory_space<vmem>>, vector<1x16xf32>,
      %get3A_168 = vector.shape_cast %get3A_167 : vector<1x16xf32> to vector<16xf32>
      %mul3A_169 = arith.mulf %get3A_168, %broadcast_in_dim3A : vector<16xf32>
      %swap3A_170 = arith.index_cast %add3A_95 : i32 to index
      %swap3A_171 = arith.constant 112 : index
      %swap3A_172 = tpu.vector_load %arg10[%swap3A_170, %swap3A_171] {strides = array<i32>} : memref<80x128xf32, #tpu.memory_space<vmem>>, vector<1x16xf32>,
      %swap3A_173 = vector.shape_cast %swap3A_172 : vector<1x16xf32> to vector<16xf32>
      %swap3A_174 = vector.shape_cast %mul3A_169 : vector<16xf32> to vector<1x16xf32>
      tpu.vector_store %arg10[%swap3A_170, %swap3A_171], %swap3A_174 {strides = array<i32>} : memref<80x128xf32, #tpu.memory_space<vmem>>, vector<1x16xf32>,
      %mul3A_175 = arith.constant 16 : i32
      %mul3A_176 = arith.muli %scan3A_85, %mul3A_175 : i32
      %add3A_177 = arith.constant 1 : i32
      %add3A_178 = arith.addi %mul3A_176, %add3A_177 : i32
      %slice3A_179 = vector.extract_strided_slice %get3A_91 {offsets = [1], sizes = [1], strides = [1]} : vector<16xf32> to vector<1xf32>
      %squeeze3A_180 = vector.extract %slice3A_179[0] : f32 from vector<1xf32>
      %broadcast_in_dim3A_181 = vector.broadcast %squeeze3A_180 : f32 to vector<16xf32>
      %get3A_182 = arith.index_cast %add3A_178 : i32 to index
      %get3A_183 = arith.constant 0 : index
      %get3A_184 = tpu.vector_load %arg10[%get3A_182, %get3A_183] {strides = array<i32>} : memref<80x128xf32, #tpu.memory_space<vmem>>, vector<1x16xf32>,
      %get3A_185 = vector.shape_cast %get3A_184 : vector<1x16xf32> to vector<16xf32>
      %mul3A_186 = arith.mulf %get3A_185, %broadcast_in_dim3A_181 : vector<16xf32>
      %swap3A_187 = arith.index_cast %add3A_178 : i32 to index
      %swap3A_188 = arith.constant 0 : index
      %swap3A_189 = tpu.vector_load %arg10[%swap3A_187, %swap3A_188] {strides = array<i32>} : memref<80x128xf32, #tpu.memory_space<vmem>>, vector<1x16xf32>,
      %swap3A_190 = vector.shape_cast %swap3A_189 : vector<1x16xf32> to vector<16xf32>
      %swap3A_191 = vector.shape_cast %mul3A_186 : vector<16xf32> to vector<1x16xf32>
      tpu.vector_store %arg10[%swap3A_187, %swap3A_188], %swap3A_191 {strides = array<i32>} : memref<80x128xf32, #tpu.memory_space<vmem>>, vector<1x16xf32>,
      %get3A_192 = arith.index_cast %add3A_178 : i32 to index
      %get3A_193 = arith.constant 16 : index
      %get3A_194 = tpu.vector_load %arg10[%get3A_192, %get3A_193] {strides = array<i32>} : memref<80x128xf32, #tpu.memory_space<vmem>>, vector<1x16xf32>,
      %get3A_195 = vector.shape_cast %get3A_194 : vector<1x16xf32> to vector<16xf32>
      %mul3A_196 = arith.mulf %get3A_195, %broadcast_in_dim3A_181 : vector<16xf32>
      %swap3A_197 = arith.index_cast %add3A_178 : i32 to index
      %swap3A_198 = arith.constant 16 : index
      %swap3A_199 = tpu.vector_load %arg10[%swap3A_197, %swap3A_198] {strides = array<i32>} : memref<80x128xf32, #tpu.memory_space<vmem>>, vector<1x16xf32>,
      %swap3A_200 = vector.shape_cast %swap3A_199 : vector<1x16xf32> to vector<16xf32>
      %swap3A_201 = vector.shape_cast %mul3A_196 : vector<16xf32> to vector<1x16xf32>
      tpu.vector_store %arg10[%swap3A_197, %swap3A_198], %swap3A_201 {strides = array<i32>} : memref<80x128xf32, #tpu.memory_space<vmem>>, vector<1x16xf32>,
      %get3A_202 = arith.index_cast %add3A_178 : i32 to index
      %get3A_203 = arith.constant 32 : index
      %get3A_204 = tpu.vector_load %arg10[%get3A_202, %get3A_203] {strides = array<i32>} : memref<80x128xf32, #tpu.memory_space<vmem>>, vector<1x16xf32>,
      %get3A_205 = vector.shape_cast %get3A_204 : vector<1x16xf32> to vector<16xf32>
      %mul3A_206 = arith.mulf %get3A_205, %broadcast_in_dim3A_181 : vector<16xf32>
      %swap3A_207 = arith.index_cast %add3A_178 : i32 to index
      %swap3A_208 = arith.constant 32 : index
      %swap3A_209 = tpu.vector_load %arg10[%swap3A_207, %swap3A_208] {strides = array<i32>} : memref<80x128xf32, #tpu.memory_space<vmem>>, vector<1x16xf32>,
      %swap3A_210 = vector.shape_cast %swap3A_209 : vector<1x16xf32> to vector<16xf32>
      %swap3A_211 = vector.shape_cast %mul3A_206 : vector<16xf32> to vector<1x16xf32>
      tpu.vector_store %arg10[%swap3A_207, %swap3A_208], %swap3A_211 {strides = array<i32>} : memref<80x128xf32, #tpu.memory_space<vmem>>, vector<1x16xf32>,
      %get3A_212 = arith.index_cast %add3A_178 : i32 to index
      %get3A_213 = arith.constant 48 : index
      %get3A_214 = tpu.vector_load %arg10[%get3A_212, %get3A_213] {strides = array<i32>} : memref<80x128xf32, #tpu.memory_space<vmem>>, vector<1x16xf32>,
      %get3A_215 = vector.shape_cast %get3A_214 : vector<1x16xf32> to vector<16xf32>
      %mul3A_216 = arith.mulf %get3A_215, %broadcast_in_dim3A_181 : vector<16xf32>
      %swap3A_217 = arith.index_cast %add3A_178 : i32 to index
      %swap3A_218 = arith.constant 48 : index
      %swap3A_219 = tpu.vector_load %arg10[%swap3A_217, %swap3A_218] {strides = array<i32>} : memref<80x128xf32, #tpu.memory_space<vmem>>, vector<1x16xf32>,
      %swap3A_220 = vector.shape_cast %swap3A_219 : vector<1x16xf32> to vector<16xf32>
      %swap3A_221 = vector.shape_cast %mul3A_216 : vector<16xf32> to vector<1x16xf32>
      tpu.vector_store %arg10[%swap3A_217, %swap3A_218], %swap3A_221 {strides = array<i32>} : memref<80x128xf32, #tpu.memory_space<vmem>>, vector<1x16xf32>,
      %get3A_222 = arith.index_cast %add3A_178 : i32 to index
      %get3A_223 = arith.constant 64 : index
      %get3A_224 = tpu.vector_load %arg10[%get3A_222, %get3A_223] {strides = array<i32>} : memref<80x128xf32, #tpu.memory_space<vmem>>, vector<1x16xf32>,
      %get3A_225 = vector.shape_cast %get3A_224 : vector<1x16xf32> to vector<16xf32>
      %mul3A_226 = arith.mulf %get3A_225, %broadcast_in_dim3A_181 : vector<16xf32>
      %swap3A_227 = arith.index_cast %add3A_178 : i32 to index
      %swap3A_228 = arith.constant 64 : index
      %swap3A_229 = tpu.vector_load %arg10[%swap3A_227, %swap3A_228] {strides = array<i32>} : memref<80x128xf32, #tpu.memory_space<vmem>>, vector<1x16xf32>,
      %swap3A_230 = vector.shape_cast %swap3A_229 : vector<1x16xf32> to vector<16xf32>
      %swap3A_231 = vector.shape_cast %mul3A_226 : vector<16xf32> to vector<1x16xf32>
      tpu.vector_store %arg10[%swap3A_227, %swap3A_228], %swap3A_231 {strides = array<i32>} : memref<80x128xf32, #tpu.memory_space<vmem>>, vector<1x16xf32>,
      %get3A_232 = arith.index_cast %add3A_178 : i32 to index
      %get3A_233 = arith.constant 80 : index
      %get3A_234 = tpu.vector_load %arg10[%get3A_232, %get3A_233] {strides = array<i32>} : memref<80x128xf32, #tpu.memory_space<vmem>>, vector<1x16xf32>,
      %get3A_235 = vector.shape_cast %get3A_234 : vector<1x16xf32> to vector<16xf32>
      %mul3A_236 = arith.mulf %get3A_235, %broadcast_in_dim3A_181 : vector<16xf32>
      %swap3A_237 = arith.index_cast %add3A_178 : i32 to index
      %swap3A_238 = arith.constant 80 : index
      %swap3A_239 = tpu.vector_load %arg10[%swap3A_237, %swap3A_238] {strides = array<i32>} : memref<80x128xf32, #tpu.memory_space<vmem>>, vector<1x16xf32>,
      %swap3A_240 = vector.shape_cast %swap3A_239 : vector<1x16xf32> to vector<16xf32>
      %swap3A_241 = vector.shape_cast %mul3A_236 : vector<16xf32> to vector<1x16xf32>
      tpu.vector_store %arg10[%swap3A_237, %swap3A_238], %swap3A_241 {strides = array<i32>} : memref<80x128xf32, #tpu.memory_space<vmem>>, vector<1x16xf32>,
      %get3A_242 = arith.index_cast %add3A_178 : i32 to index
      %get3A_243 = arith.constant 96 : index
      %get3A_244 = tpu.vector_load %arg10[%get3A_242, %get3A_243] {strides = array<i32>} : memref<80x128xf32, #tpu.memory_space<vmem>>, vector<1x16xf32>,
      %get3A_245 = vector.shape_cast %get3A_244 : vector<1x16xf32> to vector<16xf32>
      %mul3A_246 = arith.mulf %get3A_245, %broadcast_in_dim3A_181 : vector<16xf32>
      %swap3A_247 = arith.index_cast %add3A_178 : i32 to index
      %swap3A_248 = arith.constant 96 : index
      %swap3A_249 = tpu.vector_load %arg10[%swap3A_247, %swap3A_248] {strides = array<i32>} : memref<80x128xf32, #tpu.memory_space<vmem>>, vector<1x16xf32>,
      %swap3A_250 = vector.shape_cast %swap3A_249 : vector<1x16xf32> to vector<16xf32>
      %swap3A_251 = vector.shape_cast %mul3A_246 : vector<16xf32> to vector<1x16xf32>
      tpu.vector_store %arg10[%swap3A_247, %swap3A_248], %swap3A_251 {strides = array<i32>} : memref<80x128xf32, #tpu.memory_space<vmem>>, vector<1x16xf32>,
      %get3A_252 = arith.index_cast %add3A_178 : i32 to index
      %get3A_253 = arith.constant 112 : index
      %get3A_254 = tpu.vector_load %arg10[%get3A_252, %get3A_253] {strides = array<i32>} : memref<80x128xf32, #tpu.memory_space<vmem>>, vector<1x16xf32>,
      %get3A_255 = vector.shape_cast %get3A_254 : vector<1x16xf32> to vector<16xf32>
      %mul3A_256 = arith.mulf %get3A_255, %broadcast_in_dim3A_181 : vector<16xf32>
      %swap3A_257 = arith.index_cast %add3A_178 : i32 to index
      %swap3A_258 = arith.constant 112 : index
      %swap3A_259 = tpu.vector_load %arg10[%swap3A_257, %swap3A_258] {strides = array<i32>} : memref<80x128xf32, #tpu.memory_space<vmem>>, vector<1x16xf32>,
      %swap3A_260 = vector.shape_cast %swap3A_259 : vector<1x16xf32> to vector<16xf32>
      %swap3A_261 = vector.shape_cast %mul3A_256 : vector<16xf32> to vector<1x16xf32>
      tpu.vector_store %arg10[%swap3A_257, %swap3A_258], %swap3A_261 {strides = array<i32>} : memref<80x128xf32, #tpu.memory_space<vmem>>, vector<1x16xf32>,
      %mul3A_262 = arith.constant 16 : i32
      %mul3A_263 = arith.muli %scan3A_85, %mul3A_262 : i32
      %add3A_264 = arith.constant 2 : i32
      %add3A_265 = arith.addi %mul3A_263, %add3A_264 : i32
      %slice3A_266 = vector.extract_strided_slice %get3A_91 {offsets = [2], sizes = [1], strides = [1]} : vector<16xf32> to vector<1xf32>
      %squeeze3A_267 = vector.extract %slice3A_266[0] : f32 from vector<1xf32>
      %broadcast_in_dim3A_268 = vector.broadcast %squeeze3A_267 : f32 to vector<16xf32>
      %get3A_269 = arith.index_cast %add3A_265 : i32 to index
      %get3A_270 = arith.constant 0 : index
      %get3A_271 = tpu.vector_load %arg10[%get3A_269, %get3A_270] {strides = array<i32>} : memref<80x128xf32, #tpu.memory_space<vmem>>, vector<1x16xf32>,
      %get3A_272 = vector.shape_cast %get3A_271 : vector<1x16xf32> to vector<16xf32>
      %mul3A_273 = arith.mulf %get3A_272, %broadcast_in_dim3A_268 : vector<16xf32>
      %swap3A_274 = arith.index_cast %add3A_265 : i32 to index
      %swap3A_275 = arith.constant 0 : index
      %swap3A_276 = tpu.vector_load %arg10[%swap3A_274, %swap3A_275] {strides = array<i32>} : memref<80x128xf32, #tpu.memory_space<vmem>>, vector<1x16xf32>,
      %swap3A_277 = vector.shape_cast %swap3A_276 : vector<1x16xf32> to vector<16xf32>
      %swap3A_278 = vector.shape_cast %mul3A_273 : vector<16xf32> to vector<1x16xf32>
      tpu.vector_store %arg10[%swap3A_274, %swap3A_275], %swap3A_278 {strides = array<i32>} : memref<80x128xf32, #tpu.memory_space<vmem>>, vector<1x16xf32>,
      %get3A_279 = arith.index_cast %add3A_265 : i32 to index
      %get3A_280 = arith.constant 16 : index
      %get3A_281 = tpu.vector_load %arg10[%get3A_279, %get3A_280] {strides = array<i32>} : memref<80x128xf32, #tpu.memory_space<vmem>>, vector<1x16xf32>,
      %get3A_282 = vector.shape_cast %get3A_281 : vector<1x16xf32> to vector<16xf32>
      %mul3A_283 = arith.mulf %get3A_282, %broadcast_in_dim3A_268 : vector<16xf32>
      %swap3A_284 = arith.index_cast %add3A_265 : i32 to index
      %swap3A_285 = arith.constant 16 : index
      %swap3A_286 = tpu.vector_load %arg10[%swap3A_284, %swap3A_285] {strides = array<i32>} : memref<80x128xf32, #tpu.memory_space<vmem>>, vector<1x16xf32>,
      %swap3A_287 = vector.shape_cast %swap3A_286 : vector<1x16xf32> to vector<16xf32>
      %swap3A_288 = vector.shape_cast %mul3A_283 : vector<16xf32> to vector<1x16xf32>
      tpu.vector_store %arg10[%swap3A_284, %swap3A_285], %swap3A_288 {strides = array<i32>} : memref<80x128xf32, #tpu.memory_space<vmem>>, vector<1x16xf32>,
      %get3A_289 = arith.index_cast %add3A_265 : i32 to index
      %get3A_290 = arith.constant 32 : index
      %get3A_291 = tpu.vector_load %arg10[%get3A_289, %get3A_290] {strides = array<i32>} : memref<80x128xf32, #tpu.memory_space<vmem>>, vector<1x16xf32>,
      %get3A_292 = vector.shape_cast %get3A_291 : vector<1x16xf32> to vector<16xf32>
      %mul3A_293 = arith.mulf %get3A_292, %broadcast_in_dim3A_268 : vector<16xf32>
      %swap3A_294 = arith.index_cast %add3A_265 : i32 to index
      %swap3A_295 = arith.constant 32 : index
      %swap3A_296 = tpu.vector_load %arg10[%swap3A_294, %swap3A_295] {strides = array<i32>} : memref<80x128xf32, #tpu.memory_space<vmem>>, vector<1x16xf32>,
      %swap3A_297 = vector.shape_cast %swap3A_296 : vector<1x16xf32> to vector<16xf32>
      %swap3A_298 = vector.shape_cast %mul3A_293 : vector<16xf32> to vector<1x16xf32>
      tpu.vector_store %arg10[%swap3A_294, %swap3A_295], %swap3A_298 {strides = array<i32>} : memref<80x128xf32, #tpu.memory_space<vmem>>, vector<1x16xf32>,
      %get3A_299 = arith.index_cast %add3A_265 : i32 to index
      %get3A_300 = arith.constant 48 : index
      %get3A_301 = tpu.vector_load %arg10[%get3A_299, %get3A_300] {strides = array<i32>} : memref<80x128xf32, #tpu.memory_space<vmem>>, vector<1x16xf32>,
      %get3A_302 = vector.shape_cast %get3A_301 : vector<1x16xf32> to vector<16xf32>
      %mul3A_303 = arith.mulf %get3A_302, %broadcast_in_dim3A_268 : vector<16xf32>
      %swap3A_304 = arith.index_cast %add3A_265 : i32 to index
      %swap3A_305 = arith.constant 48 : index
      %swap3A_306 = tpu.vector_load %arg10[%swap3A_304, %swap3A_305] {strides = array<i32>} : memref<80x128xf32, #tpu.memory_space<vmem>>, vector<1x16xf32>,
      %swap3A_307 = vector.shape_cast %swap3A_306 : vector<1x16xf32> to vector<16xf32>
      %swap3A_308 = vector.shape_cast %mul3A_303 : vector<16xf32> to vector<1x16xf32>
      tpu.vector_store %arg10[%swap3A_304, %swap3A_305], %swap3A_308 {strides = array<i32>} : memref<80x128xf32, #tpu.memory_space<vmem>>, vector<1x16xf32>,
      %get3A_309 = arith.index_cast %add3A_265 : i32 to index
      %get3A_310 = arith.constant 64 : index
      %get3A_311 = tpu.vector_load %arg10[%get3A_309, %get3A_310] {strides = array<i32>} : memref<80x128xf32, #tpu.memory_space<vmem>>, vector<1x16xf32>,
      %get3A_312 = vector.shape_cast %get3A_311 : vector<1x16xf32> to vector<16xf32>
      %mul3A_313 = arith.mulf %get3A_312, %broadcast_in_dim3A_268 : vector<16xf32>
      %swap3A_314 = arith.index_cast %add3A_265 : i32 to index
      %swap3A_315 = arith.constant 64 : index
      %swap3A_316 = tpu.vector_load %arg10[%swap3A_314, %swap3A_315] {strides = array<i32>} : memref<80x128xf32, #tpu.memory_space<vmem>>, vector<1x16xf32>,
      %swap3A_317 = vector.shape_cast %swap3A_316 : vector<1x16xf32> to vector<16xf32>
      %swap3A_318 = vector.shape_cast %mul3A_313 : vector<16xf32> to vector<1x16xf32>
      tpu.vector_store %arg10[%swap3A_314, %swap3A_315], %swap3A_318 {strides = array<i32>} : memref<80x128xf32, #tpu.memory_space<vmem>>, vector<1x16xf32>,
      %get3A_319 = arith.index_cast %add3A_265 : i32 to index
      %get3A_320 = arith.constant 80 : index
      %get3A_321 = tpu.vector_load %arg10[%get3A_319, %get3A_320] {strides = array<i32>} : memref<80x128xf32, #tpu.memory_space<vmem>>, vector<1x16xf32>,
      %get3A_322 = vector.shape_cast %get3A_321 : vector<1x16xf32> to vector<16xf32>
      %mul3A_323 = arith.mulf %get3A_322, %broadcast_in_dim3A_268 : vector<16xf32>
      %swap3A_324 = arith.index_cast %add3A_265 : i32 to index
      %swap3A_325 = arith.constant 80 : index
      %swap3A_326 = tpu.vector_load %arg10[%swap3A_324, %swap3A_325] {strides = array<i32>} : memref<80x128xf32, #tpu.memory_space<vmem>>, vector<1x16xf32>,
      %swap3A_327 = vector.shape_cast %swap3A_326 : vector<1x16xf32> to vector<16xf32>
      %swap3A_328 = vector.shape_cast %mul3A_323 : vector<16xf32> to vector<1x16xf32>
      tpu.vector_store %arg10[%swap3A_324, %swap3A_325], %swap3A_328 {strides = array<i32>} : memref<80x128xf32, #tpu.memory_space<vmem>>, vector<1x16xf32>,
      %get3A_329 = arith.index_cast %add3A_265 : i32 to index
      %get3A_330 = arith.constant 96 : index
      %get3A_331 = tpu.vector_load %arg10[%get3A_329, %get3A_330] {strides = array<i32>} : memref<80x128xf32, #tpu.memory_space<vmem>>, vector<1x16xf32>,
      %get3A_332 = vector.shape_cast %get3A_331 : vector<1x16xf32> to vector<16xf32>
      %mul3A_333 = arith.mulf %get3A_332, %broadcast_in_dim3A_268 : vector<16xf32>
      %swap3A_334 = arith.index_cast %add3A_265 : i32 to index
      %swap3A_335 = arith.constant 96 : index
      %swap3A_336 = tpu.vector_load %arg10[%swap3A_334, %swap3A_335] {strides = array<i32>} : memref<80x128xf32, #tpu.memory_space<vmem>>, vector<1x16xf32>,
      %swap3A_337 = vector.shape_cast %swap3A_336 : vector<1x16xf32> to vector<16xf32>
      %swap3A_338 = vector.shape_cast %mul3A_333 : vector<16xf32> to vector<1x16xf32>
      tpu.vector_store %arg10[%swap3A_334, %swap3A_335], %swap3A_338 {strides = array<i32>} : memref<80x128xf32, #tpu.memory_space<vmem>>, vector<1x16xf32>,
      %get3A_339 = arith.index_cast %add3A_265 : i32 to index
      %get3A_340 = arith.constant 112 : index
      %get3A_341 = tpu.vector_load %arg10[%get3A_339, %get3A_340] {strides = array<i32>} : memref<80x128xf32, #tpu.memory_space<vmem>>, vector<1x16xf32>,
      %get3A_342 = vector.shape_cast %get3A_341 : vector<1x16xf32> to vector<16xf32>
      %mul3A_343 = arith.mulf %get3A_342, %broadcast_in_dim3A_268 : vector<16xf32>
      %swap3A_344 = arith.index_cast %add3A_265 : i32 to index
      %swap3A_345 = arith.constant 112 : index
      %swap3A_346 = tpu.vector_load %arg10[%swap3A_344, %swap3A_345] {strides = array<i32>} : memref<80x128xf32, #tpu.memory_space<vmem>>, vector<1x16xf32>,
      %swap3A_347 = vector.shape_cast %swap3A_346 : vector<1x16xf32> to vector<16xf32>
      %swap3A_348 = vector.shape_cast %mul3A_343 : vector<16xf32> to vector<1x16xf32>
      tpu.vector_store %arg10[%swap3A_344, %swap3A_345], %swap3A_348 {strides = array<i32>} : memref<80x128xf32, #tpu.memory_space<vmem>>, vector<1x16xf32>,
      %mul3A_349 = arith.constant 16 : i32
      %mul3A_350 = arith.muli %scan3A_85, %mul3A_349 : i32
      %add3A_351 = arith.constant 3 : i32
      %add3A_352 = arith.addi %mul3A_350, %add3A_351 : i32
      %slice3A_353 = vector.extract_strided_slice %get3A_91 {offsets = [3], sizes = [1], strides = [1]} : vector<16xf32> to vector<1xf32>
      %squeeze3A_354 = vector.extract %slice3A_353[0] : f32 from vector<1xf32>
      %broadcast_in_dim3A_355 = vector.broadcast %squeeze3A_354 : f32 to vector<16xf32>
      %get3A_356 = arith.index_cast %add3A_352 : i32 to index
      %get3A_357 = arith.constant 0 : index
      %get3A_358 = tpu.vector_load %arg10[%get3A_356, %get3A_357] {strides = array<i32>} : memref<80x128xf32, #tpu.memory_space<vmem>>, vector<1x16xf32>,
      %get3A_359 = vector.shape_cast %get3A_358 : vector<1x16xf32> to vector<16xf32>
      %mul3A_360 = arith.mulf %get3A_359, %broadcast_in_dim3A_355 : vector<16xf32>
      %swap3A_361 = arith.index_cast %add3A_352 : i32 to index
      %swap3A_362 = arith.constant 0 : index
      %swap3A_363 = tpu.vector_load %arg10[%swap3A_361, %swap3A_362] {strides = array<i32>} : memref<80x128xf32, #tpu.memory_space<vmem>>, vector<1x16xf32>,
      %swap3A_364 = vector.shape_cast %swap3A_363 : vector<1x16xf32> to vector<16xf32>
      %swap3A_365 = vector.shape_cast %mul3A_360 : vector<16xf32> to vector<1x16xf32>
      tpu.vector_store %arg10[%swap3A_361, %swap3A_362], %swap3A_365 {strides = array<i32>} : memref<80x128xf32, #tpu.memory_space<vmem>>, vector<1x16xf32>,
      %get3A_366 = arith.index_cast %add3A_352 : i32 to index
      %get3A_367 = arith.constant 16 : index
      %get3A_368 = tpu.vector_load %arg10[%get3A_366, %get3A_367] {strides = array<i32>} : memref<80x128xf32, #tpu.memory_space<vmem>>, vector<1x16xf32>,
      %get3A_369 = vector.shape_cast %get3A_368 : vector<1x16xf32> to vector<16xf32>
      %mul3A_370 = arith.mulf %get3A_369, %broadcast_in_dim3A_355 : vector<16xf32>
      %swap3A_371 = arith.index_cast %add3A_352 : i32 to index
      %swap3A_372 = arith.constant 16 : index
      %swap3A_373 = tpu.vector_load %arg10[%swap3A_371, %swap3A_372] {strides = array<i32>} : memref<80x128xf32, #tpu.memory_space<vmem>>, vector<1x16xf32>,
      %swap3A_374 = vector.shape_cast %swap3A_373 : vector<1x16xf32> to vector<16xf32>
      %swap3A_375 = vector.shape_cast %mul3A_370 : vector<16xf32> to vector<1x16xf32>
      tpu.vector_store %arg10[%swap3A_371, %swap3A_372], %swap3A_375 {strides = array<i32>} : memref<80x128xf32, #tpu.memory_space<vmem>>, vector<1x16xf32>,
      %get3A_376 = arith.index_cast %add3A_352 : i32 to index
      %get3A_377 = arith.constant 32 : index
      %get3A_378 = tpu.vector_load %arg10[%get3A_376, %get3A_377] {strides = array<i32>} : memref<80x128xf32, #tpu.memory_space<vmem>>, vector<1x16xf32>,
      %get3A_379 = vector.shape_cast %get3A_378 : vector<1x16xf32> to vector<16xf32>
      %mul3A_380 = arith.mulf %get3A_379, %broadcast_in_dim3A_355 : vector<16xf32>
      %swap3A_381 = arith.index_cast %add3A_352 : i32 to index
      %swap3A_382 = arith.constant 32 : index
      %swap3A_383 = tpu.vector_load %arg10[%swap3A_381, %swap3A_382] {strides = array<i32>} : memref<80x128xf32, #tpu.memory_space<vmem>>, vector<1x16xf32>,
      %swap3A_384 = vector.shape_cast %swap3A_383 : vector<1x16xf32> to vector<16xf32>
      %swap3A_385 = vector.shape_cast %mul3A_380 : vector<16xf32> to vector<1x16xf32>
      tpu.vector_store %arg10[%swap3A_381, %swap3A_382], %swap3A_385 {strides = array<i32>} : memref<80x128xf32, #tpu.memory_space<vmem>>, vector<1x16xf32>,
      %get3A_386 = arith.index_cast %add3A_352 : i32 to index
      %get3A_387 = arith.constant 48 : index
      %get3A_388 = tpu.vector_load %arg10[%get3A_386, %get3A_387] {strides = array<i32>} : memref<80x128xf32, #tpu.memory_space<vmem>>, vector<1x16xf32>,
      %get3A_389 = vector.shape_cast %get3A_388 : vector<1x16xf32> to vector<16xf32>
      %mul3A_390 = arith.mulf %get3A_389, %broadcast_in_dim3A_355 : vector<16xf32>
      %swap3A_391 = arith.index_cast %add3A_352 : i32 to index
      %swap3A_392 = arith.constant 48 : index
      %swap3A_393 = tpu.vector_load %arg10[%swap3A_391, %swap3A_392] {strides = array<i32>} : memref<80x128xf32, #tpu.memory_space<vmem>>, vector<1x16xf32>,
      %swap3A_394 = vector.shape_cast %swap3A_393 : vector<1x16xf32> to vector<16xf32>
      %swap3A_395 = vector.shape_cast %mul3A_390 : vector<16xf32> to vector<1x16xf32>
      tpu.vector_store %arg10[%swap3A_391, %swap3A_392], %swap3A_395 {strides = array<i32>} : memref<80x128xf32, #tpu.memory_space<vmem>>, vector<1x16xf32>,
      %get3A_396 = arith.index_cast %add3A_352 : i32 to index
      %get3A_397 = arith.constant 64 : index
      %get3A_398 = tpu.vector_load %arg10[%get3A_396, %get3A_397] {strides = array<i32>} : memref<80x128xf32, #tpu.memory_space<vmem>>, vector<1x16xf32>,
      %get3A_399 = vector.shape_cast %get3A_398 : vector<1x16xf32> to vector<16xf32>
      %mul3A_400 = arith.mulf %get3A_399, %broadcast_in_dim3A_355 : vector<16xf32>
      %swap3A_401 = arith.index_cast %add3A_352 : i32 to index
      %swap3A_402 = arith.constant 64 : index
      %swap3A_403 = tpu.vector_load %arg10[%swap3A_401, %swap3A_402] {strides = array<i32>} : memref<80x128xf32, #tpu.memory_space<vmem>>, vector<1x16xf32>,
      %swap3A_404 = vector.shape_cast %swap3A_403 : vector<1x16xf32> to vector<16xf32>
      %swap3A_405 = vector.shape_cast %mul3A_400 : vector<16xf32> to vector<1x16xf32>
      tpu.vector_store %arg10[%swap3A_401, %swap3A_402], %swap3A_405 {strides = array<i32>} : memref<80x128xf32, #tpu.memory_space<vmem>>, vector<1x16xf32>,
      %get3A_406 = arith.index_cast %add3A_352 : i32 to index
      %get3A_407 = arith.constant 80 : index
      %get3A_408 = tpu.vector_load %arg10[%get3A_406, %get3A_407] {strides = array<i32>} : memref<80x128xf32, #tpu.memory_space<vmem>>, vector<1x16xf32>,
      %get3A_409 = vector.shape_cast %get3A_408 : vector<1x16xf32> to vector<16xf32>
      %mul3A_410 = arith.mulf %get3A_409, %broadcast_in_dim3A_355 : vector<16xf32>
      %swap3A_411 = arith.index_cast %add3A_352 : i32 to index
      %swap3A_412 = arith.constant 80 : index
      %swap3A_413 = tpu.vector_load %arg10[%swap3A_411, %swap3A_412] {strides = array<i32>} : memref<80x128xf32, #tpu.memory_space<vmem>>, vector<1x16xf32>,
      %swap3A_414 = vector.shape_cast %swap3A_413 : vector<1x16xf32> to vector<16xf32>
      %swap3A_415 = vector.shape_cast %mul3A_410 : vector<16xf32> to vector<1x16xf32>
      tpu.vector_store %arg10[%swap3A_411, %swap3A_412], %swap3A_415 {strides = array<i32>} : memref<80x128xf32, #tpu.memory_space<vmem>>, vector<1x16xf32>,
      %get3A_416 = arith.index_cast %add3A_352 : i32 to index
      %get3A_417 = arith.constant 96 : index
      %get3A_418 = tpu.vector_load %arg10[%get3A_416, %get3A_417] {strides = array<i32>} : memref<80x128xf32, #tpu.memory_space<vmem>>, vector<1x16xf32>,
      %get3A_419 = vector.shape_cast %get3A_418 : vector<1x16xf32> to vector<16xf32>
      %mul3A_420 = arith.mulf %get3A_419, %broadcast_in_dim3A_355 : vector<16xf32>
      %swap3A_421 = arith.index_cast %add3A_352 : i32 to index
      %swap3A_422 = arith.constant 96 : index
      %swap3A_423 = tpu.vector_load %arg10[%swap3A_421, %swap3A_422] {strides = array<i32>} : memref<80x128xf32, #tpu.memory_space<vmem>>, vector<1x16xf32>,
      %swap3A_424 = vector.shape_cast %swap3A_423 : vector<1x16xf32> to vector<16xf32>
      %swap3A_425 = vector.shape_cast %mul3A_420 : vector<16xf32> to vector<1x16xf32>
      tpu.vector_store %arg10[%swap3A_421, %swap3A_422], %swap3A_425 {strides = array<i32>} : memref<80x128xf32, #tpu.memory_space<vmem>>, vector<1x16xf32>,
      %get3A_426 = arith.index_cast %add3A_352 : i32 to index
      %get3A_427 = arith.constant 112 : index
      %get3A_428 = tpu.vector_load %arg10[%get3A_426, %get3A_427] {strides = array<i32>} : memref<80x128xf32, #tpu.memory_space<vmem>>, vector<1x16xf32>,
      %get3A_429 = vector.shape_cast %get3A_428 : vector<1x16xf32> to vector<16xf32>
      %mul3A_430 = arith.mulf %get3A_429, %broadcast_in_dim3A_355 : vector<16xf32>
      %swap3A_431 = arith.index_cast %add3A_352 : i32 to index
      %swap3A_432 = arith.constant 112 : index
      %swap3A_433 = tpu.vector_load %arg10[%swap3A_431, %swap3A_432] {strides = array<i32>} : memref<80x128xf32, #tpu.memory_space<vmem>>, vector<1x16xf32>,
      %swap3A_434 = vector.shape_cast %swap3A_433 : vector<1x16xf32> to vector<16xf32>
      %swap3A_435 = vector.shape_cast %mul3A_430 : vector<16xf32> to vector<1x16xf32>
      tpu.vector_store %arg10[%swap3A_431, %swap3A_432], %swap3A_435 {strides = array<i32>} : memref<80x128xf32, #tpu.memory_space<vmem>>, vector<1x16xf32>,
      %mul3A_436 = arith.constant 16 : i32
      %mul3A_437 = arith.muli %scan3A_85, %mul3A_436 : i32
      %add3A_438 = arith.constant 4 : i32
      %add3A_439 = arith.addi %mul3A_437, %add3A_438 : i32
      %slice3A_440 = vector.extract_strided_slice %get3A_91 {offsets = [4], sizes = [1], strides = [1]} : vector<16xf32> to vector<1xf32>
      %squeeze3A_441 = vector.extract %slice3A_440[0] : f32 from vector<1xf32>
      %broadcast_in_dim3A_442 = vector.broadcast %squeeze3A_441 : f32 to vector<16xf32>
      %get3A_443 = arith.index_cast %add3A_439 : i32 to index
      %get3A_444 = arith.constant 0 : index
      %get3A_445 = tpu.vector_load %arg10[%get3A_443, %get3A_444] {strides = array<i32>} : memref<80x128xf32, #tpu.memory_space<vmem>>, vector<1x16xf32>,
      %get3A_446 = vector.shape_cast %get3A_445 : vector<1x16xf32> to vector<16xf32>
      %mul3A_447 = arith.mulf %get3A_446, %broadcast_in_dim3A_442 : vector<16xf32>
      %swap3A_448 = arith.index_cast %add3A_439 : i32 to index
      %swap3A_449 = arith.constant 0 : index
      %swap3A_450 = tpu.vector_load %arg10[%swap3A_448, %swap3A_449] {strides = array<i32>} : memref<80x128xf32, #tpu.memory_space<vmem>>, vector<1x16xf32>,
      %swap3A_451 = vector.shape_cast %swap3A_450 : vector<1x16xf32> to vector<16xf32>
      %swap3A_452 = vector.shape_cast %mul3A_447 : vector<16xf32> to vector<1x16xf32>
      tpu.vector_store %arg10[%swap3A_448, %swap3A_449], %swap3A_452 {strides = array<i32>} : memref<80x128xf32, #tpu.memory_space<vmem>>, vector<1x16xf32>,
      %get3A_453 = arith.index_cast %add3A_439 : i32 to index
      %get3A_454 = arith.constant 16 : index
      %get3A_455 = tpu.vector_load %arg10[%get3A_453, %get3A_454] {strides = array<i32>} : memref<80x128xf32, #tpu.memory_space<vmem>>, vector<1x16xf32>,
      %get3A_456 = vector.shape_cast %get3A_455 : vector<1x16xf32> to vector<16xf32>
      %mul3A_457 = arith.mulf %get3A_456, %broadcast_in_dim3A_442 : vector<16xf32>
      %swap3A_458 = arith.index_cast %add3A_439 : i32 to index
      %swap3A_459 = arith.constant 16 : index
      %swap3A_460 = tpu.vector_load %arg10[%swap3A_458, %swap3A_459] {strides = array<i32>} : memref<80x128xf32, #tpu.memory_space<vmem>>, vector<1x16xf32>,
      %swap3A_461 = vector.shape_cast %swap3A_460 : vector<1x16xf32> to vector<16xf32>
      %swap3A_462 = vector.shape_cast %mul3A_457 : vector<16xf32> to vector<1x16xf32>
      tpu.vector_store %arg10[%swap3A_458, %swap3A_459], %swap3A_462 {strides = array<i32>} : memref<80x128xf32, #tpu.memory_space<vmem>>, vector<1x16xf32>,
      %get3A_463 = arith.index_cast %add3A_439 : i32 to index
      %get3A_464 = arith.constant 32 : index
      %get3A_465 = tpu.vector_load %arg10[%get3A_463, %get3A_464] {strides = array<i32>} : memref<80x128xf32, #tpu.memory_space<vmem>>, vector<1x16xf32>,
      %get3A_466 = vector.shape_cast %get3A_465 : vector<1x16xf32> to vector<16xf32>
      %mul3A_467 = arith.mulf %get3A_466, %broadcast_in_dim3A_442 : vector<16xf32>
      %swap3A_468 = arith.index_cast %add3A_439 : i32 to index
      %swap3A_469 = arith.constant 32 : index
      %swap3A_470 = tpu.vector_load %arg10[%swap3A_468, %swap3A_469] {strides = array<i32>} : memref<80x128xf32, #tpu.memory_space<vmem>>, vector<1x16xf32>,
      %swap3A_471 = vector.shape_cast %swap3A_470 : vector<1x16xf32> to vector<16xf32>
      %swap3A_472 = vector.shape_cast %mul3A_467 : vector<16xf32> to vector<1x16xf32>
      tpu.vector_store %arg10[%swap3A_468, %swap3A_469], %swap3A_472 {strides = array<i32>} : memref<80x128xf32, #tpu.memory_space<vmem>>, vector<1x16xf32>,
      %get3A_473 = arith.index_cast %add3A_439 : i32 to index
      %get3A_474 = arith.constant 48 : index
      %get3A_475 = tpu.vector_load %arg10[%get3A_473, %get3A_474] {strides = array<i32>} : memref<80x128xf32, #tpu.memory_space<vmem>>, vector<1x16xf32>,
      %get3A_476 = vector.shape_cast %get3A_475 : vector<1x16xf32> to vector<16xf32>
      %mul3A_477 = arith.mulf %get3A_476, %broadcast_in_dim3A_442 : vector<16xf32>
      %swap3A_478 = arith.index_cast %add3A_439 : i32 to index
      %swap3A_479 = arith.constant 48 : index
      %swap3A_480 = tpu.vector_load %arg10[%swap3A_478, %swap3A_479] {strides = array<i32>} : memref<80x128xf32, #tpu.memory_space<vmem>>, vector<1x16xf32>,
      %swap3A_481 = vector.shape_cast %swap3A_480 : vector<1x16xf32> to vector<16xf32>
      %swap3A_482 = vector.shape_cast %mul3A_477 : vector<16xf32> to vector<1x16xf32>
      tpu.vector_store %arg10[%swap3A_478, %swap3A_479], %swap3A_482 {strides = array<i32>} : memref<80x128xf32, #tpu.memory_space<vmem>>, vector<1x16xf32>,
      %get3A_483 = arith.index_cast %add3A_439 : i32 to index
      %get3A_484 = arith.constant 64 : index
      %get3A_485 = tpu.vector_load %arg10[%get3A_483, %get3A_484] {strides = array<i32>} : memref<80x128xf32, #tpu.memory_space<vmem>>, vector<1x16xf32>,
      %get3A_486 = vector.shape_cast %get3A_485 : vector<1x16xf32> to vector<16xf32>
      %mul3A_487 = arith.mulf %get3A_486, %broadcast_in_dim3A_442 : vector<16xf32>
      %swap3A_488 = arith.index_cast %add3A_439 : i32 to index
      %swap3A_489 = arith.constant 64 : index
      %swap3A_490 = tpu.vector_load %arg10[%swap3A_488, %swap3A_489] {strides = array<i32>} : memref<80x128xf32, #tpu.memory_space<vmem>>, vector<1x16xf32>,
      %swap3A_491 = vector.shape_cast %swap3A_490 : vector<1x16xf32> to vector<16xf32>
      %swap3A_492 = vector.shape_cast %mul3A_487 : vector<16xf32> to vector<1x16xf32>
      tpu.vector_store %arg10[%swap3A_488, %swap3A_489], %swap3A_492 {strides = array<i32>} : memref<80x128xf32, #tpu.memory_space<vmem>>, vector<1x16xf32>,
      %get3A_493 = arith.index_cast %add3A_439 : i32 to index
      %get3A_494 = arith.constant 80 : index
      %get3A_495 = tpu.vector_load %arg10[%get3A_493, %get3A_494] {strides = array<i32>} : memref<80x128xf32, #tpu.memory_space<vmem>>, vector<1x16xf32>,
      %get3A_496 = vector.shape_cast %get3A_495 : vector<1x16xf32> to vector<16xf32>
      %mul3A_497 = arith.mulf %get3A_496, %broadcast_in_dim3A_442 : vector<16xf32>
      %swap3A_498 = arith.index_cast %add3A_439 : i32 to index
      %swap3A_499 = arith.constant 80 : index
      %swap3A_500 = tpu.vector_load %arg10[%swap3A_498, %swap3A_499] {strides = array<i32>} : memref<80x128xf32, #tpu.memory_space<vmem>>, vector<1x16xf32>,
      %swap3A_501 = vector.shape_cast %swap3A_500 : vector<1x16xf32> to vector<16xf32>
      %swap3A_502 = vector.shape_cast %mul3A_497 : vector<16xf32> to vector<1x16xf32>
      tpu.vector_store %arg10[%swap3A_498, %swap3A_499], %swap3A_502 {strides = array<i32>} : memref<80x128xf32, #tpu.memory_space<vmem>>, vector<1x16xf32>,
      %get3A_503 = arith.index_cast %add3A_439 : i32 to index
      %get3A_504 = arith.constant 96 : index
      %get3A_505 = tpu.vector_load %arg10[%get3A_503, %get3A_504] {strides = array<i32>} : memref<80x128xf32, #tpu.memory_space<vmem>>, vector<1x16xf32>,
      %get3A_506 = vector.shape_cast %get3A_505 : vector<1x16xf32> to vector<16xf32>
      %mul3A_507 = arith.mulf %get3A_506, %broadcast_in_dim3A_442 : vector<16xf32>
      %swap3A_508 = arith.index_cast %add3A_439 : i32 to index
      %swap3A_509 = arith.constant 96 : index
      %swap3A_510 = tpu.vector_load %arg10[%swap3A_508, %swap3A_509] {strides = array<i32>} : memref<80x128xf32, #tpu.memory_space<vmem>>, vector<1x16xf32>,
      %swap3A_511 = vector.shape_cast %swap3A_510 : vector<1x16xf32> to vector<16xf32>
      %swap3A_512 = vector.shape_cast %mul3A_507 : vector<16xf32> to vector<1x16xf32>
      tpu.vector_store %arg10[%swap3A_508, %swap3A_509], %swap3A_512 {strides = array<i32>} : memref<80x128xf32, #tpu.memory_space<vmem>>, vector<1x16xf32>,
      %get3A_513 = arith.index_cast %add3A_439 : i32 to index
      %get3A_514 = arith.constant 112 : index
      %get3A_515 = tpu.vector_load %arg10[%get3A_513, %get3A_514] {strides = array<i32>} : memref<80x128xf32, #tpu.memory_space<vmem>>, vector<1x16xf32>,
      %get3A_516 = vector.shape_cast %get3A_515 : vector<1x16xf32> to vector<16xf32>
      %mul3A_517 = arith.mulf %get3A_516, %broadcast_in_dim3A_442 : vector<16xf32>
      %swap3A_518 = arith.index_cast %add3A_439 : i32 to index
      %swap3A_519 = arith.constant 112 : index
      %swap3A_520 = tpu.vector_load %arg10[%swap3A_518, %swap3A_519] {strides = array<i32>} : memref<80x128xf32, #tpu.memory_space<vmem>>, vector<1x16xf32>,
      %swap3A_521 = vector.shape_cast %swap3A_520 : vector<1x16xf32> to vector<16xf32>
      %swap3A_522 = vector.shape_cast %mul3A_517 : vector<16xf32> to vector<1x16xf32>
      tpu.vector_store %arg10[%swap3A_518, %swap3A_519], %swap3A_522 {strides = array<i32>} : memref<80x128xf32, #tpu.memory_space<vmem>>, vector<1x16xf32>,
      %mul3A_523 = arith.constant 16 : i32
      %mul3A_524 = arith.muli %scan3A_85, %mul3A_523 : i32
      %add3A_525 = arith.constant 5 : i32
      %add3A_526 = arith.addi %mul3A_524, %add3A_525 : i32
      %slice3A_527 = vector.extract_strided_slice %get3A_91 {offsets = [5], sizes = [1], strides = [1]} : vector<16xf32> to vector<1xf32>
      %squeeze3A_528 = vector.extract %slice3A_527[0] : f32 from vector<1xf32>
      %broadcast_in_dim3A_529 = vector.broadcast %squeeze3A_528 : f32 to vector<16xf32>
      %get3A_530 = arith.index_cast %add3A_526 : i32 to index
      %get3A_531 = arith.constant 0 : index
      %get3A_532 = tpu.vector_load %arg10[%get3A_530, %get3A_531] {strides = array<i32>} : memref<80x128xf32, #tpu.memory_space<vmem>>, vector<1x16xf32>,
      %get3A_533 = vector.shape_cast %get3A_532 : vector<1x16xf32> to vector<16xf32>
      %mul3A_534 = arith.mulf %get3A_533, %broadcast_in_dim3A_529 : vector<16xf32>
      %swap3A_535 = arith.index_cast %add3A_526 : i32 to index
      %swap3A_536 = arith.constant 0 : index
      %swap3A_537 = tpu.vector_load %arg10[%swap3A_535, %swap3A_536] {strides = array<i32>} : memref<80x128xf32, #tpu.memory_space<vmem>>, vector<1x16xf32>,
      %swap3A_538 = vector.shape_cast %swap3A_537 : vector<1x16xf32> to vector<16xf32>
      %swap3A_539 = vector.shape_cast %mul3A_534 : vector<16xf32> to vector<1x16xf32>
      tpu.vector_store %arg10[%swap3A_535, %swap3A_536], %swap3A_539 {strides = array<i32>} : memref<80x128xf32, #tpu.memory_space<vmem>>, vector<1x16xf32>,
      %get3A_540 = arith.index_cast %add3A_526 : i32 to index
      %get3A_541 = arith.constant 16 : index
      %get3A_542 = tpu.vector_load %arg10[%get3A_540, %get3A_541] {strides = array<i32>} : memref<80x128xf32, #tpu.memory_space<vmem>>, vector<1x16xf32>,
      %get3A_543 = vector.shape_cast %get3A_542 : vector<1x16xf32> to vector<16xf32>
      %mul3A_544 = arith.mulf %get3A_543, %broadcast_in_dim3A_529 : vector<16xf32>
      %swap3A_545 = arith.index_cast %add3A_526 : i32 to index
      %swap3A_546 = arith.constant 16 : index
      %swap3A_547 = tpu.vector_load %arg10[%swap3A_545, %swap3A_546] {strides = array<i32>} : memref<80x128xf32, #tpu.memory_space<vmem>>, vector<1x16xf32>,
      %swap3A_548 = vector.shape_cast %swap3A_547 : vector<1x16xf32> to vector<16xf32>
      %swap3A_549 = vector.shape_cast %mul3A_544 : vector<16xf32> to vector<1x16xf32>
      tpu.vector_store %arg10[%swap3A_545, %swap3A_546], %swap3A_549 {strides = array<i32>} : memref<80x128xf32, #tpu.memory_space<vmem>>, vector<1x16xf32>,
      %get3A_550 = arith.index_cast %add3A_526 : i32 to index
      %get3A_551 = arith.constant 32 : index
      %get3A_552 = tpu.vector_load %arg10[%get3A_550, %get3A_551] {strides = array<i32>} : memref<80x128xf32, #tpu.memory_space<vmem>>, vector<1x16xf32>,
      %get3A_553 = vector.shape_cast %get3A_552 : vector<1x16xf32> to vector<16xf32>
      %mul3A_554 = arith.mulf %get3A_553, %broadcast_in_dim3A_529 : vector<16xf32>
      %swap3A_555 = arith.index_cast %add3A_526 : i32 to index
      %swap3A_556 = arith.constant 32 : index
      %swap3A_557 = tpu.vector_load %arg10[%swap3A_555, %swap3A_556] {strides = array<i32>} : memref<80x128xf32, #tpu.memory_space<vmem>>, vector<1x16xf32>,
      %swap3A_558 = vector.shape_cast %swap3A_557 : vector<1x16xf32> to vector<16xf32>
      %swap3A_559 = vector.shape_cast %mul3A_554 : vector<16xf32> to vector<1x16xf32>
      tpu.vector_store %arg10[%swap3A_555, %swap3A_556], %swap3A_559 {strides = array<i32>} : memref<80x128xf32, #tpu.memory_space<vmem>>, vector<1x16xf32>,
      %get3A_560 = arith.index_cast %add3A_526 : i32 to index
      %get3A_561 = arith.constant 48 : index
      %get3A_562 = tpu.vector_load %arg10[%get3A_560, %get3A_561] {strides = array<i32>} : memref<80x128xf32, #tpu.memory_space<vmem>>, vector<1x16xf32>,
      %get3A_563 = vector.shape_cast %get3A_562 : vector<1x16xf32> to vector<16xf32>
      %mul3A_564 = arith.mulf %get3A_563, %broadcast_in_dim3A_529 : vector<16xf32>
      %swap3A_565 = arith.index_cast %add3A_526 : i32 to index
      %swap3A_566 = arith.constant 48 : index
      %swap3A_567 = tpu.vector_load %arg10[%swap3A_565, %swap3A_566] {strides = array<i32>} : memref<80x128xf32, #tpu.memory_space<vmem>>, vector<1x16xf32>,
      %swap3A_568 = vector.shape_cast %swap3A_567 : vector<1x16xf32> to vector<16xf32>
      %swap3A_569 = vector.shape_cast %mul3A_564 : vector<16xf32> to vector<1x16xf32>
      tpu.vector_store %arg10[%swap3A_565, %swap3A_566], %swap3A_569 {strides = array<i32>} : memref<80x128xf32, #tpu.memory_space<vmem>>, vector<1x16xf32>,
      %get3A_570 = arith.index_cast %add3A_526 : i32 to index
      %get3A_571 = arith.constant 64 : index
      %get3A_572 = tpu.vector_load %arg10[%get3A_570, %get3A_571] {strides = array<i32>} : memref<80x128xf32, #tpu.memory_space<vmem>>, vector<1x16xf32>,
      %get3A_573 = vector.shape_cast %get3A_572 : vector<1x16xf32> to vector<16xf32>
      %mul3A_574 = arith.mulf %get3A_573, %broadcast_in_dim3A_529 : vector<16xf32>
      %swap3A_575 = arith.index_cast %add3A_526 : i32 to index
      %swap3A_576 = arith.constant 64 : index
      %swap3A_577 = tpu.vector_load %arg10[%swap3A_575, %swap3A_576] {strides = array<i32>} : memref<80x128xf32, #tpu.memory_space<vmem>>, vector<1x16xf32>,
      %swap3A_578 = vector.shape_cast %swap3A_577 : vector<1x16xf32> to vector<16xf32>
      %swap3A_579 = vector.shape_cast %mul3A_574 : vector<16xf32> to vector<1x16xf32>
      tpu.vector_store %arg10[%swap3A_575, %swap3A_576], %swap3A_579 {strides = array<i32>} : memref<80x128xf32, #tpu.memory_space<vmem>>, vector<1x16xf32>,
      %get3A_580 = arith.index_cast %add3A_526 : i32 to index
      %get3A_581 = arith.constant 80 : index
      %get3A_582 = tpu.vector_load %arg10[%get3A_580, %get3A_581] {strides = array<i32>} : memref<80x128xf32, #tpu.memory_space<vmem>>, vector<1x16xf32>,
      %get3A_583 = vector.shape_cast %get3A_582 : vector<1x16xf32> to vector<16xf32>
      %mul3A_584 = arith.mulf %get3A_583, %broadcast_in_dim3A_529 : vector<16xf32>
      %swap3A_585 = arith.index_cast %add3A_526 : i32 to index
      %swap3A_586 = arith.constant 80 : index
      %swap3A_587 = tpu.vector_load %arg10[%swap3A_585, %swap3A_586] {strides = array<i32>} : memref<80x128xf32, #tpu.memory_space<vmem>>, vector<1x16xf32>,
      %swap3A_588 = vector.shape_cast %swap3A_587 : vector<1x16xf32> to vector<16xf32>
      %swap3A_589 = vector.shape_cast %mul3A_584 : vector<16xf32> to vector<1x16xf32>
      tpu.vector_store %arg10[%swap3A_585, %swap3A_586], %swap3A_589 {strides = array<i32>} : memref<80x128xf32, #tpu.memory_space<vmem>>, vector<1x16xf32>,
      %get3A_590 = arith.index_cast %add3A_526 : i32 to index
      %get3A_591 = arith.constant 96 : index
      %get3A_592 = tpu.vector_load %arg10[%get3A_590, %get3A_591] {strides = array<i32>} : memref<80x128xf32, #tpu.memory_space<vmem>>, vector<1x16xf32>,
      %get3A_593 = vector.shape_cast %get3A_592 : vector<1x16xf32> to vector<16xf32>
      %mul3A_594 = arith.mulf %get3A_593, %broadcast_in_dim3A_529 : vector<16xf32>
      %swap3A_595 = arith.index_cast %add3A_526 : i32 to index
      %swap3A_596 = arith.constant 96 : index
      %swap3A_597 = tpu.vector_load %arg10[%swap3A_595, %swap3A_596] {strides = array<i32>} : memref<80x128xf32, #tpu.memory_space<vmem>>, vector<1x16xf32>,
      %swap3A_598 = vector.shape_cast %swap3A_597 : vector<1x16xf32> to vector<16xf32>
      %swap3A_599 = vector.shape_cast %mul3A_594 : vector<16xf32> to vector<1x16xf32>
      tpu.vector_store %arg10[%swap3A_595, %swap3A_596], %swap3A_599 {strides = array<i32>} : memref<80x128xf32, #tpu.memory_space<vmem>>, vector<1x16xf32>,
      %get3A_600 = arith.index_cast %add3A_526 : i32 to index
      %get3A_601 = arith.constant 112 : index
      %get3A_602 = tpu.vector_load %arg10[%get3A_600, %get3A_601] {strides = array<i32>} : memref<80x128xf32, #tpu.memory_space<vmem>>, vector<1x16xf32>,
      %get3A_603 = vector.shape_cast %get3A_602 : vector<1x16xf32> to vector<16xf32>
      %mul3A_604 = arith.mulf %get3A_603, %broadcast_in_dim3A_529 : vector<16xf32>
      %swap3A_605 = arith.index_cast %add3A_526 : i32 to index
      %swap3A_606 = arith.constant 112 : index
      %swap3A_607 = tpu.vector_load %arg10[%swap3A_605, %swap3A_606] {strides = array<i32>} : memref<80x128xf32, #tpu.memory_space<vmem>>, vector<1x16xf32>,
      %swap3A_608 = vector.shape_cast %swap3A_607 : vector<1x16xf32> to vector<16xf32>
      %swap3A_609 = vector.shape_cast %mul3A_604 : vector<16xf32> to vector<1x16xf32>
      tpu.vector_store %arg10[%swap3A_605, %swap3A_606], %swap3A_609 {strides = array<i32>} : memref<80x128xf32, #tpu.memory_space<vmem>>, vector<1x16xf32>,
      %mul3A_610 = arith.constant 16 : i32
      %mul3A_611 = arith.muli %scan3A_85, %mul3A_610 : i32
      %add3A_612 = arith.constant 6 : i32
      %add3A_613 = arith.addi %mul3A_611, %add3A_612 : i32
      %slice3A_614 = vector.extract_strided_slice %get3A_91 {offsets = [6], sizes = [1], strides = [1]} : vector<16xf32> to vector<1xf32>
      %squeeze3A_615 = vector.extract %slice3A_614[0] : f32 from vector<1xf32>
      %broadcast_in_dim3A_616 = vector.broadcast %squeeze3A_615 : f32 to vector<16xf32>
      %get3A_617 = arith.index_cast %add3A_613 : i32 to index
      %get3A_618 = arith.constant 0 : index
      %get3A_619 = tpu.vector_load %arg10[%get3A_617, %get3A_618] {strides = array<i32>} : memref<80x128xf32, #tpu.memory_space<vmem>>, vector<1x16xf32>,
      %get3A_620 = vector.shape_cast %get3A_619 : vector<1x16xf32> to vector<16xf32>
      %mul3A_621 = arith.mulf %get3A_620, %broadcast_in_dim3A_616 : vector<16xf32>
      %swap3A_622 = arith.index_cast %add3A_613 : i32 to index
      %swap3A_623 = arith.constant 0 : index
      %swap3A_624 = tpu.vector_load %arg10[%swap3A_622, %swap3A_623] {strides = array<i32>} : memref<80x128xf32, #tpu.memory_space<vmem>>, vector<1x16xf32>,
      %swap3A_625 = vector.shape_cast %swap3A_624 : vector<1x16xf32> to vector<16xf32>
      %swap3A_626 = vector.shape_cast %mul3A_621 : vector<16xf32> to vector<1x16xf32>
      tpu.vector_store %arg10[%swap3A_622, %swap3A_623], %swap3A_626 {strides = array<i32>} : memref<80x128xf32, #tpu.memory_space<vmem>>, vector<1x16xf32>,
      %get3A_627 = arith.index_cast %add3A_613 : i32 to index
      %get3A_628 = arith.constant 16 : index
      %get3A_629 = tpu.vector_load %arg10[%get3A_627, %get3A_628] {strides = array<i32>} : memref<80x128xf32, #tpu.memory_space<vmem>>, vector<1x16xf32>,
      %get3A_630 = vector.shape_cast %get3A_629 : vector<1x16xf32> to vector<16xf32>
      %mul3A_631 = arith.mulf %get3A_630, %broadcast_in_dim3A_616 : vector<16xf32>
      %swap3A_632 = arith.index_cast %add3A_613 : i32 to index
      %swap3A_633 = arith.constant 16 : index
      %swap3A_634 = tpu.vector_load %arg10[%swap3A_632, %swap3A_633] {strides = array<i32>} : memref<80x128xf32, #tpu.memory_space<vmem>>, vector<1x16xf32>,
      %swap3A_635 = vector.shape_cast %swap3A_634 : vector<1x16xf32> to vector<16xf32>
      %swap3A_636 = vector.shape_cast %mul3A_631 : vector<16xf32> to vector<1x16xf32>
      tpu.vector_store %arg10[%swap3A_632, %swap3A_633], %swap3A_636 {strides = array<i32>} : memref<80x128xf32, #tpu.memory_space<vmem>>, vector<1x16xf32>,
      %get3A_637 = arith.index_cast %add3A_613 : i32 to index
      %get3A_638 = arith.constant 32 : index
      %get3A_639 = tpu.vector_load %arg10[%get3A_637, %get3A_638] {strides = array<i32>} : memref<80x128xf32, #tpu.memory_space<vmem>>, vector<1x16xf32>,
      %get3A_640 = vector.shape_cast %get3A_639 : vector<1x16xf32> to vector<16xf32>
      %mul3A_641 = arith.mulf %get3A_640, %broadcast_in_dim3A_616 : vector<16xf32>
      %swap3A_642 = arith.index_cast %add3A_613 : i32 to index
      %swap3A_643 = arith.constant 32 : index
      %swap3A_644 = tpu.vector_load %arg10[%swap3A_642, %swap3A_643] {strides = array<i32>} : memref<80x128xf32, #tpu.memory_space<vmem>>, vector<1x16xf32>,
      %swap3A_645 = vector.shape_cast %swap3A_644 : vector<1x16xf32> to vector<16xf32>
      %swap3A_646 = vector.shape_cast %mul3A_641 : vector<16xf32> to vector<1x16xf32>
      tpu.vector_store %arg10[%swap3A_642, %swap3A_643], %swap3A_646 {strides = array<i32>} : memref<80x128xf32, #tpu.memory_space<vmem>>, vector<1x16xf32>,
      %get3A_647 = arith.index_cast %add3A_613 : i32 to index
      %get3A_648 = arith.constant 48 : index
      %get3A_649 = tpu.vector_load %arg10[%get3A_647, %get3A_648] {strides = array<i32>} : memref<80x128xf32, #tpu.memory_space<vmem>>, vector<1x16xf32>,
      %get3A_650 = vector.shape_cast %get3A_649 : vector<1x16xf32> to vector<16xf32>
      %mul3A_651 = arith.mulf %get3A_650, %broadcast_in_dim3A_616 : vector<16xf32>
      %swap3A_652 = arith.index_cast %add3A_613 : i32 to index
      %swap3A_653 = arith.constant 48 : index
      %swap3A_654 = tpu.vector_load %arg10[%swap3A_652, %swap3A_653] {strides = array<i32>} : memref<80x128xf32, #tpu.memory_space<vmem>>, vector<1x16xf32>,
      %swap3A_655 = vector.shape_cast %swap3A_654 : vector<1x16xf32> to vector<16xf32>
      %swap3A_656 = vector.shape_cast %mul3A_651 : vector<16xf32> to vector<1x16xf32>
      tpu.vector_store %arg10[%swap3A_652, %swap3A_653], %swap3A_656 {strides = array<i32>} : memref<80x128xf32, #tpu.memory_space<vmem>>, vector<1x16xf32>,
      %get3A_657 = arith.index_cast %add3A_613 : i32 to index
      %get3A_658 = arith.constant 64 : index
      %get3A_659 = tpu.vector_load %arg10[%get3A_657, %get3A_658] {strides = array<i32>} : memref<80x128xf32, #tpu.memory_space<vmem>>, vector<1x16xf32>,
      %get3A_660 = vector.shape_cast %get3A_659 : vector<1x16xf32> to vector<16xf32>
      %mul3A_661 = arith.mulf %get3A_660, %broadcast_in_dim3A_616 : vector<16xf32>
      %swap3A_662 = arith.index_cast %add3A_613 : i32 to index
      %swap3A_663 = arith.constant 64 : index
      %swap3A_664 = tpu.vector_load %arg10[%swap3A_662, %swap3A_663] {strides = array<i32>} : memref<80x128xf32, #tpu.memory_space<vmem>>, vector<1x16xf32>,
      %swap3A_665 = vector.shape_cast %swap3A_664 : vector<1x16xf32> to vector<16xf32>
      %swap3A_666 = vector.shape_cast %mul3A_661 : vector<16xf32> to vector<1x16xf32>
      tpu.vector_store %arg10[%swap3A_662, %swap3A_663], %swap3A_666 {strides = array<i32>} : memref<80x128xf32, #tpu.memory_space<vmem>>, vector<1x16xf32>,
      %get3A_667 = arith.index_cast %add3A_613 : i32 to index
      %get3A_668 = arith.constant 80 : index
      %get3A_669 = tpu.vector_load %arg10[%get3A_667, %get3A_668] {strides = array<i32>} : memref<80x128xf32, #tpu.memory_space<vmem>>, vector<1x16xf32>,
      %get3A_670 = vector.shape_cast %get3A_669 : vector<1x16xf32> to vector<16xf32>
      %mul3A_671 = arith.mulf %get3A_670, %broadcast_in_dim3A_616 : vector<16xf32>
      %swap3A_672 = arith.index_cast %add3A_613 : i32 to index
      %swap3A_673 = arith.constant 80 : index
      %swap3A_674 = tpu.vector_load %arg10[%swap3A_672, %swap3A_673] {strides = array<i32>} : memref<80x128xf32, #tpu.memory_space<vmem>>, vector<1x16xf32>,
      %swap3A_675 = vector.shape_cast %swap3A_674 : vector<1x16xf32> to vector<16xf32>
      %swap3A_676 = vector.shape_cast %mul3A_671 : vector<16xf32> to vector<1x16xf32>
      tpu.vector_store %arg10[%swap3A_672, %swap3A_673], %swap3A_676 {strides = array<i32>} : memref<80x128xf32, #tpu.memory_space<vmem>>, vector<1x16xf32>,
      %get3A_677 = arith.index_cast %add3A_613 : i32 to index
      %get3A_678 = arith.constant 96 : index
      %get3A_679 = tpu.vector_load %arg10[%get3A_677, %get3A_678] {strides = array<i32>} : memref<80x128xf32, #tpu.memory_space<vmem>>, vector<1x16xf32>,
      %get3A_680 = vector.shape_cast %get3A_679 : vector<1x16xf32> to vector<16xf32>
      %mul3A_681 = arith.mulf %get3A_680, %broadcast_in_dim3A_616 : vector<16xf32>
      %swap3A_682 = arith.index_cast %add3A_613 : i32 to index
      %swap3A_683 = arith.constant 96 : index
      %swap3A_684 = tpu.vector_load %arg10[%swap3A_682, %swap3A_683] {strides = array<i32>} : memref<80x128xf32, #tpu.memory_space<vmem>>, vector<1x16xf32>,
      %swap3A_685 = vector.shape_cast %swap3A_684 : vector<1x16xf32> to vector<16xf32>
      %swap3A_686 = vector.shape_cast %mul3A_681 : vector<16xf32> to vector<1x16xf32>
      tpu.vector_store %arg10[%swap3A_682, %swap3A_683], %swap3A_686 {strides = array<i32>} : memref<80x128xf32, #tpu.memory_space<vmem>>, vector<1x16xf32>,
      %get3A_687 = arith.index_cast %add3A_613 : i32 to index
      %get3A_688 = arith.constant 112 : index
      %get3A_689 = tpu.vector_load %arg10[%get3A_687, %get3A_688] {strides = array<i32>} : memref<80x128xf32, #tpu.memory_space<vmem>>, vector<1x16xf32>,
      %get3A_690 = vector.shape_cast %get3A_689 : vector<1x16xf32> to vector<16xf32>
      %mul3A_691 = arith.mulf %get3A_690, %broadcast_in_dim3A_616 : vector<16xf32>
      %swap3A_692 = arith.index_cast %add3A_613 : i32 to index
      %swap3A_693 = arith.constant 112 : index
      %swap3A_694 = tpu.vector_load %arg10[%swap3A_692, %swap3A_693] {strides = array<i32>} : memref<80x128xf32, #tpu.memory_space<vmem>>, vector<1x16xf32>,
      %swap3A_695 = vector.shape_cast %swap3A_694 : vector<1x16xf32> to vector<16xf32>
      %swap3A_696 = vector.shape_cast %mul3A_691 : vector<16xf32> to vector<1x16xf32>
      tpu.vector_store %arg10[%swap3A_692, %swap3A_693], %swap3A_696 {strides = array<i32>} : memref<80x128xf32, #tpu.memory_space<vmem>>, vector<1x16xf32>,
      %mul3A_697 = arith.constant 16 : i32
      %mul3A_698 = arith.muli %scan3A_85, %mul3A_697 : i32
      %add3A_699 = arith.constant 7 : i32
      %add3A_700 = arith.addi %mul3A_698, %add3A_699 : i32
      %slice3A_701 = vector.extract_strided_slice %get3A_91 {offsets = [7], sizes = [1], strides = [1]} : vector<16xf32> to vector<1xf32>
      %squeeze3A_702 = vector.extract %slice3A_701[0] : f32 from vector<1xf32>
      %broadcast_in_dim3A_703 = vector.broadcast %squeeze3A_702 : f32 to vector<16xf32>
      %get3A_704 = arith.index_cast %add3A_700 : i32 to index
      %get3A_705 = arith.constant 0 : index
      %get3A_706 = tpu.vector_load %arg10[%get3A_704, %get3A_705] {strides = array<i32>} : memref<80x128xf32, #tpu.memory_space<vmem>>, vector<1x16xf32>,
      %get3A_707 = vector.shape_cast %get3A_706 : vector<1x16xf32> to vector<16xf32>
      %mul3A_708 = arith.mulf %get3A_707, %broadcast_in_dim3A_703 : vector<16xf32>
      %swap3A_709 = arith.index_cast %add3A_700 : i32 to index
      %swap3A_710 = arith.constant 0 : index
      %swap3A_711 = tpu.vector_load %arg10[%swap3A_709, %swap3A_710] {strides = array<i32>} : memref<80x128xf32, #tpu.memory_space<vmem>>, vector<1x16xf32>,
      %swap3A_712 = vector.shape_cast %swap3A_711 : vector<1x16xf32> to vector<16xf32>
      %swap3A_713 = vector.shape_cast %mul3A_708 : vector<16xf32> to vector<1x16xf32>
      tpu.vector_store %arg10[%swap3A_709, %swap3A_710], %swap3A_713 {strides = array<i32>} : memref<80x128xf32, #tpu.memory_space<vmem>>, vector<1x16xf32>,
      %get3A_714 = arith.index_cast %add3A_700 : i32 to index
      %get3A_715 = arith.constant 16 : index
      %get3A_716 = tpu.vector_load %arg10[%get3A_714, %get3A_715] {strides = array<i32>} : memref<80x128xf32, #tpu.memory_space<vmem>>, vector<1x16xf32>,
      %get3A_717 = vector.shape_cast %get3A_716 : vector<1x16xf32> to vector<16xf32>
      %mul3A_718 = arith.mulf %get3A_717, %broadcast_in_dim3A_703 : vector<16xf32>
      %swap3A_719 = arith.index_cast %add3A_700 : i32 to index
      %swap3A_720 = arith.constant 16 : index
      %swap3A_721 = tpu.vector_load %arg10[%swap3A_719, %swap3A_720] {strides = array<i32>} : memref<80x128xf32, #tpu.memory_space<vmem>>, vector<1x16xf32>,
      %swap3A_722 = vector.shape_cast %swap3A_721 : vector<1x16xf32> to vector<16xf32>
      %swap3A_723 = vector.shape_cast %mul3A_718 : vector<16xf32> to vector<1x16xf32>
      tpu.vector_store %arg10[%swap3A_719, %swap3A_720], %swap3A_723 {strides = array<i32>} : memref<80x128xf32, #tpu.memory_space<vmem>>, vector<1x16xf32>,
      %get3A_724 = arith.index_cast %add3A_700 : i32 to index
      %get3A_725 = arith.constant 32 : index
      %get3A_726 = tpu.vector_load %arg10[%get3A_724, %get3A_725] {strides = array<i32>} : memref<80x128xf32, #tpu.memory_space<vmem>>, vector<1x16xf32>,
      %get3A_727 = vector.shape_cast %get3A_726 : vector<1x16xf32> to vector<16xf32>
      %mul3A_728 = arith.mulf %get3A_727, %broadcast_in_dim3A_703 : vector<16xf32>
      %swap3A_729 = arith.index_cast %add3A_700 : i32 to index
      %swap3A_730 = arith.constant 32 : index
      %swap3A_731 = tpu.vector_load %arg10[%swap3A_729, %swap3A_730] {strides = array<i32>} : memref<80x128xf32, #tpu.memory_space<vmem>>, vector<1x16xf32>,
      %swap3A_732 = vector.shape_cast %swap3A_731 : vector<1x16xf32> to vector<16xf32>
      %swap3A_733 = vector.shape_cast %mul3A_728 : vector<16xf32> to vector<1x16xf32>
      tpu.vector_store %arg10[%swap3A_729, %swap3A_730], %swap3A_733 {strides = array<i32>} : memref<80x128xf32, #tpu.memory_space<vmem>>, vector<1x16xf32>,
      %get3A_734 = arith.index_cast %add3A_700 : i32 to index
      %get3A_735 = arith.constant 48 : index
      %get3A_736 = tpu.vector_load %arg10[%get3A_734, %get3A_735] {strides = array<i32>} : memref<80x128xf32, #tpu.memory_space<vmem>>, vector<1x16xf32>,
      %get3A_737 = vector.shape_cast %get3A_736 : vector<1x16xf32> to vector<16xf32>
      %mul3A_738 = arith.mulf %get3A_737, %broadcast_in_dim3A_703 : vector<16xf32>
      %swap3A_739 = arith.index_cast %add3A_700 : i32 to index
      %swap3A_740 = arith.constant 48 : index
      %swap3A_741 = tpu.vector_load %arg10[%swap3A_739, %swap3A_740] {strides = array<i32>} : memref<80x128xf32, #tpu.memory_space<vmem>>, vector<1x16xf32>,
      %swap3A_742 = vector.shape_cast %swap3A_741 : vector<1x16xf32> to vector<16xf32>
      %swap3A_743 = vector.shape_cast %mul3A_738 : vector<16xf32> to vector<1x16xf32>
      tpu.vector_store %arg10[%swap3A_739, %swap3A_740], %swap3A_743 {strides = array<i32>} : memref<80x128xf32, #tpu.memory_space<vmem>>, vector<1x16xf32>,
      %get3A_744 = arith.index_cast %add3A_700 : i32 to index
      %get3A_745 = arith.constant 64 : index
      %get3A_746 = tpu.vector_load %arg10[%get3A_744, %get3A_745] {strides = array<i32>} : memref<80x128xf32, #tpu.memory_space<vmem>>, vector<1x16xf32>,
      %get3A_747 = vector.shape_cast %get3A_746 : vector<1x16xf32> to vector<16xf32>
      %mul3A_748 = arith.mulf %get3A_747, %broadcast_in_dim3A_703 : vector<16xf32>
      %swap3A_749 = arith.index_cast %add3A_700 : i32 to index
      %swap3A_750 = arith.constant 64 : index
      %swap3A_751 = tpu.vector_load %arg10[%swap3A_749, %swap3A_750] {strides = array<i32>} : memref<80x128xf32, #tpu.memory_space<vmem>>, vector<1x16xf32>,
      %swap3A_752 = vector.shape_cast %swap3A_751 : vector<1x16xf32> to vector<16xf32>
      %swap3A_753 = vector.shape_cast %mul3A_748 : vector<16xf32> to vector<1x16xf32>
      tpu.vector_store %arg10[%swap3A_749, %swap3A_750], %swap3A_753 {strides = array<i32>} : memref<80x128xf32, #tpu.memory_space<vmem>>, vector<1x16xf32>,
      %get3A_754 = arith.index_cast %add3A_700 : i32 to index
      %get3A_755 = arith.constant 80 : index
      %get3A_756 = tpu.vector_load %arg10[%get3A_754, %get3A_755] {strides = array<i32>} : memref<80x128xf32, #tpu.memory_space<vmem>>, vector<1x16xf32>,
      %get3A_757 = vector.shape_cast %get3A_756 : vector<1x16xf32> to vector<16xf32>
      %mul3A_758 = arith.mulf %get3A_757, %broadcast_in_dim3A_703 : vector<16xf32>
      %swap3A_759 = arith.index_cast %add3A_700 : i32 to index
      %swap3A_760 = arith.constant 80 : index
      %swap3A_761 = tpu.vector_load %arg10[%swap3A_759, %swap3A_760] {strides = array<i32>} : memref<80x128xf32, #tpu.memory_space<vmem>>, vector<1x16xf32>,
      %swap3A_762 = vector.shape_cast %swap3A_761 : vector<1x16xf32> to vector<16xf32>
      %swap3A_763 = vector.shape_cast %mul3A_758 : vector<16xf32> to vector<1x16xf32>
      tpu.vector_store %arg10[%swap3A_759, %swap3A_760], %swap3A_763 {strides = array<i32>} : memref<80x128xf32, #tpu.memory_space<vmem>>, vector<1x16xf32>,
      %get3A_764 = arith.index_cast %add3A_700 : i32 to index
      %get3A_765 = arith.constant 96 : index
      %get3A_766 = tpu.vector_load %arg10[%get3A_764, %get3A_765] {strides = array<i32>} : memref<80x128xf32, #tpu.memory_space<vmem>>, vector<1x16xf32>,
      %get3A_767 = vector.shape_cast %get3A_766 : vector<1x16xf32> to vector<16xf32>
      %mul3A_768 = arith.mulf %get3A_767, %broadcast_in_dim3A_703 : vector<16xf32>
      %swap3A_769 = arith.index_cast %add3A_700 : i32 to index
      %swap3A_770 = arith.constant 96 : index
      %swap3A_771 = tpu.vector_load %arg10[%swap3A_769, %swap3A_770] {strides = array<i32>} : memref<80x128xf32, #tpu.memory_space<vmem>>, vector<1x16xf32>,
      %swap3A_772 = vector.shape_cast %swap3A_771 : vector<1x16xf32> to vector<16xf32>
      %swap3A_773 = vector.shape_cast %mul3A_768 : vector<16xf32> to vector<1x16xf32>
      tpu.vector_store %arg10[%swap3A_769, %swap3A_770], %swap3A_773 {strides = array<i32>} : memref<80x128xf32, #tpu.memory_space<vmem>>, vector<1x16xf32>,
      %get3A_774 = arith.index_cast %add3A_700 : i32 to index
      %get3A_775 = arith.constant 112 : index
      %get3A_776 = tpu.vector_load %arg10[%get3A_774, %get3A_775] {strides = array<i32>} : memref<80x128xf32, #tpu.memory_space<vmem>>, vector<1x16xf32>,
      %get3A_777 = vector.shape_cast %get3A_776 : vector<1x16xf32> to vector<16xf32>
      %mul3A_778 = arith.mulf %get3A_777, %broadcast_in_dim3A_703 : vector<16xf32>
      %swap3A_779 = arith.index_cast %add3A_700 : i32 to index
      %swap3A_780 = arith.constant 112 : index
      %swap3A_781 = tpu.vector_load %arg10[%swap3A_779, %swap3A_780] {strides = array<i32>} : memref<80x128xf32, #tpu.memory_space<vmem>>, vector<1x16xf32>,
      %swap3A_782 = vector.shape_cast %swap3A_781 : vector<1x16xf32> to vector<16xf32>
      %swap3A_783 = vector.shape_cast %mul3A_778 : vector<16xf32> to vector<1x16xf32>
      tpu.vector_store %arg10[%swap3A_779, %swap3A_780], %swap3A_783 {strides = array<i32>} : memref<80x128xf32, #tpu.memory_space<vmem>>, vector<1x16xf32>,
      %mul3A_784 = arith.constant 16 : i32
      %mul3A_785 = arith.muli %scan3A_85, %mul3A_784 : i32
      %add3A_786 = arith.constant 8 : i32
      %add3A_787 = arith.addi %mul3A_785, %add3A_786 : i32
      %slice3A_788 = vector.extract_strided_slice %get3A_91 {offsets = [8], sizes = [1], strides = [1]} : vector<16xf32> to vector<1xf32>
      %squeeze3A_789 = vector.extract %slice3A_788[0] : f32 from vector<1xf32>
      %broadcast_in_dim3A_790 = vector.broadcast %squeeze3A_789 : f32 to vector<16xf32>
      %get3A_791 = arith.index_cast %add3A_787 : i32 to index
      %get3A_792 = arith.constant 0 : index
      %get3A_793 = tpu.vector_load %arg10[%get3A_791, %get3A_792] {strides = array<i32>} : memref<80x128xf32, #tpu.memory_space<vmem>>, vector<1x16xf32>,
      %get3A_794 = vector.shape_cast %get3A_793 : vector<1x16xf32> to vector<16xf32>
      %mul3A_795 = arith.mulf %get3A_794, %broadcast_in_dim3A_790 : vector<16xf32>
      %swap3A_796 = arith.index_cast %add3A_787 : i32 to index
      %swap3A_797 = arith.constant 0 : index
      %swap3A_798 = tpu.vector_load %arg10[%swap3A_796, %swap3A_797] {strides = array<i32>} : memref<80x128xf32, #tpu.memory_space<vmem>>, vector<1x16xf32>,
      %swap3A_799 = vector.shape_cast %swap3A_798 : vector<1x16xf32> to vector<16xf32>
      %swap3A_800 = vector.shape_cast %mul3A_795 : vector<16xf32> to vector<1x16xf32>
      tpu.vector_store %arg10[%swap3A_796, %swap3A_797], %swap3A_800 {strides = array<i32>} : memref<80x128xf32, #tpu.memory_space<vmem>>, vector<1x16xf32>,
      %get3A_801 = arith.index_cast %add3A_787 : i32 to index
      %get3A_802 = arith.constant 16 : index
      %get3A_803 = tpu.vector_load %arg10[%get3A_801, %get3A_802] {strides = array<i32>} : memref<80x128xf32, #tpu.memory_space<vmem>>, vector<1x16xf32>,
      %get3A_804 = vector.shape_cast %get3A_803 : vector<1x16xf32> to vector<16xf32>
      %mul3A_805 = arith.mulf %get3A_804, %broadcast_in_dim3A_790 : vector<16xf32>
      %swap3A_806 = arith.index_cast %add3A_787 : i32 to index
      %swap3A_807 = arith.constant 16 : index
      %swap3A_808 = tpu.vector_load %arg10[%swap3A_806, %swap3A_807] {strides = array<i32>} : memref<80x128xf32, #tpu.memory_space<vmem>>, vector<1x16xf32>,
      %swap3A_809 = vector.shape_cast %swap3A_808 : vector<1x16xf32> to vector<16xf32>
      %swap3A_810 = vector.shape_cast %mul3A_805 : vector<16xf32> to vector<1x16xf32>
      tpu.vector_store %arg10[%swap3A_806, %swap3A_807], %swap3A_810 {strides = array<i32>} : memref<80x128xf32, #tpu.memory_space<vmem>>, vector<1x16xf32>,
      %get3A_811 = arith.index_cast %add3A_787 : i32 to index
      %get3A_812 = arith.constant 32 : index
      %get3A_813 = tpu.vector_load %arg10[%get3A_811, %get3A_812] {strides = array<i32>} : memref<80x128xf32, #tpu.memory_space<vmem>>, vector<1x16xf32>,
      %get3A_814 = vector.shape_cast %get3A_813 : vector<1x16xf32> to vector<16xf32>
      %mul3A_815 = arith.mulf %get3A_814, %broadcast_in_dim3A_790 : vector<16xf32>
      %swap3A_816 = arith.index_cast %add3A_787 : i32 to index
      %swap3A_817 = arith.constant 32 : index
      %swap3A_818 = tpu.vector_load %arg10[%swap3A_816, %swap3A_817] {strides = array<i32>} : memref<80x128xf32, #tpu.memory_space<vmem>>, vector<1x16xf32>,
      %swap3A_819 = vector.shape_cast %swap3A_818 : vector<1x16xf32> to vector<16xf32>
      %swap3A_820 = vector.shape_cast %mul3A_815 : vector<16xf32> to vector<1x16xf32>
      tpu.vector_store %arg10[%swap3A_816, %swap3A_817], %swap3A_820 {strides = array<i32>} : memref<80x128xf32, #tpu.memory_space<vmem>>, vector<1x16xf32>,
      %get3A_821 = arith.index_cast %add3A_787 : i32 to index
      %get3A_822 = arith.constant 48 : index
      %get3A_823 = tpu.vector_load %arg10[%get3A_821, %get3A_822] {strides = array<i32>} : memref<80x128xf32, #tpu.memory_space<vmem>>, vector<1x16xf32>,
      %get3A_824 = vector.shape_cast %get3A_823 : vector<1x16xf32> to vector<16xf32>
      %mul3A_825 = arith.mulf %get3A_824, %broadcast_in_dim3A_790 : vector<16xf32>
      %swap3A_826 = arith.index_cast %add3A_787 : i32 to index
      %swap3A_827 = arith.constant 48 : index
      %swap3A_828 = tpu.vector_load %arg10[%swap3A_826, %swap3A_827] {strides = array<i32>} : memref<80x128xf32, #tpu.memory_space<vmem>>, vector<1x16xf32>,
      %swap3A_829 = vector.shape_cast %swap3A_828 : vector<1x16xf32> to vector<16xf32>
      %swap3A_830 = vector.shape_cast %mul3A_825 : vector<16xf32> to vector<1x16xf32>
      tpu.vector_store %arg10[%swap3A_826, %swap3A_827], %swap3A_830 {strides = array<i32>} : memref<80x128xf32, #tpu.memory_space<vmem>>, vector<1x16xf32>,
      %get3A_831 = arith.index_cast %add3A_787 : i32 to index
      %get3A_832 = arith.constant 64 : index
      %get3A_833 = tpu.vector_load %arg10[%get3A_831, %get3A_832] {strides = array<i32>} : memref<80x128xf32, #tpu.memory_space<vmem>>, vector<1x16xf32>,
      %get3A_834 = vector.shape_cast %get3A_833 : vector<1x16xf32> to vector<16xf32>
      %mul3A_835 = arith.mulf %get3A_834, %broadcast_in_dim3A_790 : vector<16xf32>
      %swap3A_836 = arith.index_cast %add3A_787 : i32 to index
      %swap3A_837 = arith.constant 64 : index
      %swap3A_838 = tpu.vector_load %arg10[%swap3A_836, %swap3A_837] {strides = array<i32>} : memref<80x128xf32, #tpu.memory_space<vmem>>, vector<1x16xf32>,
      %swap3A_839 = vector.shape_cast %swap3A_838 : vector<1x16xf32> to vector<16xf32>
      %swap3A_840 = vector.shape_cast %mul3A_835 : vector<16xf32> to vector<1x16xf32>
      tpu.vector_store %arg10[%swap3A_836, %swap3A_837], %swap3A_840 {strides = array<i32>} : memref<80x128xf32, #tpu.memory_space<vmem>>, vector<1x16xf32>,
      %get3A_841 = arith.index_cast %add3A_787 : i32 to index
      %get3A_842 = arith.constant 80 : index
      %get3A_843 = tpu.vector_load %arg10[%get3A_841, %get3A_842] {strides = array<i32>} : memref<80x128xf32, #tpu.memory_space<vmem>>, vector<1x16xf32>,
      %get3A_844 = vector.shape_cast %get3A_843 : vector<1x16xf32> to vector<16xf32>
      %mul3A_845 = arith.mulf %get3A_844, %broadcast_in_dim3A_790 : vector<16xf32>
      %swap3A_846 = arith.index_cast %add3A_787 : i32 to index
      %swap3A_847 = arith.constant 80 : index
      %swap3A_848 = tpu.vector_load %arg10[%swap3A_846, %swap3A_847] {strides = array<i32>} : memref<80x128xf32, #tpu.memory_space<vmem>>, vector<1x16xf32>,
      %swap3A_849 = vector.shape_cast %swap3A_848 : vector<1x16xf32> to vector<16xf32>
      %swap3A_850 = vector.shape_cast %mul3A_845 : vector<16xf32> to vector<1x16xf32>
      tpu.vector_store %arg10[%swap3A_846, %swap3A_847], %swap3A_850 {strides = array<i32>} : memref<80x128xf32, #tpu.memory_space<vmem>>, vector<1x16xf32>,
      %get3A_851 = arith.index_cast %add3A_787 : i32 to index
      %get3A_852 = arith.constant 96 : index
      %get3A_853 = tpu.vector_load %arg10[%get3A_851, %get3A_852] {strides = array<i32>} : memref<80x128xf32, #tpu.memory_space<vmem>>, vector<1x16xf32>,
      %get3A_854 = vector.shape_cast %get3A_853 : vector<1x16xf32> to vector<16xf32>
      %mul3A_855 = arith.mulf %get3A_854, %broadcast_in_dim3A_790 : vector<16xf32>
      %swap3A_856 = arith.index_cast %add3A_787 : i32 to index
      %swap3A_857 = arith.constant 96 : index
      %swap3A_858 = tpu.vector_load %arg10[%swap3A_856, %swap3A_857] {strides = array<i32>} : memref<80x128xf32, #tpu.memory_space<vmem>>, vector<1x16xf32>,
      %swap3A_859 = vector.shape_cast %swap3A_858 : vector<1x16xf32> to vector<16xf32>
      %swap3A_860 = vector.shape_cast %mul3A_855 : vector<16xf32> to vector<1x16xf32>
      tpu.vector_store %arg10[%swap3A_856, %swap3A_857], %swap3A_860 {strides = array<i32>} : memref<80x128xf32, #tpu.memory_space<vmem>>, vector<1x16xf32>,
      %get3A_861 = arith.index_cast %add3A_787 : i32 to index
      %get3A_862 = arith.constant 112 : index
      %get3A_863 = tpu.vector_load %arg10[%get3A_861, %get3A_862] {strides = array<i32>} : memref<80x128xf32, #tpu.memory_space<vmem>>, vector<1x16xf32>,
      %get3A_864 = vector.shape_cast %get3A_863 : vector<1x16xf32> to vector<16xf32>
      %mul3A_865 = arith.mulf %get3A_864, %broadcast_in_dim3A_790 : vector<16xf32>
      %swap3A_866 = arith.index_cast %add3A_787 : i32 to index
      %swap3A_867 = arith.constant 112 : index
      %swap3A_868 = tpu.vector_load %arg10[%swap3A_866, %swap3A_867] {strides = array<i32>} : memref<80x128xf32, #tpu.memory_space<vmem>>, vector<1x16xf32>,
      %swap3A_869 = vector.shape_cast %swap3A_868 : vector<1x16xf32> to vector<16xf32>
      %swap3A_870 = vector.shape_cast %mul3A_865 : vector<16xf32> to vector<1x16xf32>
      tpu.vector_store %arg10[%swap3A_866, %swap3A_867], %swap3A_870 {strides = array<i32>} : memref<80x128xf32, #tpu.memory_space<vmem>>, vector<1x16xf32>,
      %mul3A_871 = arith.constant 16 : i32
      %mul3A_872 = arith.muli %scan3A_85, %mul3A_871 : i32
      %add3A_873 = arith.constant 9 : i32
      %add3A_874 = arith.addi %mul3A_872, %add3A_873 : i32
      %slice3A_875 = vector.extract_strided_slice %get3A_91 {offsets = [9], sizes = [1], strides = [1]} : vector<16xf32> to vector<1xf32>
      %squeeze3A_876 = vector.extract %slice3A_875[0] : f32 from vector<1xf32>
      %broadcast_in_dim3A_877 = vector.broadcast %squeeze3A_876 : f32 to vector<16xf32>
      %get3A_878 = arith.index_cast %add3A_874 : i32 to index
      %get3A_879 = arith.constant 0 : index
      %get3A_880 = tpu.vector_load %arg10[%get3A_878, %get3A_879] {strides = array<i32>} : memref<80x128xf32, #tpu.memory_space<vmem>>, vector<1x16xf32>,
      %get3A_881 = vector.shape_cast %get3A_880 : vector<1x16xf32> to vector<16xf32>
      %mul3A_882 = arith.mulf %get3A_881, %broadcast_in_dim3A_877 : vector<16xf32>
      %swap3A_883 = arith.index_cast %add3A_874 : i32 to index
      %swap3A_884 = arith.constant 0 : index
      %swap3A_885 = tpu.vector_load %arg10[%swap3A_883, %swap3A_884] {strides = array<i32>} : memref<80x128xf32, #tpu.memory_space<vmem>>, vector<1x16xf32>,
      %swap3A_886 = vector.shape_cast %swap3A_885 : vector<1x16xf32> to vector<16xf32>
      %swap3A_887 = vector.shape_cast %mul3A_882 : vector<16xf32> to vector<1x16xf32>
      tpu.vector_store %arg10[%swap3A_883, %swap3A_884], %swap3A_887 {strides = array<i32>} : memref<80x128xf32, #tpu.memory_space<vmem>>, vector<1x16xf32>,
      %get3A_888 = arith.index_cast %add3A_874 : i32 to index
      %get3A_889 = arith.constant 16 : index
      %get3A_890 = tpu.vector_load %arg10[%get3A_888, %get3A_889] {strides = array<i32>} : memref<80x128xf32, #tpu.memory_space<vmem>>, vector<1x16xf32>,
      %get3A_891 = vector.shape_cast %get3A_890 : vector<1x16xf32> to vector<16xf32>
      %mul3A_892 = arith.mulf %get3A_891, %broadcast_in_dim3A_877 : vector<16xf32>
      %swap3A_893 = arith.index_cast %add3A_874 : i32 to index
      %swap3A_894 = arith.constant 16 : index
      %swap3A_895 = tpu.vector_load %arg10[%swap3A_893, %swap3A_894] {strides = array<i32>} : memref<80x128xf32, #tpu.memory_space<vmem>>, vector<1x16xf32>,
      %swap3A_896 = vector.shape_cast %swap3A_895 : vector<1x16xf32> to vector<16xf32>
      %swap3A_897 = vector.shape_cast %mul3A_892 : vector<16xf32> to vector<1x16xf32>
      tpu.vector_store %arg10[%swap3A_893, %swap3A_894], %swap3A_897 {strides = array<i32>} : memref<80x128xf32, #tpu.memory_space<vmem>>, vector<1x16xf32>,
      %get3A_898 = arith.index_cast %add3A_874 : i32 to index
      %get3A_899 = arith.constant 32 : index
      %get3A_900 = tpu.vector_load %arg10[%get3A_898, %get3A_899] {strides = array<i32>} : memref<80x128xf32, #tpu.memory_space<vmem>>, vector<1x16xf32>,
      %get3A_901 = vector.shape_cast %get3A_900 : vector<1x16xf32> to vector<16xf32>
      %mul3A_902 = arith.mulf %get3A_901, %broadcast_in_dim3A_877 : vector<16xf32>
      %swap3A_903 = arith.index_cast %add3A_874 : i32 to index
      %swap3A_904 = arith.constant 32 : index
      %swap3A_905 = tpu.vector_load %arg10[%swap3A_903, %swap3A_904] {strides = array<i32>} : memref<80x128xf32, #tpu.memory_space<vmem>>, vector<1x16xf32>,
      %swap3A_906 = vector.shape_cast %swap3A_905 : vector<1x16xf32> to vector<16xf32>
      %swap3A_907 = vector.shape_cast %mul3A_902 : vector<16xf32> to vector<1x16xf32>
      tpu.vector_store %arg10[%swap3A_903, %swap3A_904], %swap3A_907 {strides = array<i32>} : memref<80x128xf32, #tpu.memory_space<vmem>>, vector<1x16xf32>,
      %get3A_908 = arith.index_cast %add3A_874 : i32 to index
      %get3A_909 = arith.constant 48 : index
      %get3A_910 = tpu.vector_load %arg10[%get3A_908, %get3A_909] {strides = array<i32>} : memref<80x128xf32, #tpu.memory_space<vmem>>, vector<1x16xf32>,
      %get3A_911 = vector.shape_cast %get3A_910 : vector<1x16xf32> to vector<16xf32>
      %mul3A_912 = arith.mulf %get3A_911, %broadcast_in_dim3A_877 : vector<16xf32>
      %swap3A_913 = arith.index_cast %add3A_874 : i32 to index
      %swap3A_914 = arith.constant 48 : index
      %swap3A_915 = tpu.vector_load %arg10[%swap3A_913, %swap3A_914] {strides = array<i32>} : memref<80x128xf32, #tpu.memory_space<vmem>>, vector<1x16xf32>,
      %swap3A_916 = vector.shape_cast %swap3A_915 : vector<1x16xf32> to vector<16xf32>
      %swap3A_917 = vector.shape_cast %mul3A_912 : vector<16xf32> to vector<1x16xf32>
      tpu.vector_store %arg10[%swap3A_913, %swap3A_914], %swap3A_917 {strides = array<i32>} : memref<80x128xf32, #tpu.memory_space<vmem>>, vector<1x16xf32>,
      %get3A_918 = arith.index_cast %add3A_874 : i32 to index
      %get3A_919 = arith.constant 64 : index
      %get3A_920 = tpu.vector_load %arg10[%get3A_918, %get3A_919] {strides = array<i32>} : memref<80x128xf32, #tpu.memory_space<vmem>>, vector<1x16xf32>,
      %get3A_921 = vector.shape_cast %get3A_920 : vector<1x16xf32> to vector<16xf32>
      %mul3A_922 = arith.mulf %get3A_921, %broadcast_in_dim3A_877 : vector<16xf32>
      %swap3A_923 = arith.index_cast %add3A_874 : i32 to index
      %swap3A_924 = arith.constant 64 : index
      %swap3A_925 = tpu.vector_load %arg10[%swap3A_923, %swap3A_924] {strides = array<i32>} : memref<80x128xf32, #tpu.memory_space<vmem>>, vector<1x16xf32>,
      %swap3A_926 = vector.shape_cast %swap3A_925 : vector<1x16xf32> to vector<16xf32>
      %swap3A_927 = vector.shape_cast %mul3A_922 : vector<16xf32> to vector<1x16xf32>
      tpu.vector_store %arg10[%swap3A_923, %swap3A_924], %swap3A_927 {strides = array<i32>} : memref<80x128xf32, #tpu.memory_space<vmem>>, vector<1x16xf32>,
      %get3A_928 = arith.index_cast %add3A_874 : i32 to index
      %get3A_929 = arith.constant 80 : index
      %get3A_930 = tpu.vector_load %arg10[%get3A_928, %get3A_929] {strides = array<i32>} : memref<80x128xf32, #tpu.memory_space<vmem>>, vector<1x16xf32>,
      %get3A_931 = vector.shape_cast %get3A_930 : vector<1x16xf32> to vector<16xf32>
      %mul3A_932 = arith.mulf %get3A_931, %broadcast_in_dim3A_877 : vector<16xf32>
      %swap3A_933 = arith.index_cast %add3A_874 : i32 to index
      %swap3A_934 = arith.constant 80 : index
      %swap3A_935 = tpu.vector_load %arg10[%swap3A_933, %swap3A_934] {strides = array<i32>} : memref<80x128xf32, #tpu.memory_space<vmem>>, vector<1x16xf32>,
      %swap3A_936 = vector.shape_cast %swap3A_935 : vector<1x16xf32> to vector<16xf32>
      %swap3A_937 = vector.shape_cast %mul3A_932 : vector<16xf32> to vector<1x16xf32>
      tpu.vector_store %arg10[%swap3A_933, %swap3A_934], %swap3A_937 {strides = array<i32>} : memref<80x128xf32, #tpu.memory_space<vmem>>, vector<1x16xf32>,
      %get3A_938 = arith.index_cast %add3A_874 : i32 to index
      %get3A_939 = arith.constant 96 : index
      %get3A_940 = tpu.vector_load %arg10[%get3A_938, %get3A_939] {strides = array<i32>} : memref<80x128xf32, #tpu.memory_space<vmem>>, vector<1x16xf32>,
      %get3A_941 = vector.shape_cast %get3A_940 : vector<1x16xf32> to vector<16xf32>
      %mul3A_942 = arith.mulf %get3A_941, %broadcast_in_dim3A_877 : vector<16xf32>
      %swap3A_943 = arith.index_cast %add3A_874 : i32 to index
      %swap3A_944 = arith.constant 96 : index
      %swap3A_945 = tpu.vector_load %arg10[%swap3A_943, %swap3A_944] {strides = array<i32>} : memref<80x128xf32, #tpu.memory_space<vmem>>, vector<1x16xf32>,
      %swap3A_946 = vector.shape_cast %swap3A_945 : vector<1x16xf32> to vector<16xf32>
      %swap3A_947 = vector.shape_cast %mul3A_942 : vector<16xf32> to vector<1x16xf32>
      tpu.vector_store %arg10[%swap3A_943, %swap3A_944], %swap3A_947 {strides = array<i32>} : memref<80x128xf32, #tpu.memory_space<vmem>>, vector<1x16xf32>,
      %get3A_948 = arith.index_cast %add3A_874 : i32 to index
      %get3A_949 = arith.constant 112 : index
      %get3A_950 = tpu.vector_load %arg10[%get3A_948, %get3A_949] {strides = array<i32>} : memref<80x128xf32, #tpu.memory_space<vmem>>, vector<1x16xf32>,
      %get3A_951 = vector.shape_cast %get3A_950 : vector<1x16xf32> to vector<16xf32>
      %mul3A_952 = arith.mulf %get3A_951, %broadcast_in_dim3A_877 : vector<16xf32>
      %swap3A_953 = arith.index_cast %add3A_874 : i32 to index
      %swap3A_954 = arith.constant 112 : index
      %swap3A_955 = tpu.vector_load %arg10[%swap3A_953, %swap3A_954] {strides = array<i32>} : memref<80x128xf32, #tpu.memory_space<vmem>>, vector<1x16xf32>,
      %swap3A_956 = vector.shape_cast %swap3A_955 : vector<1x16xf32> to vector<16xf32>
      %swap3A_957 = vector.shape_cast %mul3A_952 : vector<16xf32> to vector<1x16xf32>
      tpu.vector_store %arg10[%swap3A_953, %swap3A_954], %swap3A_957 {strides = array<i32>} : memref<80x128xf32, #tpu.memory_space<vmem>>, vector<1x16xf32>,
      %mul3A_958 = arith.constant 16 : i32
      %mul3A_959 = arith.muli %scan3A_85, %mul3A_958 : i32
      %add3A_960 = arith.constant 10 : i32
      %add3A_961 = arith.addi %mul3A_959, %add3A_960 : i32
      %slice3A_962 = vector.extract_strided_slice %get3A_91 {offsets = [10], sizes = [1], strides = [1]} : vector<16xf32> to vector<1xf32>
      %squeeze3A_963 = vector.extract %slice3A_962[0] : f32 from vector<1xf32>
      %broadcast_in_dim3A_964 = vector.broadcast %squeeze3A_963 : f32 to vector<16xf32>
      %get3A_965 = arith.index_cast %add3A_961 : i32 to index
      %get3A_966 = arith.constant 0 : index
      %get3A_967 = tpu.vector_load %arg10[%get3A_965, %get3A_966] {strides = array<i32>} : memref<80x128xf32, #tpu.memory_space<vmem>>, vector<1x16xf32>,
      %get3A_968 = vector.shape_cast %get3A_967 : vector<1x16xf32> to vector<16xf32>
      %mul3A_969 = arith.mulf %get3A_968, %broadcast_in_dim3A_964 : vector<16xf32>
      %swap3A_970 = arith.index_cast %add3A_961 : i32 to index
      %swap3A_971 = arith.constant 0 : index
      %swap3A_972 = tpu.vector_load %arg10[%swap3A_970, %swap3A_971] {strides = array<i32>} : memref<80x128xf32, #tpu.memory_space<vmem>>, vector<1x16xf32>,
      %swap3A_973 = vector.shape_cast %swap3A_972 : vector<1x16xf32> to vector<16xf32>
      %swap3A_974 = vector.shape_cast %mul3A_969 : vector<16xf32> to vector<1x16xf32>
      tpu.vector_store %arg10[%swap3A_970, %swap3A_971], %swap3A_974 {strides = array<i32>} : memref<80x128xf32, #tpu.memory_space<vmem>>, vector<1x16xf32>,
      %get3A_975 = arith.index_cast %add3A_961 : i32 to index
      %get3A_976 = arith.constant 16 : index
      %get3A_977 = tpu.vector_load %arg10[%get3A_975, %get3A_976] {strides = array<i32>} : memref<80x128xf32, #tpu.memory_space<vmem>>, vector<1x16xf32>,
      %get3A_978 = vector.shape_cast %get3A_977 : vector<1x16xf32> to vector<16xf32>
      %mul3A_979 = arith.mulf %get3A_978, %broadcast_in_dim3A_964 : vector<16xf32>
      %swap3A_980 = arith.index_cast %add3A_961 : i32 to index
      %swap3A_981 = arith.constant 16 : index
      %swap3A_982 = tpu.vector_load %arg10[%swap3A_980, %swap3A_981] {strides = array<i32>} : memref<80x128xf32, #tpu.memory_space<vmem>>, vector<1x16xf32>,
      %swap3A_983 = vector.shape_cast %swap3A_982 : vector<1x16xf32> to vector<16xf32>
      %swap3A_984 = vector.shape_cast %mul3A_979 : vector<16xf32> to vector<1x16xf32>
      tpu.vector_store %arg10[%swap3A_980, %swap3A_981], %swap3A_984 {strides = array<i32>} : memref<80x128xf32, #tpu.memory_space<vmem>>, vector<1x16xf32>,
      %get3A_985 = arith.index_cast %add3A_961 : i32 to index
      %get3A_986 = arith.constant 32 : index
      %get3A_987 = tpu.vector_load %arg10[%get3A_985, %get3A_986] {strides = array<i32>} : memref<80x128xf32, #tpu.memory_space<vmem>>, vector<1x16xf32>,
      %get3A_988 = vector.shape_cast %get3A_987 : vector<1x16xf32> to vector<16xf32>
      %mul3A_989 = arith.mulf %get3A_988, %broadcast_in_dim3A_964 : vector<16xf32>
      %swap3A_990 = arith.index_cast %add3A_961 : i32 to index
      %swap3A_991 = arith.constant 32 : index
      %swap3A_992 = tpu.vector_load %arg10[%swap3A_990, %swap3A_991] {strides = array<i32>} : memref<80x128xf32, #tpu.memory_space<vmem>>, vector<1x16xf32>,
      %swap3A_993 = vector.shape_cast %swap3A_992 : vector<1x16xf32> to vector<16xf32>
      %swap3A_994 = vector.shape_cast %mul3A_989 : vector<16xf32> to vector<1x16xf32>
      tpu.vector_store %arg10[%swap3A_990, %swap3A_991], %swap3A_994 {strides = array<i32>} : memref<80x128xf32, #tpu.memory_space<vmem>>, vector<1x16xf32>,
      %get3A_995 = arith.index_cast %add3A_961 : i32 to index
      %get3A_996 = arith.constant 48 : index
      %get3A_997 = tpu.vector_load %arg10[%get3A_995, %get3A_996] {strides = array<i32>} : memref<80x128xf32, #tpu.memory_space<vmem>>, vector<1x16xf32>,
      %get3A_998 = vector.shape_cast %get3A_997 : vector<1x16xf32> to vector<16xf32>
      %mul3A_999 = arith.mulf %get3A_998, %broadcast_in_dim3A_964 : vector<16xf32>
      %swap3A_1000 = arith.index_cast %add3A_961 : i32 to index
      %swap3A_1001 = arith.constant 48 : index
      %swap3A_1002 = tpu.vector_load %arg10[%swap3A_1000, %swap3A_1001] {strides = array<i32>} : memref<80x128xf32, #tpu.memory_space<vmem>>, vector<1x16xf32>,
      %swap3A_1003 = vector.shape_cast %swap3A_1002 : vector<1x16xf32> to vector<16xf32>
      %swap3A_1004 = vector.shape_cast %mul3A_999 : vector<16xf32> to vector<1x16xf32>
      tpu.vector_store %arg10[%swap3A_1000, %swap3A_1001], %swap3A_1004 {strides = array<i32>} : memref<80x128xf32, #tpu.memory_space<vmem>>, vector<1x16xf32>,
      %get3A_1005 = arith.index_cast %add3A_961 : i32 to index
      %get3A_1006 = arith.constant 64 : index
      %get3A_1007 = tpu.vector_load %arg10[%get3A_1005, %get3A_1006] {strides = array<i32>} : memref<80x128xf32, #tpu.memory_space<vmem>>, vector<1x16xf32>,
      %get3A_1008 = vector.shape_cast %get3A_1007 : vector<1x16xf32> to vector<16xf32>
      %mul3A_1009 = arith.mulf %get3A_1008, %broadcast_in_dim3A_964 : vector<16xf32>
      %swap3A_1010 = arith.index_cast %add3A_961 : i32 to index
      %swap3A_1011 = arith.constant 64 : index
      %swap3A_1012 = tpu.vector_load %arg10[%swap3A_1010, %swap3A_1011] {strides = array<i32>} : memref<80x128xf32, #tpu.memory_space<vmem>>, vector<1x16xf32>,
      %swap3A_1013 = vector.shape_cast %swap3A_1012 : vector<1x16xf32> to vector<16xf32>
      %swap3A_1014 = vector.shape_cast %mul3A_1009 : vector<16xf32> to vector<1x16xf32>
      tpu.vector_store %arg10[%swap3A_1010, %swap3A_1011], %swap3A_1014 {strides = array<i32>} : memref<80x128xf32, #tpu.memory_space<vmem>>, vector<1x16xf32>,
      %get3A_1015 = arith.index_cast %add3A_961 : i32 to index
      %get3A_1016 = arith.constant 80 : index
      %get3A_1017 = tpu.vector_load %arg10[%get3A_1015, %get3A_1016] {strides = array<i32>} : memref<80x128xf32, #tpu.memory_space<vmem>>, vector<1x16xf32>,
      %get3A_1018 = vector.shape_cast %get3A_1017 : vector<1x16xf32> to vector<16xf32>
      %mul3A_1019 = arith.mulf %get3A_1018, %broadcast_in_dim3A_964 : vector<16xf32>
      %swap3A_1020 = arith.index_cast %add3A_961 : i32 to index
      %swap3A_1021 = arith.constant 80 : index
      %swap3A_1022 = tpu.vector_load %arg10[%swap3A_1020, %swap3A_1021] {strides = array<i32>} : memref<80x128xf32, #tpu.memory_space<vmem>>, vector<1x16xf32>,
      %swap3A_1023 = vector.shape_cast %swap3A_1022 : vector<1x16xf32> to vector<16xf32>
      %swap3A_1024 = vector.shape_cast %mul3A_1019 : vector<16xf32> to vector<1x16xf32>
      tpu.vector_store %arg10[%swap3A_1020, %swap3A_1021], %swap3A_1024 {strides = array<i32>} : memref<80x128xf32, #tpu.memory_space<vmem>>, vector<1x16xf32>,
      %get3A_1025 = arith.index_cast %add3A_961 : i32 to index
      %get3A_1026 = arith.constant 96 : index
      %get3A_1027 = tpu.vector_load %arg10[%get3A_1025, %get3A_1026] {strides = array<i32>} : memref<80x128xf32, #tpu.memory_space<vmem>>, vector<1x16xf32>,
      %get3A_1028 = vector.shape_cast %get3A_1027 : vector<1x16xf32> to vector<16xf32>
      %mul3A_1029 = arith.mulf %get3A_1028, %broadcast_in_dim3A_964 : vector<16xf32>
      %swap3A_1030 = arith.index_cast %add3A_961 : i32 to index
      %swap3A_1031 = arith.constant 96 : index
      %swap3A_1032 = tpu.vector_load %arg10[%swap3A_1030, %swap3A_1031] {strides = array<i32>} : memref<80x128xf32, #tpu.memory_space<vmem>>, vector<1x16xf32>,
      %swap3A_1033 = vector.shape_cast %swap3A_1032 : vector<1x16xf32> to vector<16xf32>
      %swap3A_1034 = vector.shape_cast %mul3A_1029 : vector<16xf32> to vector<1x16xf32>
      tpu.vector_store %arg10[%swap3A_1030, %swap3A_1031], %swap3A_1034 {strides = array<i32>} : memref<80x128xf32, #tpu.memory_space<vmem>>, vector<1x16xf32>,
      %get3A_1035 = arith.index_cast %add3A_961 : i32 to index
      %get3A_1036 = arith.constant 112 : index
      %get3A_1037 = tpu.vector_load %arg10[%get3A_1035, %get3A_1036] {strides = array<i32>} : memref<80x128xf32, #tpu.memory_space<vmem>>, vector<1x16xf32>,
      %get3A_1038 = vector.shape_cast %get3A_1037 : vector<1x16xf32> to vector<16xf32>
      %mul3A_1039 = arith.mulf %get3A_1038, %broadcast_in_dim3A_964 : vector<16xf32>
      %swap3A_1040 = arith.index_cast %add3A_961 : i32 to index
      %swap3A_1041 = arith.constant 112 : index
      %swap3A_1042 = tpu.vector_load %arg10[%swap3A_1040, %swap3A_1041] {strides = array<i32>} : memref<80x128xf32, #tpu.memory_space<vmem>>, vector<1x16xf32>,
      %swap3A_1043 = vector.shape_cast %swap3A_1042 : vector<1x16xf32> to vector<16xf32>
      %swap3A_1044 = vector.shape_cast %mul3A_1039 : vector<16xf32> to vector<1x16xf32>
      tpu.vector_store %arg10[%swap3A_1040, %swap3A_1041], %swap3A_1044 {strides = array<i32>} : memref<80x128xf32, #tpu.memory_space<vmem>>, vector<1x16xf32>,
      %mul3A_1045 = arith.constant 16 : i32
      %mul3A_1046 = arith.muli %scan3A_85, %mul3A_1045 : i32
      %add3A_1047 = arith.constant 11 : i32
      %add3A_1048 = arith.addi %mul3A_1046, %add3A_1047 : i32
      %slice3A_1049 = vector.extract_strided_slice %get3A_91 {offsets = [11], sizes = [1], strides = [1]} : vector<16xf32> to vector<1xf32>
      %squeeze3A_1050 = vector.extract %slice3A_1049[0] : f32 from vector<1xf32>
      %broadcast_in_dim3A_1051 = vector.broadcast %squeeze3A_1050 : f32 to vector<16xf32>
      %get3A_1052 = arith.index_cast %add3A_1048 : i32 to index
      %get3A_1053 = arith.constant 0 : index
      %get3A_1054 = tpu.vector_load %arg10[%get3A_1052, %get3A_1053] {strides = array<i32>} : memref<80x128xf32, #tpu.memory_space<vmem>>, vector<1x16xf32>,
      %get3A_1055 = vector.shape_cast %get3A_1054 : vector<1x16xf32> to vector<16xf32>
      %mul3A_1056 = arith.mulf %get3A_1055, %broadcast_in_dim3A_1051 : vector<16xf32>
      %swap3A_1057 = arith.index_cast %add3A_1048 : i32 to index
      %swap3A_1058 = arith.constant 0 : index
      %swap3A_1059 = tpu.vector_load %arg10[%swap3A_1057, %swap3A_1058] {strides = array<i32>} : memref<80x128xf32, #tpu.memory_space<vmem>>, vector<1x16xf32>,
      %swap3A_1060 = vector.shape_cast %swap3A_1059 : vector<1x16xf32> to vector<16xf32>
      %swap3A_1061 = vector.shape_cast %mul3A_1056 : vector<16xf32> to vector<1x16xf32>
      tpu.vector_store %arg10[%swap3A_1057, %swap3A_1058], %swap3A_1061 {strides = array<i32>} : memref<80x128xf32, #tpu.memory_space<vmem>>, vector<1x16xf32>,
      %get3A_1062 = arith.index_cast %add3A_1048 : i32 to index
      %get3A_1063 = arith.constant 16 : index
      %get3A_1064 = tpu.vector_load %arg10[%get3A_1062, %get3A_1063] {strides = array<i32>} : memref<80x128xf32, #tpu.memory_space<vmem>>, vector<1x16xf32>,
      %get3A_1065 = vector.shape_cast %get3A_1064 : vector<1x16xf32> to vector<16xf32>
      %mul3A_1066 = arith.mulf %get3A_1065, %broadcast_in_dim3A_1051 : vector<16xf32>
      %swap3A_1067 = arith.index_cast %add3A_1048 : i32 to index
      %swap3A_1068 = arith.constant 16 : index
      %swap3A_1069 = tpu.vector_load %arg10[%swap3A_1067, %swap3A_1068] {strides = array<i32>} : memref<80x128xf32, #tpu.memory_space<vmem>>, vector<1x16xf32>,
      %swap3A_1070 = vector.shape_cast %swap3A_1069 : vector<1x16xf32> to vector<16xf32>
      %swap3A_1071 = vector.shape_cast %mul3A_1066 : vector<16xf32> to vector<1x16xf32>
      tpu.vector_store %arg10[%swap3A_1067, %swap3A_1068], %swap3A_1071 {strides = array<i32>} : memref<80x128xf32, #tpu.memory_space<vmem>>, vector<1x16xf32>,
      %get3A_1072 = arith.index_cast %add3A_1048 : i32 to index
      %get3A_1073 = arith.constant 32 : index
      %get3A_1074 = tpu.vector_load %arg10[%get3A_1072, %get3A_1073] {strides = array<i32>} : memref<80x128xf32, #tpu.memory_space<vmem>>, vector<1x16xf32>,
      %get3A_1075 = vector.shape_cast %get3A_1074 : vector<1x16xf32> to vector<16xf32>
      %mul3A_1076 = arith.mulf %get3A_1075, %broadcast_in_dim3A_1051 : vector<16xf32>
      %swap3A_1077 = arith.index_cast %add3A_1048 : i32 to index
      %swap3A_1078 = arith.constant 32 : index
      %swap3A_1079 = tpu.vector_load %arg10[%swap3A_1077, %swap3A_1078] {strides = array<i32>} : memref<80x128xf32, #tpu.memory_space<vmem>>, vector<1x16xf32>,
      %swap3A_1080 = vector.shape_cast %swap3A_1079 : vector<1x16xf32> to vector<16xf32>
      %swap3A_1081 = vector.shape_cast %mul3A_1076 : vector<16xf32> to vector<1x16xf32>
      tpu.vector_store %arg10[%swap3A_1077, %swap3A_1078], %swap3A_1081 {strides = array<i32>} : memref<80x128xf32, #tpu.memory_space<vmem>>, vector<1x16xf32>,
      %get3A_1082 = arith.index_cast %add3A_1048 : i32 to index
      %get3A_1083 = arith.constant 48 : index
      %get3A_1084 = tpu.vector_load %arg10[%get3A_1082, %get3A_1083] {strides = array<i32>} : memref<80x128xf32, #tpu.memory_space<vmem>>, vector<1x16xf32>,
      %get3A_1085 = vector.shape_cast %get3A_1084 : vector<1x16xf32> to vector<16xf32>
      %mul3A_1086 = arith.mulf %get3A_1085, %broadcast_in_dim3A_1051 : vector<16xf32>
      %swap3A_1087 = arith.index_cast %add3A_1048 : i32 to index
      %swap3A_1088 = arith.constant 48 : index
      %swap3A_1089 = tpu.vector_load %arg10[%swap3A_1087, %swap3A_1088] {strides = array<i32>} : memref<80x128xf32, #tpu.memory_space<vmem>>, vector<1x16xf32>,
      %swap3A_1090 = vector.shape_cast %swap3A_1089 : vector<1x16xf32> to vector<16xf32>
      %swap3A_1091 = vector.shape_cast %mul3A_1086 : vector<16xf32> to vector<1x16xf32>
      tpu.vector_store %arg10[%swap3A_1087, %swap3A_1088], %swap3A_1091 {strides = array<i32>} : memref<80x128xf32, #tpu.memory_space<vmem>>, vector<1x16xf32>,
      %get3A_1092 = arith.index_cast %add3A_1048 : i32 to index
      %get3A_1093 = arith.constant 64 : index
      %get3A_1094 = tpu.vector_load %arg10[%get3A_1092, %get3A_1093] {strides = array<i32>} : memref<80x128xf32, #tpu.memory_space<vmem>>, vector<1x16xf32>,
      %get3A_1095 = vector.shape_cast %get3A_1094 : vector<1x16xf32> to vector<16xf32>
      %mul3A_1096 = arith.mulf %get3A_1095, %broadcast_in_dim3A_1051 : vector<16xf32>
      %swap3A_1097 = arith.index_cast %add3A_1048 : i32 to index
      %swap3A_1098 = arith.constant 64 : index
      %swap3A_1099 = tpu.vector_load %arg10[%swap3A_1097, %swap3A_1098] {strides = array<i32>} : memref<80x128xf32, #tpu.memory_space<vmem>>, vector<1x16xf32>,
      %swap3A_1100 = vector.shape_cast %swap3A_1099 : vector<1x16xf32> to vector<16xf32>
      %swap3A_1101 = vector.shape_cast %mul3A_1096 : vector<16xf32> to vector<1x16xf32>
      tpu.vector_store %arg10[%swap3A_1097, %swap3A_1098], %swap3A_1101 {strides = array<i32>} : memref<80x128xf32, #tpu.memory_space<vmem>>, vector<1x16xf32>,
      %get3A_1102 = arith.index_cast %add3A_1048 : i32 to index
      %get3A_1103 = arith.constant 80 : index
      %get3A_1104 = tpu.vector_load %arg10[%get3A_1102, %get3A_1103] {strides = array<i32>} : memref<80x128xf32, #tpu.memory_space<vmem>>, vector<1x16xf32>,
      %get3A_1105 = vector.shape_cast %get3A_1104 : vector<1x16xf32> to vector<16xf32>
      %mul3A_1106 = arith.mulf %get3A_1105, %broadcast_in_dim3A_1051 : vector<16xf32>
      %swap3A_1107 = arith.index_cast %add3A_1048 : i32 to index
      %swap3A_1108 = arith.constant 80 : index
      %swap3A_1109 = tpu.vector_load %arg10[%swap3A_1107, %swap3A_1108] {strides = array<i32>} : memref<80x128xf32, #tpu.memory_space<vmem>>, vector<1x16xf32>,
      %swap3A_1110 = vector.shape_cast %swap3A_1109 : vector<1x16xf32> to vector<16xf32>
      %swap3A_1111 = vector.shape_cast %mul3A_1106 : vector<16xf32> to vector<1x16xf32>
      tpu.vector_store %arg10[%swap3A_1107, %swap3A_1108], %swap3A_1111 {strides = array<i32>} : memref<80x128xf32, #tpu.memory_space<vmem>>, vector<1x16xf32>,
      %get3A_1112 = arith.index_cast %add3A_1048 : i32 to index
      %get3A_1113 = arith.constant 96 : index
      %get3A_1114 = tpu.vector_load %arg10[%get3A_1112, %get3A_1113] {strides = array<i32>} : memref<80x128xf32, #tpu.memory_space<vmem>>, vector<1x16xf32>,
      %get3A_1115 = vector.shape_cast %get3A_1114 : vector<1x16xf32> to vector<16xf32>
      %mul3A_1116 = arith.mulf %get3A_1115, %broadcast_in_dim3A_1051 : vector<16xf32>
      %swap3A_1117 = arith.index_cast %add3A_1048 : i32 to index
      %swap3A_1118 = arith.constant 96 : index
      %swap3A_1119 = tpu.vector_load %arg10[%swap3A_1117, %swap3A_1118] {strides = array<i32>} : memref<80x128xf32, #tpu.memory_space<vmem>>, vector<1x16xf32>,
      %swap3A_1120 = vector.shape_cast %swap3A_1119 : vector<1x16xf32> to vector<16xf32>
      %swap3A_1121 = vector.shape_cast %mul3A_1116 : vector<16xf32> to vector<1x16xf32>
      tpu.vector_store %arg10[%swap3A_1117, %swap3A_1118], %swap3A_1121 {strides = array<i32>} : memref<80x128xf32, #tpu.memory_space<vmem>>, vector<1x16xf32>,
      %get3A_1122 = arith.index_cast %add3A_1048 : i32 to index
      %get3A_1123 = arith.constant 112 : index
      %get3A_1124 = tpu.vector_load %arg10[%get3A_1122, %get3A_1123] {strides = array<i32>} : memref<80x128xf32, #tpu.memory_space<vmem>>, vector<1x16xf32>,
      %get3A_1125 = vector.shape_cast %get3A_1124 : vector<1x16xf32> to vector<16xf32>
      %mul3A_1126 = arith.mulf %get3A_1125, %broadcast_in_dim3A_1051 : vector<16xf32>
      %swap3A_1127 = arith.index_cast %add3A_1048 : i32 to index
      %swap3A_1128 = arith.constant 112 : index
      %swap3A_1129 = tpu.vector_load %arg10[%swap3A_1127, %swap3A_1128] {strides = array<i32>} : memref<80x128xf32, #tpu.memory_space<vmem>>, vector<1x16xf32>,
      %swap3A_1130 = vector.shape_cast %swap3A_1129 : vector<1x16xf32> to vector<16xf32>
      %swap3A_1131 = vector.shape_cast %mul3A_1126 : vector<16xf32> to vector<1x16xf32>
      tpu.vector_store %arg10[%swap3A_1127, %swap3A_1128], %swap3A_1131 {strides = array<i32>} : memref<80x128xf32, #tpu.memory_space<vmem>>, vector<1x16xf32>,
      %mul3A_1132 = arith.constant 16 : i32
      %mul3A_1133 = arith.muli %scan3A_85, %mul3A_1132 : i32
      %add3A_1134 = arith.constant 12 : i32
      %add3A_1135 = arith.addi %mul3A_1133, %add3A_1134 : i32
      %slice3A_1136 = vector.extract_strided_slice %get3A_91 {offsets = [12], sizes = [1], strides = [1]} : vector<16xf32> to vector<1xf32>
      %squeeze3A_1137 = vector.extract %slice3A_1136[0] : f32 from vector<1xf32>
      %broadcast_in_dim3A_1138 = vector.broadcast %squeeze3A_1137 : f32 to vector<16xf32>
      %get3A_1139 = arith.index_cast %add3A_1135 : i32 to index
      %get3A_1140 = arith.constant 0 : index
      %get3A_1141 = tpu.vector_load %arg10[%get3A_1139, %get3A_1140] {strides = array<i32>} : memref<80x128xf32, #tpu.memory_space<vmem>>, vector<1x16xf32>,
      %get3A_1142 = vector.shape_cast %get3A_1141 : vector<1x16xf32> to vector<16xf32>
      %mul3A_1143 = arith.mulf %get3A_1142, %broadcast_in_dim3A_1138 : vector<16xf32>
      %swap3A_1144 = arith.index_cast %add3A_1135 : i32 to index
      %swap3A_1145 = arith.constant 0 : index
      %swap3A_1146 = tpu.vector_load %arg10[%swap3A_1144, %swap3A_1145] {strides = array<i32>} : memref<80x128xf32, #tpu.memory_space<vmem>>, vector<1x16xf32>,
      %swap3A_1147 = vector.shape_cast %swap3A_1146 : vector<1x16xf32> to vector<16xf32>
      %swap3A_1148 = vector.shape_cast %mul3A_1143 : vector<16xf32> to vector<1x16xf32>
      tpu.vector_store %arg10[%swap3A_1144, %swap3A_1145], %swap3A_1148 {strides = array<i32>} : memref<80x128xf32, #tpu.memory_space<vmem>>, vector<1x16xf32>,
      %get3A_1149 = arith.index_cast %add3A_1135 : i32 to index
      %get3A_1150 = arith.constant 16 : index
      %get3A_1151 = tpu.vector_load %arg10[%get3A_1149, %get3A_1150] {strides = array<i32>} : memref<80x128xf32, #tpu.memory_space<vmem>>, vector<1x16xf32>,
      %get3A_1152 = vector.shape_cast %get3A_1151 : vector<1x16xf32> to vector<16xf32>
      %mul3A_1153 = arith.mulf %get3A_1152, %broadcast_in_dim3A_1138 : vector<16xf32>
      %swap3A_1154 = arith.index_cast %add3A_1135 : i32 to index
      %swap3A_1155 = arith.constant 16 : index
      %swap3A_1156 = tpu.vector_load %arg10[%swap3A_1154, %swap3A_1155] {strides = array<i32>} : memref<80x128xf32, #tpu.memory_space<vmem>>, vector<1x16xf32>,
      %swap3A_1157 = vector.shape_cast %swap3A_1156 : vector<1x16xf32> to vector<16xf32>
      %swap3A_1158 = vector.shape_cast %mul3A_1153 : vector<16xf32> to vector<1x16xf32>
      tpu.vector_store %arg10[%swap3A_1154, %swap3A_1155], %swap3A_1158 {strides = array<i32>} : memref<80x128xf32, #tpu.memory_space<vmem>>, vector<1x16xf32>,
      %get3A_1159 = arith.index_cast %add3A_1135 : i32 to index
      %get3A_1160 = arith.constant 32 : index
      %get3A_1161 = tpu.vector_load %arg10[%get3A_1159, %get3A_1160] {strides = array<i32>} : memref<80x128xf32, #tpu.memory_space<vmem>>, vector<1x16xf32>,
      %get3A_1162 = vector.shape_cast %get3A_1161 : vector<1x16xf32> to vector<16xf32>
      %mul3A_1163 = arith.mulf %get3A_1162, %broadcast_in_dim3A_1138 : vector<16xf32>
      %swap3A_1164 = arith.index_cast %add3A_1135 : i32 to index
      %swap3A_1165 = arith.constant 32 : index
      %swap3A_1166 = tpu.vector_load %arg10[%swap3A_1164, %swap3A_1165] {strides = array<i32>} : memref<80x128xf32, #tpu.memory_space<vmem>>, vector<1x16xf32>,
      %swap3A_1167 = vector.shape_cast %swap3A_1166 : vector<1x16xf32> to vector<16xf32>
      %swap3A_1168 = vector.shape_cast %mul3A_1163 : vector<16xf32> to vector<1x16xf32>
      tpu.vector_store %arg10[%swap3A_1164, %swap3A_1165], %swap3A_1168 {strides = array<i32>} : memref<80x128xf32, #tpu.memory_space<vmem>>, vector<1x16xf32>,
      %get3A_1169 = arith.index_cast %add3A_1135 : i32 to index
      %get3A_1170 = arith.constant 48 : index
      %get3A_1171 = tpu.vector_load %arg10[%get3A_1169, %get3A_1170] {strides = array<i32>} : memref<80x128xf32, #tpu.memory_space<vmem>>, vector<1x16xf32>,
      %get3A_1172 = vector.shape_cast %get3A_1171 : vector<1x16xf32> to vector<16xf32>
      %mul3A_1173 = arith.mulf %get3A_1172, %broadcast_in_dim3A_1138 : vector<16xf32>
      %swap3A_1174 = arith.index_cast %add3A_1135 : i32 to index
      %swap3A_1175 = arith.constant 48 : index
      %swap3A_1176 = tpu.vector_load %arg10[%swap3A_1174, %swap3A_1175] {strides = array<i32>} : memref<80x128xf32, #tpu.memory_space<vmem>>, vector<1x16xf32>,
      %swap3A_1177 = vector.shape_cast %swap3A_1176 : vector<1x16xf32> to vector<16xf32>
      %swap3A_1178 = vector.shape_cast %mul3A_1173 : vector<16xf32> to vector<1x16xf32>
      tpu.vector_store %arg10[%swap3A_1174, %swap3A_1175], %swap3A_1178 {strides = array<i32>} : memref<80x128xf32, #tpu.memory_space<vmem>>, vector<1x16xf32>,
      %get3A_1179 = arith.index_cast %add3A_1135 : i32 to index
      %get3A_1180 = arith.constant 64 : index
      %get3A_1181 = tpu.vector_load %arg10[%get3A_1179, %get3A_1180] {strides = array<i32>} : memref<80x128xf32, #tpu.memory_space<vmem>>, vector<1x16xf32>,
      %get3A_1182 = vector.shape_cast %get3A_1181 : vector<1x16xf32> to vector<16xf32>
      %mul3A_1183 = arith.mulf %get3A_1182, %broadcast_in_dim3A_1138 : vector<16xf32>
      %swap3A_1184 = arith.index_cast %add3A_1135 : i32 to index
      %swap3A_1185 = arith.constant 64 : index
      %swap3A_1186 = tpu.vector_load %arg10[%swap3A_1184, %swap3A_1185] {strides = array<i32>} : memref<80x128xf32, #tpu.memory_space<vmem>>, vector<1x16xf32>,
      %swap3A_1187 = vector.shape_cast %swap3A_1186 : vector<1x16xf32> to vector<16xf32>
      %swap3A_1188 = vector.shape_cast %mul3A_1183 : vector<16xf32> to vector<1x16xf32>
      tpu.vector_store %arg10[%swap3A_1184, %swap3A_1185], %swap3A_1188 {strides = array<i32>} : memref<80x128xf32, #tpu.memory_space<vmem>>, vector<1x16xf32>,
      %get3A_1189 = arith.index_cast %add3A_1135 : i32 to index
      %get3A_1190 = arith.constant 80 : index
      %get3A_1191 = tpu.vector_load %arg10[%get3A_1189, %get3A_1190] {strides = array<i32>} : memref<80x128xf32, #tpu.memory_space<vmem>>, vector<1x16xf32>,
      %get3A_1192 = vector.shape_cast %get3A_1191 : vector<1x16xf32> to vector<16xf32>
      %mul3A_1193 = arith.mulf %get3A_1192, %broadcast_in_dim3A_1138 : vector<16xf32>
      %swap3A_1194 = arith.index_cast %add3A_1135 : i32 to index
      %swap3A_1195 = arith.constant 80 : index
      %swap3A_1196 = tpu.vector_load %arg10[%swap3A_1194, %swap3A_1195] {strides = array<i32>} : memref<80x128xf32, #tpu.memory_space<vmem>>, vector<1x16xf32>,
      %swap3A_1197 = vector.shape_cast %swap3A_1196 : vector<1x16xf32> to vector<16xf32>
      %swap3A_1198 = vector.shape_cast %mul3A_1193 : vector<16xf32> to vector<1x16xf32>
      tpu.vector_store %arg10[%swap3A_1194, %swap3A_1195], %swap3A_1198 {strides = array<i32>} : memref<80x128xf32, #tpu.memory_space<vmem>>, vector<1x16xf32>,
      %get3A_1199 = arith.index_cast %add3A_1135 : i32 to index
      %get3A_1200 = arith.constant 96 : index
      %get3A_1201 = tpu.vector_load %arg10[%get3A_1199, %get3A_1200] {strides = array<i32>} : memref<80x128xf32, #tpu.memory_space<vmem>>, vector<1x16xf32>,
      %get3A_1202 = vector.shape_cast %get3A_1201 : vector<1x16xf32> to vector<16xf32>
      %mul3A_1203 = arith.mulf %get3A_1202, %broadcast_in_dim3A_1138 : vector<16xf32>
      %swap3A_1204 = arith.index_cast %add3A_1135 : i32 to index
      %swap3A_1205 = arith.constant 96 : index
      %swap3A_1206 = tpu.vector_load %arg10[%swap3A_1204, %swap3A_1205] {strides = array<i32>} : memref<80x128xf32, #tpu.memory_space<vmem>>, vector<1x16xf32>,
      %swap3A_1207 = vector.shape_cast %swap3A_1206 : vector<1x16xf32> to vector<16xf32>
      %swap3A_1208 = vector.shape_cast %mul3A_1203 : vector<16xf32> to vector<1x16xf32>
      tpu.vector_store %arg10[%swap3A_1204, %swap3A_1205], %swap3A_1208 {strides = array<i32>} : memref<80x128xf32, #tpu.memory_space<vmem>>, vector<1x16xf32>,
      %get3A_1209 = arith.index_cast %add3A_1135 : i32 to index
      %get3A_1210 = arith.constant 112 : index
      %get3A_1211 = tpu.vector_load %arg10[%get3A_1209, %get3A_1210] {strides = array<i32>} : memref<80x128xf32, #tpu.memory_space<vmem>>, vector<1x16xf32>,
      %get3A_1212 = vector.shape_cast %get3A_1211 : vector<1x16xf32> to vector<16xf32>
      %mul3A_1213 = arith.mulf %get3A_1212, %broadcast_in_dim3A_1138 : vector<16xf32>
      %swap3A_1214 = arith.index_cast %add3A_1135 : i32 to index
      %swap3A_1215 = arith.constant 112 : index
      %swap3A_1216 = tpu.vector_load %arg10[%swap3A_1214, %swap3A_1215] {strides = array<i32>} : memref<80x128xf32, #tpu.memory_space<vmem>>, vector<1x16xf32>,
      %swap3A_1217 = vector.shape_cast %swap3A_1216 : vector<1x16xf32> to vector<16xf32>
      %swap3A_1218 = vector.shape_cast %mul3A_1213 : vector<16xf32> to vector<1x16xf32>
      tpu.vector_store %arg10[%swap3A_1214, %swap3A_1215], %swap3A_1218 {strides = array<i32>} : memref<80x128xf32, #tpu.memory_space<vmem>>, vector<1x16xf32>,
      %mul3A_1219 = arith.constant 16 : i32
      %mul3A_1220 = arith.muli %scan3A_85, %mul3A_1219 : i32
      %add3A_1221 = arith.constant 13 : i32
      %add3A_1222 = arith.addi %mul3A_1220, %add3A_1221 : i32
      %slice3A_1223 = vector.extract_strided_slice %get3A_91 {offsets = [13], sizes = [1], strides = [1]} : vector<16xf32> to vector<1xf32>
      %squeeze3A_1224 = vector.extract %slice3A_1223[0] : f32 from vector<1xf32>
      %broadcast_in_dim3A_1225 = vector.broadcast %squeeze3A_1224 : f32 to vector<16xf32>
      %get3A_1226 = arith.index_cast %add3A_1222 : i32 to index
      %get3A_1227 = arith.constant 0 : index
      %get3A_1228 = tpu.vector_load %arg10[%get3A_1226, %get3A_1227] {strides = array<i32>} : memref<80x128xf32, #tpu.memory_space<vmem>>, vector<1x16xf32>,
      %get3A_1229 = vector.shape_cast %get3A_1228 : vector<1x16xf32> to vector<16xf32>
      %mul3A_1230 = arith.mulf %get3A_1229, %broadcast_in_dim3A_1225 : vector<16xf32>
      %swap3A_1231 = arith.index_cast %add3A_1222 : i32 to index
      %swap3A_1232 = arith.constant 0 : index
      %swap3A_1233 = tpu.vector_load %arg10[%swap3A_1231, %swap3A_1232] {strides = array<i32>} : memref<80x128xf32, #tpu.memory_space<vmem>>, vector<1x16xf32>,
      %swap3A_1234 = vector.shape_cast %swap3A_1233 : vector<1x16xf32> to vector<16xf32>
      %swap3A_1235 = vector.shape_cast %mul3A_1230 : vector<16xf32> to vector<1x16xf32>
      tpu.vector_store %arg10[%swap3A_1231, %swap3A_1232], %swap3A_1235 {strides = array<i32>} : memref<80x128xf32, #tpu.memory_space<vmem>>, vector<1x16xf32>,
      %get3A_1236 = arith.index_cast %add3A_1222 : i32 to index
      %get3A_1237 = arith.constant 16 : index
      %get3A_1238 = tpu.vector_load %arg10[%get3A_1236, %get3A_1237] {strides = array<i32>} : memref<80x128xf32, #tpu.memory_space<vmem>>, vector<1x16xf32>,
      %get3A_1239 = vector.shape_cast %get3A_1238 : vector<1x16xf32> to vector<16xf32>
      %mul3A_1240 = arith.mulf %get3A_1239, %broadcast_in_dim3A_1225 : vector<16xf32>
      %swap3A_1241 = arith.index_cast %add3A_1222 : i32 to index
      %swap3A_1242 = arith.constant 16 : index
      %swap3A_1243 = tpu.vector_load %arg10[%swap3A_1241, %swap3A_1242] {strides = array<i32>} : memref<80x128xf32, #tpu.memory_space<vmem>>, vector<1x16xf32>,
      %swap3A_1244 = vector.shape_cast %swap3A_1243 : vector<1x16xf32> to vector<16xf32>
      %swap3A_1245 = vector.shape_cast %mul3A_1240 : vector<16xf32> to vector<1x16xf32>
      tpu.vector_store %arg10[%swap3A_1241, %swap3A_1242], %swap3A_1245 {strides = array<i32>} : memref<80x128xf32, #tpu.memory_space<vmem>>, vector<1x16xf32>,
      %get3A_1246 = arith.index_cast %add3A_1222 : i32 to index
      %get3A_1247 = arith.constant 32 : index
      %get3A_1248 = tpu.vector_load %arg10[%get3A_1246, %get3A_1247] {strides = array<i32>} : memref<80x128xf32, #tpu.memory_space<vmem>>, vector<1x16xf32>,
      %get3A_1249 = vector.shape_cast %get3A_1248 : vector<1x16xf32> to vector<16xf32>
      %mul3A_1250 = arith.mulf %get3A_1249, %broadcast_in_dim3A_1225 : vector<16xf32>
      %swap3A_1251 = arith.index_cast %add3A_1222 : i32 to index
      %swap3A_1252 = arith.constant 32 : index
      %swap3A_1253 = tpu.vector_load %arg10[%swap3A_1251, %swap3A_1252] {strides = array<i32>} : memref<80x128xf32, #tpu.memory_space<vmem>>, vector<1x16xf32>,
      %swap3A_1254 = vector.shape_cast %swap3A_1253 : vector<1x16xf32> to vector<16xf32>
      %swap3A_1255 = vector.shape_cast %mul3A_1250 : vector<16xf32> to vector<1x16xf32>
      tpu.vector_store %arg10[%swap3A_1251, %swap3A_1252], %swap3A_1255 {strides = array<i32>} : memref<80x128xf32, #tpu.memory_space<vmem>>, vector<1x16xf32>,
      %get3A_1256 = arith.index_cast %add3A_1222 : i32 to index
      %get3A_1257 = arith.constant 48 : index
      %get3A_1258 = tpu.vector_load %arg10[%get3A_1256, %get3A_1257] {strides = array<i32>} : memref<80x128xf32, #tpu.memory_space<vmem>>, vector<1x16xf32>,
      %get3A_1259 = vector.shape_cast %get3A_1258 : vector<1x16xf32> to vector<16xf32>
      %mul3A_1260 = arith.mulf %get3A_1259, %broadcast_in_dim3A_1225 : vector<16xf32>
      %swap3A_1261 = arith.index_cast %add3A_1222 : i32 to index
      %swap3A_1262 = arith.constant 48 : index
      %swap3A_1263 = tpu.vector_load %arg10[%swap3A_1261, %swap3A_1262] {strides = array<i32>} : memref<80x128xf32, #tpu.memory_space<vmem>>, vector<1x16xf32>,
      %swap3A_1264 = vector.shape_cast %swap3A_1263 : vector<1x16xf32> to vector<16xf32>
      %swap3A_1265 = vector.shape_cast %mul3A_1260 : vector<16xf32> to vector<1x16xf32>
      tpu.vector_store %arg10[%swap3A_1261, %swap3A_1262], %swap3A_1265 {strides = array<i32>} : memref<80x128xf32, #tpu.memory_space<vmem>>, vector<1x16xf32>,
      %get3A_1266 = arith.index_cast %add3A_1222 : i32 to index
      %get3A_1267 = arith.constant 64 : index
      %get3A_1268 = tpu.vector_load %arg10[%get3A_1266, %get3A_1267] {strides = array<i32>} : memref<80x128xf32, #tpu.memory_space<vmem>>, vector<1x16xf32>,
      %get3A_1269 = vector.shape_cast %get3A_1268 : vector<1x16xf32> to vector<16xf32>
      %mul3A_1270 = arith.mulf %get3A_1269, %broadcast_in_dim3A_1225 : vector<16xf32>
      %swap3A_1271 = arith.index_cast %add3A_1222 : i32 to index
      %swap3A_1272 = arith.constant 64 : index
      %swap3A_1273 = tpu.vector_load %arg10[%swap3A_1271, %swap3A_1272] {strides = array<i32>} : memref<80x128xf32, #tpu.memory_space<vmem>>, vector<1x16xf32>,
      %swap3A_1274 = vector.shape_cast %swap3A_1273 : vector<1x16xf32> to vector<16xf32>
      %swap3A_1275 = vector.shape_cast %mul3A_1270 : vector<16xf32> to vector<1x16xf32>
      tpu.vector_store %arg10[%swap3A_1271, %swap3A_1272], %swap3A_1275 {strides = array<i32>} : memref<80x128xf32, #tpu.memory_space<vmem>>, vector<1x16xf32>,
      %get3A_1276 = arith.index_cast %add3A_1222 : i32 to index
      %get3A_1277 = arith.constant 80 : index
      %get3A_1278 = tpu.vector_load %arg10[%get3A_1276, %get3A_1277] {strides = array<i32>} : memref<80x128xf32, #tpu.memory_space<vmem>>, vector<1x16xf32>,
      %get3A_1279 = vector.shape_cast %get3A_1278 : vector<1x16xf32> to vector<16xf32>
      %mul3A_1280 = arith.mulf %get3A_1279, %broadcast_in_dim3A_1225 : vector<16xf32>
      %swap3A_1281 = arith.index_cast %add3A_1222 : i32 to index
      %swap3A_1282 = arith.constant 80 : index
      %swap3A_1283 = tpu.vector_load %arg10[%swap3A_1281, %swap3A_1282] {strides = array<i32>} : memref<80x128xf32, #tpu.memory_space<vmem>>, vector<1x16xf32>,
      %swap3A_1284 = vector.shape_cast %swap3A_1283 : vector<1x16xf32> to vector<16xf32>
      %swap3A_1285 = vector.shape_cast %mul3A_1280 : vector<16xf32> to vector<1x16xf32>
      tpu.vector_store %arg10[%swap3A_1281, %swap3A_1282], %swap3A_1285 {strides = array<i32>} : memref<80x128xf32, #tpu.memory_space<vmem>>, vector<1x16xf32>,
      %get3A_1286 = arith.index_cast %add3A_1222 : i32 to index
      %get3A_1287 = arith.constant 96 : index
      %get3A_1288 = tpu.vector_load %arg10[%get3A_1286, %get3A_1287] {strides = array<i32>} : memref<80x128xf32, #tpu.memory_space<vmem>>, vector<1x16xf32>,
      %get3A_1289 = vector.shape_cast %get3A_1288 : vector<1x16xf32> to vector<16xf32>
      %mul3A_1290 = arith.mulf %get3A_1289, %broadcast_in_dim3A_1225 : vector<16xf32>
      %swap3A_1291 = arith.index_cast %add3A_1222 : i32 to index
      %swap3A_1292 = arith.constant 96 : index
      %swap3A_1293 = tpu.vector_load %arg10[%swap3A_1291, %swap3A_1292] {strides = array<i32>} : memref<80x128xf32, #tpu.memory_space<vmem>>, vector<1x16xf32>,
      %swap3A_1294 = vector.shape_cast %swap3A_1293 : vector<1x16xf32> to vector<16xf32>
      %swap3A_1295 = vector.shape_cast %mul3A_1290 : vector<16xf32> to vector<1x16xf32>
      tpu.vector_store %arg10[%swap3A_1291, %swap3A_1292], %swap3A_1295 {strides = array<i32>} : memref<80x128xf32, #tpu.memory_space<vmem>>, vector<1x16xf32>,
      %get3A_1296 = arith.index_cast %add3A_1222 : i32 to index
      %get3A_1297 = arith.constant 112 : index
      %get3A_1298 = tpu.vector_load %arg10[%get3A_1296, %get3A_1297] {strides = array<i32>} : memref<80x128xf32, #tpu.memory_space<vmem>>, vector<1x16xf32>,
      %get3A_1299 = vector.shape_cast %get3A_1298 : vector<1x16xf32> to vector<16xf32>
      %mul3A_1300 = arith.mulf %get3A_1299, %broadcast_in_dim3A_1225 : vector<16xf32>
      %swap3A_1301 = arith.index_cast %add3A_1222 : i32 to index
      %swap3A_1302 = arith.constant 112 : index
      %swap3A_1303 = tpu.vector_load %arg10[%swap3A_1301, %swap3A_1302] {strides = array<i32>} : memref<80x128xf32, #tpu.memory_space<vmem>>, vector<1x16xf32>,
      %swap3A_1304 = vector.shape_cast %swap3A_1303 : vector<1x16xf32> to vector<16xf32>
      %swap3A_1305 = vector.shape_cast %mul3A_1300 : vector<16xf32> to vector<1x16xf32>
      tpu.vector_store %arg10[%swap3A_1301, %swap3A_1302], %swap3A_1305 {strides = array<i32>} : memref<80x128xf32, #tpu.memory_space<vmem>>, vector<1x16xf32>,
      %mul3A_1306 = arith.constant 16 : i32
      %mul3A_1307 = arith.muli %scan3A_85, %mul3A_1306 : i32
      %add3A_1308 = arith.constant 14 : i32
      %add3A_1309 = arith.addi %mul3A_1307, %add3A_1308 : i32
      %slice3A_1310 = vector.extract_strided_slice %get3A_91 {offsets = [14], sizes = [1], strides = [1]} : vector<16xf32> to vector<1xf32>
      %squeeze3A_1311 = vector.extract %slice3A_1310[0] : f32 from vector<1xf32>
      %broadcast_in_dim3A_1312 = vector.broadcast %squeeze3A_1311 : f32 to vector<16xf32>
      %get3A_1313 = arith.index_cast %add3A_1309 : i32 to index
      %get3A_1314 = arith.constant 0 : index
      %get3A_1315 = tpu.vector_load %arg10[%get3A_1313, %get3A_1314] {strides = array<i32>} : memref<80x128xf32, #tpu.memory_space<vmem>>, vector<1x16xf32>,
      %get3A_1316 = vector.shape_cast %get3A_1315 : vector<1x16xf32> to vector<16xf32>
      %mul3A_1317 = arith.mulf %get3A_1316, %broadcast_in_dim3A_1312 : vector<16xf32>
      %swap3A_1318 = arith.index_cast %add3A_1309 : i32 to index
      %swap3A_1319 = arith.constant 0 : index
      %swap3A_1320 = tpu.vector_load %arg10[%swap3A_1318, %swap3A_1319] {strides = array<i32>} : memref<80x128xf32, #tpu.memory_space<vmem>>, vector<1x16xf32>,
      %swap3A_1321 = vector.shape_cast %swap3A_1320 : vector<1x16xf32> to vector<16xf32>
      %swap3A_1322 = vector.shape_cast %mul3A_1317 : vector<16xf32> to vector<1x16xf32>
      tpu.vector_store %arg10[%swap3A_1318, %swap3A_1319], %swap3A_1322 {strides = array<i32>} : memref<80x128xf32, #tpu.memory_space<vmem>>, vector<1x16xf32>,
      %get3A_1323 = arith.index_cast %add3A_1309 : i32 to index
      %get3A_1324 = arith.constant 16 : index
      %get3A_1325 = tpu.vector_load %arg10[%get3A_1323, %get3A_1324] {strides = array<i32>} : memref<80x128xf32, #tpu.memory_space<vmem>>, vector<1x16xf32>,
      %get3A_1326 = vector.shape_cast %get3A_1325 : vector<1x16xf32> to vector<16xf32>
      %mul3A_1327 = arith.mulf %get3A_1326, %broadcast_in_dim3A_1312 : vector<16xf32>
      %swap3A_1328 = arith.index_cast %add3A_1309 : i32 to index
      %swap3A_1329 = arith.constant 16 : index
      %swap3A_1330 = tpu.vector_load %arg10[%swap3A_1328, %swap3A_1329] {strides = array<i32>} : memref<80x128xf32, #tpu.memory_space<vmem>>, vector<1x16xf32>,
      %swap3A_1331 = vector.shape_cast %swap3A_1330 : vector<1x16xf32> to vector<16xf32>
      %swap3A_1332 = vector.shape_cast %mul3A_1327 : vector<16xf32> to vector<1x16xf32>
      tpu.vector_store %arg10[%swap3A_1328, %swap3A_1329], %swap3A_1332 {strides = array<i32>} : memref<80x128xf32, #tpu.memory_space<vmem>>, vector<1x16xf32>,
      %get3A_1333 = arith.index_cast %add3A_1309 : i32 to index
      %get3A_1334 = arith.constant 32 : index
      %get3A_1335 = tpu.vector_load %arg10[%get3A_1333, %get3A_1334] {strides = array<i32>} : memref<80x128xf32, #tpu.memory_space<vmem>>, vector<1x16xf32>,
      %get3A_1336 = vector.shape_cast %get3A_1335 : vector<1x16xf32> to vector<16xf32>
      %mul3A_1337 = arith.mulf %get3A_1336, %broadcast_in_dim3A_1312 : vector<16xf32>
      %swap3A_1338 = arith.index_cast %add3A_1309 : i32 to index
      %swap3A_1339 = arith.constant 32 : index
      %swap3A_1340 = tpu.vector_load %arg10[%swap3A_1338, %swap3A_1339] {strides = array<i32>} : memref<80x128xf32, #tpu.memory_space<vmem>>, vector<1x16xf32>,
      %swap3A_1341 = vector.shape_cast %swap3A_1340 : vector<1x16xf32> to vector<16xf32>
      %swap3A_1342 = vector.shape_cast %mul3A_1337 : vector<16xf32> to vector<1x16xf32>
      tpu.vector_store %arg10[%swap3A_1338, %swap3A_1339], %swap3A_1342 {strides = array<i32>} : memref<80x128xf32, #tpu.memory_space<vmem>>, vector<1x16xf32>,
      %get3A_1343 = arith.index_cast %add3A_1309 : i32 to index
      %get3A_1344 = arith.constant 48 : index
      %get3A_1345 = tpu.vector_load %arg10[%get3A_1343, %get3A_1344] {strides = array<i32>} : memref<80x128xf32, #tpu.memory_space<vmem>>, vector<1x16xf32>,
      %get3A_1346 = vector.shape_cast %get3A_1345 : vector<1x16xf32> to vector<16xf32>
      %mul3A_1347 = arith.mulf %get3A_1346, %broadcast_in_dim3A_1312 : vector<16xf32>
      %swap3A_1348 = arith.index_cast %add3A_1309 : i32 to index
      %swap3A_1349 = arith.constant 48 : index
      %swap3A_1350 = tpu.vector_load %arg10[%swap3A_1348, %swap3A_1349] {strides = array<i32>} : memref<80x128xf32, #tpu.memory_space<vmem>>, vector<1x16xf32>,
      %swap3A_1351 = vector.shape_cast %swap3A_1350 : vector<1x16xf32> to vector<16xf32>
      %swap3A_1352 = vector.shape_cast %mul3A_1347 : vector<16xf32> to vector<1x16xf32>
      tpu.vector_store %arg10[%swap3A_1348, %swap3A_1349], %swap3A_1352 {strides = array<i32>} : memref<80x128xf32, #tpu.memory_space<vmem>>, vector<1x16xf32>,
      %get3A_1353 = arith.index_cast %add3A_1309 : i32 to index
      %get3A_1354 = arith.constant 64 : index
      %get3A_1355 = tpu.vector_load %arg10[%get3A_1353, %get3A_1354] {strides = array<i32>} : memref<80x128xf32, #tpu.memory_space<vmem>>, vector<1x16xf32>,
      %get3A_1356 = vector.shape_cast %get3A_1355 : vector<1x16xf32> to vector<16xf32>
      %mul3A_1357 = arith.mulf %get3A_1356, %broadcast_in_dim3A_1312 : vector<16xf32>
      %swap3A_1358 = arith.index_cast %add3A_1309 : i32 to index
      %swap3A_1359 = arith.constant 64 : index
      %swap3A_1360 = tpu.vector_load %arg10[%swap3A_1358, %swap3A_1359] {strides = array<i32>} : memref<80x128xf32, #tpu.memory_space<vmem>>, vector<1x16xf32>,
      %swap3A_1361 = vector.shape_cast %swap3A_1360 : vector<1x16xf32> to vector<16xf32>
      %swap3A_1362 = vector.shape_cast %mul3A_1357 : vector<16xf32> to vector<1x16xf32>
      tpu.vector_store %arg10[%swap3A_1358, %swap3A_1359], %swap3A_1362 {strides = array<i32>} : memref<80x128xf32, #tpu.memory_space<vmem>>, vector<1x16xf32>,
      %get3A_1363 = arith.index_cast %add3A_1309 : i32 to index
      %get3A_1364 = arith.constant 80 : index
      %get3A_1365 = tpu.vector_load %arg10[%get3A_1363, %get3A_1364] {strides = array<i32>} : memref<80x128xf32, #tpu.memory_space<vmem>>, vector<1x16xf32>,
      %get3A_1366 = vector.shape_cast %get3A_1365 : vector<1x16xf32> to vector<16xf32>
      %mul3A_1367 = arith.mulf %get3A_1366, %broadcast_in_dim3A_1312 : vector<16xf32>
      %swap3A_1368 = arith.index_cast %add3A_1309 : i32 to index
      %swap3A_1369 = arith.constant 80 : index
      %swap3A_1370 = tpu.vector_load %arg10[%swap3A_1368, %swap3A_1369] {strides = array<i32>} : memref<80x128xf32, #tpu.memory_space<vmem>>, vector<1x16xf32>,
      %swap3A_1371 = vector.shape_cast %swap3A_1370 : vector<1x16xf32> to vector<16xf32>
      %swap3A_1372 = vector.shape_cast %mul3A_1367 : vector<16xf32> to vector<1x16xf32>
      tpu.vector_store %arg10[%swap3A_1368, %swap3A_1369], %swap3A_1372 {strides = array<i32>} : memref<80x128xf32, #tpu.memory_space<vmem>>, vector<1x16xf32>,
      %get3A_1373 = arith.index_cast %add3A_1309 : i32 to index
      %get3A_1374 = arith.constant 96 : index
      %get3A_1375 = tpu.vector_load %arg10[%get3A_1373, %get3A_1374] {strides = array<i32>} : memref<80x128xf32, #tpu.memory_space<vmem>>, vector<1x16xf32>,
      %get3A_1376 = vector.shape_cast %get3A_1375 : vector<1x16xf32> to vector<16xf32>
      %mul3A_1377 = arith.mulf %get3A_1376, %broadcast_in_dim3A_1312 : vector<16xf32>
      %swap3A_1378 = arith.index_cast %add3A_1309 : i32 to index
      %swap3A_1379 = arith.constant 96 : index
      %swap3A_1380 = tpu.vector_load %arg10[%swap3A_1378, %swap3A_1379] {strides = array<i32>} : memref<80x128xf32, #tpu.memory_space<vmem>>, vector<1x16xf32>,
      %swap3A_1381 = vector.shape_cast %swap3A_1380 : vector<1x16xf32> to vector<16xf32>
      %swap3A_1382 = vector.shape_cast %mul3A_1377 : vector<16xf32> to vector<1x16xf32>
      tpu.vector_store %arg10[%swap3A_1378, %swap3A_1379], %swap3A_1382 {strides = array<i32>} : memref<80x128xf32, #tpu.memory_space<vmem>>, vector<1x16xf32>,
      %get3A_1383 = arith.index_cast %add3A_1309 : i32 to index
      %get3A_1384 = arith.constant 112 : index
      %get3A_1385 = tpu.vector_load %arg10[%get3A_1383, %get3A_1384] {strides = array<i32>} : memref<80x128xf32, #tpu.memory_space<vmem>>, vector<1x16xf32>,
      %get3A_1386 = vector.shape_cast %get3A_1385 : vector<1x16xf32> to vector<16xf32>
      %mul3A_1387 = arith.mulf %get3A_1386, %broadcast_in_dim3A_1312 : vector<16xf32>
      %swap3A_1388 = arith.index_cast %add3A_1309 : i32 to index
      %swap3A_1389 = arith.constant 112 : index
      %swap3A_1390 = tpu.vector_load %arg10[%swap3A_1388, %swap3A_1389] {strides = array<i32>} : memref<80x128xf32, #tpu.memory_space<vmem>>, vector<1x16xf32>,
      %swap3A_1391 = vector.shape_cast %swap3A_1390 : vector<1x16xf32> to vector<16xf32>
      %swap3A_1392 = vector.shape_cast %mul3A_1387 : vector<16xf32> to vector<1x16xf32>
      tpu.vector_store %arg10[%swap3A_1388, %swap3A_1389], %swap3A_1392 {strides = array<i32>} : memref<80x128xf32, #tpu.memory_space<vmem>>, vector<1x16xf32>,
      %mul3A_1393 = arith.constant 16 : i32
      %mul3A_1394 = arith.muli %scan3A_85, %mul3A_1393 : i32
      %add3A_1395 = arith.constant 15 : i32
      %add3A_1396 = arith.addi %mul3A_1394, %add3A_1395 : i32
      %slice3A_1397 = vector.extract_strided_slice %get3A_91 {offsets = [15], sizes = [1], strides = [1]} : vector<16xf32> to vector<1xf32>
      %squeeze3A_1398 = vector.extract %slice3A_1397[0] : f32 from vector<1xf32>
      %broadcast_in_dim3A_1399 = vector.broadcast %squeeze3A_1398 : f32 to vector<16xf32>
      %get3A_1400 = arith.index_cast %add3A_1396 : i32 to index
      %get3A_1401 = arith.constant 0 : index
      %get3A_1402 = tpu.vector_load %arg10[%get3A_1400, %get3A_1401] {strides = array<i32>} : memref<80x128xf32, #tpu.memory_space<vmem>>, vector<1x16xf32>,
      %get3A_1403 = vector.shape_cast %get3A_1402 : vector<1x16xf32> to vector<16xf32>
      %mul3A_1404 = arith.mulf %get3A_1403, %broadcast_in_dim3A_1399 : vector<16xf32>
      %swap3A_1405 = arith.index_cast %add3A_1396 : i32 to index
      %swap3A_1406 = arith.constant 0 : index
      %swap3A_1407 = tpu.vector_load %arg10[%swap3A_1405, %swap3A_1406] {strides = array<i32>} : memref<80x128xf32, #tpu.memory_space<vmem>>, vector<1x16xf32>,
      %swap3A_1408 = vector.shape_cast %swap3A_1407 : vector<1x16xf32> to vector<16xf32>
      %swap3A_1409 = vector.shape_cast %mul3A_1404 : vector<16xf32> to vector<1x16xf32>
      tpu.vector_store %arg10[%swap3A_1405, %swap3A_1406], %swap3A_1409 {strides = array<i32>} : memref<80x128xf32, #tpu.memory_space<vmem>>, vector<1x16xf32>,
      %get3A_1410 = arith.index_cast %add3A_1396 : i32 to index
      %get3A_1411 = arith.constant 16 : index
      %get3A_1412 = tpu.vector_load %arg10[%get3A_1410, %get3A_1411] {strides = array<i32>} : memref<80x128xf32, #tpu.memory_space<vmem>>, vector<1x16xf32>,
      %get3A_1413 = vector.shape_cast %get3A_1412 : vector<1x16xf32> to vector<16xf32>
      %mul3A_1414 = arith.mulf %get3A_1413, %broadcast_in_dim3A_1399 : vector<16xf32>
      %swap3A_1415 = arith.index_cast %add3A_1396 : i32 to index
      %swap3A_1416 = arith.constant 16 : index
      %swap3A_1417 = tpu.vector_load %arg10[%swap3A_1415, %swap3A_1416] {strides = array<i32>} : memref<80x128xf32, #tpu.memory_space<vmem>>, vector<1x16xf32>,
      %swap3A_1418 = vector.shape_cast %swap3A_1417 : vector<1x16xf32> to vector<16xf32>
      %swap3A_1419 = vector.shape_cast %mul3A_1414 : vector<16xf32> to vector<1x16xf32>
      tpu.vector_store %arg10[%swap3A_1415, %swap3A_1416], %swap3A_1419 {strides = array<i32>} : memref<80x128xf32, #tpu.memory_space<vmem>>, vector<1x16xf32>,
      %get3A_1420 = arith.index_cast %add3A_1396 : i32 to index
      %get3A_1421 = arith.constant 32 : index
      %get3A_1422 = tpu.vector_load %arg10[%get3A_1420, %get3A_1421] {strides = array<i32>} : memref<80x128xf32, #tpu.memory_space<vmem>>, vector<1x16xf32>,
      %get3A_1423 = vector.shape_cast %get3A_1422 : vector<1x16xf32> to vector<16xf32>
      %mul3A_1424 = arith.mulf %get3A_1423, %broadcast_in_dim3A_1399 : vector<16xf32>
      %swap3A_1425 = arith.index_cast %add3A_1396 : i32 to index
      %swap3A_1426 = arith.constant 32 : index
      %swap3A_1427 = tpu.vector_load %arg10[%swap3A_1425, %swap3A_1426] {strides = array<i32>} : memref<80x128xf32, #tpu.memory_space<vmem>>, vector<1x16xf32>,
      %swap3A_1428 = vector.shape_cast %swap3A_1427 : vector<1x16xf32> to vector<16xf32>
      %swap3A_1429 = vector.shape_cast %mul3A_1424 : vector<16xf32> to vector<1x16xf32>
      tpu.vector_store %arg10[%swap3A_1425, %swap3A_1426], %swap3A_1429 {strides = array<i32>} : memref<80x128xf32, #tpu.memory_space<vmem>>, vector<1x16xf32>,
      %get3A_1430 = arith.index_cast %add3A_1396 : i32 to index
      %get3A_1431 = arith.constant 48 : index
      %get3A_1432 = tpu.vector_load %arg10[%get3A_1430, %get3A_1431] {strides = array<i32>} : memref<80x128xf32, #tpu.memory_space<vmem>>, vector<1x16xf32>,
      %get3A_1433 = vector.shape_cast %get3A_1432 : vector<1x16xf32> to vector<16xf32>
      %mul3A_1434 = arith.mulf %get3A_1433, %broadcast_in_dim3A_1399 : vector<16xf32>
      %swap3A_1435 = arith.index_cast %add3A_1396 : i32 to index
      %swap3A_1436 = arith.constant 48 : index
      %swap3A_1437 = tpu.vector_load %arg10[%swap3A_1435, %swap3A_1436] {strides = array<i32>} : memref<80x128xf32, #tpu.memory_space<vmem>>, vector<1x16xf32>,
      %swap3A_1438 = vector.shape_cast %swap3A_1437 : vector<1x16xf32> to vector<16xf32>
      %swap3A_1439 = vector.shape_cast %mul3A_1434 : vector<16xf32> to vector<1x16xf32>
      tpu.vector_store %arg10[%swap3A_1435, %swap3A_1436], %swap3A_1439 {strides = array<i32>} : memref<80x128xf32, #tpu.memory_space<vmem>>, vector<1x16xf32>,
      %get3A_1440 = arith.index_cast %add3A_1396 : i32 to index
      %get3A_1441 = arith.constant 64 : index
      %get3A_1442 = tpu.vector_load %arg10[%get3A_1440, %get3A_1441] {strides = array<i32>} : memref<80x128xf32, #tpu.memory_space<vmem>>, vector<1x16xf32>,
      %get3A_1443 = vector.shape_cast %get3A_1442 : vector<1x16xf32> to vector<16xf32>
      %mul3A_1444 = arith.mulf %get3A_1443, %broadcast_in_dim3A_1399 : vector<16xf32>
      %swap3A_1445 = arith.index_cast %add3A_1396 : i32 to index
      %swap3A_1446 = arith.constant 64 : index
      %swap3A_1447 = tpu.vector_load %arg10[%swap3A_1445, %swap3A_1446] {strides = array<i32>} : memref<80x128xf32, #tpu.memory_space<vmem>>, vector<1x16xf32>,
      %swap3A_1448 = vector.shape_cast %swap3A_1447 : vector<1x16xf32> to vector<16xf32>
      %swap3A_1449 = vector.shape_cast %mul3A_1444 : vector<16xf32> to vector<1x16xf32>
      tpu.vector_store %arg10[%swap3A_1445, %swap3A_1446], %swap3A_1449 {strides = array<i32>} : memref<80x128xf32, #tpu.memory_space<vmem>>, vector<1x16xf32>,
      %get3A_1450 = arith.index_cast %add3A_1396 : i32 to index
      %get3A_1451 = arith.constant 80 : index
      %get3A_1452 = tpu.vector_load %arg10[%get3A_1450, %get3A_1451] {strides = array<i32>} : memref<80x128xf32, #tpu.memory_space<vmem>>, vector<1x16xf32>,
      %get3A_1453 = vector.shape_cast %get3A_1452 : vector<1x16xf32> to vector<16xf32>
      %mul3A_1454 = arith.mulf %get3A_1453, %broadcast_in_dim3A_1399 : vector<16xf32>
      %swap3A_1455 = arith.index_cast %add3A_1396 : i32 to index
      %swap3A_1456 = arith.constant 80 : index
      %swap3A_1457 = tpu.vector_load %arg10[%swap3A_1455, %swap3A_1456] {strides = array<i32>} : memref<80x128xf32, #tpu.memory_space<vmem>>, vector<1x16xf32>,
      %swap3A_1458 = vector.shape_cast %swap3A_1457 : vector<1x16xf32> to vector<16xf32>
      %swap3A_1459 = vector.shape_cast %mul3A_1454 : vector<16xf32> to vector<1x16xf32>
      tpu.vector_store %arg10[%swap3A_1455, %swap3A_1456], %swap3A_1459 {strides = array<i32>} : memref<80x128xf32, #tpu.memory_space<vmem>>, vector<1x16xf32>,
      %get3A_1460 = arith.index_cast %add3A_1396 : i32 to index
      %get3A_1461 = arith.constant 96 : index
      %get3A_1462 = tpu.vector_load %arg10[%get3A_1460, %get3A_1461] {strides = array<i32>} : memref<80x128xf32, #tpu.memory_space<vmem>>, vector<1x16xf32>,
      %get3A_1463 = vector.shape_cast %get3A_1462 : vector<1x16xf32> to vector<16xf32>
      %mul3A_1464 = arith.mulf %get3A_1463, %broadcast_in_dim3A_1399 : vector<16xf32>
      %swap3A_1465 = arith.index_cast %add3A_1396 : i32 to index
      %swap3A_1466 = arith.constant 96 : index
      %swap3A_1467 = tpu.vector_load %arg10[%swap3A_1465, %swap3A_1466] {strides = array<i32>} : memref<80x128xf32, #tpu.memory_space<vmem>>, vector<1x16xf32>,
      %swap3A_1468 = vector.shape_cast %swap3A_1467 : vector<1x16xf32> to vector<16xf32>
      %swap3A_1469 = vector.shape_cast %mul3A_1464 : vector<16xf32> to vector<1x16xf32>
      tpu.vector_store %arg10[%swap3A_1465, %swap3A_1466], %swap3A_1469 {strides = array<i32>} : memref<80x128xf32, #tpu.memory_space<vmem>>, vector<1x16xf32>,
      %get3A_1470 = arith.index_cast %add3A_1396 : i32 to index
      %get3A_1471 = arith.constant 112 : index
      %get3A_1472 = tpu.vector_load %arg10[%get3A_1470, %get3A_1471] {strides = array<i32>} : memref<80x128xf32, #tpu.memory_space<vmem>>, vector<1x16xf32>,
      %get3A_1473 = vector.shape_cast %get3A_1472 : vector<1x16xf32> to vector<16xf32>
      %mul3A_1474 = arith.mulf %get3A_1473, %broadcast_in_dim3A_1399 : vector<16xf32>
      %swap3A_1475 = arith.index_cast %add3A_1396 : i32 to index
      %swap3A_1476 = arith.constant 112 : index
      %swap3A_1477 = tpu.vector_load %arg10[%swap3A_1475, %swap3A_1476] {strides = array<i32>} : memref<80x128xf32, #tpu.memory_space<vmem>>, vector<1x16xf32>,
      %swap3A_1478 = vector.shape_cast %swap3A_1477 : vector<1x16xf32> to vector<16xf32>
      %swap3A_1479 = vector.shape_cast %mul3A_1474 : vector<16xf32> to vector<1x16xf32>
      tpu.vector_store %arg10[%swap3A_1475, %swap3A_1476], %swap3A_1479 {strides = array<i32>} : memref<80x128xf32, #tpu.memory_space<vmem>>, vector<1x16xf32>,
      %mul3A_1480 = arith.constant 16 : i32
      %mul3A_1481 = arith.muli %scan3A_85, %mul3A_1480 : i32
      %add3A_1482 = arith.constant 9920 : i32
      %add3A_1483 = arith.addi %add3A_1482, %mul3A_1481 : i32
      %get3A_1484 = arith.index_cast %add3A_1483 : i32 to index
      %get3A_1485 = tpu.vector_load %arg8[%get3A_1484] {strides = array<i32>} : memref<10000xi32, #tpu.memory_space<vmem>>, vector<16xi32>,
      %get3A_1486 = vector.shape_cast %get3A_1485 : vector<16xi32> to vector<16xi32>
      %mul3A_1487 = arith.constant 16 : i32
      %mul3A_1488 = arith.muli %scan3A_85, %mul3A_1487 : i32
      %dma_start3A_1489 = arith.constant 0 : i32
      %dma_start3A_1490 = tpu.memref_slice %arg10[%mul3A_1488, %dma_start3A_1489] : memref<80x128xf32, #tpu.memory_space<vmem>> -> memref<16x128xf32, #tpu.memory_space<vmem>>
      %dma_start3A_1491 = arith.constant 0 : i32
      %dma_start3A_1492 = arith.constant 0 : i32
      %dma_start3A_1493 = tpu.memref_slice %arg6[%dma_start3A_1491, %dma_start3A_1492] : memref<10000x128xf32, #tpu.memory_space<vmem_shared>> -> memref<10000x128xf32, #tpu.memory_space<vmem_shared>>
      tpu.enqueue_indirect_dma source(%dma_start3A_1490 : memref<16x128xf32, #tpu.memory_space<vmem>>) target(%dma_start3A_1493 : memref<10000x128xf32, #tpu.memory_space<vmem_shared>>) offsets(%get3A_1486 : vector<16xi32>) semaphore(%arg14 : memref<!tpu.dma_semaphore, #tpu.memory_space<semaphore_mem>>) {add = true}
    }
    %scan3A_59 = arith.constant 5 : i32
    %dma_wait3A_60 = arith.constant 0 : i32
    %dma_wait3A_61 = arith.constant 0 : i32
    %dma_wait3A_62 = tpu.memref_slice %arg10[%dma_wait3A_60, %dma_wait3A_61] : memref<80x128xf32, #tpu.memory_space<vmem>> -> memref<80x128xf32, #tpu.memory_space<vmem>>
    %dma_wait3A_63 = arith.constant 0 : i32
    %dma_wait3A_64 = arith.constant 0 : i32
    %dma_wait3A_65 = tpu.memref_slice %arg2[%dma_wait3A_63, %dma_wait3A_64] : memref<10000x128xf32, #tpu.memory_space<hbm>> -> memref<80x128xf32, #tpu.memory_space<hbm>>
    %dma_wait3A_66 = arith.constant 0 : i32
    %dma_wait3A_67 = arith.constant 0 : i32
    %dma_wait3A_68 = tpu.memref_slice %arg10[%dma_wait3A_66, %dma_wait3A_67] : memref<80x128xf32, #tpu.memory_space<vmem>> -> memref<80x128xf32, #tpu.memory_space<vmem>>
    %dma_wait3A_69 = arith.constant 0 : i32
    %dma_wait3A_70 = arith.constant 0 : i32
    %dma_wait3A_71 = tpu.memref_slice %arg2[%dma_wait3A_69, %dma_wait3A_70] : memref<10000x128xf32, #tpu.memory_space<hbm>> -> memref<80x128xf32, #tpu.memory_space<hbm>>
    tpu.wait_dma2 semaphore(%arg14 : memref<!tpu.dma_semaphore, #tpu.memory_space<semaphore_mem>>) src(%dma_wait3A_71 : memref<80x128xf32, #tpu.memory_space<hbm>>) dst(%dma_wait3A_68 : memref<80x128xf32, #tpu.memory_space<vmem>>)
    %barrier3A_72 = arith.constant 0 : index
    tpu.barrier barrier_id(%barrier3A_72)
    %scan3A_73 = arith.constant 0 : i32
    %scan3A_74 = arith.constant 0 : i32
    %scan3A_75 = arith.constant 8 : i32
    %scan3A_76 = arith.addi %scan3A_74, %scan3A_75 : i32
    %scan3A_77 = arith.constant 1 : i32
    scf.for %scan3A_85 = %scan3A_74 to %scan3A_76 step %scan3A_77  : i32 {
      %mul3A_86 = arith.constant 16 : i32
      %mul3A_87 = arith.muli %mul3A_86, %scan3A_85 : i32
      %add3A_88 = arith.addi %arg1, %mul3A_87 : i32
      %lt3A = arith.constant 125 : i32
      %lt3A_89 = arith.cmpi slt, %add3A_88, %lt3A : i32
      %convert_element_type3A = arith.extui %lt3A_89 : i1 to i32
      %cond3A = arith.constant 0 : i32
      %cond3A_90 = arith.cmpi ne, %convert_element_type3A, %cond3A : i32
      scf.if %cond3A_90 {
        %mul3A_91 = arith.constant 80 : i32
        %mul3A_92 = arith.muli %add3A_88, %mul3A_91 : i32
        %mul3A_93 = arith.constant 80 : i32
        %mul3A_94 = arith.muli %add3A_88, %mul3A_93 : i32
        %dma_start3A_95 = arith.constant 0 : i32
        %dma_start3A_96 = tpu.memref_slice %arg5[%arg0, %mul3A_94, %dma_start3A_95] : memref<2x10000x128xf32, #tpu.memory_space<hbm>> -> memref<1x80x128xf32, #tpu.memory_space<hbm>>
        %dma_start3A_97 = tpu.memref_squeeze %dma_start3A_96 : memref<1x80x128xf32, #tpu.memory_space<hbm>> -> memref<80x128xf32, #tpu.memory_space<hbm>>
        %dma_start3A_98 = arith.constant 0 : i32
        %dma_start3A_99 = tpu.memref_slice %arg6[%mul3A_92, %dma_start3A_98] : memref<10000x128xf32, #tpu.memory_space<vmem_shared>> -> memref<80x128xf32, #tpu.memory_space<vmem_shared>>
        tpu.enqueue_dma source(%dma_start3A_99 : memref<80x128xf32, #tpu.memory_space<vmem_shared>>) target(%dma_start3A_97 : memref<80x128xf32, #tpu.memory_space<hbm>>) target_semaphore(%arg12 : memref<!tpu.dma_semaphore, #tpu.memory_space<semaphore_mem>>)
      } else {
      }
    }
    %scan3A_78 = arith.constant 8 : i32
    %scan3A_79 = arith.constant 0 : i32
    %scan3A_80 = arith.constant 0 : i32
    %scan3A_81 = arith.constant 8 : i32
    %scan3A_82 = arith.addi %scan3A_80, %scan3A_81 : i32
    %scan3A_83 = arith.constant 1 : i32
    scf.for %scan3A_85 = %scan3A_80 to %scan3A_82 step %scan3A_83  : i32 {
      %mul3A_86 = arith.constant 16 : i32
      %mul3A_87 = arith.muli %mul3A_86, %scan3A_85 : i32
      %add3A_88 = arith.addi %arg1, %mul3A_87 : i32
      %lt3A = arith.constant 125 : i32
      %lt3A_89 = arith.cmpi slt, %add3A_88, %lt3A : i32
      %convert_element_type3A = arith.extui %lt3A_89 : i1 to i32
      %cond3A = arith.constant 0 : i32
      %cond3A_90 = arith.cmpi ne, %convert_element_type3A, %cond3A : i32
      scf.if %cond3A_90 {
        %mul3A_91 = arith.constant 80 : i32
        %mul3A_92 = arith.muli %add3A_88, %mul3A_91 : i32
        %mul3A_93 = arith.constant 80 : i32
        %mul3A_94 = arith.muli %add3A_88, %mul3A_93 : i32
        %dma_wait3A_95 = arith.constant 0 : i32
        %dma_wait3A_96 = tpu.memref_slice %arg5[%arg0, %mul3A_94, %dma_wait3A_95] : memref<2x10000x128xf32, #tpu.memory_space<hbm>> -> memref<1x80x128xf32, #tpu.memory_space<hbm>>
        %dma_wait3A_97 = tpu.memref_squeeze %dma_wait3A_96 : memref<1x80x128xf32, #tpu.memory_space<hbm>> -> memref<80x128xf32, #tpu.memory_space<hbm>>
        %dma_wait3A_98 = arith.constant 0 : i32
        %dma_wait3A_99 = tpu.memref_slice %arg6[%mul3A_92, %dma_wait3A_98] : memref<10000x128xf32, #tpu.memory_space<vmem_shared>> -> memref<80x128xf32, #tpu.memory_space<vmem_shared>>
        tpu.wait_dma2 semaphore(%arg12 : memref<!tpu.dma_semaphore, #tpu.memory_space<semaphore_mem>>) src(%dma_wait3A_99 : memref<80x128xf32, #tpu.memory_space<vmem_shared>>) dst(%dma_wait3A_97 : memref<80x128xf32, #tpu.memory_space<hbm>>)
      } else {
      }
    }
    %scan3A_84 = arith.constant 8 : i32
    return
  }
}

module attributes {stable_mosaic.version = 14 : i64} {
  func.func @body(%arg0: i32, %arg1: memref<2000x128xf32, #tpu.memory_space<vmem>>, %arg2: memref<2000x128xf32, #tpu.memory_space<vmem>>, %arg3: memref<2000x128xf32, #tpu.memory_space<vmem>>, %arg4: memref<2000x128xf32, #tpu.memory_space<vmem>>) attributes {dimension_semantics = [#tpu.dimension_semantics<arbitrary>], iteration_bounds = array<i64: 5>, scalar_prefetch = 0 : i64, scratch_operands = 0 : i64, tpu.core_type = #tpu.core_type<tc>, window_params = [{transform_indices = @transform_0, window_bounds = array<i64: 2000, 128>}, {transform_indices = @transform_1, window_bounds = array<i64: 2000, 128>}, {transform_indices = @transform_2, window_bounds = array<i64: 2000, 128>}, {transform_indices = @transform_3, window_bounds = array<i64: 2000, 128>}]} {
    %get3A = arith.constant 0 : index
    %get3A_0 = arith.constant 0 : index
    %get3A_1 = vector.load %arg1[%get3A, %get3A_0] : memref<2000x128xf32, #tpu.memory_space<vmem>>, vector<2000x128xf32>
    %get3A_2 = arith.constant 0 : index
    %get3A_3 = arith.constant 0 : index
    %get3A_4 = vector.load %arg2[%get3A_2, %get3A_3] : memref<2000x128xf32, #tpu.memory_space<vmem>>, vector<2000x128xf32>
    %add3A = arith.addf %get3A_1, %get3A_4 : vector<2000x128xf32>
    %mul3A = arith.constant 0.899999976 : f32
    %mul3A_5 = vector.broadcast %mul3A : f32 to vector<2000x128xf32>
    %mul3A_6 = arith.mulf %mul3A_5, %add3A : vector<2000x128xf32>
    %get3A_7 = arith.constant 0 : index
    %get3A_8 = arith.constant 0 : index
    %get3A_9 = vector.load %arg3[%get3A_7, %get3A_8] : memref<2000x128xf32, #tpu.memory_space<vmem>>, vector<2000x128xf32>
    %mul3A_10 = arith.constant 1.000000e-01 : f32
    %mul3A_11 = vector.broadcast %mul3A_10 : f32 to vector<2000x128xf32>
    %mul3A_12 = arith.mulf %mul3A_11, %get3A_9 : vector<2000x128xf32>
    %add3A_13 = arith.addf %mul3A_6, %mul3A_12 : vector<2000x128xf32>
    %max3A = arith.constant 0.000000e+00 : f32
    %max3A_14 = vector.broadcast %max3A : f32 to vector<2000x128xf32>
    %max3A_15 = arith.maximumf %add3A_13, %max3A_14 : vector<2000x128xf32>
    %swap3A = arith.constant 0 : index
    %swap3A_16 = arith.constant 0 : index
    %swap3A_17 = vector.load %arg4[%swap3A, %swap3A_16] : memref<2000x128xf32, #tpu.memory_space<vmem>>, vector<2000x128xf32>
    tpu.vector_store %arg4[%swap3A, %swap3A_16], %max3A_15 {strides = array<i32>} : memref<2000x128xf32, #tpu.memory_space<vmem>>, vector<2000x128xf32>,
    return
  }
  func.func @transform_0(%arg0: i32) -> (i32, i32) {
    %c0_i32 = arith.constant 0 : i32
    %c0_i32_0 = arith.constant 0 : i32
    return %arg0, %c0_i32 : i32, i32
  }
  func.func @transform_1(%arg0: i32) -> (i32, i32) {
    %c0_i32 = arith.constant 0 : i32
    %c0_i32_0 = arith.constant 0 : i32
    return %arg0, %c0_i32 : i32, i32
  }
  func.func @transform_2(%arg0: i32) -> (i32, i32) {
    %c0_i32 = arith.constant 0 : i32
    %c0_i32_0 = arith.constant 0 : i32
    return %arg0, %c0_i32 : i32, i32
  }
  func.func @transform_3(%arg0: i32) -> (i32, i32) {
    %c0_i32 = arith.constant 0 : i32
    %c0_i32_0 = arith.constant 0 : i32
    return %arg0, %c0_i32 : i32, i32
  }
}

</mosaic_0001>

<sc_bundles>
// kernel: kernel.4.cloned.1.call-start
scs
__scs_entry_jumppad:
0x0: {  	(pc) =	sbr.rel $0x88, $3  }
0x1: {  	(tag) =	ssettag $0x0;
	lr =	simm.s32 $0x1  }
0x2: {  	[smem:$0x3F9D] =	sst lr;
	_ =	strace $0xD0000000  }
0x3: {  	_ = 	snop  }
0x4: {  	_ = 	snop  }
0x5: {  	_ = 	snop  }
0x6: {  	_ = 	snop  }
0x7: {  	_ = 	snop  }
__scs_overlays_trampoline_lowered:
0x8: {  	[smem:$0x3FAC] =	sst s0  }
0x9: {  	[smem:$0x3FAD] =	sst s1  }
0xa: {  	[smem:$0x3FAE] =	sst s2  }
0xb: {  	[smem:$0x3FAF] =	sst s3  }
0xc: {  	[smem:$0x3FB0] =	sst s4  }
0xd: {  	[smem:$0x3FB1] =	sst s5  }
0xe: {  	[smem:$0x3FB2] =	sst s6  }
0xf: {  	[smem:$0x3FB3] =	sst s7  }
0x10: {  	[smem:$0x3FB4] =	sst s8  }
0x11: {  	[smem:$0x3FB5] =	sst s9;
	s0 =	simm.s32 @!p0 $0x0  }
0x12: {  	s1 =	sld [smem:$0x3F9B];
	s0 =	simm.s32 @p0 $0x1  }
0x13: {  	[smem:$0x3FB6] =	sst s0;
	s0 =	simm.s32 @!p1 $0x0  }
0x14: {  	s2 =	sld [smem:$0x3F9A];
	s0 =	simm.s32 @p1 $0x1  }
0x15: {  	[smem:$0x3FB7] =	sst s0;
	s0 =	simm.s32 @!p2 $0x0  }
0x16: {  	s3 =	sld [smem:$0x3FDB];
	s0 =	simm.s32 @p2 $0x1  }
0x17: {  	s4 =	simm.s32 $0x1BF5;
	[smem:$0x3FB9] =	sst s0  }
0x18: {  	s0 =	sld [smem:$0x3F9C];
	_ =	swait.ge [sflag:s4], $0x0  }
0x19: {  	s7 =	sld [smem:$0x3F9D]  }
0x1a: {  	s8 =	sadd.s32 $0xFFFFE003, lr  }
0x1b: {  	s9 =	sadd.s32 $0xFFFFFEF7, lr;
	s5 =	simm.s32 $0xFFFFFFFF;
	p2 =	slt.u32 s8, $0xFFFFF086  }
0x1c: {  	p1 =	slt.u32 s9, $0xF7A;
	s5 =	simm.s32 @!p2 $0x0  }
0x1d: {  	s5 =	simm.s32 @p1 $0x1;
	p0 =	seq.s32 s7, s2  }
0x1e: {  	s7 =	smul.u32 @!p0 $0xF7A, s2;
	p2 =	seq.s32 @!p0 s5, $0x0  }
0x1f: {  	s9 =	smul.u32 $0xF7A, s1;
	s8 =	simm.s32 @!p0 $0x1BF5;
	p2 =	por !p2, p0  }
0x20: {  	[sflag:s8] =	ssyncset.s32 @!p0 $0xFFFFF086;
	s6 =	sadd.s32 @!p0 s3, s7;
	s7 =	simm.s32 @!p0 $0x108  }
0x21: {  	s3 =	sadd.s32 s3, s9;
	s6 =	sadd.s32 @!p0 $0x88, s6;
	s7 =	simm.s32 @p2 $0x1082  }
0x22: {  	[simem:s7], [sflag:s8] =	dma.local @!p0 [hbm:s6], $0xF7A  }
0x23: {  	s9 =	sor.u32 $0xD0000000, s2;
	s6 =	simm.s32 $0x108;
	_ =	swait.ge @!p0 [sflag:s8], $0x0  }
0x24: {  	s3 =	sadd.s32 $0x88, s3;
	s6 =	simm.s32 @!p1 $0x1082;
	[sflag:s4] =	ssyncset.s32 $0xFFFFF086  }
0x25: {  	[simem:s6], [sflag:s4] =	dma.local [hbm:s3], $0xF7A  }
0x26: {  	[smem:$0x3F9D] =	sst s1;
	(tag) =	ssettag s2;
	_ =	strace s9  }
0x27: {  	s1 =	sld [smem:$0x3FAD]  }
0x28: {  	s2 =	sld [smem:$0x3FAE]  }
0x29: {  	s4 =	sld [smem:$0x3FB0]  }
0x2a: {  	p0 =	seq.s32 s5, $0x0;
	s5 =	sld [smem:$0x3FB1]  }
0x2b: {  	s6 =	sld [smem:$0x3FB2]  }
0x2c: {  	s7 =	sld [smem:$0x3FB3]  }
0x2d: {  	s3 =	simm.s32 $0x108;
	s8 =	sld [smem:$0x3FB4]  }
0x2e: {  	s3 =	simm.s32 @!p0 $0x1082;
	s9 =	sld [smem:$0x3FB5]  }
0x2f: {  	lr =	sadd.s32 s0, s3;
	s0 =	sld [smem:$0x3FAC]  }
0x30: {  	s3 =	sld [smem:$0x3FAF]  }
0x31: {  	[smem:$0x3FB8] =	sst s10  }
0x32: {  	s10 =	sld [smem:$0x3FB6];
	_ =	sdelay $0x3  }
0x33: {  	p0 =	seq.s32 s10, $0x1;
	s10 =	sld [smem:$0x3FB8];
	_ =	sdelay $0x3  }
0x34: {  	[smem:$0x3FB8] =	sst s10  }
0x35: {  	s10 =	sld [smem:$0x3FB7];
	_ =	sdelay $0x3  }
0x36: {  	p1 =	seq.s32 s10, $0x1;
	s10 =	sld [smem:$0x3FB8];
	_ =	sdelay $0x3  }
0x37: {  	[smem:$0x3FB8] =	sst s10  }
0x38: {  	s10 =	sld [smem:$0x3FB9]  }
0x39: {  	_ = 	snop;
	(pc) =	sbr.ind lr, $3  }
0x3a: {  	_ = 	snop  }
0x3b: {  	_ = 	snop  }
0x3c: {  	p2 =	seq.s32 s10, $0x1;
	s10 =	sld [smem:$0x3FB8]  }
0x3d: {  	_ =	shalt  }
0x3e: {  	_ =	shalt  }
0x3f: {  	_ =	shalt  }
0x40: {  	_ =	shalt  }
0x41: {  	_ =	shalt  }
0x42: {  	_ =	shalt  }
0x43: {  	_ =	shalt  }
0x44: {  	_ =	shalt  }
0x45: {  	_ =	shalt  }
0x46: {  	_ =	shalt  }
0x47: {  	_ =	shalt  }
0x48: {  	_ =	shalt  }
0x49: {  	_ =	shalt  }
0x4a: {  	_ =	shalt  }
0x4b: {  	_ =	shalt  }
0x4c: {  	_ =	shalt  }
0x4d: {  	_ =	shalt  }
0x4e: {  	_ =	shalt  }
0x4f: {  	_ =	shalt  }
0x50: {  	_ =	shalt  }
0x51: {  	_ =	shalt  }
0x52: {  	_ =	shalt  }
0x53: {  	_ =	shalt  }
0x54: {  	_ =	shalt  }
0x55: {  	_ =	shalt  }
0x56: {  	_ =	shalt  }
0x57: {  	_ =	shalt  }
0x58: {  	_ =	shalt  }
0x59: {  	_ =	shalt  }
0x5a: {  	_ =	shalt  }
0x5b: {  	_ =	shalt  }
0x5c: {  	_ =	shalt  }
0x5d: {  	_ =	shalt  }
0x5e: {  	_ =	shalt  }
0x5f: {  	_ =	shalt  }
0x60: {  	_ =	shalt  }
0x61: {  	_ =	shalt  }
0x62: {  	_ =	shalt  }
0x63: {  	_ =	shalt  }
0x64: {  	_ =	shalt  }
0x65: {  	_ =	shalt  }
0x66: {  	_ =	shalt  }
0x67: {  	_ =	shalt  }
0x68: {  	_ =	shalt  }
0x69: {  	_ =	shalt  }
0x6a: {  	_ =	shalt  }
0x6b: {  	_ =	shalt  }
0x6c: {  	_ =	shalt  }
0x6d: {  	_ =	shalt  }
0x6e: {  	_ =	shalt  }
0x6f: {  	_ =	shalt  }
0x70: {  	_ =	shalt  }
0x71: {  	_ =	shalt  }
0x72: {  	_ =	shalt  }
0x73: {  	_ =	shalt  }
0x74: {  	_ =	shalt  }
0x75: {  	_ =	shalt  }
0x76: {  	_ =	shalt  }
0x77: {  	_ =	shalt  }
0x78: {  	_ =	shalt  }
0x79: {  	_ =	shalt  }
0x7a: {  	_ =	shalt  }
0x7b: {  	_ =	shalt  }
0x7c: {  	_ =	shalt  }
0x7d: {  	_ =	shalt  }
0x7e: {  	_ =	shalt  }
0x7f: {  	_ =	shalt  }
0x80: {  	_ =	shalt  }
0x81: {  	_ =	shalt  }
0x82: {  	_ =	shalt  }
0x83: {  	_ =	shalt  }
0x84: {  	_ =	shalt  }
0x85: {  	_ =	shalt  }
0x86: {  	_ =	shalt  }
0x87: {  	_ =	shalt  }
.Lfunc_end0:
.L_simem_size_0:
called_computation_lowered:
.L_overlay_start_0:
0x88: {  	s2 =	sld [smem:$0x3FD9]  }
0x89: {  	s3 =	sld [smem:$0x3FFE];
	_ =	sdelay $0x1  }
0x8a: {  	s1 =	srdreg.scid  }
0x8b: {  	s0 =	sand.u32 $0x1, s1  }
0x8c: {  	s17 =	sshll.u32 s0, $0xA;
	s2 =	sadd.s32 s3, s2  }
0x8d: {  	s2 =	sadd.s32 s2, s17  }
0x8e: {  	[smem:$0x3FC4] =	sst s2  }
0x8f: {  	_ = 	snop  }
0x90: {  	s2 =	sld [smem:$0x3FC9]  }
0x91: {  	s18 =	sld [smem:$0x3FC6]  }
0x92: {  	s4 =	sld [smem:$0x3FD0];
	(tm) =	ssettm $0x1  }
0x93: {  	s5 =	sld [smem:$0x3FFB];
	_ =	sdelay $0x3  }
0x94: {  	_ =	strace s5  }
0x95: {  	s5 =	sld [smem:$0x3FFC];
	_ =	sdelay $0x3  }
0x96: {  	_ =	strace s5  }
0x97: {  	s5 =	sld [smem:$0x3FFD];
	_ =	sdelay $0x3  }
0x98: {  	_ =	strace s5  }
0x99: {  	_ =	strace $0x8FFFFFFF  }
0x9a: {  	s19 =	sld [smem:$0x3FDB];
	_ =	sdelay $0x1  }
0x9b: {  	s6 =	simm.s32 $_scs_section_size  }
0x9c: {  	s7 =	simm.s32 $_size__tile_overlayer_lowered;
	s8 =	simm.s32 $_tile_overlayer_lowered  }
0x9d: {  	s22 =	simm.s32 $0x1BFF;
	s21 =	sshll.u32 s8, $0x1;
	s5 =	sadd.s32 s6, s19  }
0x9e: {  	s9 =	simm.s32 $0x0;
	s20 =	sshll.u32 s7, $0x1;
	s7 =	sadd.s32 s21, s5  }
0x9f: {  	[timem:s9], [sflag:s22] =	dma.local [hbm:s7], s20  }
0xa0: {  	_ =	swait.ge [sflag:s22], s20  }
0xa1: {  	s6 =	ssub.s32 $0x0, s20;
	[sflag:s22] =	ssyncset.done $0x0  }
0xa2: {  	[sflag:s22] =	ssyncadd.s32 s6;
	_ =	sdelay $0x1  }
0xa3: {  	s23 =	simm.s32 $0x1B8B  }
0xa4: {  	_ =	swait.ge [sflag:s23], $0x1  }
0xa5: {  	[sflag:s23] =	ssyncset.done $0x0  }
0xa6: {  	s25 =	simm.s32 $0x1B8E;
	s24 =	sld [smem:$0x3FFE];
	[sflag:s23] =	ssyncadd.s32 $0xFFFFFFFF  }
0xa7: {  	s26 =	simm.s32 $execute0_lowered;
	[smem:$0x3FD2] =	sst s25  }
0xa8: {  	s7 =	sshll.u32 s26, $0x1;
	_ =	strace $0x80000046;
	[dreg:$0x1] =	wrdreg $0xFFFFFFFF  }
0xa9: {  	s28 =	simm.s32 $_size_execute0_lowered;
	s5 =	sadd.s32 s5, s7;
	[dreg:$0x0] =	wrdreg $0x0  }
0xaa: {  	s7 =	sshll.u32 s28, $0x1;
	[dreg:$0x2] =	wrdreg s5  }
0xab: {  	[dreg:$0x3] =	wrdreg s7  }
0xac: {  	[dreg:$0x4] =	wrdreg $0xC0  }
0xad: {  	_ =	task [dreg:s9], $0x5FFFF  }
0xae: {  	[dreg:$0x1] =	wrdreg $0xFFFFFFFF  }
0xaf: {  	[dreg:$0x0] =	wrdreg $0x60  }
0xb0: {  	[dreg:$0x2] =	wrdreg s2  }
0xb1: {  	[dreg:$0x3] =	wrdreg s4  }
0xb2: {  	[dreg:$0x4] =	wrdreg s18  }
0xb3: {  	[dreg:$0x5] =	wrdreg s24  }
0xb4: {  	[dreg:$0x6] =	wrdreg $0x0  }
0xb5: {  	[dreg:$0x7] =	wrdreg $0x9  }
0xb6: {  	_ =	task.clear_ibuf [dreg:s9], $0x8FFFF;
	_ =	strace $0x90000046  }
0xb7: {  	s29 =	simm.s32 $0x9;
	_ =	strace $0x80000048  }
0xb8: {  	_ =	swait.ge [sflag:s29], $0x1  }
0xb9: {  	[sflag:s29] =	ssyncadd.s32 $0xFFFFFFFF  }
0xba: {  	_ =	strace $0x90000048  }
0xbb: {  	_ =	sfence  }
0xbc: {  	s30 =	sld [smem:$0x0];
	_ =	sdelay $0x2  }
0xbd: {  	s31 =	sshll.u32 s1, $0xD;
	s1 =	sshrl.u32 s1, $0x2  }
0xbe: {  	s3 =	sand.u32 $0x4000, s31;
	s1 =	sadd.s32 s1, s30  }
0xbf: {  	s0 =	sor.u32 s3, s0;
	s1 =	sshll.u32 s1, $0x11  }
0xc0: {  	s0 =	sor.u32 s1, s0  }
0xc1: {  	s0 =	sadd.s32 $0x8F2B, s0  }
0xc2: {  	[sflag:s0] =	ssyncadd.remote.s32 $0x1  }
0xc3: {  	_ =	sfence.sel $0xFFFF  }
0xc4: {  	[dreg:$0x0] =	wrdreg $0xFFFFFFFF;
	(pc) =	sbr.abs _section_cstart, $3  }
0xc5: {  	[dreg:$0x1] =	wrdreg $0xFFFFFFFF  }
0xc6: {  	_ =	task.clear_ibuf [dreg:s9], $0x2FFFF;
	_ =	strace $0x9FFFFFFF  }
0xc7: {  	(tm) =	ssettm $0x7FFFFFFF  }
tec
execute0_lowered:
.L_overlay_start_1:
0x0: {  	(tag) =	ssettag $0x1  }
0x1: {  	s25 =	stileid.u32  }
0x2: {  	s0 =	srdreg.scid;
	s9 =	smul.u32 $0xA000, s25  }
0x3: {  	s1 =	rddreg [dreg:$0x0];
	s0 =	sand.u32 $0x1, s0;
	s14 =	smul.u32 $0x2800, s25  }
0x4: {  	s2 =	rddreg [dreg:$0x1];
	s10 =	sor.u32 $0x10, s25;
	s8 =	smul.u32 $0x138800, s0  }
0x5: {  	s6 =	rddreg [dreg:$0x2];
	s12 =	sor.u32 $0x20, s25;
	s11 =	smul.u32 $0xA000, s10  }
0x6: {  	s5 =	rddreg [dreg:$0x3];
	s4 =	simm.s32 $0x0;
	s13 =	smul.u32 $0xA000, s12  }
0x7: {  	s29 =	simm.s32 $0x1AF00;
	s30 =	simm.s32 $0x1;
	s10 =	smul.u32 $0x2800, s10  }
0x8: {  	s31 =	simm.s32 $0x2;
	s15 =	sor.u32 $0x30, s25;
	s12 =	smul.u32 $0x2800, s12  }
0x9: {  	s28 =	simm.s32 $0x3;
	s16 =	sor.u32 $0x40, s25;
	s17 =	smul.u32 $0x2800, s15  }
0xa: {  	s3 =	sshll.u32 s25, $0x1;
	s19 =	sor.u32 $0x50, s25;
	s20 =	smul.u32 $0x2800, s16  }
0xb: {  	[smem:$0x7FF] =	sst s4;
	s18 =	sadd.s32 $0xE00, s5;
	s21 =	smul.u32 $0x2800, s19  }
0xc: {  	p1 =	sgt.u32 s25, $0xC;
	s3 =	sor.u32 s0, s3;
	s15 =	smul.u32 $0xA000, s15  }
0xd: {  	s0 =	ssub.s32 $0x2, s0;
	s7 =	smul.u32 $0x2710, s3;
	s3 =	rddreg [dreg:$0x4]  }
0xe: {  	_ =	strace $0x80000047;
	s22 =	sshrl.u32 s0, $0x1;
	s9 =	sshrl.u32 s9, $0x2  }
0xf: {  	s0 =	ssub.s32 s0, s22;
	s14 =	sadd.s32 s8, s14;
	s22 =	sadd.s32 s8, s10  }
0x10: {  	s12 =	sadd.s32 s8, s12;
	s17 =	sadd.s32 s8, s17;
	s20 =	sadd.s32 s8, s20  }
0x11: {  	s21 =	sadd.s32 s8, s21;
	s9 =	sadd.s32 s9, s3;
	s7 =	sshrl.u32 s7, $0x3  }
0x12: {  	s0 =	smax.u32 s0, $0x1;
	s14 =	sshrl.u32 s14, $0x3;
	s12 =	sshrl.u32 s12, $0x3  }
0x13: {  	s20 =	sshrl.u32 s20, $0x3;
	s21 =	sshrl.u32 s21, $0x3;
	s5 =	sadd.s32 s2, s7  }
0x14: {  	s2 =	sor.u32 $0x60, s25;
	s6 =	sadd.s32 s6, s7;
	[dreg:$0x8] =	wrdreg s0  }
0x15: {  	s0 =	sshrl.u32 s15, $0x2;
	[dreg:$0x6] =	wrdreg s6;
	s23 =	smul.u32 $0x2800, s2  }
0x16: {  	s6 =	sor.u32 $0x70, s25;
	s26 =	sadd.s32 $0x9C40, s5;
	s2 =	smul.u32 $0xA000, s2  }
0x17: {  	s15 =	sshrl.u32 s22, $0x3;
	s24 =	smul.u32 $0x2800, s6;
	[dreg:$0x7] =	wrdreg s26  }
0x18: {  	s26 =	smul.u32 $0xA000, s16;
	s16 =	sadd.s32 s18, s15;
	s15 =	sadd.s32 s18, s20  }
0x19: {  	s22 =	smul.u32 $0xA000, s6;
	s20 =	sadd.s32 s0, s3;
	p0 =	sgt.u32 s6, $0x7C  }
0x1a: {  	s0 =	simm.s32 $0x0;
	s7 =	sadd.s32 s8, s23;
	s23 =	sshrl.u32 s13, $0x2  }
0x1b: {  	s13 =	sadd.s32 s18, s14;
	[dreg:$0xa] =	wrdreg s16;
	s16 =	sadd.s32 s18, s21  }
0x1c: {  	s2 =	sshrl.u32 s2, $0x2;
	s8 =	sadd.s32 s8, s24;
	s24 =	sshrl.u32 s11, $0x2  }
0x1d: {  	s11 =	sshrl.u32 s26, $0x2;
	[dreg:$0x9] =	wrdreg s13;
	s13 =	sadd.s32 s18, s12  }
0x1e: {  	s7 =	sshrl.u32 s7, $0x3;
	s10 =	sadd.s32 s24, s3;
	s24 =	smul.u32 $0xA000, s19  }
0x1f: {  	s19 =	sshrl.u32 s17, $0x3;
	s8 =	sshrl.u32 s8, $0x3;
	s17 =	sadd.s32 s18, s7  }
0x20: {  	s21 =	sadd.s32 s11, s3;
	s7 =	sshrl.u32 s22, $0x2;
	s14 =	sadd.s32 s18, s19  }
0x21: {  	s18 =	sadd.s32 s18, s8;
	s19 =	sadd.s32 s23, s3;
	s23 =	sadd.s32 s2, s3  }
0x22: {  	s8 =	simm.s32 $0x13880;
	s2 =	simm.s32 $0x50;
	s26 =	sshrl.u32 s24, $0x2  }
0x23: {  	v0 =	vimm.f32 $0.0e+00;
	vm0 =	vmmov $0xffff;
	s24 =	sadd.s32 s7, s3;
	s22 =	sadd.s32 s26, s3;
	s26 =	simm.s32 $0x1D700  }
.LBB2_1:
0x24: {  	s6 =	rddreg [dreg:$0x7]  }
0x25: {  	[tilespmem:s8], [sflag:$0x2] =	stream.linear.gather [hbm4b:s6+s4], $0x2710, $0x38;
	[tilespmem:$0x1FF00] =	vst v63  }
0x26: {  	s12 =	simm.s32 $0x16000  }
0x27: {  	[tilespmem:s12], [sflag:$0x2] =	stream.linear.gather [hbm4b:s5+s4], $0x2710, $0x38;
	[tilespmem:$0x1FF00] =	vst v63  }
0x28: {  	s25 =	rddreg [dreg:$0x6];
	s7 =	simm.s32 $0x18780  }
0x29: {  	[tilespmem:s7], [sflag:$0x2] =	stream.linear.gather [hbm4b:s25+s4], $0x2710, $0x38;
	[tilespmem:$0x1FF00] =	vst v63  }
0x2a: {  	s6 =	simm.s32 $0x0;
	s7 =	simm.s32 $0x200  }
.LBB2_2:
0x2b: {  	p2 =	sne.s32 s7, $0x9E00;
	[tilespmem:s6+$0x1AF70] =	vst v0  }
0x2c: {  	[tilespmem:s6+$0x1AF00] =	vst v0  }
0x2d: {  	[tilespmem:s6+$0x1AF10] =	vst v0  }
.Ltmp0:
0x2e: {  	[tilespmem:s6+$0x1AF20] =	vst v0;
	(pc) =	sbr.rel @p2 .LBB2_2-.Ltmp0, $4  }
0x2f: {  	[tilespmem:s6+$0x1AF30] =	vst v0  }
0x30: {  	[tilespmem:s6+$0x1AF40] =	vst v0  }
0x31: {  	[tilespmem:s6+$0x1AF50] =	vst v0  }
0x32: {  	[tilespmem:s6+$0x1AF60] =	vst v0;
	s6 =	sshra.s32 s7, $0x2;
	s7 =	sadd.s32 $0x200, s7  }
0x33: {  	[tilespmem:s6+$0x1AF70] =	vst v0  }
0x34: {  	[tilespmem:s6+$0x1AF00] =	vst v0  }
0x35: {  	[tilespmem:s6+$0x1AF10] =	vst v0  }
0x36: {  	[tilespmem:s6+$0x1AF20] =	vst v0  }
0x37: {  	[tilespmem:s6+$0x1AF30] =	vst v0  }
0x38: {  	[tilespmem:s6+$0x1AF40] =	vst v0  }
0x39: {  	[tilespmem:s6+$0x1AF50] =	vst v0  }
0x3a: {  	[tilespmem:s6+$0x1AF60] =	vst v0  }
0x3b: {  	[spmem:s9] =	stream.linear.scatter [tilespmem:s29], [sflag:$0x1], $0x2800, $0x38;
	[tilespmem:$0x1FF00] =	vst v63  }
0x3c: {  	_ = 	snop  }
0x3d: {  	[spmem:s10] =	stream.linear.scatter [tilespmem:s29], [sflag:$0x1], $0x2800, $0x38;
	[tilespmem:$0x1FF00] =	vst v63  }
0x3e: {  	_ = 	snop  }
0x3f: {  	[spmem:s19] =	stream.linear.scatter [tilespmem:s29], [sflag:$0x1], $0x2800, $0x38;
	[tilespmem:$0x1FF00] =	vst v63  }
0x40: {  	_ = 	snop  }
0x41: {  	[spmem:s20] =	stream.linear.scatter [tilespmem:s29], [sflag:$0x1], $0x2800, $0x38;
	[tilespmem:$0x1FF00] =	vst v63  }
0x42: {  	_ = 	snop  }
0x43: {  	[spmem:s21] =	stream.linear.scatter [tilespmem:s29], [sflag:$0x1], $0x2800, $0x38;
	[tilespmem:$0x1FF00] =	vst v63  }
0x44: {  	_ = 	snop  }
0x45: {  	[spmem:s22] =	stream.linear.scatter [tilespmem:s29], [sflag:$0x1], $0x2800, $0x38;
	[tilespmem:$0x1FF00] =	vst v63  }
0x46: {  	_ = 	snop  }
0x47: {  	[spmem:s23] =	stream.linear.scatter [tilespmem:s29], [sflag:$0x1], $0x2800, $0x38;
	[tilespmem:$0x1FF00] =	vst v63  }
0x48: {  	s6 =	simm.s32 @!p0 $0x1AF00  }
0x49: {  	[spmem:s24] =	stream.linear.scatter @!p0 [tilespmem:s6], [sflag:$0x1], $0x2800, $0x38;
	[tilespmem:$0x1FF00] =	vst v63  }
0x4a: {  	_ =	swait.ge [sflag:s30], $0x2800  }
0x4b: {  	[sflag:s30] =	ssyncset.done $0x0  }
0x4c: {  	[sflag:s30] =	ssyncadd.s32 $0xFFFFD800  }
0x4d: {  	_ =	swait.ge [sflag:s30], $0x2800  }
0x4e: {  	[sflag:s30] =	ssyncset.done $0x0  }
0x4f: {  	[sflag:s30] =	ssyncadd.s32 $0xFFFFD800  }
0x50: {  	_ =	swait.ge [sflag:s30], $0x2800  }
0x51: {  	[sflag:s30] =	ssyncset.done $0x0  }
0x52: {  	[sflag:s30] =	ssyncadd.s32 $0xFFFFD800  }
0x53: {  	_ =	swait.ge [sflag:s30], $0x2800  }
0x54: {  	[sflag:s30] =	ssyncset.done $0x0  }
0x55: {  	[sflag:s30] =	ssyncadd.s32 $0xFFFFD800  }
0x56: {  	_ =	swait.ge [sflag:s30], $0x2800  }
0x57: {  	[sflag:s30] =	ssyncset.done $0x0  }
0x58: {  	[sflag:s30] =	ssyncadd.s32 $0xFFFFD800  }
0x59: {  	_ =	swait.ge [sflag:s30], $0x2800  }
0x5a: {  	[sflag:s30] =	ssyncset.done $0x0  }
0x5b: {  	[sflag:s30] =	ssyncadd.s32 $0xFFFFD800  }
0x5c: {  	_ =	swait.ge [sflag:s30], $0x2800  }
0x5d: {  	[sflag:s30] =	ssyncset.done $0x0  }
0x5e: {  	s6 =	simm.s32 @!p1 $0x1;
	[sflag:s30] =	ssyncadd.s32 $0xFFFFD800  }
0x5f: {  	_ =	swait.ge @!p1 [sflag:s6], $0x2800  }
0x60: {  	[sflag:s6] =	ssyncset.done @!p1 $0x0  }
0x61: {  	[sflag:s6] =	ssyncadd.s32 @!p1 $0xFFFFD800  }
0x62: {  	_ =	swait.ge [sflag:s31], $0x2710  }
0x63: {  	[sflag:s31] =	ssyncset.done $0x0  }
0x64: {  	[sflag:s31] =	ssyncadd.s32 $0xFFFFD8F0  }
0x65: {  	_ =	swait.ge [sflag:s31], $0x2710  }
0x66: {  	[sflag:s31] =	ssyncset.done $0x0  }
0x67: {  	[sflag:s31] =	ssyncadd.s32 $0xFFFFD8F0  }
0x68: {  	_ =	swait.ge [sflag:s31], $0x2710  }
0x69: {  	[sflag:s31] =	ssyncset.done $0x0  }
0x6a: {  	[sflag:s31] =	ssyncadd.s32 $0xFFFFD8F0  }
0x6b: {  	s6 =	simm.s32 $0x0;
	[bflag:$0x0] =	sbarrier.arrive $0xFFFF  }
0x6c: {  	[tilespmem:s29], [sflag:$0x1] =	stream.indirect.gather [hbm4b:s1+s2], $0x80, s8, s2, $0xb8;
	[tilespmem:$0x1FF00] =	vst v63  }
.LBB2_4:
0x6d: {  	s8 =	smul.u32 $0xA0, s6;
	_ =	sdelay $0x1  }
0x6e: {  	s7 =	sadd.s32 $0x138D0, s8  }
0x6f: {  	v1 =	vmov s8;
	[tilespmem:s26], [sflag:$0x2] =	stream.indirect.gather [hbm4b:s1+s2], $0x80, s7, s2, $0xb8;
	[tilespmem:$0x1FF00] =	vst v63  }
0x70: {  	_ =	swait.ge [sflag:s30], $0x2800  }
0x71: {  	[sflag:s30] =	ssyncset.done $0x0  }
0x72: {  	s11 =	simm.s32 $0x0;
	s7 =	sadd.s32 $0x50, s8;
	[sflag:s30] =	ssyncadd.s32 $0xFFFFD800  }
.LBB2_5:
0x73: {  	s12 =	sshll.u32 s11, $0x4  }
0x74: {  	s25 =	sshll.u32 s11, $0xB;
	v2 =	vld.idx.msk [tilespmem:v1+s12+$0x18780 ss:$0x1], $0xffff  }
0x75: {  	s25 =	sand.u32 $0x3FFFF800, s25  }
0x76: {  	v3 =	vld [tilespmem:s25+$0x1AF00]  }
0x77: {  	v4 =	vld [tilespmem:s25+$0x1AF10]  }
0x78: {  	v5 =	vld [tilespmem:s25+$0x1AF20]  }
0x79: {  	v7 =	vld [tilespmem:s25+$0x1AF30];
	v6 =	vbroadcast v2, $0x0  }
0x7a: {  	v8 =	vld [tilespmem:s25+$0x1AF40]  }
0x7b: {  	v9 =	vld [tilespmem:s25+$0x1AF50];
	v3 =	vmul.f32 v6, v3  }
0x7c: {  	v10 =	vld [tilespmem:s25+$0x1AF60];
	v4 =	vmul.f32 v4, v6  }
0x7d: {  	v24 =	vld [tilespmem:s25+$0x1AF70];
	[tilespmem:s25+$0x1AF00] =	vst v3;
	v3 =	vmul.f32 v5, v6  }
0x7e: {  	v26 =	vld [tilespmem:s25+$0x1AF80];
	v25 =	vmul.f32 v7, v6;
	[tilespmem:s25+$0x1AF10] =	vst v4  }
0x7f: {  	v27 =	vld [tilespmem:s25+$0x1AF90];
	[tilespmem:s25+$0x1AF20] =	vst v3;
	v3 =	vmul.f32 v8, v6  }
0x80: {  	v29 =	vld [tilespmem:s25+$0x1AFA0];
	v28 =	vmul.f32 v9, v6;
	[tilespmem:s25+$0x1AF30] =	vst v25  }
0x81: {  	v11 =	vld [tilespmem:s25+$0x1AFB0];
	v30 =	vbroadcast v2, $0x1;
	[tilespmem:s25+$0x1AF40] =	vst v3;
	v3 =	vmul.f32 v10, v6  }
0x82: {  	v32 =	vld [tilespmem:s25+$0x1AFC0];
	v31 =	vmul.f32 v24, v6;
	[tilespmem:s25+$0x1AF50] =	vst v28  }
0x83: {  	v33 =	vld [tilespmem:s25+$0x1AFD0];
	[tilespmem:s25+$0x1AF60] =	vst v3;
	v3 =	vmul.f32 v26, v30  }
0x84: {  	v35 =	vld [tilespmem:s25+$0x1AFE0];
	v34 =	vmul.f32 v27, v30;
	[tilespmem:s25+$0x1AF70] =	vst v31  }
0x85: {  	v36 =	vld [tilespmem:s25+$0x1AFF0];
	[tilespmem:s25+$0x1AF80] =	vst v3;
	v3 =	vmul.f32 v29, v30  }
0x86: {  	v38 =	vld [tilespmem:s25+$0x1B000];
	v37 =	vmul.f32 v11, v30;
	[tilespmem:s25+$0x1AF90] =	vst v34  }
0x87: {  	v39 =	vld [tilespmem:s25+$0x1B010];
	[tilespmem:s25+$0x1AFA0] =	vst v3;
	v3 =	vmul.f32 v32, v30  }
0x88: {  	v41 =	vld [tilespmem:s25+$0x1B020];
	v40 =	vmul.f32 v33, v30;
	[tilespmem:s25+$0x1AFB0] =	vst v37  }
0x89: {  	v43 =	vld [tilespmem:s25+$0x1B030];
	v42 =	vbroadcast v2, $0x2;
	[tilespmem:s25+$0x1AFC0] =	vst v3;
	v3 =	vmul.f32 v35, v30  }
0x8a: {  	v45 =	vld [tilespmem:s25+$0x1B040];
	v44 =	vmul.f32 v36, v30;
	[tilespmem:s25+$0x1AFD0] =	vst v40  }
0x8b: {  	v46 =	vld [tilespmem:s25+$0x1B050];
	[tilespmem:s25+$0x1AFE0] =	vst v3;
	v3 =	vmul.f32 v38, v42  }
0x8c: {  	v48 =	vld [tilespmem:s25+$0x1B060];
	v47 =	vmul.f32 v39, v42;
	[tilespmem:s25+$0x1AFF0] =	vst v44  }
0x8d: {  	v49 =	vld [tilespmem:s25+$0x1B070];
	[tilespmem:s25+$0x1B000] =	vst v3;
	v3 =	vmul.f32 v41, v42  }
0x8e: {  	v51 =	vld [tilespmem:s25+$0x1B080];
	v50 =	vmul.f32 v43, v42;
	[tilespmem:s25+$0x1B010] =	vst v47  }
0x8f: {  	v52 =	vld [tilespmem:s25+$0x1B090];
	[tilespmem:s25+$0x1B020] =	vst v3;
	v3 =	vmul.f32 v45, v42  }
0x90: {  	v54 =	vld [tilespmem:s25+$0x1B0A0];
	v53 =	vmul.f32 v46, v42;
	[tilespmem:s25+$0x1B030] =	vst v50  }
0x91: {  	v56 =	vld [tilespmem:s25+$0x1B0B0];
	v55 =	vbroadcast v2, $0x3;
	[tilespmem:s25+$0x1B040] =	vst v3;
	v3 =	vmul.f32 v48, v42  }
0x92: {  	v58 =	vld [tilespmem:s25+$0x1B0C0];
	v57 =	vmul.f32 v49, v42;
	[tilespmem:s25+$0x1B050] =	vst v53  }
0x93: {  	v59 =	vld [tilespmem:s25+$0x1B0D0];
	[tilespmem:s25+$0x1B060] =	vst v3;
	v3 =	vmul.f32 v51, v55  }
0x94: {  	v61 =	vld [tilespmem:s25+$0x1B0E0];
	v60 =	vmul.f32 v52, v55;
	[tilespmem:s25+$0x1B070] =	vst v57  }
0x95: {  	v62 =	vld [tilespmem:s25+$0x1B0F0];
	[tilespmem:s25+$0x1B080] =	vst v3;
	v3 =	vmul.f32 v54, v55  }
0x96: {  	v12 =	vld [tilespmem:s25+$0x1B100];
	v63 =	vmul.f32 v56, v55;
	[tilespmem:s25+$0x1B090] =	vst v60  }
0x97: {  	v13 =	vld [tilespmem:s25+$0x1B110];
	[tilespmem:s25+$0x1B0A0] =	vst v3;
	v3 =	vmul.f32 v58, v55  }
0x98: {  	v15 =	vld [tilespmem:s25+$0x1B120];
	v14 =	vmul.f32 v59, v55;
	[tilespmem:s25+$0x1B0B0] =	vst v63  }
0x99: {  	v17 =	vld [tilespmem:s25+$0x1B130];
	v16 =	vbroadcast v2, $0x4;
	[tilespmem:s25+$0x1B0C0] =	vst v3;
	v3 =	vmul.f32 v61, v55  }
0x9a: {  	v19 =	vld [tilespmem:s25+$0x1B140];
	v18 =	vmul.f32 v62, v55;
	[tilespmem:s25+$0x1B0D0] =	vst v14  }
0x9b: {  	v20 =	vld [tilespmem:s25+$0x1B150];
	[tilespmem:s25+$0x1B0E0] =	vst v3;
	v3 =	vmul.f32 v12, v16  }
0x9c: {  	v22 =	vld [tilespmem:s25+$0x1B160];
	v21 =	vmul.f32 v13, v16;
	[tilespmem:s25+$0x1B0F0] =	vst v18  }
0x9d: {  	v23 =	vld [tilespmem:s25+$0x1B170];
	[tilespmem:s25+$0x1B100] =	vst v3;
	v3 =	vmul.f32 v15, v16  }
0x9e: {  	v24 =	vmul.f32 v17, v16;
	[tilespmem:s25+$0x1B110] =	vst v21;
	v25 =	vld [tilespmem:s25+$0x1B180]  }
0x9f: {  	v33 =	vld [tilespmem:s25+$0x1B1D0];
	[tilespmem:s25+$0x1B120] =	vst v3;
	v3 =	vmul.f32 v19, v16  }
0xa0: {  	v27 =	vmul.f32 v20, v16;
	[tilespmem:s25+$0x1B130] =	vst v24;
	v28 =	vld [tilespmem:s25+$0x1B1A0]  }
0xa1: {  	v36 =	vld [tilespmem:s25+$0x1B1F0];
	v29 =	vbroadcast v2, $0x5;
	[tilespmem:s25+$0x1B140] =	vst v3;
	v3 =	vmul.f32 v22, v16  }
0xa2: {  	[tilespmem:s25+$0x1B150] =	vst v27;
	v31 =	vmul.f32 v23, v16;
	v32 =	vld [tilespmem:s25+$0x1B1C0]  }
0xa3: {  	v26 =	vld [tilespmem:s25+$0x1B190];
	[tilespmem:s25+$0x1B160] =	vst v3;
	v3 =	vmul.f32 v25, v29  }
0xa4: {  	[tilespmem:s25+$0x1B170] =	vst v31;
	v40 =	vmul.f32 v33, v29;
	v35 =	vld [tilespmem:s25+$0x1B1E0]  }
0xa5: {  	v30 =	vld [tilespmem:s25+$0x1B1B0];
	[tilespmem:s25+$0x1B180] =	vst v3;
	v3 =	vmul.f32 v28, v29  }
0xa6: {  	v44 =	vmul.f32 v36, v29;
	[tilespmem:s25+$0x1B1D0] =	vst v40;
	v38 =	vld [tilespmem:s25+$0x1B200]  }
0xa7: {  	v39 =	vld [tilespmem:s25+$0x1B210];
	[tilespmem:s25+$0x1B1A0] =	vst v3;
	v3 =	vmul.f32 v32, v29  }
0xa8: {  	v34 =	vmul.f32 v26, v29;
	[tilespmem:s25+$0x1B1F0] =	vst v44;
	v41 =	vld [tilespmem:s25+$0x1B220]  }
0xa9: {  	v43 =	vld [tilespmem:s25+$0x1B230];
	v42 =	vbroadcast v2, $0x6;
	[tilespmem:s25+$0x1B1C0] =	vst v3;
	v3 =	vmul.f32 v35, v29  }
0xaa: {  	[tilespmem:s25+$0x1B190] =	vst v34;
	v37 =	vmul.f32 v30, v29;
	v45 =	vld [tilespmem:s25+$0x1B240]  }
0xab: {  	v46 =	vld [tilespmem:s25+$0x1B250];
	[tilespmem:s25+$0x1B1E0] =	vst v3;
	v3 =	vmul.f32 v38, v42  }
0xac: {  	[tilespmem:s25+$0x1B1B0] =	vst v37;
	v48 =	vld [tilespmem:s25+$0x1B260];
	v47 =	vmul.f32 v39, v42  }
0xad: {  	v49 =	vld [tilespmem:s25+$0x1B270];
	[tilespmem:s25+$0x1B200] =	vst v3;
	v3 =	vmul.f32 v41, v42  }
0xae: {  	v50 =	vmul.f32 v43, v42;
	v51 =	vld [tilespmem:s25+$0x1B280];
	[tilespmem:s25+$0x1B210] =	vst v47  }
0xaf: {  	v52 =	vld [tilespmem:s25+$0x1B290];
	[tilespmem:s25+$0x1B220] =	vst v3;
	v3 =	vmul.f32 v45, v42  }
0xb0: {  	v53 =	vmul.f32 v46, v42;
	[tilespmem:s25+$0x1B230] =	vst v50;
	v54 =	vld [tilespmem:s25+$0x1B2A0]  }
0xb1: {  	v56 =	vld [tilespmem:s25+$0x1B2B0];
	v55 =	vbroadcast v2, $0x7;
	[tilespmem:s25+$0x1B240] =	vst v3;
	v3 =	vmul.f32 v48, v42  }
0xb2: {  	v57 =	vmul.f32 v49, v42;
	[tilespmem:s25+$0x1B250] =	vst v53;
	v58 =	vld [tilespmem:s25+$0x1B2C0]  }
0xb3: {  	v59 =	vld [tilespmem:s25+$0x1B2D0];
	[tilespmem:s25+$0x1B260] =	vst v3;
	v3 =	vmul.f32 v51, v55  }
0xb4: {  	[tilespmem:s25+$0x1B270] =	vst v57;
	v61 =	vld [tilespmem:s25+$0x1B2E0];
	v60 =	vmul.f32 v52, v55  }
0xb5: {  	v62 =	vld [tilespmem:s25+$0x1B2F0];
	[tilespmem:s25+$0x1B280] =	vst v3;
	v3 =	vmul.f32 v54, v55  }
0xb6: {  	v63 =	vmul.f32 v56, v55;
	v12 =	vld [tilespmem:s25+$0x1B300];
	[tilespmem:s25+$0x1B290] =	vst v60  }
0xb7: {  	v13 =	vld [tilespmem:s25+$0x1B310];
	[tilespmem:s25+$0x1B2A0] =	vst v3;
	v3 =	vmul.f32 v58, v55  }
0xb8: {  	v14 =	vmul.f32 v59, v55;
	[tilespmem:s25+$0x1B2B0] =	vst v63;
	v15 =	vld [tilespmem:s25+$0x1B320]  }
0xb9: {  	v17 =	vld [tilespmem:s25+$0x1B330];
	v16 =	vbroadcast v2, $0x8;
	[tilespmem:s25+$0x1B2C0] =	vst v3;
	v3 =	vmul.f32 v61, v55  }
0xba: {  	v18 =	vmul.f32 v62, v55;
	[tilespmem:s25+$0x1B2D0] =	vst v14;
	v19 =	vld [tilespmem:s25+$0x1B340]  }
0xbb: {  	v20 =	vld [tilespmem:s25+$0x1B350];
	[tilespmem:s25+$0x1B2E0] =	vst v3;
	v3 =	vmul.f32 v12, v16  }
0xbc: {  	[tilespmem:s25+$0x1B2F0] =	vst v18;
	v22 =	vld [tilespmem:s25+$0x1B360];
	v21 =	vmul.f32 v13, v16  }
0xbd: {  	v23 =	vld [tilespmem:s25+$0x1B370];
	[tilespmem:s25+$0x1B300] =	vst v3;
	v3 =	vmul.f32 v15, v16  }
0xbe: {  	v24 =	vmul.f32 v17, v16;
	v25 =	vld [tilespmem:s25+$0x1B380];
	[tilespmem:s25+$0x1B310] =	vst v21  }
0xbf: {  	v26 =	vld [tilespmem:s25+$0x1B390];
	[tilespmem:s25+$0x1B320] =	vst v3;
	v3 =	vmul.f32 v19, v16  }
0xc0: {  	v27 =	vmul.f32 v20, v16;
	[tilespmem:s25+$0x1B330] =	vst v24;
	v28 =	vld [tilespmem:s25+$0x1B3A0]  }
0xc1: {  	v30 =	vld [tilespmem:s25+$0x1B3B0];
	v29 =	vbroadcast v2, $0x9;
	[tilespmem:s25+$0x1B340] =	vst v3;
	v3 =	vmul.f32 v22, v16  }
0xc2: {  	v31 =	vmul.f32 v23, v16;
	[tilespmem:s25+$0x1B350] =	vst v27;
	v32 =	vld [tilespmem:s25+$0x1B3C0]  }
0xc3: {  	v33 =	vld [tilespmem:s25+$0x1B3D0];
	[tilespmem:s25+$0x1B360] =	vst v3;
	v3 =	vmul.f32 v25, v29  }
0xc4: {  	[tilespmem:s25+$0x1B370] =	vst v31;
	v35 =	vld [tilespmem:s25+$0x1B3E0];
	v34 =	vmul.f32 v26, v29  }
0xc5: {  	v36 =	vld [tilespmem:s25+$0x1B3F0];
	[tilespmem:s25+$0x1B380] =	vst v3;
	v3 =	vmul.f32 v28, v29  }
0xc6: {  	v37 =	vmul.f32 v30, v29;
	v38 =	vld [tilespmem:s25+$0x1B400];
	[tilespmem:s25+$0x1B390] =	vst v34  }
0xc7: {  	v39 =	vld [tilespmem:s25+$0x1B410];
	[tilespmem:s25+$0x1B3A0] =	vst v3;
	v3 =	vmul.f32 v32, v29  }
0xc8: {  	v40 =	vmul.f32 v33, v29;
	[tilespmem:s25+$0x1B3B0] =	vst v37;
	v41 =	vld [tilespmem:s25+$0x1B420]  }
0xc9: {  	v43 =	vld [tilespmem:s25+$0x1B430];
	v42 =	vbroadcast v2, $0xA;
	[tilespmem:s25+$0x1B3C0] =	vst v3;
	v3 =	vmul.f32 v35, v29  }
0xca: {  	v44 =	vmul.f32 v36, v29;
	[tilespmem:s25+$0x1B3D0] =	vst v40;
	v45 =	vld [tilespmem:s25+$0x1B440]  }
0xcb: {  	v46 =	vld [tilespmem:s25+$0x1B450];
	[tilespmem:s25+$0x1B3E0] =	vst v3;
	v3 =	vmul.f32 v38, v42  }
0xcc: {  	[tilespmem:s25+$0x1B3F0] =	vst v44;
	v48 =	vld [tilespmem:s25+$0x1B460];
	v47 =	vmul.f32 v39, v42  }
0xcd: {  	v49 =	vld [tilespmem:s25+$0x1B470];
	[tilespmem:s25+$0x1B400] =	vst v3;
	v3 =	vmul.f32 v41, v42  }
0xce: {  	v50 =	vmul.f32 v43, v42;
	v51 =	vld [tilespmem:s25+$0x1B480];
	[tilespmem:s25+$0x1B410] =	vst v47  }
0xcf: {  	v52 =	vld [tilespmem:s25+$0x1B490];
	[tilespmem:s25+$0x1B420] =	vst v3;
	v3 =	vmul.f32 v45, v42  }
0xd0: {  	v53 =	vmul.f32 v46, v42;
	[tilespmem:s25+$0x1B430] =	vst v50;
	v54 =	vld [tilespmem:s25+$0x1B4A0]  }
0xd1: {  	v56 =	vld [tilespmem:s25+$0x1B4B0];
	v55 =	vbroadcast v2, $0xB;
	[tilespmem:s25+$0x1B440] =	vst v3;
	v3 =	vmul.f32 v48, v42  }
0xd2: {  	v57 =	vmul.f32 v49, v42;
	[tilespmem:s25+$0x1B450] =	vst v53;
	v58 =	vld [tilespmem:s25+$0x1B4C0]  }
0xd3: {  	v59 =	vld [tilespmem:s25+$0x1B4D0];
	[tilespmem:s25+$0x1B460] =	vst v3;
	v3 =	vmul.f32 v51, v55  }
0xd4: {  	[tilespmem:s25+$0x1B470] =	vst v57;
	v61 =	vld [tilespmem:s25+$0x1B4E0];
	v60 =	vmul.f32 v52, v55  }
0xd5: {  	v62 =	vld [tilespmem:s25+$0x1B4F0];
	[tilespmem:s25+$0x1B480] =	vst v3;
	v3 =	vmul.f32 v54, v55  }
0xd6: {  	v63 =	vmul.f32 v56, v55;
	v12 =	vld [tilespmem:s25+$0x1B500];
	[tilespmem:s25+$0x1B490] =	vst v60  }
0xd7: {  	v13 =	vld [tilespmem:s25+$0x1B510];
	[tilespmem:s25+$0x1B4A0] =	vst v3;
	v3 =	vmul.f32 v58, v55  }
0xd8: {  	v14 =	vmul.f32 v59, v55;
	[tilespmem:s25+$0x1B4B0] =	vst v63;
	v15 =	vld [tilespmem:s25+$0x1B520]  }
0xd9: {  	v17 =	vld [tilespmem:s25+$0x1B530];
	v16 =	vbroadcast v2, $0xC;
	[tilespmem:s25+$0x1B4C0] =	vst v3;
	v3 =	vmul.f32 v61, v55  }
0xda: {  	v18 =	vmul.f32 v62, v55;
	[tilespmem:s25+$0x1B4D0] =	vst v14;
	v19 =	vld [tilespmem:s25+$0x1B540]  }
0xdb: {  	v20 =	vld [tilespmem:s25+$0x1B550];
	[tilespmem:s25+$0x1B4E0] =	vst v3;
	v3 =	vmul.f32 v12, v16  }
0xdc: {  	[tilespmem:s25+$0x1B4F0] =	vst v18;
	v22 =	vld [tilespmem:s25+$0x1B560];
	v21 =	vmul.f32 v13, v16  }
0xdd: {  	v23 =	vld [tilespmem:s25+$0x1B570];
	[tilespmem:s25+$0x1B500] =	vst v3;
	v3 =	vmul.f32 v15, v16  }
0xde: {  	v24 =	vmul.f32 v17, v16;
	v25 =	vld [tilespmem:s25+$0x1B580];
	[tilespmem:s25+$0x1B510] =	vst v21  }
0xdf: {  	v26 =	vld [tilespmem:s25+$0x1B590];
	[tilespmem:s25+$0x1B520] =	vst v3;
	v3 =	vmul.f32 v19, v16  }
0xe0: {  	v27 =	vmul.f32 v20, v16;
	[tilespmem:s25+$0x1B530] =	vst v24;
	v28 =	vld [tilespmem:s25+$0x1B5A0]  }
0xe1: {  	v30 =	vld [tilespmem:s25+$0x1B5B0];
	v29 =	vbroadcast v2, $0xD;
	[tilespmem:s25+$0x1B540] =	vst v3;
	v3 =	vmul.f32 v22, v16  }
0xe2: {  	v31 =	vmul.f32 v23, v16;
	[tilespmem:s25+$0x1B550] =	vst v27;
	v32 =	vld [tilespmem:s25+$0x1B5C0]  }
0xe3: {  	v33 =	vld [tilespmem:s25+$0x1B5D0];
	[tilespmem:s25+$0x1B560] =	vst v3;
	v3 =	vmul.f32 v25, v29  }
0xe4: {  	[tilespmem:s25+$0x1B570] =	vst v31;
	v35 =	vld [tilespmem:s25+$0x1B5E0];
	v34 =	vmul.f32 v26, v29  }
0xe5: {  	v36 =	vld [tilespmem:s25+$0x1B5F0];
	[tilespmem:s25+$0x1B580] =	vst v3;
	v3 =	vmul.f32 v28, v29  }
0xe6: {  	v37 =	vmul.f32 v30, v29;
	v38 =	vld [tilespmem:s25+$0x1B600];
	[tilespmem:s25+$0x1B590] =	vst v34  }
0xe7: {  	v39 =	vld [tilespmem:s25+$0x1B610];
	[tilespmem:s25+$0x1B5A0] =	vst v3;
	v3 =	vmul.f32 v32, v29  }
0xe8: {  	v40 =	vmul.f32 v33, v29;
	[tilespmem:s25+$0x1B5B0] =	vst v37;
	v41 =	vld [tilespmem:s25+$0x1B620]  }
0xe9: {  	v43 =	vld [tilespmem:s25+$0x1B630];
	v42 =	vbroadcast v2, $0xE;
	[tilespmem:s25+$0x1B5C0] =	vst v3;
	v3 =	vmul.f32 v35, v29  }
0xea: {  	v44 =	vmul.f32 v36, v29;
	[tilespmem:s25+$0x1B5D0] =	vst v40;
	v45 =	vld [tilespmem:s25+$0x1B640]  }
0xeb: {  	v46 =	vld [tilespmem:s25+$0x1B650];
	[tilespmem:s25+$0x1B5E0] =	vst v3;
	v3 =	vmul.f32 v38, v42  }
0xec: {  	[tilespmem:s25+$0x1B5F0] =	vst v44;
	v48 =	vld [tilespmem:s25+$0x1B660];
	v47 =	vmul.f32 v39, v42  }
0xed: {  	v49 =	vld [tilespmem:s25+$0x1B670];
	[tilespmem:s25+$0x1B600] =	vst v3;
	v3 =	vmul.f32 v41, v42  }
0xee: {  	v50 =	vmul.f32 v43, v42;
	v51 =	vld [tilespmem:s25+$0x1B680];
	[tilespmem:s25+$0x1B610] =	vst v47  }
0xef: {  	v52 =	vld [tilespmem:s25+$0x1B690];
	[tilespmem:s25+$0x1B620] =	vst v3;
	v3 =	vmul.f32 v45, v42  }
0xf0: {  	v53 =	vmul.f32 v46, v42;
	[tilespmem:s25+$0x1B630] =	vst v50;
	v54 =	vld [tilespmem:s25+$0x1B6A0]  }
0xf1: {  	v2 =	vbroadcast v2, $0xF;
	v58 =	vld [tilespmem:s25+$0x1B6D0];
	[tilespmem:s25+$0x1B640] =	vst v3;
	v3 =	vmul.f32 v48, v42  }
0xf2: {  	v57 =	vld [tilespmem:s25+$0x1B6C0];
	v56 =	vmul.f32 v49, v42;
	[tilespmem:s25+$0x1B650] =	vst v53  }
0xf3: {  	v55 =	vld [tilespmem:s25+$0x1B6B0];
	[tilespmem:s25+$0x1B660] =	vst v3;
	v3 =	vmul.f32 v51, v2  }
0xf4: {  	v60 =	vld [tilespmem:s25+$0x1B6E0];
	v59 =	vmul.f32 v52, v2;
	[tilespmem:s25+$0x1B670] =	vst v56  }
0xf5: {  	v61 =	vld [tilespmem:s25+$0x1B6F0];
	[tilespmem:s25+$0x1B680] =	vst v3;
	v3 =	vmul.f32 v54, v2  }
0xf6: {  	[tilespmem:s25+$0x1B690] =	vst v59;
	v63 =	vmul.f32 v58, v2  }
0xf7: {  	[tilespmem:s25+$0x1B6A0] =	vst v3;
	v3 =	vmul.f32 v57, v2  }
0xf8: {  	v62 =	vmul.f32 v55, v2;
	[tilespmem:s25+$0x1B6D0] =	vst v63  }
0xf9: {  	[tilespmem:s25+$0x1B6C0] =	vst v3;
	v3 =	vmul.f32 v60, v2  }
0xfa: {  	[tilespmem:s25+$0x1B6B0] =	vst v62;
	v2 =	vmul.f32 v61, v2  }
0xfb: {  	[tilespmem:s25+$0x1B6E0] =	vst v3  }
0xfc: {  	[tilespmem:s25+$0x1B6F0] =	vst v2  }
0xfd: {  	v2 =	vld.idx.msk [tilespmem:v1+s12+$0x16000 ss:$0x1], $0xffff;
	_ =	sdelay $0x2  }
0xfe: {  	p2 =	sne.s32 s11, $0x4  }
.Ltmp1:
0xff: {  	_ = 	snop;
	(pc) =	sbr.rel @p2 .LBB2_5-.Ltmp1, $3  }
0x100: {  	_ =	sdelay $0x1  }
0x101: {  	s11 =	sadd.s32 $0x1, s11;
	s25 =	sadd.s32 $0x1AF00, s25  }
0x102: {  	[spmem:s3] =	stream.indirect_vreg.scatter.add.f32 [tilespmem:s25], [sflag:$0x3], $0x80, v2, vm0, $0xb8;
	[tilespmem:$0x1FF00] =	vst v63  }
0x103: {  	_ =	swait.ge [sflag:s28], $0x2800  }
0x104: {  	[sflag:s28] =	ssyncset.done $0x0  }
0x105: {  	s8 =	sadd.s32 $0x13920, s8;
	[sflag:s28] =	ssyncadd.s32 $0xFFFFD800  }
0x106: {  	v1 =	vmov s7;
	[tilespmem:s29], [sflag:$0x1] =	stream.indirect.gather [hbm4b:s1+s2], $0x80, s8, s2, $0xb8;
	[tilespmem:$0x1FF00] =	vst v63  }
0x107: {  	_ =	swait.ge [sflag:s31], $0x2800  }
0x108: {  	[sflag:s31] =	ssyncset.done $0x0  }
0x109: {  	s8 =	simm.s32 $0x0;
	[sflag:s31] =	ssyncadd.s32 $0xFFFFD800  }
.LBB2_7:
0x10a: {  	s7 =	sshll.u32 s8, $0x4  }
0x10b: {  	s11 =	sshll.u32 s8, $0xB;
	v2 =	vld.idx.msk [tilespmem:v1+s7+$0x18780 ss:$0x1], $0xffff  }
0x10c: {  	s11 =	sand.u32 $0x3FFFF800, s11  }
0x10d: {  	v3 =	vld [tilespmem:s11+$0x1D700]  }
0x10e: {  	v4 =	vld [tilespmem:s11+$0x1D710]  }
0x10f: {  	v5 =	vld [tilespmem:s11+$0x1D720]  }
0x110: {  	v7 =	vld [tilespmem:s11+$0x1D730];
	v6 =	vbroadcast v2, $0x0  }
0x111: {  	v8 =	vld [tilespmem:s11+$0x1D740]  }
0x112: {  	v9 =	vld [tilespmem:s11+$0x1D750];
	v3 =	vmul.f32 v6, v3  }
0x113: {  	v10 =	vld [tilespmem:s11+$0x1D760];
	v4 =	vmul.f32 v4, v6  }
0x114: {  	v24 =	vld [tilespmem:s11+$0x1D770];
	[tilespmem:s11+$0x1D700] =	vst v3;
	v3 =	vmul.f32 v5, v6  }
0x115: {  	v26 =	vld [tilespmem:s11+$0x1D780];
	v25 =	vmul.f32 v7, v6;
	[tilespmem:s11+$0x1D710] =	vst v4  }
0x116: {  	v27 =	vld [tilespmem:s11+$0x1D790];
	[tilespmem:s11+$0x1D720] =	vst v3;
	v3 =	vmul.f32 v8, v6  }
0x117: {  	v29 =	vld [tilespmem:s11+$0x1D7A0];
	v28 =	vmul.f32 v9, v6;
	[tilespmem:s11+$0x1D730] =	vst v25  }
0x118: {  	v11 =	vld [tilespmem:s11+$0x1D7B0];
	v30 =	vbroadcast v2, $0x1;
	[tilespmem:s11+$0x1D740] =	vst v3;
	v3 =	vmul.f32 v10, v6  }
0x119: {  	v32 =	vld [tilespmem:s11+$0x1D7C0];
	v31 =	vmul.f32 v24, v6;
	[tilespmem:s11+$0x1D750] =	vst v28  }
0x11a: {  	v33 =	vld [tilespmem:s11+$0x1D7D0];
	[tilespmem:s11+$0x1D760] =	vst v3;
	v3 =	vmul.f32 v26, v30  }
0x11b: {  	v35 =	vld [tilespmem:s11+$0x1D7E0];
	v34 =	vmul.f32 v27, v30;
	[tilespmem:s11+$0x1D770] =	vst v31  }
0x11c: {  	v36 =	vld [tilespmem:s11+$0x1D7F0];
	[tilespmem:s11+$0x1D780] =	vst v3;
	v3 =	vmul.f32 v29, v30  }
0x11d: {  	v38 =	vld [tilespmem:s11+$0x1D800];
	v37 =	vmul.f32 v11, v30;
	[tilespmem:s11+$0x1D790] =	vst v34  }
0x11e: {  	v39 =	vld [tilespmem:s11+$0x1D810];
	[tilespmem:s11+$0x1D7A0] =	vst v3;
	v3 =	vmul.f32 v32, v30  }
0x11f: {  	v41 =	vld [tilespmem:s11+$0x1D820];
	v40 =	vmul.f32 v33, v30;
	[tilespmem:s11+$0x1D7B0] =	vst v37  }
0x120: {  	v43 =	vld [tilespmem:s11+$0x1D830];
	v42 =	vbroadcast v2, $0x2;
	[tilespmem:s11+$0x1D7C0] =	vst v3;
	v3 =	vmul.f32 v35, v30  }
0x121: {  	v45 =	vld [tilespmem:s11+$0x1D840];
	v44 =	vmul.f32 v36, v30;
	[tilespmem:s11+$0x1D7D0] =	vst v40  }
0x122: {  	v46 =	vld [tilespmem:s11+$0x1D850];
	[tilespmem:s11+$0x1D7E0] =	vst v3;
	v3 =	vmul.f32 v38, v42  }
0x123: {  	v48 =	vld [tilespmem:s11+$0x1D860];
	v47 =	vmul.f32 v39, v42;
	[tilespmem:s11+$0x1D7F0] =	vst v44  }
0x124: {  	v49 =	vld [tilespmem:s11+$0x1D870];
	[tilespmem:s11+$0x1D800] =	vst v3;
	v3 =	vmul.f32 v41, v42  }
0x125: {  	v51 =	vld [tilespmem:s11+$0x1D880];
	v50 =	vmul.f32 v43, v42;
	[tilespmem:s11+$0x1D810] =	vst v47  }
0x126: {  	v52 =	vld [tilespmem:s11+$0x1D890];
	[tilespmem:s11+$0x1D820] =	vst v3;
	v3 =	vmul.f32 v45, v42  }
0x127: {  	v54 =	vld [tilespmem:s11+$0x1D8A0];
	v53 =	vmul.f32 v46, v42;
	[tilespmem:s11+$0x1D830] =	vst v50  }
0x128: {  	v56 =	vld [tilespmem:s11+$0x1D8B0];
	v55 =	vbroadcast v2, $0x3;
	[tilespmem:s11+$0x1D840] =	vst v3;
	v3 =	vmul.f32 v48, v42  }
0x129: {  	v58 =	vld [tilespmem:s11+$0x1D8C0];
	v57 =	vmul.f32 v49, v42;
	[tilespmem:s11+$0x1D850] =	vst v53  }
0x12a: {  	v59 =	vld [tilespmem:s11+$0x1D8D0];
	[tilespmem:s11+$0x1D860] =	vst v3;
	v3 =	vmul.f32 v51, v55  }
0x12b: {  	v61 =	vld [tilespmem:s11+$0x1D8E0];
	v60 =	vmul.f32 v52, v55;
	[tilespmem:s11+$0x1D870] =	vst v57  }
0x12c: {  	v62 =	vld [tilespmem:s11+$0x1D8F0];
	[tilespmem:s11+$0x1D880] =	vst v3;
	v3 =	vmul.f32 v54, v55  }
0x12d: {  	v12 =	vld [tilespmem:s11+$0x1D900];
	v63 =	vmul.f32 v56, v55;
	[tilespmem:s11+$0x1D890] =	vst v60  }
0x12e: {  	v13 =	vld [tilespmem:s11+$0x1D910];
	[tilespmem:s11+$0x1D8A0] =	vst v3;
	v3 =	vmul.f32 v58, v55  }
0x12f: {  	v15 =	vld [tilespmem:s11+$0x1D920];
	v14 =	vmul.f32 v59, v55;
	[tilespmem:s11+$0x1D8B0] =	vst v63  }
0x130: {  	v17 =	vld [tilespmem:s11+$0x1D930];
	v16 =	vbroadcast v2, $0x4;
	[tilespmem:s11+$0x1D8C0] =	vst v3;
	v3 =	vmul.f32 v61, v55  }
0x131: {  	v19 =	vld [tilespmem:s11+$0x1D940];
	v18 =	vmul.f32 v62, v55;
	[tilespmem:s11+$0x1D8D0] =	vst v14  }
0x132: {  	v20 =	vld [tilespmem:s11+$0x1D950];
	[tilespmem:s11+$0x1D8E0] =	vst v3;
	v3 =	vmul.f32 v12, v16  }
0x133: {  	v22 =	vld [tilespmem:s11+$0x1D960];
	v21 =	vmul.f32 v13, v16;
	[tilespmem:s11+$0x1D8F0] =	vst v18  }
0x134: {  	v23 =	vld [tilespmem:s11+$0x1D970];
	[tilespmem:s11+$0x1D900] =	vst v3;
	v3 =	vmul.f32 v15, v16  }
0x135: {  	v24 =	vmul.f32 v17, v16;
	[tilespmem:s11+$0x1D910] =	vst v21;
	v25 =	vld [tilespmem:s11+$0x1D980]  }
0x136: {  	v33 =	vld [tilespmem:s11+$0x1D9D0];
	[tilespmem:s11+$0x1D920] =	vst v3;
	v3 =	vmul.f32 v19, v16  }
0x137: {  	v27 =	vmul.f32 v20, v16;
	[tilespmem:s11+$0x1D930] =	vst v24;
	v28 =	vld [tilespmem:s11+$0x1D9A0]  }
0x138: {  	v36 =	vld [tilespmem:s11+$0x1D9F0];
	v29 =	vbroadcast v2, $0x5;
	[tilespmem:s11+$0x1D940] =	vst v3;
	v3 =	vmul.f32 v22, v16  }
0x139: {  	[tilespmem:s11+$0x1D950] =	vst v27;
	v31 =	vmul.f32 v23, v16;
	v32 =	vld [tilespmem:s11+$0x1D9C0]  }
0x13a: {  	v26 =	vld [tilespmem:s11+$0x1D990];
	[tilespmem:s11+$0x1D960] =	vst v3;
	v3 =	vmul.f32 v25, v29  }
0x13b: {  	[tilespmem:s11+$0x1D970] =	vst v31;
	v40 =	vmul.f32 v33, v29;
	v35 =	vld [tilespmem:s11+$0x1D9E0]  }
0x13c: {  	v30 =	vld [tilespmem:s11+$0x1D9B0];
	[tilespmem:s11+$0x1D980] =	vst v3;
	v3 =	vmul.f32 v28, v29  }
0x13d: {  	v44 =	vmul.f32 v36, v29;
	[tilespmem:s11+$0x1D9D0] =	vst v40;
	v38 =	vld [tilespmem:s11+$0x1DA00]  }
0x13e: {  	v39 =	vld [tilespmem:s11+$0x1DA10];
	[tilespmem:s11+$0x1D9A0] =	vst v3;
	v3 =	vmul.f32 v32, v29  }
0x13f: {  	v34 =	vmul.f32 v26, v29;
	[tilespmem:s11+$0x1D9F0] =	vst v44;
	v41 =	vld [tilespmem:s11+$0x1DA20]  }
0x140: {  	v43 =	vld [tilespmem:s11+$0x1DA30];
	v42 =	vbroadcast v2, $0x6;
	[tilespmem:s11+$0x1D9C0] =	vst v3;
	v3 =	vmul.f32 v35, v29  }
0x141: {  	[tilespmem:s11+$0x1D990] =	vst v34;
	v37 =	vmul.f32 v30, v29;
	v45 =	vld [tilespmem:s11+$0x1DA40]  }
0x142: {  	v46 =	vld [tilespmem:s11+$0x1DA50];
	[tilespmem:s11+$0x1D9E0] =	vst v3;
	v3 =	vmul.f32 v38, v42  }
0x143: {  	[tilespmem:s11+$0x1D9B0] =	vst v37;
	v48 =	vld [tilespmem:s11+$0x1DA60];
	v47 =	vmul.f32 v39, v42  }
0x144: {  	v49 =	vld [tilespmem:s11+$0x1DA70];
	[tilespmem:s11+$0x1DA00] =	vst v3;
	v3 =	vmul.f32 v41, v42  }
0x145: {  	v50 =	vmul.f32 v43, v42;
	v51 =	vld [tilespmem:s11+$0x1DA80];
	[tilespmem:s11+$0x1DA10] =	vst v47  }
0x146: {  	v52 =	vld [tilespmem:s11+$0x1DA90];
	[tilespmem:s11+$0x1DA20] =	vst v3;
	v3 =	vmul.f32 v45, v42  }
0x147: {  	v53 =	vmul.f32 v46, v42;
	[tilespmem:s11+$0x1DA30] =	vst v50;
	v54 =	vld [tilespmem:s11+$0x1DAA0]  }
0x148: {  	v56 =	vld [tilespmem:s11+$0x1DAB0];
	v55 =	vbroadcast v2, $0x7;
	[tilespmem:s11+$0x1DA40] =	vst v3;
	v3 =	vmul.f32 v48, v42  }
0x149: {  	v57 =	vmul.f32 v49, v42;
	[tilespmem:s11+$0x1DA50] =	vst v53;
	v58 =	vld [tilespmem:s11+$0x1DAC0]  }
0x14a: {  	v59 =	vld [tilespmem:s11+$0x1DAD0];
	[tilespmem:s11+$0x1DA60] =	vst v3;
	v3 =	vmul.f32 v51, v55  }
0x14b: {  	[tilespmem:s11+$0x1DA70] =	vst v57;
	v61 =	vld [tilespmem:s11+$0x1DAE0];
	v60 =	vmul.f32 v52, v55  }
0x14c: {  	v62 =	vld [tilespmem:s11+$0x1DAF0];
	[tilespmem:s11+$0x1DA80] =	vst v3;
	v3 =	vmul.f32 v54, v55  }
0x14d: {  	v63 =	vmul.f32 v56, v55;
	v12 =	vld [tilespmem:s11+$0x1DB00];
	[tilespmem:s11+$0x1DA90] =	vst v60  }
0x14e: {  	v13 =	vld [tilespmem:s11+$0x1DB10];
	[tilespmem:s11+$0x1DAA0] =	vst v3;
	v3 =	vmul.f32 v58, v55  }
0x14f: {  	v14 =	vmul.f32 v59, v55;
	[tilespmem:s11+$0x1DAB0] =	vst v63;
	v15 =	vld [tilespmem:s11+$0x1DB20]  }
0x150: {  	v17 =	vld [tilespmem:s11+$0x1DB30];
	v16 =	vbroadcast v2, $0x8;
	[tilespmem:s11+$0x1DAC0] =	vst v3;
	v3 =	vmul.f32 v61, v55  }
0x151: {  	v18 =	vmul.f32 v62, v55;
	[tilespmem:s11+$0x1DAD0] =	vst v14;
	v19 =	vld [tilespmem:s11+$0x1DB40]  }
0x152: {  	v20 =	vld [tilespmem:s11+$0x1DB50];
	[tilespmem:s11+$0x1DAE0] =	vst v3;
	v3 =	vmul.f32 v12, v16  }
0x153: {  	[tilespmem:s11+$0x1DAF0] =	vst v18;
	v22 =	vld [tilespmem:s11+$0x1DB60];
	v21 =	vmul.f32 v13, v16  }
0x154: {  	v23 =	vld [tilespmem:s11+$0x1DB70];
	[tilespmem:s11+$0x1DB00] =	vst v3;
	v3 =	vmul.f32 v15, v16  }
0x155: {  	v24 =	vmul.f32 v17, v16;
	v25 =	vld [tilespmem:s11+$0x1DB80];
	[tilespmem:s11+$0x1DB10] =	vst v21  }
0x156: {  	v26 =	vld [tilespmem:s11+$0x1DB90];
	[tilespmem:s11+$0x1DB20] =	vst v3;
	v3 =	vmul.f32 v19, v16  }
0x157: {  	v27 =	vmul.f32 v20, v16;
	[tilespmem:s11+$0x1DB30] =	vst v24;
	v28 =	vld [tilespmem:s11+$0x1DBA0]  }
0x158: {  	v30 =	vld [tilespmem:s11+$0x1DBB0];
	v29 =	vbroadcast v2, $0x9;
	[tilespmem:s11+$0x1DB40] =	vst v3;
	v3 =	vmul.f32 v22, v16  }
0x159: {  	v31 =	vmul.f32 v23, v16;
	[tilespmem:s11+$0x1DB50] =	vst v27;
	v32 =	vld [tilespmem:s11+$0x1DBC0]  }
0x15a: {  	v33 =	vld [tilespmem:s11+$0x1DBD0];
	[tilespmem:s11+$0x1DB60] =	vst v3;
	v3 =	vmul.f32 v25, v29  }
0x15b: {  	[tilespmem:s11+$0x1DB70] =	vst v31;
	v35 =	vld [tilespmem:s11+$0x1DBE0];
	v34 =	vmul.f32 v26, v29  }
0x15c: {  	v36 =	vld [tilespmem:s11+$0x1DBF0];
	[tilespmem:s11+$0x1DB80] =	vst v3;
	v3 =	vmul.f32 v28, v29  }
0x15d: {  	v37 =	vmul.f32 v30, v29;
	v38 =	vld [tilespmem:s11+$0x1DC00];
	[tilespmem:s11+$0x1DB90] =	vst v34  }
0x15e: {  	v39 =	vld [tilespmem:s11+$0x1DC10];
	[tilespmem:s11+$0x1DBA0] =	vst v3;
	v3 =	vmul.f32 v32, v29  }
0x15f: {  	v40 =	vmul.f32 v33, v29;
	[tilespmem:s11+$0x1DBB0] =	vst v37;
	v41 =	vld [tilespmem:s11+$0x1DC20]  }
0x160: {  	v43 =	vld [tilespmem:s11+$0x1DC30];
	v42 =	vbroadcast v2, $0xA;
	[tilespmem:s11+$0x1DBC0] =	vst v3;
	v3 =	vmul.f32 v35, v29  }
0x161: {  	v44 =	vmul.f32 v36, v29;
	[tilespmem:s11+$0x1DBD0] =	vst v40;
	v45 =	vld [tilespmem:s11+$0x1DC40]  }
0x162: {  	v46 =	vld [tilespmem:s11+$0x1DC50];
	[tilespmem:s11+$0x1DBE0] =	vst v3;
	v3 =	vmul.f32 v38, v42  }
0x163: {  	[tilespmem:s11+$0x1DBF0] =	vst v44;
	v48 =	vld [tilespmem:s11+$0x1DC60];
	v47 =	vmul.f32 v39, v42  }
0x164: {  	v49 =	vld [tilespmem:s11+$0x1DC70];
	[tilespmem:s11+$0x1DC00] =	vst v3;
	v3 =	vmul.f32 v41, v42  }
0x165: {  	v50 =	vmul.f32 v43, v42;
	v51 =	vld [tilespmem:s11+$0x1DC80];
	[tilespmem:s11+$0x1DC10] =	vst v47  }
0x166: {  	v52 =	vld [tilespmem:s11+$0x1DC90];
	[tilespmem:s11+$0x1DC20] =	vst v3;
	v3 =	vmul.f32 v45, v42  }
0x167: {  	v53 =	vmul.f32 v46, v42;
	[tilespmem:s11+$0x1DC30] =	vst v50;
	v54 =	vld [tilespmem:s11+$0x1DCA0]  }
0x168: {  	v56 =	vld [tilespmem:s11+$0x1DCB0];
	v55 =	vbroadcast v2, $0xB;
	[tilespmem:s11+$0x1DC40] =	vst v3;
	v3 =	vmul.f32 v48, v42  }
0x169: {  	v57 =	vmul.f32 v49, v42;
	[tilespmem:s11+$0x1DC50] =	vst v53;
	v58 =	vld [tilespmem:s11+$0x1DCC0]  }
0x16a: {  	v59 =	vld [tilespmem:s11+$0x1DCD0];
	[tilespmem:s11+$0x1DC60] =	vst v3;
	v3 =	vmul.f32 v51, v55  }
0x16b: {  	[tilespmem:s11+$0x1DC70] =	vst v57;
	v61 =	vld [tilespmem:s11+$0x1DCE0];
	v60 =	vmul.f32 v52, v55  }
0x16c: {  	v62 =	vld [tilespmem:s11+$0x1DCF0];
	[tilespmem:s11+$0x1DC80] =	vst v3;
	v3 =	vmul.f32 v54, v55  }
0x16d: {  	v63 =	vmul.f32 v56, v55;
	v12 =	vld [tilespmem:s11+$0x1DD00];
	[tilespmem:s11+$0x1DC90] =	vst v60  }
0x16e: {  	v13 =	vld [tilespmem:s11+$0x1DD10];
	[tilespmem:s11+$0x1DCA0] =	vst v3;
	v3 =	vmul.f32 v58, v55  }
0x16f: {  	v14 =	vmul.f32 v59, v55;
	[tilespmem:s11+$0x1DCB0] =	vst v63;
	v15 =	vld [tilespmem:s11+$0x1DD20]  }
0x170: {  	v17 =	vld [tilespmem:s11+$0x1DD30];
	v16 =	vbroadcast v2, $0xC;
	[tilespmem:s11+$0x1DCC0] =	vst v3;
	v3 =	vmul.f32 v61, v55  }
0x171: {  	v18 =	vmul.f32 v62, v55;
	[tilespmem:s11+$0x1DCD0] =	vst v14;
	v19 =	vld [tilespmem:s11+$0x1DD40]  }
0x172: {  	v20 =	vld [tilespmem:s11+$0x1DD50];
	[tilespmem:s11+$0x1DCE0] =	vst v3;
	v3 =	vmul.f32 v12, v16  }
0x173: {  	[tilespmem:s11+$0x1DCF0] =	vst v18;
	v22 =	vld [tilespmem:s11+$0x1DD60];
	v21 =	vmul.f32 v13, v16  }
0x174: {  	v23 =	vld [tilespmem:s11+$0x1DD70];
	[tilespmem:s11+$0x1DD00] =	vst v3;
	v3 =	vmul.f32 v15, v16  }
0x175: {  	v24 =	vmul.f32 v17, v16;
	v25 =	vld [tilespmem:s11+$0x1DD80];
	[tilespmem:s11+$0x1DD10] =	vst v21  }
0x176: {  	v26 =	vld [tilespmem:s11+$0x1DD90];
	[tilespmem:s11+$0x1DD20] =	vst v3;
	v3 =	vmul.f32 v19, v16  }
0x177: {  	v27 =	vmul.f32 v20, v16;
	[tilespmem:s11+$0x1DD30] =	vst v24;
	v28 =	vld [tilespmem:s11+$0x1DDA0]  }
0x178: {  	v30 =	vld [tilespmem:s11+$0x1DDB0];
	v29 =	vbroadcast v2, $0xD;
	[tilespmem:s11+$0x1DD40] =	vst v3;
	v3 =	vmul.f32 v22, v16  }
0x179: {  	v31 =	vmul.f32 v23, v16;
	[tilespmem:s11+$0x1DD50] =	vst v27;
	v32 =	vld [tilespmem:s11+$0x1DDC0]  }
0x17a: {  	v33 =	vld [tilespmem:s11+$0x1DDD0];
	[tilespmem:s11+$0x1DD60] =	vst v3;
	v3 =	vmul.f32 v25, v29  }
0x17b: {  	[tilespmem:s11+$0x1DD70] =	vst v31;
	v35 =	vld [tilespmem:s11+$0x1DDE0];
	v34 =	vmul.f32 v26, v29  }
0x17c: {  	v36 =	vld [tilespmem:s11+$0x1DDF0];
	[tilespmem:s11+$0x1DD80] =	vst v3;
	v3 =	vmul.f32 v28, v29  }
0x17d: {  	v37 =	vmul.f32 v30, v29;
	v38 =	vld [tilespmem:s11+$0x1DE00];
	[tilespmem:s11+$0x1DD90] =	vst v34  }
0x17e: {  	v39 =	vld [tilespmem:s11+$0x1DE10];
	[tilespmem:s11+$0x1DDA0] =	vst v3;
	v3 =	vmul.f32 v32, v29  }
0x17f: {  	v40 =	vmul.f32 v33, v29;
	[tilespmem:s11+$0x1DDB0] =	vst v37;
	v41 =	vld [tilespmem:s11+$0x1DE20]  }
0x180: {  	v43 =	vld [tilespmem:s11+$0x1DE30];
	v42 =	vbroadcast v2, $0xE;
	[tilespmem:s11+$0x1DDC0] =	vst v3;
	v3 =	vmul.f32 v35, v29  }
0x181: {  	v44 =	vmul.f32 v36, v29;
	[tilespmem:s11+$0x1DDD0] =	vst v40;
	v45 =	vld [tilespmem:s11+$0x1DE40]  }
0x182: {  	v46 =	vld [tilespmem:s11+$0x1DE50];
	[tilespmem:s11+$0x1DDE0] =	vst v3;
	v3 =	vmul.f32 v38, v42  }
0x183: {  	[tilespmem:s11+$0x1DDF0] =	vst v44;
	v48 =	vld [tilespmem:s11+$0x1DE60];
	v47 =	vmul.f32 v39, v42  }
0x184: {  	v49 =	vld [tilespmem:s11+$0x1DE70];
	[tilespmem:s11+$0x1DE00] =	vst v3;
	v3 =	vmul.f32 v41, v42  }
0x185: {  	v50 =	vmul.f32 v43, v42;
	v51 =	vld [tilespmem:s11+$0x1DE80];
	[tilespmem:s11+$0x1DE10] =	vst v47  }
0x186: {  	v52 =	vld [tilespmem:s11+$0x1DE90];
	[tilespmem:s11+$0x1DE20] =	vst v3;
	v3 =	vmul.f32 v45, v42  }
0x187: {  	v53 =	vmul.f32 v46, v42;
	[tilespmem:s11+$0x1DE30] =	vst v50;
	v54 =	vld [tilespmem:s11+$0x1DEA0]  }
0x188: {  	v2 =	vbroadcast v2, $0xF;
	v58 =	vld [tilespmem:s11+$0x1DED0];
	[tilespmem:s11+$0x1DE40] =	vst v3;
	v3 =	vmul.f32 v48, v42  }
0x189: {  	v57 =	vld [tilespmem:s11+$0x1DEC0];
	v56 =	vmul.f32 v49, v42;
	[tilespmem:s11+$0x1DE50] =	vst v53  }
0x18a: {  	v55 =	vld [tilespmem:s11+$0x1DEB0];
	[tilespmem:s11+$0x1DE60] =	vst v3;
	v3 =	vmul.f32 v51, v2  }
0x18b: {  	v60 =	vld [tilespmem:s11+$0x1DEE0];
	v59 =	vmul.f32 v52, v2;
	[tilespmem:s11+$0x1DE70] =	vst v56  }
0x18c: {  	v61 =	vld [tilespmem:s11+$0x1DEF0];
	[tilespmem:s11+$0x1DE80] =	vst v3;
	v3 =	vmul.f32 v54, v2  }
0x18d: {  	[tilespmem:s11+$0x1DE90] =	vst v59;
	v63 =	vmul.f32 v58, v2  }
0x18e: {  	[tilespmem:s11+$0x1DEA0] =	vst v3;
	v3 =	vmul.f32 v57, v2  }
0x18f: {  	v62 =	vmul.f32 v55, v2;
	[tilespmem:s11+$0x1DED0] =	vst v63  }
0x190: {  	[tilespmem:s11+$0x1DEC0] =	vst v3;
	v3 =	vmul.f32 v60, v2  }
0x191: {  	[tilespmem:s11+$0x1DEB0] =	vst v62;
	v2 =	vmul.f32 v61, v2  }
0x192: {  	[tilespmem:s11+$0x1DEE0] =	vst v3  }
0x193: {  	[tilespmem:s11+$0x1DEF0] =	vst v2  }
0x194: {  	v2 =	vld.idx.msk [tilespmem:v1+s7+$0x16000 ss:$0x1], $0xffff;
	_ =	sdelay $0x2  }
0x195: {  	p2 =	sne.s32 s8, $0x4  }
.Ltmp2:
0x196: {  	_ = 	snop;
	(pc) =	sbr.rel @p2 .LBB2_7-.Ltmp2, $3  }
0x197: {  	_ =	sdelay $0x1  }
0x198: {  	s8 =	sadd.s32 $0x1, s8;
	s25 =	sadd.s32 $0x1D700, s11  }
0x199: {  	[spmem:s3] =	stream.indirect_vreg.scatter.add.f32 [tilespmem:s25], [sflag:$0x3], $0x80, v2, vm0, $0xb8;
	[tilespmem:$0x1FF00] =	vst v63  }
0x19a: {  	s6 =	sadd.s32 $0x1, s6  }
0x19b: {  	p2 =	sne.s32 s6, $0x3E  }
.Ltmp3:
0x19c: {  	_ = 	snop;
	(pc) =	sbr.rel @p2 .LBB2_4-.Ltmp3, $4  }
0x19d: {  	_ = 	snop  }
0x19e: {  	_ =	swait.ge [sflag:s28], $0x2800  }
0x19f: {  	[sflag:s28] =	ssyncset.done $0x0  }
0x1a0: {  	[sflag:s28] =	ssyncadd.s32 $0xFFFFD800  }
0x1a1: {  	_ =	swait.ge [sflag:s30], $0x2800  }
0x1a2: {  	[sflag:s30] =	ssyncset.done $0x0  }
0x1a3: {  	s6 =	simm.s32 $0x0;
	[sflag:s30] =	ssyncadd.s32 $0xFFFFD800  }
.LBB2_10:
0x1a4: {  	s7 =	sshll.u32 s6, $0x4  }
0x1a5: {  	s8 =	sshll.u32 s6, $0xB;
	v1 =	vld [tilespmem:s7+$0x1AE40]  }
0x1a6: {  	s8 =	sand.u32 $0x3FFFF800, s8  }
0x1a7: {  	v2 =	vld [tilespmem:s8+$0x1AF00]  }
0x1a8: {  	v3 =	vld [tilespmem:s8+$0x1AF10]  }
0x1a9: {  	v4 =	vld [tilespmem:s8+$0x1AF20]  }
0x1aa: {  	v6 =	vld [tilespmem:s8+$0x1AF30];
	v5 =	vbroadcast v1, $0x0  }
0x1ab: {  	v7 =	vld [tilespmem:s8+$0x1AF40]  }
0x1ac: {  	v8 =	vld [tilespmem:s8+$0x1AF50];
	v2 =	vmul.f32 v5, v2  }
0x1ad: {  	v9 =	vld [tilespmem:s8+$0x1AF60];
	v3 =	vmul.f32 v3, v5  }
0x1ae: {  	v34 =	vld [tilespmem:s8+$0x1AF70];
	[tilespmem:s8+$0x1AF00] =	vst v2;
	v2 =	vmul.f32 v4, v5  }
0x1af: {  	v35 =	vld [tilespmem:s8+$0x1AF80];
	[tilespmem:s8+$0x1AF10] =	vst v3;
	v3 =	vmul.f32 v6, v5  }
0x1b0: {  	v36 =	vld [tilespmem:s8+$0x1AF90];
	[tilespmem:s8+$0x1AF20] =	vst v2;
	v2 =	vmul.f32 v7, v5  }
0x1b1: {  	v37 =	vld [tilespmem:s8+$0x1AFA0];
	[tilespmem:s8+$0x1AF30] =	vst v3;
	v3 =	vmul.f32 v8, v5  }
0x1b2: {  	v10 =	vld [tilespmem:s8+$0x1AFB0];
	v38 =	vbroadcast v1, $0x1;
	[tilespmem:s8+$0x1AF40] =	vst v2;
	v2 =	vmul.f32 v9, v5  }
0x1b3: {  	v39 =	vld [tilespmem:s8+$0x1AFC0];
	[tilespmem:s8+$0x1AF50] =	vst v3;
	v3 =	vmul.f32 v34, v5  }
0x1b4: {  	v40 =	vld [tilespmem:s8+$0x1AFD0];
	[tilespmem:s8+$0x1AF60] =	vst v2;
	v2 =	vmul.f32 v35, v38  }
0x1b5: {  	v41 =	vld [tilespmem:s8+$0x1AFE0];
	[tilespmem:s8+$0x1AF70] =	vst v3;
	v3 =	vmul.f32 v36, v38  }
0x1b6: {  	v42 =	vld [tilespmem:s8+$0x1AFF0];
	[tilespmem:s8+$0x1AF80] =	vst v2;
	v2 =	vmul.f32 v37, v38  }
0x1b7: {  	v43 =	vld [tilespmem:s8+$0x1B000];
	[tilespmem:s8+$0x1AF90] =	vst v3;
	v3 =	vmul.f32 v10, v38  }
0x1b8: {  	v44 =	vld [tilespmem:s8+$0x1B010];
	[tilespmem:s8+$0x1AFA0] =	vst v2;
	v2 =	vmul.f32 v39, v38  }
0x1b9: {  	v45 =	vld [tilespmem:s8+$0x1B020];
	[tilespmem:s8+$0x1AFB0] =	vst v3;
	v3 =	vmul.f32 v40, v38  }
0x1ba: {  	v47 =	vld [tilespmem:s8+$0x1B030];
	v46 =	vbroadcast v1, $0x2;
	[tilespmem:s8+$0x1AFC0] =	vst v2;
	v2 =	vmul.f32 v41, v38  }
0x1bb: {  	v48 =	vld [tilespmem:s8+$0x1B040];
	[tilespmem:s8+$0x1AFD0] =	vst v3;
	v3 =	vmul.f32 v42, v38  }
0x1bc: {  	v49 =	vld [tilespmem:s8+$0x1B050];
	[tilespmem:s8+$0x1AFE0] =	vst v2;
	v2 =	vmul.f32 v43, v46  }
0x1bd: {  	v50 =	vld [tilespmem:s8+$0x1B060];
	[tilespmem:s8+$0x1AFF0] =	vst v3;
	v3 =	vmul.f32 v44, v46  }
0x1be: {  	v51 =	vld [tilespmem:s8+$0x1B070];
	[tilespmem:s8+$0x1B000] =	vst v2;
	v2 =	vmul.f32 v45, v46  }
0x1bf: {  	v52 =	vld [tilespmem:s8+$0x1B080];
	[tilespmem:s8+$0x1B010] =	vst v3;
	v3 =	vmul.f32 v47, v46  }
0x1c0: {  	v53 =	vld [tilespmem:s8+$0x1B090];
	[tilespmem:s8+$0x1B020] =	vst v2;
	v2 =	vmul.f32 v48, v46  }
0x1c1: {  	v54 =	vld [tilespmem:s8+$0x1B0A0];
	[tilespmem:s8+$0x1B030] =	vst v3;
	v3 =	vmul.f32 v49, v46  }
0x1c2: {  	v56 =	vld [tilespmem:s8+$0x1B0B0];
	v55 =	vbroadcast v1, $0x3;
	[tilespmem:s8+$0x1B040] =	vst v2;
	v2 =	vmul.f32 v50, v46  }
0x1c3: {  	v57 =	vld [tilespmem:s8+$0x1B0C0];
	[tilespmem:s8+$0x1B050] =	vst v3;
	v3 =	vmul.f32 v51, v46  }
0x1c4: {  	v58 =	vld [tilespmem:s8+$0x1B0D0];
	[tilespmem:s8+$0x1B060] =	vst v2;
	v2 =	vmul.f32 v52, v55  }
0x1c5: {  	v59 =	vld [tilespmem:s8+$0x1B0E0];
	[tilespmem:s8+$0x1B070] =	vst v3;
	v3 =	vmul.f32 v53, v55  }
0x1c6: {  	v60 =	vld [tilespmem:s8+$0x1B0F0];
	[tilespmem:s8+$0x1B080] =	vst v2;
	v2 =	vmul.f32 v54, v55  }
0x1c7: {  	v61 =	vld [tilespmem:s8+$0x1B100];
	[tilespmem:s8+$0x1B090] =	vst v3;
	v3 =	vmul.f32 v56, v55  }
0x1c8: {  	v62 =	vld [tilespmem:s8+$0x1B110];
	[tilespmem:s8+$0x1B0A0] =	vst v2;
	v2 =	vmul.f32 v57, v55  }
0x1c9: {  	v63 =	vld [tilespmem:s8+$0x1B120];
	[tilespmem:s8+$0x1B0B0] =	vst v3;
	v3 =	vmul.f32 v58, v55  }
0x1ca: {  	v13 =	vld [tilespmem:s8+$0x1B130];
	v12 =	vbroadcast v1, $0x4;
	[tilespmem:s8+$0x1B0C0] =	vst v2;
	v2 =	vmul.f32 v59, v55  }
0x1cb: {  	v14 =	vld [tilespmem:s8+$0x1B140];
	[tilespmem:s8+$0x1B0D0] =	vst v3;
	v3 =	vmul.f32 v60, v55  }
0x1cc: {  	v15 =	vld [tilespmem:s8+$0x1B150];
	[tilespmem:s8+$0x1B0E0] =	vst v2;
	v2 =	vmul.f32 v61, v12  }
0x1cd: {  	v16 =	vld [tilespmem:s8+$0x1B160];
	[tilespmem:s8+$0x1B0F0] =	vst v3;
	v3 =	vmul.f32 v62, v12  }
0x1ce: {  	v17 =	vld [tilespmem:s8+$0x1B170];
	[tilespmem:s8+$0x1B100] =	vst v2;
	v2 =	vmul.f32 v63, v12  }
0x1cf: {  	v18 =	vld [tilespmem:s8+$0x1B180];
	[tilespmem:s8+$0x1B110] =	vst v3;
	v3 =	vmul.f32 v13, v12  }
0x1d0: {  	v19 =	vld [tilespmem:s8+$0x1B190];
	[tilespmem:s8+$0x1B120] =	vst v2;
	v2 =	vmul.f32 v14, v12  }
0x1d1: {  	v20 =	vld [tilespmem:s8+$0x1B1A0];
	[tilespmem:s8+$0x1B130] =	vst v3;
	v3 =	vmul.f32 v15, v12  }
0x1d2: {  	v22 =	vld [tilespmem:s8+$0x1B1B0];
	v21 =	vbroadcast v1, $0x5;
	[tilespmem:s8+$0x1B140] =	vst v2;
	v2 =	vmul.f32 v16, v12  }
0x1d3: {  	v23 =	vld [tilespmem:s8+$0x1B1C0];
	[tilespmem:s8+$0x1B150] =	vst v3;
	v3 =	vmul.f32 v17, v12  }
0x1d4: {  	v24 =	vld [tilespmem:s8+$0x1B1D0];
	[tilespmem:s8+$0x1B160] =	vst v2;
	v2 =	vmul.f32 v18, v21  }
0x1d5: {  	v25 =	vld [tilespmem:s8+$0x1B1E0];
	[tilespmem:s8+$0x1B170] =	vst v3;
	v3 =	vmul.f32 v19, v21  }
0x1d6: {  	v26 =	vld [tilespmem:s8+$0x1B1F0];
	[tilespmem:s8+$0x1B180] =	vst v2;
	v2 =	vmul.f32 v20, v21  }
0x1d7: {  	v27 =	vld [tilespmem:s8+$0x1B200];
	[tilespmem:s8+$0x1B190] =	vst v3;
	v3 =	vmul.f32 v22, v21  }
0x1d8: {  	v28 =	vld [tilespmem:s8+$0x1B210];
	[tilespmem:s8+$0x1B1A0] =	vst v2;
	v2 =	vmul.f32 v23, v21  }
0x1d9: {  	v29 =	vld [tilespmem:s8+$0x1B220];
	[tilespmem:s8+$0x1B1B0] =	vst v3;
	v3 =	vmul.f32 v24, v21  }
0x1da: {  	v31 =	vld [tilespmem:s8+$0x1B230];
	v30 =	vbroadcast v1, $0x6;
	[tilespmem:s8+$0x1B1C0] =	vst v2;
	v2 =	vmul.f32 v25, v21  }
0x1db: {  	v32 =	vld [tilespmem:s8+$0x1B240];
	[tilespmem:s8+$0x1B1D0] =	vst v3;
	v3 =	vmul.f32 v26, v21  }
0x1dc: {  	v33 =	vld [tilespmem:s8+$0x1B250];
	[tilespmem:s8+$0x1B1E0] =	vst v2;
	v2 =	vmul.f32 v27, v30  }
0x1dd: {  	v34 =	vld [tilespmem:s8+$0x1B260];
	[tilespmem:s8+$0x1B1F0] =	vst v3;
	v3 =	vmul.f32 v28, v30  }
0x1de: {  	v35 =	vld [tilespmem:s8+$0x1B270];
	[tilespmem:s8+$0x1B200] =	vst v2;
	v2 =	vmul.f32 v29, v30  }
0x1df: {  	v36 =	vld [tilespmem:s8+$0x1B280];
	[tilespmem:s8+$0x1B210] =	vst v3;
	v3 =	vmul.f32 v31, v30  }
0x1e0: {  	v37 =	vld [tilespmem:s8+$0x1B290];
	[tilespmem:s8+$0x1B220] =	vst v2;
	v2 =	vmul.f32 v32, v30  }
0x1e1: {  	v38 =	vld [tilespmem:s8+$0x1B2A0];
	[tilespmem:s8+$0x1B230] =	vst v3;
	v3 =	vmul.f32 v33, v30  }
0x1e2: {  	v39 =	vbroadcast v1, $0x7;
	v40 =	vld [tilespmem:s8+$0x1B2B0];
	[tilespmem:s8+$0x1B240] =	vst v2;
	v2 =	vmul.f32 v34, v30  }
0x1e3: {  	v41 =	vld [tilespmem:s8+$0x1B2C0];
	[tilespmem:s8+$0x1B250] =	vst v3;
	v3 =	vmul.f32 v35, v30  }
0x1e4: {  	v42 =	vld [tilespmem:s8+$0x1B2D0];
	[tilespmem:s8+$0x1B260] =	vst v2;
	v2 =	vmul.f32 v36, v39  }
0x1e5: {  	v43 =	vld [tilespmem:s8+$0x1B2E0];
	[tilespmem:s8+$0x1B270] =	vst v3;
	v3 =	vmul.f32 v37, v39  }
0x1e6: {  	v44 =	vld [tilespmem:s8+$0x1B2F0];
	[tilespmem:s8+$0x1B280] =	vst v2;
	v2 =	vmul.f32 v38, v39  }
0x1e7: {  	v45 =	vld [tilespmem:s8+$0x1B300];
	[tilespmem:s8+$0x1B290] =	vst v3;
	v3 =	vmul.f32 v40, v39  }
0x1e8: {  	v46 =	vld [tilespmem:s8+$0x1B310];
	[tilespmem:s8+$0x1B2A0] =	vst v2;
	v2 =	vmul.f32 v41, v39  }
0x1e9: {  	v47 =	vld [tilespmem:s8+$0x1B320];
	[tilespmem:s8+$0x1B2B0] =	vst v3;
	v3 =	vmul.f32 v42, v39  }
0x1ea: {  	v48 =	vbroadcast v1, $0x8;
	v49 =	vld [tilespmem:s8+$0x1B330];
	[tilespmem:s8+$0x1B2C0] =	vst v2;
	v2 =	vmul.f32 v43, v39  }
0x1eb: {  	v50 =	vld [tilespmem:s8+$0x1B340];
	[tilespmem:s8+$0x1B2D0] =	vst v3;
	v3 =	vmul.f32 v44, v39  }
0x1ec: {  	v51 =	vld [tilespmem:s8+$0x1B350];
	[tilespmem:s8+$0x1B2E0] =	vst v2;
	v2 =	vmul.f32 v45, v48  }
0x1ed: {  	v52 =	vld [tilespmem:s8+$0x1B360];
	[tilespmem:s8+$0x1B2F0] =	vst v3;
	v3 =	vmul.f32 v46, v48  }
0x1ee: {  	v53 =	vld [tilespmem:s8+$0x1B370];
	[tilespmem:s8+$0x1B300] =	vst v2;
	v2 =	vmul.f32 v47, v48  }
0x1ef: {  	v54 =	vld [tilespmem:s8+$0x1B380];
	[tilespmem:s8+$0x1B310] =	vst v3;
	v3 =	vmul.f32 v49, v48  }
0x1f0: {  	v55 =	vld [tilespmem:s8+$0x1B390];
	[tilespmem:s8+$0x1B320] =	vst v2;
	v2 =	vmul.f32 v50, v48  }
0x1f1: {  	v56 =	vld [tilespmem:s8+$0x1B3A0];
	[tilespmem:s8+$0x1B330] =	vst v3;
	v3 =	vmul.f32 v51, v48  }
0x1f2: {  	v57 =	vbroadcast v1, $0x9;
	v58 =	vld [tilespmem:s8+$0x1B3B0];
	[tilespmem:s8+$0x1B340] =	vst v2;
	v2 =	vmul.f32 v52, v48  }
0x1f3: {  	v59 =	vld [tilespmem:s8+$0x1B3C0];
	[tilespmem:s8+$0x1B350] =	vst v3;
	v3 =	vmul.f32 v53, v48  }
0x1f4: {  	v60 =	vld [tilespmem:s8+$0x1B3D0];
	[tilespmem:s8+$0x1B360] =	vst v2;
	v2 =	vmul.f32 v54, v57  }
0x1f5: {  	v61 =	vld [tilespmem:s8+$0x1B3E0];
	[tilespmem:s8+$0x1B370] =	vst v3;
	v3 =	vmul.f32 v55, v57  }
0x1f6: {  	v62 =	vld [tilespmem:s8+$0x1B3F0];
	[tilespmem:s8+$0x1B380] =	vst v2;
	v2 =	vmul.f32 v56, v57  }
0x1f7: {  	v63 =	vld [tilespmem:s8+$0x1B400];
	[tilespmem:s8+$0x1B390] =	vst v3;
	v3 =	vmul.f32 v58, v57  }
0x1f8: {  	v12 =	vld [tilespmem:s8+$0x1B410];
	[tilespmem:s8+$0x1B3A0] =	vst v2;
	v2 =	vmul.f32 v59, v57  }
0x1f9: {  	v13 =	vld [tilespmem:s8+$0x1B420];
	[tilespmem:s8+$0x1B3B0] =	vst v3;
	v3 =	vmul.f32 v60, v57  }
0x1fa: {  	v14 =	vbroadcast v1, $0xA;
	v15 =	vld [tilespmem:s8+$0x1B430];
	[tilespmem:s8+$0x1B3C0] =	vst v2;
	v2 =	vmul.f32 v61, v57  }
0x1fb: {  	v16 =	vld [tilespmem:s8+$0x1B440];
	[tilespmem:s8+$0x1B3D0] =	vst v3;
	v3 =	vmul.f32 v62, v57  }
0x1fc: {  	v17 =	vld [tilespmem:s8+$0x1B450];
	[tilespmem:s8+$0x1B3E0] =	vst v2;
	v2 =	vmul.f32 v63, v14  }
0x1fd: {  	v18 =	vld [tilespmem:s8+$0x1B460];
	[tilespmem:s8+$0x1B3F0] =	vst v3;
	v3 =	vmul.f32 v12, v14  }
0x1fe: {  	v19 =	vld [tilespmem:s8+$0x1B470];
	[tilespmem:s8+$0x1B400] =	vst v2;
	v2 =	vmul.f32 v13, v14  }
0x1ff: {  	v20 =	vld [tilespmem:s8+$0x1B480];
	[tilespmem:s8+$0x1B410] =	vst v3;
	v3 =	vmul.f32 v15, v14  }
0x200: {  	v21 =	vld [tilespmem:s8+$0x1B490];
	[tilespmem:s8+$0x1B420] =	vst v2;
	v2 =	vmul.f32 v16, v14  }
0x201: {  	v22 =	vld [tilespmem:s8+$0x1B4A0];
	[tilespmem:s8+$0x1B430] =	vst v3;
	v3 =	vmul.f32 v17, v14  }
0x202: {  	v23 =	vbroadcast v1, $0xB;
	v24 =	vld [tilespmem:s8+$0x1B4B0];
	[tilespmem:s8+$0x1B440] =	vst v2;
	v2 =	vmul.f32 v18, v14  }
0x203: {  	v25 =	vld [tilespmem:s8+$0x1B4C0];
	[tilespmem:s8+$0x1B450] =	vst v3;
	v3 =	vmul.f32 v19, v14  }
0x204: {  	v26 =	vld [tilespmem:s8+$0x1B4D0];
	[tilespmem:s8+$0x1B460] =	vst v2;
	v2 =	vmul.f32 v20, v23  }
0x205: {  	v27 =	vld [tilespmem:s8+$0x1B4E0];
	[tilespmem:s8+$0x1B470] =	vst v3;
	v3 =	vmul.f32 v21, v23  }
0x206: {  	v28 =	vld [tilespmem:s8+$0x1B4F0];
	[tilespmem:s8+$0x1B480] =	vst v2;
	v2 =	vmul.f32 v22, v23  }
0x207: {  	v29 =	vld [tilespmem:s8+$0x1B500];
	[tilespmem:s8+$0x1B490] =	vst v3;
	v3 =	vmul.f32 v24, v23  }
0x208: {  	v30 =	vld [tilespmem:s8+$0x1B510];
	[tilespmem:s8+$0x1B4A0] =	vst v2;
	v2 =	vmul.f32 v25, v23  }
0x209: {  	v31 =	vld [tilespmem:s8+$0x1B520];
	[tilespmem:s8+$0x1B4B0] =	vst v3;
	v3 =	vmul.f32 v26, v23  }
0x20a: {  	v32 =	vbroadcast v1, $0xC;
	v33 =	vld [tilespmem:s8+$0x1B530];
	[tilespmem:s8+$0x1B4C0] =	vst v2;
	v2 =	vmul.f32 v27, v23  }
0x20b: {  	v34 =	vld [tilespmem:s8+$0x1B540];
	[tilespmem:s8+$0x1B4D0] =	vst v3;
	v3 =	vmul.f32 v28, v23  }
0x20c: {  	v35 =	vld [tilespmem:s8+$0x1B550];
	[tilespmem:s8+$0x1B4E0] =	vst v2;
	v2 =	vmul.f32 v29, v32  }
0x20d: {  	v36 =	vld [tilespmem:s8+$0x1B560];
	[tilespmem:s8+$0x1B4F0] =	vst v3;
	v3 =	vmul.f32 v30, v32  }
0x20e: {  	v37 =	vld [tilespmem:s8+$0x1B570];
	[tilespmem:s8+$0x1B500] =	vst v2;
	v2 =	vmul.f32 v31, v32  }
0x20f: {  	v38 =	vld [tilespmem:s8+$0x1B580];
	[tilespmem:s8+$0x1B510] =	vst v3;
	v3 =	vmul.f32 v33, v32  }
0x210: {  	v39 =	vld [tilespmem:s8+$0x1B590];
	[tilespmem:s8+$0x1B520] =	vst v2;
	v2 =	vmul.f32 v34, v32  }
0x211: {  	v40 =	vld [tilespmem:s8+$0x1B5A0];
	[tilespmem:s8+$0x1B530] =	vst v3;
	v3 =	vmul.f32 v35, v32  }
0x212: {  	v41 =	vbroadcast v1, $0xD;
	v42 =	vld [tilespmem:s8+$0x1B5B0];
	[tilespmem:s8+$0x1B540] =	vst v2;
	v2 =	vmul.f32 v36, v32  }
0x213: {  	v43 =	vld [tilespmem:s8+$0x1B5C0];
	[tilespmem:s8+$0x1B550] =	vst v3;
	v3 =	vmul.f32 v37, v32  }
0x214: {  	v44 =	vld [tilespmem:s8+$0x1B5D0];
	[tilespmem:s8+$0x1B560] =	vst v2;
	v2 =	vmul.f32 v38, v41  }
0x215: {  	v45 =	vld [tilespmem:s8+$0x1B5E0];
	[tilespmem:s8+$0x1B570] =	vst v3;
	v3 =	vmul.f32 v39, v41  }
0x216: {  	v46 =	vld [tilespmem:s8+$0x1B5F0];
	[tilespmem:s8+$0x1B580] =	vst v2;
	v2 =	vmul.f32 v40, v41  }
0x217: {  	v47 =	vld [tilespmem:s8+$0x1B600];
	[tilespmem:s8+$0x1B590] =	vst v3;
	v3 =	vmul.f32 v42, v41  }
0x218: {  	v48 =	vld [tilespmem:s8+$0x1B610];
	[tilespmem:s8+$0x1B5A0] =	vst v2;
	v2 =	vmul.f32 v43, v41  }
0x219: {  	v49 =	vld [tilespmem:s8+$0x1B620];
	[tilespmem:s8+$0x1B5B0] =	vst v3;
	v3 =	vmul.f32 v44, v41  }
0x21a: {  	v50 =	vbroadcast v1, $0xE;
	v51 =	vld [tilespmem:s8+$0x1B630];
	[tilespmem:s8+$0x1B5C0] =	vst v2;
	v2 =	vmul.f32 v45, v41  }
0x21b: {  	v52 =	vld [tilespmem:s8+$0x1B640];
	[tilespmem:s8+$0x1B5D0] =	vst v3;
	v3 =	vmul.f32 v46, v41  }
0x21c: {  	v53 =	vld [tilespmem:s8+$0x1B650];
	[tilespmem:s8+$0x1B5E0] =	vst v2;
	v2 =	vmul.f32 v47, v50  }
0x21d: {  	v54 =	vld [tilespmem:s8+$0x1B660];
	[tilespmem:s8+$0x1B5F0] =	vst v3;
	v3 =	vmul.f32 v48, v50  }
0x21e: {  	v55 =	vld [tilespmem:s8+$0x1B670];
	[tilespmem:s8+$0x1B600] =	vst v2;
	v2 =	vmul.f32 v49, v50  }
0x21f: {  	v56 =	vld [tilespmem:s8+$0x1B680];
	[tilespmem:s8+$0x1B610] =	vst v3;
	v3 =	vmul.f32 v51, v50  }
0x220: {  	v57 =	vld [tilespmem:s8+$0x1B690];
	[tilespmem:s8+$0x1B620] =	vst v2;
	v2 =	vmul.f32 v52, v50  }
0x221: {  	v58 =	vld [tilespmem:s8+$0x1B6A0];
	[tilespmem:s8+$0x1B630] =	vst v3;
	v3 =	vmul.f32 v53, v50  }
0x222: {  	v1 =	vbroadcast v1, $0xF;
	v59 =	vld [tilespmem:s8+$0x1B6B0];
	[tilespmem:s8+$0x1B640] =	vst v2;
	v2 =	vmul.f32 v54, v50  }
0x223: {  	v60 =	vld [tilespmem:s8+$0x1B6C0];
	[tilespmem:s8+$0x1B650] =	vst v3;
	v3 =	vmul.f32 v55, v50  }
0x224: {  	v61 =	vld [tilespmem:s8+$0x1B6D0];
	[tilespmem:s8+$0x1B660] =	vst v2;
	v2 =	vmul.f32 v56, v1  }
0x225: {  	v62 =	vld [tilespmem:s8+$0x1B6E0];
	[tilespmem:s8+$0x1B670] =	vst v3;
	v3 =	vmul.f32 v57, v1  }
0x226: {  	v63 =	vld [tilespmem:s8+$0x1B6F0];
	[tilespmem:s8+$0x1B680] =	vst v2;
	v2 =	vmul.f32 v58, v1  }
0x227: {  	[tilespmem:s8+$0x1B690] =	vst v3;
	v3 =	vmul.f32 v59, v1  }
0x228: {  	[tilespmem:s8+$0x1B6A0] =	vst v2;
	v2 =	vmul.f32 v60, v1  }
0x229: {  	[tilespmem:s8+$0x1B6B0] =	vst v3;
	v3 =	vmul.f32 v61, v1  }
0x22a: {  	[tilespmem:s8+$0x1B6C0] =	vst v2;
	v2 =	vmul.f32 v62, v1  }
0x22b: {  	[tilespmem:s8+$0x1B6D0] =	vst v3;
	v1 =	vmul.f32 v63, v1  }
0x22c: {  	[tilespmem:s8+$0x1B6E0] =	vst v2  }
0x22d: {  	[tilespmem:s8+$0x1B6F0] =	vst v1  }
0x22e: {  	v1 =	vld [tilespmem:s7+$0x186C0];
	_ =	sdelay $0x2  }
0x22f: {  	p2 =	sne.s32 s6, $0x4  }
.Ltmp4:
0x230: {  	_ = 	snop;
	(pc) =	sbr.rel @p2 .LBB2_10-.Ltmp4, $3  }
0x231: {  	_ =	sdelay $0x1  }
0x232: {  	s6 =	sadd.s32 $0x1, s6;
	s25 =	sadd.s32 $0x1AF00, s8  }
0x233: {  	[spmem:s3] =	stream.indirect_vreg.scatter.add.f32 [tilespmem:s25], [sflag:$0x3], $0x80, v1, vm0, $0xb8;
	[tilespmem:$0x1FF00] =	vst v63  }
0x234: {  	_ =	swait.ge [sflag:s28], $0x2800  }
0x235: {  	[sflag:s28] =	ssyncset.done $0x0  }
0x236: {  	s6 =	stileid.u32;
	s7 =	sshrl.u32 s9, $0x3;
	[sflag:s28] =	ssyncadd.s32 $0xFFFFD800  }
0x237: {  	s11 =	sshrl.u32 s10, $0x3;
	s6 =	sshll.u32 s6, $0x6;
	[bflag:$0x0] =	sbarrier.arrive $0xFFFF  }
0x238: {  	s12 =	sshrl.u32 s19, $0x3;
	s6 =	sor.u32 $0x1C01, s6;
	s8 =	rddreg [dreg:$0x9]  }
0x239: {  	[hbm:s8], [sflag:s6] =	dma.local [spmem:s7], $0x500  }
0x23a: {  	s25 =	sshrl.u32 s20, $0x3;
	s7 =	sshrl.u32 @!p0 s24, $0x3;
	s8 =	rddreg [dreg:$0xa]  }
0x23b: {  	[hbm:s8], [sflag:s6] =	dma.local [spmem:s11], $0x500  }
0x23c: {  	[hbm:s13], [sflag:s6] =	dma.local [spmem:s12], $0x500  }
0x23d: {  	s8 =	sshrl.u32 s21, $0x3;
	s11 =	sshrl.u32 s22, $0x3;
	s12 =	sshrl.u32 s23, $0x3  }
0x23e: {  	[hbm:s14], [sflag:s6] =	dma.local [spmem:s25], $0x500  }
0x23f: {  	[hbm:s15], [sflag:s6] =	dma.local [spmem:s8], $0x500  }
0x240: {  	[hbm:s16], [sflag:s6] =	dma.local [spmem:s11], $0x500  }
0x241: {  	[hbm:s17], [sflag:s6] =	dma.local [spmem:s12], $0x500  }
0x242: {  	[hbm:s18], [sflag:s6] =	dma.local @!p0 [spmem:s7], $0x500  }
0x243: {  	_ =	swait.ge [sflag:s30], $0x500  }
0x244: {  	[sflag:s30] =	ssyncset.done $0x0  }
0x245: {  	[sflag:s30] =	ssyncadd.s32 $0xFFFFFB00  }
0x246: {  	_ =	swait.ge [sflag:s30], $0x500  }
0x247: {  	[sflag:s30] =	ssyncset.done $0x0  }
0x248: {  	[sflag:s30] =	ssyncadd.s32 $0xFFFFFB00  }
0x249: {  	_ =	swait.ge [sflag:s30], $0x500  }
0x24a: {  	[sflag:s30] =	ssyncset.done $0x0  }
0x24b: {  	[sflag:s30] =	ssyncadd.s32 $0xFFFFFB00  }
0x24c: {  	_ =	swait.ge [sflag:s30], $0x500  }
0x24d: {  	[sflag:s30] =	ssyncset.done $0x0  }
0x24e: {  	[sflag:s30] =	ssyncadd.s32 $0xFFFFFB00  }
0x24f: {  	_ =	swait.ge [sflag:s30], $0x500  }
0x250: {  	[sflag:s30] =	ssyncset.done $0x0  }
0x251: {  	[sflag:s30] =	ssyncadd.s32 $0xFFFFFB00  }
0x252: {  	_ =	swait.ge [sflag:s30], $0x500  }
0x253: {  	[sflag:s30] =	ssyncset.done $0x0  }
0x254: {  	[sflag:s30] =	ssyncadd.s32 $0xFFFFFB00  }
0x255: {  	_ =	swait.ge [sflag:s30], $0x500  }
0x256: {  	[sflag:s30] =	ssyncset.done $0x0  }
0x257: {  	s6 =	simm.s32 @!p1 $0x1;
	[sflag:s30] =	ssyncadd.s32 $0xFFFFFB00  }
0x258: {  	_ =	swait.ge @!p1 [sflag:s6], $0x500  }
0x259: {  	s0 =	sadd.s32 $0x1, s0;
	s25 =	rddreg [dreg:$0x8]  }
0x25a: {  	p2 =	sne.s32 s0, s25  }
.Ltmp5:
0x25b: {  	_ = 	snop;
	(pc) =	sbr.rel @p2 .LBB2_1-.Ltmp5, $3  }
0x25c: {  	_ =	sdelay $0x1  }
0x25d: {  	[sflag:s6] =	ssyncset.done @!p1 $0x0  }
0x25e: {  	s8 =	simm.s32 $0x13880;
	[sflag:s6] =	ssyncadd.s32 @!p1 $0xFFFFFB00  }
0x25f: {  	_ =	sfence.sel $0x180000  }
0x260: {  	[bflag:$0x0] =	sbarrier.arrive $0xFFFF  }
0x261: {  	_ =	strace $0x90000047  }
0x262: {  	s0 =	stileid.u32;
	[bflag:$0x2] =	sbarrier.arrive $0xFFFF  }
0x263: {  	p0 =	sne.s32 s0, $0x0;
	s0 =	rddreg [dreg:$0x5]  }
0x264: {  	s0 =	sadd.s32 @!p0 $0x100000, s0  }
0x265: {  	[sflag:s0] =	ssyncadd.tile.s32 @!p0 $0x1;
	_ =	shalt  }
.Lfunc_end2:
_tile_overlayer_lowered:
.L_overlay_start_2:
0x266: {  	(tag) =	ssettag $0x2  }
0x267: {  	s0 =	rddreg [dreg:$0x0];
	s2 =	stileid.u32  }
0x268: {  	s1 =	rddreg [dreg:$0x1];
	p0 =	sne.s32 s2, $0x0  }
0x269: {  	s3 =	rddreg [dreg:$0x2];
	[bflag:$0x3] =	sbarrier.arrive $0xFFFF;
	s2 =	simm.s32 @!p0 $0x1C04  }
0x26a: {  	[timem:s3], [sflag:s2] =	dma.local @!p0 [hbm:s0], s1  }
0x26b: {  	s0 =	simm.s32 @!p0 $0x4  }
0x26c: {  	_ =	swait.ge @!p0 [sflag:s0], s1  }
0x26d: {  	s1 =	ssub.s32 @!p0 $0x0, s1;
	[sflag:s0] =	ssyncset.done @!p0 $0x0  }
0x26e: {  	[sflag:s0] =	ssyncadd.s32 @!p0 s1  }
0x26f: {  	[bflag:$0x3] =	sbarrier.arrive $0xFFFF  }
0x270: {  	_ =	shalt  }

</sc_bundles>
